<compile_context>
chip_gen: v7x
topology: tpu7x:2x2x1
jax: 0.10.2.dev20260603
libtpu: 0.0.44.dev20260713+nightly
codegen_flags: <defaults>
</compile_context>

<pallas_src>
import functools

import jax
import jax.numpy as jnp
from jax import lax
from jax.experimental import pallas as pl
from jax.experimental.pallas import tpu as pltpu
from jax.experimental.pallas import tpu_sc as plsc

B, S, D = 4, 4096, 1024
N = B * S
NC, NS = 2, 16
NW = NC * NS
RPW = N // NW
G = 16
NG = RPW // G
NBUF = 3
L = 16

_GDN = lax.GatherDimensionNumbers(
    offset_dims=(), collapsed_slice_dims=(0,), start_index_map=(0,))


def _sc_body(x_hbm, a_hbm, perm_hbm, mw_hbm, out_hbm,
             xbuf, abuf, idxbuf, mwbuf, xsem, asem, osem):
    wid = lax.axis_index("s") * NC + lax.axis_index("c")

    lane = lax.iota(jnp.int32, 16)
    pltpu.sync_copy(perm_hbm.at[wid], idxbuf)
    pltpu.sync_copy(mw_hbm.at[pl.ds(wid, 1), :], mwbuf)
    mw = mwbuf[0, :][0]

    def copies(g):
        slot = lax.rem(g, NBUF)
        idx = idxbuf.at[g]
        cx = pltpu.make_async_copy(x_hbm.at[idx], xbuf.at[slot], xsem)
        ca = pltpu.make_async_copy(a_hbm.at[idx], abuf.at[slot], asem)
        co = pltpu.make_async_copy(xbuf.at[slot], out_hbm.at[idx], osem)
        return cx, ca, co

    def start_in(g):
        cx, ca, _ = copies(g)
        cx.start()

        @pl.when(g * G < mw)
        def _():
            ca.start()

    start_in(0)

    def step(g, carry):
        cx, ca, co = copies(g)

        @pl.when(g + 1 - NBUF >= 0)
        def _():
            copies(g + 1 - NBUF)[2].wait()

        @pl.when(g + 1 < NG)
        def _():
            start_in(g + 1)

        cx.wait()
        slot = lax.rem(g, NBUF)

        @pl.when((g + 1) * G <= mw)
        def _():
            ca.wait()

            @plsc.parallel_loop(0, G)
            def _rows(r):
                for k in range(D // L):
                    av = abuf[slot, r, pl.ds(k * L, L)]
                    plsc.addupdate(xbuf.at[slot, r, pl.ds(k * L, L)], av)

        @pl.when((g * G < mw) & ((g + 1) * G > mw))
        def _():
            ca.wait()

            @plsc.parallel_loop(0, G)
            def _rows(r):
                pv = lane * 0 + (g * G + r)
                mvf = jnp.where(pv < mw, 1.0, 0.0)
                for k in range(D // L):
                    av = abuf[slot, r, pl.ds(k * L, L)]
                    plsc.addupdate(xbuf.at[slot, r, pl.ds(k * L, L)], av * mvf)

        co.start()
        return carry

    lax.fori_loop(0, NG, step, 0)
    copies(NG - 2)[2].wait()
    copies(NG - 1)[2].wait()


_sc_kernel = functools.partial(
    pl.kernel,
    mesh=plsc.VectorSubcoreMesh(core_axis_name="c", subcore_axis_name="s"),
    out_type=jax.ShapeDtypeStruct((N, D), jnp.float32),
    scratch_types=[
        pltpu.VMEM((NBUF, G, D), jnp.float32),
        pltpu.VMEM((NBUF, G, D), jnp.float32),
        pltpu.VMEM((NG, G), jnp.int32),
        pltpu.VMEM((1, L), jnp.int32),
        pltpu.SemaphoreType.DMA,
        pltpu.SemaphoreType.DMA,
        pltpu.SemaphoreType.DMA,
    ],
)(_sc_body)


def kernel(x, attack, attack_mask):
    xr = x.reshape(N, D)
    ar = attack.reshape(N, D)

    m2 = attack_mask.reshape(NW, RPW)
    mi = m2.astype(jnp.int32)
    csum = jnp.cumsum(mi, axis=1)
    mw = csum[:, -1]
    loc = jnp.arange(RPW, dtype=jnp.int32)[None, :]
    pos = jnp.where(m2, csum - 1, mw[:, None] + loc - csum)
    rows = jnp.arange(N, dtype=jnp.int32).reshape(NW, RPW)
    perm = jnp.zeros((NW, RPW), jnp.int32).at[
        jnp.arange(NW, dtype=jnp.int32)[:, None], pos
    ].set(rows)
    perm3 = perm.reshape(NW, NG, G)
    mw16 = jnp.broadcast_to(mw[:, None], (NW, L)).astype(jnp.int32)

    out = _sc_kernel(xr, ar, perm3, mw16)
    return out.reshape(B, S, D)

# --- scband reference (transcript-rebuilt; emitter-appended) ---
"""Pipeline reference for scband-gdadversary-30958124270206 (READ-ONLY COPY).

The authoritative reference and input builder live on the scoring server;
editing this copy changes nothing except your own understanding.
"""

import jax, jax.numpy as jnp
import numpy as np

B, S, D = 4, 4096, 1024
EPSILON = 1.0


def setup_inputs(seed: int = 0) -> dict:
    key = jax.random.key(seed)
    k1, k2, k3 = jax.random.split(key, 3)
    # forward input activations
    x = jax.random.normal(k1, (B, S, D), dtype=jnp.float32)
    # boolean attack mask (init-time constant of the module), ~50% True
    attack_mask = jax.random.randint(k2, (B, S), 0, 2) > 0
    # attack parameter: kaiming_uniform_ init on a [B, S, D] tensor.
    # torch fan_in for a 3D tensor = size(1) * size(2) = S * D; bound = sqrt(6 / fan_in)
    fan_in = S * D
    bound = float(np.sqrt(6.0 / fan_in))
    attack = jax.random.uniform(k3, (B, S, D), minval=-bound, maxval=bound, dtype=jnp.float32)
    # clip_attack(): rescale rows whose L2 norm along last dim exceeds epsilon
    norms = jnp.linalg.norm(attack, axis=-1, keepdims=True)
    scale = jnp.maximum(norms / EPSILON, 1.0)
    attack = attack / scale
    return {"x": x, "attack": attack, "attack_mask": attack_mask}


def reference(x, attack, attack_mask):
    # Faithful translation of GDAdversary.forward (non-trivial branch):
    #   perturbed = x[mask] + attack[:, :S][mask]
    #   x[mask] = perturbed   (masked scatter-overwrite)
    # Expressed functionally: out = where(mask, x + attack, x)
    S_in = x.shape[1]
    mask = attack_mask[:, :S_in]
    perturbed = x + attack[:, :S_in].astype(x.dtype)
    out = jnp.where(mask[..., None], perturbed, x)
    return out

if __name__ == "__main__":
    import jax
    _d = setup_inputs()
    print(jax.jit(kernel)(*tuple(_d.values())))

</pallas_src>

<mosaic_0001>
#map = affine_map<(d0, d1) -> (0, 0)>
#map1 = affine_map<(d0, d1) -> (0, 0, 0)>
module attributes {stable_mosaic.version = 14 : i64} {
  func.func @_sc_body(%arg0: i32, %arg1: i32, %arg2: memref<16384x1024xf32, #tpu.memory_space<hbm>>, %arg3: memref<16384x1024xf32, #tpu.memory_space<hbm>>, %arg4: memref<32x32x16xi32, #tpu.memory_space<hbm>>, %arg5: memref<32x16xi32, #tpu.memory_space<hbm>>, %arg6: memref<16384x1024xf32, #tpu.memory_space<hbm>>, %arg7: memref<3x16x1024xf32, #tpu.memory_space<vmem>>, %arg8: memref<3x16x1024xf32, #tpu.memory_space<vmem>>, %arg9: memref<32x16xi32, #tpu.memory_space<vmem>>, %arg10: memref<1x16xi32, #tpu.memory_space<vmem>>, %arg11: memref<!tpu.dma_semaphore, #tpu.memory_space<semaphore_mem>>, %arg12: memref<!tpu.dma_semaphore, #tpu.memory_space<semaphore_mem>>, %arg13: memref<!tpu.dma_semaphore, #tpu.memory_space<semaphore_mem>>) attributes {dimension_semantics = [#tpu.dimension_semantics<core_parallel>, #tpu.dimension_semantics<subcore_parallel>], iteration_bounds = array<i64: 2, 16>, scalar_prefetch = 0 : i64, scratch_operands = 7 : i64, tpu.core_type = #tpu.core_type<sc_vector_subcore>, window_params = [{transform_indices = #map}, {transform_indices = #map}, {transform_indices = #map1}, {transform_indices = #map}, {transform_indices = #map}]} {
    %mul3A = arith.constant 2 : i32
    %mul3A_0 = arith.muli %arg1, %mul3A : i32
    %add3A = arith.addi %mul3A_0, %arg0 : i32
    %iota3A = tpu.iota {dimensions = array<i32: 0>} : vector<16xi32>
    "tpu.region"() ({
      %run_scoped3A = tpu.sem_alloc : memref<!tpu.dma_semaphore, #tpu.memory_space<semaphore_mem>>
      %dma_start3A_52 = arith.constant 0 : i32
      %dma_start3A_53 = arith.constant 0 : i32
      %dma_start3A_54 = tpu.memref_slice %arg4[%add3A, %dma_start3A_52, %dma_start3A_53] : memref<32x32x16xi32, #tpu.memory_space<hbm>> -> memref<1x32x16xi32, #tpu.memory_space<hbm>>
      %dma_start3A_55 = tpu.memref_squeeze %dma_start3A_54 : memref<1x32x16xi32, #tpu.memory_space<hbm>> -> memref<32x16xi32, #tpu.memory_space<hbm>>
      %dma_start3A_56 = arith.constant 0 : i32
      %dma_start3A_57 = arith.constant 0 : i32
      %dma_start3A_58 = tpu.memref_slice %arg4[%add3A, %dma_start3A_56, %dma_start3A_57] : memref<32x32x16xi32, #tpu.memory_space<hbm>> -> memref<1x32x16xi32, #tpu.memory_space<hbm>>
      %dma_start3A_59 = tpu.memref_squeeze %dma_start3A_58 : memref<1x32x16xi32, #tpu.memory_space<hbm>> -> memref<32x16xi32, #tpu.memory_space<hbm>>
      tpu.enqueue_dma source(%dma_start3A_59 : memref<32x16xi32, #tpu.memory_space<hbm>>) target(%arg9 : memref<32x16xi32, #tpu.memory_space<vmem>>) target_semaphore(%run_scoped3A : memref<!tpu.dma_semaphore, #tpu.memory_space<semaphore_mem>>)
      %dma_wait3A_60 = arith.constant 0 : i32
      %dma_wait3A_61 = arith.constant 0 : i32
      %dma_wait3A_62 = tpu.memref_slice %arg4[%add3A, %dma_wait3A_60, %dma_wait3A_61] : memref<32x32x16xi32, #tpu.memory_space<hbm>> -> memref<1x32x16xi32, #tpu.memory_space<hbm>>
      %dma_wait3A_63 = tpu.memref_squeeze %dma_wait3A_62 : memref<1x32x16xi32, #tpu.memory_space<hbm>> -> memref<32x16xi32, #tpu.memory_space<hbm>>
      %dma_wait3A_64 = arith.constant 0 : i32
      %dma_wait3A_65 = arith.constant 0 : i32
      %dma_wait3A_66 = tpu.memref_slice %arg4[%add3A, %dma_wait3A_64, %dma_wait3A_65] : memref<32x32x16xi32, #tpu.memory_space<hbm>> -> memref<1x32x16xi32, #tpu.memory_space<hbm>>
      %dma_wait3A_67 = tpu.memref_squeeze %dma_wait3A_66 : memref<1x32x16xi32, #tpu.memory_space<hbm>> -> memref<32x16xi32, #tpu.memory_space<hbm>>
      tpu.wait_dma2 semaphore(%run_scoped3A : memref<!tpu.dma_semaphore, #tpu.memory_space<semaphore_mem>>) src(%dma_wait3A_67 : memref<32x16xi32, #tpu.memory_space<hbm>>) dst(%arg9 : memref<32x16xi32, #tpu.memory_space<vmem>>)
      tpu.yield
    }) : () -> ()
    "tpu.region"() ({
      %run_scoped3A = tpu.sem_alloc : memref<!tpu.dma_semaphore, #tpu.memory_space<semaphore_mem>>
      %dma_start3A_52 = arith.constant 0 : i32
      %dma_start3A_53 = tpu.memref_slice %arg5[%add3A, %dma_start3A_52] : memref<32x16xi32, #tpu.memory_space<hbm>> -> memref<1x16xi32, #tpu.memory_space<hbm>>
      %dma_start3A_54 = arith.constant 0 : i32
      %dma_start3A_55 = tpu.memref_slice %arg5[%add3A, %dma_start3A_54] : memref<32x16xi32, #tpu.memory_space<hbm>> -> memref<1x16xi32, #tpu.memory_space<hbm>>
      tpu.enqueue_dma source(%dma_start3A_55 : memref<1x16xi32, #tpu.memory_space<hbm>>) target(%arg10 : memref<1x16xi32, #tpu.memory_space<vmem>>) target_semaphore(%run_scoped3A : memref<!tpu.dma_semaphore, #tpu.memory_space<semaphore_mem>>)
      %dma_wait3A_56 = arith.constant 0 : i32
      %dma_wait3A_57 = tpu.memref_slice %arg5[%add3A, %dma_wait3A_56] : memref<32x16xi32, #tpu.memory_space<hbm>> -> memref<1x16xi32, #tpu.memory_space<hbm>>
      %dma_wait3A_58 = arith.constant 0 : i32
      %dma_wait3A_59 = tpu.memref_slice %arg5[%add3A, %dma_wait3A_58] : memref<32x16xi32, #tpu.memory_space<hbm>> -> memref<1x16xi32, #tpu.memory_space<hbm>>
      tpu.wait_dma2 semaphore(%run_scoped3A : memref<!tpu.dma_semaphore, #tpu.memory_space<semaphore_mem>>) src(%dma_wait3A_59 : memref<1x16xi32, #tpu.memory_space<hbm>>) dst(%arg10 : memref<1x16xi32, #tpu.memory_space<vmem>>)
      tpu.yield
    }) : () -> ()
    %get3A = arith.constant 0 : i32
    %get3A_1 = arith.index_cast %get3A : i32 to index
    %get3A_2 = arith.constant 0 : index
    %get3A_3 = tpu.vector_load %arg10[%get3A_1, %get3A_2] {strides = array<i32>} : memref<1x16xi32, #tpu.memory_space<vmem>>, vector<1x16xi32>,
    %get3A_4 = vector.shape_cast %get3A_3 : vector<1x16xi32> to vector<16xi32>
    %slice3A = vector.extract_strided_slice %get3A_4 {offsets = [0], sizes = [1], strides = [1]} : vector<16xi32> to vector<1xi32>
    %squeeze3A = vector.extract %slice3A[0] : i32 from vector<1xi32>
    %rem3A = arith.constant 0 : i32
    %rem3A_5 = arith.constant 3 : i32
    %rem3A_6 = arith.remsi %rem3A, %rem3A_5 : i32
    %dma_start3A = arith.constant 0 : i32
    %dma_start3A_7 = arith.constant 0 : i32
    %dma_start3A_8 = arith.constant 0 : i32
    %dma_start3A_9 = tpu.memref_slice %arg7[%rem3A_6, %dma_start3A_7, %dma_start3A_8] : memref<3x16x1024xf32, #tpu.memory_space<vmem>> -> memref<1x16x1024xf32, #tpu.memory_space<vmem>>
    %dma_start3A_10 = tpu.memref_squeeze %dma_start3A_9 : memref<1x16x1024xf32, #tpu.memory_space<vmem>> -> memref<16x1024xf32, #tpu.memory_space<vmem>>
    %dma_start3A_11 = arith.constant 0 : i32
    %dma_start3A_12 = tpu.memref_slice %arg9[%dma_start3A, %dma_start3A_11] : memref<32x16xi32, #tpu.memory_space<vmem>> -> memref<1x16xi32, #tpu.memory_space<vmem>>
    %dma_start3A_13 = tpu.memref_squeeze %dma_start3A_12 : memref<1x16xi32, #tpu.memory_space<vmem>> -> memref<16xi32, #tpu.memory_space<vmem>>
    %dma_start3A_14 = arith.constant 0 : i32
    %dma_start3A_15 = arith.constant 0 : i32
    %dma_start3A_16 = tpu.memref_slice %arg2[%dma_start3A_14, %dma_start3A_15] : memref<16384x1024xf32, #tpu.memory_space<hbm>> -> memref<16384x1024xf32, #tpu.memory_space<hbm>>
    tpu.enqueue_indirect_dma source(%dma_start3A_16 : memref<16384x1024xf32, #tpu.memory_space<hbm>>) target(%dma_start3A_10 : memref<16x1024xf32, #tpu.memory_space<vmem>>) offsets(%dma_start3A_13 : memref<16xi32, #tpu.memory_space<vmem>>) semaphore(%arg11 : memref<!tpu.dma_semaphore, #tpu.memory_space<semaphore_mem>>)
    %gt3A = arith.constant 0 : i32
    %gt3A_17 = arith.cmpi sgt, %squeeze3A, %gt3A : i32
    %convert_element_type3A = arith.extui %gt3A_17 : i1 to i32
    %cond3A = arith.constant 0 : i32
    %cond3A_18 = arith.constant 0 : i32
    %cond3A_19 = arith.cmpi ne, %convert_element_type3A, %cond3A_18 : i32
    scf.if %cond3A_19 {
      %dma_start3A_52 = arith.constant 0 : i32
      %dma_start3A_53 = arith.constant 0 : i32
      %dma_start3A_54 = tpu.memref_slice %arg8[%rem3A_6, %dma_start3A_52, %dma_start3A_53] : memref<3x16x1024xf32, #tpu.memory_space<vmem>> -> memref<1x16x1024xf32, #tpu.memory_space<vmem>>
      %dma_start3A_55 = tpu.memref_squeeze %dma_start3A_54 : memref<1x16x1024xf32, #tpu.memory_space<vmem>> -> memref<16x1024xf32, #tpu.memory_space<vmem>>
      %dma_start3A_56 = arith.constant 0 : i32
      %dma_start3A_57 = tpu.memref_slice %arg9[%cond3A, %dma_start3A_56] : memref<32x16xi32, #tpu.memory_space<vmem>> -> memref<1x16xi32, #tpu.memory_space<vmem>>
      %dma_start3A_58 = tpu.memref_squeeze %dma_start3A_57 : memref<1x16xi32, #tpu.memory_space<vmem>> -> memref<16xi32, #tpu.memory_space<vmem>>
      %dma_start3A_59 = arith.constant 0 : i32
      %dma_start3A_60 = arith.constant 0 : i32
      %dma_start3A_61 = tpu.memref_slice %arg3[%dma_start3A_59, %dma_start3A_60] : memref<16384x1024xf32, #tpu.memory_space<hbm>> -> memref<16384x1024xf32, #tpu.memory_space<hbm>>
      tpu.enqueue_indirect_dma source(%dma_start3A_61 : memref<16384x1024xf32, #tpu.memory_space<hbm>>) target(%dma_start3A_55 : memref<16x1024xf32, #tpu.memory_space<vmem>>) offsets(%dma_start3A_58 : memref<16xi32, #tpu.memory_space<vmem>>) semaphore(%arg12 : memref<!tpu.dma_semaphore, #tpu.memory_space<semaphore_mem>>)
    } else {
    }
    %scan3A = arith.constant 0 : i32
    %scan3A_20 = arith.constant 0 : i32
    %scan3A_21 = arith.constant 32 : i32
    %scan3A_22 = arith.addi %scan3A_20, %scan3A_21 : i32
    %scan3A_23 = arith.constant 1 : i32
    scf.for %scan3A_52 = %scan3A_20 to %scan3A_22 step %scan3A_23  : i32 {
      %rem3A_53 = arith.constant 3 : i32
      %rem3A_54 = arith.remsi %scan3A_52, %rem3A_53 : i32
      %add3A_55 = arith.constant 1 : i32
      %add3A_56 = arith.addi %scan3A_52, %add3A_55 : i32
      %sub3A = arith.constant 3 : i32
      %sub3A_57 = arith.subi %add3A_56, %sub3A : i32
      %ge3A = arith.constant 0 : i32
      %ge3A_58 = arith.cmpi sge, %sub3A_57, %ge3A : i32
      %convert_element_type3A_59 = arith.extui %ge3A_58 : i1 to i32
      %cond3A_60 = arith.constant 0 : i32
      %cond3A_61 = arith.cmpi ne, %convert_element_type3A_59, %cond3A_60 : i32
      scf.if %cond3A_61 {
        %add3A_108 = arith.constant 1 : i32
        %add3A_109 = arith.addi %scan3A_52, %add3A_108 : i32
        %sub3A_110 = arith.constant 3 : i32
        %sub3A_111 = arith.subi %add3A_109, %sub3A_110 : i32
        %rem3A_112 = arith.constant 3 : i32
        %rem3A_113 = arith.remsi %sub3A_111, %rem3A_112 : i32
        %dma_wait3A_114 = arith.constant 0 : i32
        %dma_wait3A_115 = arith.constant 0 : i32
        %dma_wait3A_116 = tpu.memref_slice %arg7[%rem3A_113, %dma_wait3A_114, %dma_wait3A_115] : memref<3x16x1024xf32, #tpu.memory_space<vmem>> -> memref<1x16x1024xf32, #tpu.memory_space<vmem>>
        %dma_wait3A_117 = tpu.memref_squeeze %dma_wait3A_116 : memref<1x16x1024xf32, #tpu.memory_space<vmem>> -> memref<16x1024xf32, #tpu.memory_space<vmem>>
        %dma_wait3A_118 = arith.constant 0 : i32
        %dma_wait3A_119 = tpu.memref_slice %arg9[%sub3A_111, %dma_wait3A_118] : memref<32x16xi32, #tpu.memory_space<vmem>> -> memref<1x16xi32, #tpu.memory_space<vmem>>
        %dma_wait3A_120 = tpu.memref_squeeze %dma_wait3A_119 : memref<1x16xi32, #tpu.memory_space<vmem>> -> memref<16xi32, #tpu.memory_space<vmem>>
        %dma_wait3A_121 = arith.constant 0 : i32
        %dma_wait3A_122 = arith.constant 0 : i32
        %dma_wait3A_123 = tpu.memref_slice %arg6[%dma_wait3A_121, %dma_wait3A_122] : memref<16384x1024xf32, #tpu.memory_space<hbm>> -> memref<16384x1024xf32, #tpu.memory_space<hbm>>
        tpu.wait_indirect_dma semaphore(%arg13 : memref<!tpu.dma_semaphore, #tpu.memory_space<semaphore_mem>>) src(%dma_wait3A_117 : memref<16x1024xf32, #tpu.memory_space<vmem>>) dst(%dma_wait3A_123 : memref<16384x1024xf32, #tpu.memory_space<hbm>>)
      } else {
      }
      %add3A_62 = arith.constant 1 : i32
      %add3A_63 = arith.addi %scan3A_52, %add3A_62 : i32
      %lt3A = arith.constant 32 : i32
      %lt3A_64 = arith.cmpi slt, %add3A_63, %lt3A : i32
      %convert_element_type3A_65 = arith.extui %lt3A_64 : i1 to i32
      %cond3A_66 = arith.constant 0 : i32
      %cond3A_67 = arith.cmpi ne, %convert_element_type3A_65, %cond3A_66 : i32
      scf.if %cond3A_67 {
        %add3A_108 = arith.constant 1 : i32
        %add3A_109 = arith.addi %scan3A_52, %add3A_108 : i32
        %rem3A_110 = arith.constant 3 : i32
        %rem3A_111 = arith.remsi %add3A_109, %rem3A_110 : i32
        %dma_start3A_112 = arith.constant 0 : i32
        %dma_start3A_113 = arith.constant 0 : i32
        %dma_start3A_114 = tpu.memref_slice %arg7[%rem3A_111, %dma_start3A_112, %dma_start3A_113] : memref<3x16x1024xf32, #tpu.memory_space<vmem>> -> memref<1x16x1024xf32, #tpu.memory_space<vmem>>
        %dma_start3A_115 = tpu.memref_squeeze %dma_start3A_114 : memref<1x16x1024xf32, #tpu.memory_space<vmem>> -> memref<16x1024xf32, #tpu.memory_space<vmem>>
        %dma_start3A_116 = arith.constant 0 : i32
        %dma_start3A_117 = tpu.memref_slice %arg9[%add3A_109, %dma_start3A_116] : memref<32x16xi32, #tpu.memory_space<vmem>> -> memref<1x16xi32, #tpu.memory_space<vmem>>
        %dma_start3A_118 = tpu.memref_squeeze %dma_start3A_117 : memref<1x16xi32, #tpu.memory_space<vmem>> -> memref<16xi32, #tpu.memory_space<vmem>>
        %dma_start3A_119 = arith.constant 0 : i32
        %dma_start3A_120 = arith.constant 0 : i32
        %dma_start3A_121 = tpu.memref_slice %arg2[%dma_start3A_119, %dma_start3A_120] : memref<16384x1024xf32, #tpu.memory_space<hbm>> -> memref<16384x1024xf32, #tpu.memory_space<hbm>>
        tpu.enqueue_indirect_dma source(%dma_start3A_121 : memref<16384x1024xf32, #tpu.memory_space<hbm>>) target(%dma_start3A_115 : memref<16x1024xf32, #tpu.memory_space<vmem>>) offsets(%dma_start3A_118 : memref<16xi32, #tpu.memory_space<vmem>>) semaphore(%arg11 : memref<!tpu.dma_semaphore, #tpu.memory_space<semaphore_mem>>)
        %mul3A_122 = arith.constant 16 : i32
        %mul3A_123 = arith.muli %add3A_109, %mul3A_122 : i32
        %lt3A_124 = arith.cmpi slt, %mul3A_123, %squeeze3A : i32
        %convert_element_type3A_125 = arith.extui %lt3A_124 : i1 to i32
        %cond3A_126 = arith.constant 0 : i32
        %cond3A_127 = arith.cmpi ne, %convert_element_type3A_125, %cond3A_126 : i32
        scf.if %cond3A_127 {
          %dma_start3A_128 = arith.constant 0 : i32
          %dma_start3A_129 = arith.constant 0 : i32
          %dma_start3A_130 = tpu.memref_slice %arg8[%rem3A_111, %dma_start3A_128, %dma_start3A_129] : memref<3x16x1024xf32, #tpu.memory_space<vmem>> -> memref<1x16x1024xf32, #tpu.memory_space<vmem>>
          %dma_start3A_131 = tpu.memref_squeeze %dma_start3A_130 : memref<1x16x1024xf32, #tpu.memory_space<vmem>> -> memref<16x1024xf32, #tpu.memory_space<vmem>>
          %dma_start3A_132 = arith.constant 0 : i32
          %dma_start3A_133 = tpu.memref_slice %arg9[%add3A_109, %dma_start3A_132] : memref<32x16xi32, #tpu.memory_space<vmem>> -> memref<1x16xi32, #tpu.memory_space<vmem>>
          %dma_start3A_134 = tpu.memref_squeeze %dma_start3A_133 : memref<1x16xi32, #tpu.memory_space<vmem>> -> memref<16xi32, #tpu.memory_space<vmem>>
          %dma_start3A_135 = arith.constant 0 : i32
          %dma_start3A_136 = arith.constant 0 : i32
          %dma_start3A_137 = tpu.memref_slice %arg3[%dma_start3A_135, %dma_start3A_136] : memref<16384x1024xf32, #tpu.memory_space<hbm>> -> memref<16384x1024xf32, #tpu.memory_space<hbm>>
          tpu.enqueue_indirect_dma source(%dma_start3A_137 : memref<16384x1024xf32, #tpu.memory_space<hbm>>) target(%dma_start3A_131 : memref<16x1024xf32, #tpu.memory_space<vmem>>) offsets(%dma_start3A_134 : memref<16xi32, #tpu.memory_space<vmem>>) semaphore(%arg12 : memref<!tpu.dma_semaphore, #tpu.memory_space<semaphore_mem>>)
        } else {
        }
      } else {
      }
      %dma_wait3A_68 = arith.constant 0 : i32
      %dma_wait3A_69 = arith.constant 0 : i32
      %dma_wait3A_70 = tpu.memref_slice %arg7[%rem3A_54, %dma_wait3A_68, %dma_wait3A_69] : memref<3x16x1024xf32, #tpu.memory_space<vmem>> -> memref<1x16x1024xf32, #tpu.memory_space<vmem>>
      %dma_wait3A_71 = tpu.memref_squeeze %dma_wait3A_70 : memref<1x16x1024xf32, #tpu.memory_space<vmem>> -> memref<16x1024xf32, #tpu.memory_space<vmem>>
      %dma_wait3A_72 = arith.constant 0 : i32
      %dma_wait3A_73 = tpu.memref_slice %arg9[%scan3A_52, %dma_wait3A_72] : memref<32x16xi32, #tpu.memory_space<vmem>> -> memref<1x16xi32, #tpu.memory_space<vmem>>
      %dma_wait3A_74 = tpu.memref_squeeze %dma_wait3A_73 : memref<1x16xi32, #tpu.memory_space<vmem>> -> memref<16xi32, #tpu.memory_space<vmem>>
      %dma_wait3A_75 = arith.constant 0 : i32
      %dma_wait3A_76 = arith.constant 0 : i32
      %dma_wait3A_77 = tpu.memref_slice %arg2[%dma_wait3A_75, %dma_wait3A_76] : memref<16384x1024xf32, #tpu.memory_space<hbm>> -> memref<16384x1024xf32, #tpu.memory_space<hbm>>
      tpu.wait_indirect_dma semaphore(%arg11 : memref<!tpu.dma_semaphore, #tpu.memory_space<semaphore_mem>>) src(%dma_wait3A_77 : memref<16384x1024xf32, #tpu.memory_space<hbm>>) dst(%dma_wait3A_71 : memref<16x1024xf32, #tpu.memory_space<vmem>>)
      %rem3A_78 = arith.constant 3 : i32
      %rem3A_79 = arith.remsi %scan3A_52, %rem3A_78 : i32
      %add3A_80 = arith.constant 1 : i32
      %add3A_81 = arith.addi %scan3A_52, %add3A_80 : i32
      %mul3A_82 = arith.constant 16 : i32
      %mul3A_83 = arith.muli %add3A_81, %mul3A_82 : i32
      %le3A = arith.cmpi sle, %mul3A_83, %squeeze3A : i32
      %convert_element_type3A_84 = arith.extui %le3A : i1 to i32
      %cond3A_85 = arith.constant 0 : i32
      %cond3A_86 = arith.cmpi ne, %convert_element_type3A_84, %cond3A_85 : i32
      scf.if %cond3A_86 {
        %dma_wait3A_108 = arith.constant 0 : i32
        %dma_wait3A_109 = arith.constant 0 : i32
        %dma_wait3A_110 = tpu.memref_slice %arg8[%rem3A_54, %dma_wait3A_108, %dma_wait3A_109] : memref<3x16x1024xf32, #tpu.memory_space<vmem>> -> memref<1x16x1024xf32, #tpu.memory_space<vmem>>
        %dma_wait3A_111 = tpu.memref_squeeze %dma_wait3A_110 : memref<1x16x1024xf32, #tpu.memory_space<vmem>> -> memref<16x1024xf32, #tpu.memory_space<vmem>>
        %dma_wait3A_112 = arith.constant 0 : i32
        %dma_wait3A_113 = tpu.memref_slice %arg9[%scan3A_52, %dma_wait3A_112] : memref<32x16xi32, #tpu.memory_space<vmem>> -> memref<1x16xi32, #tpu.memory_space<vmem>>
        %dma_wait3A_114 = tpu.memref_squeeze %dma_wait3A_113 : memref<1x16xi32, #tpu.memory_space<vmem>> -> memref<16xi32, #tpu.memory_space<vmem>>
        %dma_wait3A_115 = arith.constant 0 : i32
        %dma_wait3A_116 = arith.constant 0 : i32
        %dma_wait3A_117 = tpu.memref_slice %arg3[%dma_wait3A_115, %dma_wait3A_116] : memref<16384x1024xf32, #tpu.memory_space<hbm>> -> memref<16384x1024xf32, #tpu.memory_space<hbm>>
        tpu.wait_indirect_dma semaphore(%arg12 : memref<!tpu.dma_semaphore, #tpu.memory_space<semaphore_mem>>) src(%dma_wait3A_117 : memref<16384x1024xf32, #tpu.memory_space<hbm>>) dst(%dma_wait3A_111 : memref<16x1024xf32, #tpu.memory_space<vmem>>)
        %parallel_loop3A = arith.constant 0 : i32
        %parallel_loop3A_118 = arith.constant 16 : i32
        %parallel_loop3A_119 = arith.constant 1 : i32
        scf.for %parallel_loop3A_120 = %parallel_loop3A to %parallel_loop3A_118 step %parallel_loop3A_119  : i32 {
          %parallel_loop3A_121 = arith.index_cast %rem3A_79 : i32 to index
          %parallel_loop3A_122 = arith.index_cast %parallel_loop3A_120 : i32 to index
          %parallel_loop3A_123 = arith.constant 0 : index
          %parallel_loop3A_124 = tpu.vector_load %arg8[%parallel_loop3A_121, %parallel_loop3A_122, %parallel_loop3A_123] {strides = array<i32>} : memref<3x16x1024xf32, #tpu.memory_space<vmem>>, vector<1x1x16xf32>,
          %parallel_loop3A_125 = vector.shape_cast %parallel_loop3A_124 : vector<1x1x16xf32> to vector<16xf32>
          %parallel_loop3A_126 = arith.index_cast %rem3A_79 : i32 to index
          %parallel_loop3A_127 = arith.index_cast %parallel_loop3A_120 : i32 to index
          %parallel_loop3A_128 = arith.constant 0 : index
          %parallel_loop3A_129 = tpu.vector_load %arg7[%parallel_loop3A_126, %parallel_loop3A_127, %parallel_loop3A_128] {strides = array<i32>} : memref<3x16x1024xf32, #tpu.memory_space<vmem>>, vector<1x1x16xf32>,
          %parallel_loop3A_130 = vector.shape_cast %parallel_loop3A_129 : vector<1x1x16xf32> to vector<16xf32>
          %parallel_loop3A_131 = vector.shape_cast %parallel_loop3A_125 : vector<16xf32> to vector<1x1x16xf32>
          tpu.vector_store %arg7[%parallel_loop3A_126, %parallel_loop3A_127, %parallel_loop3A_128], %parallel_loop3A_131 {add = true, strides = array<i32>} : memref<3x16x1024xf32, #tpu.memory_space<vmem>>, vector<1x1x16xf32>,
          %parallel_loop3A_132 = arith.index_cast %rem3A_79 : i32 to index
          %parallel_loop3A_133 = arith.index_cast %parallel_loop3A_120 : i32 to index
          %parallel_loop3A_134 = arith.constant 16 : index
          %parallel_loop3A_135 = tpu.vector_load %arg8[%parallel_loop3A_132, %parallel_loop3A_133, %parallel_loop3A_134] {strides = array<i32>} : memref<3x16x1024xf32, #tpu.memory_space<vmem>>, vector<1x1x16xf32>,
          %parallel_loop3A_136 = vector.shape_cast %parallel_loop3A_135 : vector<1x1x16xf32> to vector<16xf32>
          %parallel_loop3A_137 = arith.index_cast %rem3A_79 : i32 to index
          %parallel_loop3A_138 = arith.index_cast %parallel_loop3A_120 : i32 to index
          %parallel_loop3A_139 = arith.constant 16 : index
          %parallel_loop3A_140 = tpu.vector_load %arg7[%parallel_loop3A_137, %parallel_loop3A_138, %parallel_loop3A_139] {strides = array<i32>} : memref<3x16x1024xf32, #tpu.memory_space<vmem>>, vector<1x1x16xf32>,
          %parallel_loop3A_141 = vector.shape_cast %parallel_loop3A_140 : vector<1x1x16xf32> to vector<16xf32>
          %parallel_loop3A_142 = vector.shape_cast %parallel_loop3A_136 : vector<16xf32> to vector<1x1x16xf32>
          tpu.vector_store %arg7[%parallel_loop3A_137, %parallel_loop3A_138, %parallel_loop3A_139], %parallel_loop3A_142 {add = true, strides = array<i32>} : memref<3x16x1024xf32, #tpu.memory_space<vmem>>, vector<1x1x16xf32>,
          %parallel_loop3A_143 = arith.index_cast %rem3A_79 : i32 to index
          %parallel_loop3A_144 = arith.index_cast %parallel_loop3A_120 : i32 to index
          %parallel_loop3A_145 = arith.constant 32 : index
          %parallel_loop3A_146 = tpu.vector_load %arg8[%parallel_loop3A_143, %parallel_loop3A_144, %parallel_loop3A_145] {strides = array<i32>} : memref<3x16x1024xf32, #tpu.memory_space<vmem>>, vector<1x1x16xf32>,
          %parallel_loop3A_147 = vector.shape_cast %parallel_loop3A_146 : vector<1x1x16xf32> to vector<16xf32>
          %parallel_loop3A_148 = arith.index_cast %rem3A_79 : i32 to index
          %parallel_loop3A_149 = arith.index_cast %parallel_loop3A_120 : i32 to index
          %parallel_loop3A_150 = arith.constant 32 : index
          %parallel_loop3A_151 = tpu.vector_load %arg7[%parallel_loop3A_148, %parallel_loop3A_149, %parallel_loop3A_150] {strides = array<i32>} : memref<3x16x1024xf32, #tpu.memory_space<vmem>>, vector<1x1x16xf32>,
          %parallel_loop3A_152 = vector.shape_cast %parallel_loop3A_151 : vector<1x1x16xf32> to vector<16xf32>
          %parallel_loop3A_153 = vector.shape_cast %parallel_loop3A_147 : vector<16xf32> to vector<1x1x16xf32>
          tpu.vector_store %arg7[%parallel_loop3A_148, %parallel_loop3A_149, %parallel_loop3A_150], %parallel_loop3A_153 {add = true, strides = array<i32>} : memref<3x16x1024xf32, #tpu.memory_space<vmem>>, vector<1x1x16xf32>,
          %parallel_loop3A_154 = arith.index_cast %rem3A_79 : i32 to index
          %parallel_loop3A_155 = arith.index_cast %parallel_loop3A_120 : i32 to index
          %parallel_loop3A_156 = arith.constant 48 : index
          %parallel_loop3A_157 = tpu.vector_load %arg8[%parallel_loop3A_154, %parallel_loop3A_155, %parallel_loop3A_156] {strides = array<i32>} : memref<3x16x1024xf32, #tpu.memory_space<vmem>>, vector<1x1x16xf32>,
          %parallel_loop3A_158 = vector.shape_cast %parallel_loop3A_157 : vector<1x1x16xf32> to vector<16xf32>
          %parallel_loop3A_159 = arith.index_cast %rem3A_79 : i32 to index
          %parallel_loop3A_160 = arith.index_cast %parallel_loop3A_120 : i32 to index
          %parallel_loop3A_161 = arith.constant 48 : index
          %parallel_loop3A_162 = tpu.vector_load %arg7[%parallel_loop3A_159, %parallel_loop3A_160, %parallel_loop3A_161] {strides = array<i32>} : memref<3x16x1024xf32, #tpu.memory_space<vmem>>, vector<1x1x16xf32>,
          %parallel_loop3A_163 = vector.shape_cast %parallel_loop3A_162 : vector<1x1x16xf32> to vector<16xf32>
          %parallel_loop3A_164 = vector.shape_cast %parallel_loop3A_158 : vector<16xf32> to vector<1x1x16xf32>
          tpu.vector_store %arg7[%parallel_loop3A_159, %parallel_loop3A_160, %parallel_loop3A_161], %parallel_loop3A_164 {add = true, strides = array<i32>} : memref<3x16x1024xf32, #tpu.memory_space<vmem>>, vector<1x1x16xf32>,
          %parallel_loop3A_165 = arith.index_cast %rem3A_79 : i32 to index
          %parallel_loop3A_166 = arith.index_cast %parallel_loop3A_120 : i32 to index
          %parallel_loop3A_167 = arith.constant 64 : index
          %parallel_loop3A_168 = tpu.vector_load %arg8[%parallel_loop3A_165, %parallel_loop3A_166, %parallel_loop3A_167] {strides = array<i32>} : memref<3x16x1024xf32, #tpu.memory_space<vmem>>, vector<1x1x16xf32>,
          %parallel_loop3A_169 = vector.shape_cast %parallel_loop3A_168 : vector<1x1x16xf32> to vector<16xf32>
          %parallel_loop3A_170 = arith.index_cast %rem3A_79 : i32 to index
          %parallel_loop3A_171 = arith.index_cast %parallel_loop3A_120 : i32 to index
          %parallel_loop3A_172 = arith.constant 64 : index
          %parallel_loop3A_173 = tpu.vector_load %arg7[%parallel_loop3A_170, %parallel_loop3A_171, %parallel_loop3A_172] {strides = array<i32>} : memref<3x16x1024xf32, #tpu.memory_space<vmem>>, vector<1x1x16xf32>,
          %parallel_loop3A_174 = vector.shape_cast %parallel_loop3A_173 : vector<1x1x16xf32> to vector<16xf32>
          %parallel_loop3A_175 = vector.shape_cast %parallel_loop3A_169 : vector<16xf32> to vector<1x1x16xf32>
          tpu.vector_store %arg7[%parallel_loop3A_170, %parallel_loop3A_171, %parallel_loop3A_172], %parallel_loop3A_175 {add = true, strides = array<i32>} : memref<3x16x1024xf32, #tpu.memory_space<vmem>>, vector<1x1x16xf32>,
          %parallel_loop3A_176 = arith.index_cast %rem3A_79 : i32 to index
          %parallel_loop3A_177 = arith.index_cast %parallel_loop3A_120 : i32 to index
          %parallel_loop3A_178 = arith.constant 80 : index
          %parallel_loop3A_179 = tpu.vector_load %arg8[%parallel_loop3A_176, %parallel_loop3A_177, %parallel_loop3A_178] {strides = array<i32>} : memref<3x16x1024xf32, #tpu.memory_space<vmem>>, vector<1x1x16xf32>,
          %parallel_loop3A_180 = vector.shape_cast %parallel_loop3A_179 : vector<1x1x16xf32> to vector<16xf32>
          %parallel_loop3A_181 = arith.index_cast %rem3A_79 : i32 to index
          %parallel_loop3A_182 = arith.index_cast %parallel_loop3A_120 : i32 to index
          %parallel_loop3A_183 = arith.constant 80 : index
          %parallel_loop3A_184 = tpu.vector_load %arg7[%parallel_loop3A_181, %parallel_loop3A_182, %parallel_loop3A_183] {strides = array<i32>} : memref<3x16x1024xf32, #tpu.memory_space<vmem>>, vector<1x1x16xf32>,
          %parallel_loop3A_185 = vector.shape_cast %parallel_loop3A_184 : vector<1x1x16xf32> to vector<16xf32>
          %parallel_loop3A_186 = vector.shape_cast %parallel_loop3A_180 : vector<16xf32> to vector<1x1x16xf32>
          tpu.vector_store %arg7[%parallel_loop3A_181, %parallel_loop3A_182, %parallel_loop3A_183], %parallel_loop3A_186 {add = true, strides = array<i32>} : memref<3x16x1024xf32, #tpu.memory_space<vmem>>, vector<1x1x16xf32>,
          %parallel_loop3A_187 = arith.index_cast %rem3A_79 : i32 to index
          %parallel_loop3A_188 = arith.index_cast %parallel_loop3A_120 : i32 to index
          %parallel_loop3A_189 = arith.constant 96 : index
          %parallel_loop3A_190 = tpu.vector_load %arg8[%parallel_loop3A_187, %parallel_loop3A_188, %parallel_loop3A_189] {strides = array<i32>} : memref<3x16x1024xf32, #tpu.memory_space<vmem>>, vector<1x1x16xf32>,
          %parallel_loop3A_191 = vector.shape_cast %parallel_loop3A_190 : vector<1x1x16xf32> to vector<16xf32>
          %parallel_loop3A_192 = arith.index_cast %rem3A_79 : i32 to index
          %parallel_loop3A_193 = arith.index_cast %parallel_loop3A_120 : i32 to index
          %parallel_loop3A_194 = arith.constant 96 : index
          %parallel_loop3A_195 = tpu.vector_load %arg7[%parallel_loop3A_192, %parallel_loop3A_193, %parallel_loop3A_194] {strides = array<i32>} : memref<3x16x1024xf32, #tpu.memory_space<vmem>>, vector<1x1x16xf32>,
          %parallel_loop3A_196 = vector.shape_cast %parallel_loop3A_195 : vector<1x1x16xf32> to vector<16xf32>
          %parallel_loop3A_197 = vector.shape_cast %parallel_loop3A_191 : vector<16xf32> to vector<1x1x16xf32>
          tpu.vector_store %arg7[%parallel_loop3A_192, %parallel_loop3A_193, %parallel_loop3A_194], %parallel_loop3A_197 {add = true, strides = array<i32>} : memref<3x16x1024xf32, #tpu.memory_space<vmem>>, vector<1x1x16xf32>,
          %parallel_loop3A_198 = arith.index_cast %rem3A_79 : i32 to index
          %parallel_loop3A_199 = arith.index_cast %parallel_loop3A_120 : i32 to index
          %parallel_loop3A_200 = arith.constant 112 : index
          %parallel_loop3A_201 = tpu.vector_load %arg8[%parallel_loop3A_198, %parallel_loop3A_199, %parallel_loop3A_200] {strides = array<i32>} : memref<3x16x1024xf32, #tpu.memory_space<vmem>>, vector<1x1x16xf32>,
          %parallel_loop3A_202 = vector.shape_cast %parallel_loop3A_201 : vector<1x1x16xf32> to vector<16xf32>
          %parallel_loop3A_203 = arith.index_cast %rem3A_79 : i32 to index
          %parallel_loop3A_204 = arith.index_cast %parallel_loop3A_120 : i32 to index
          %parallel_loop3A_205 = arith.constant 112 : index
          %parallel_loop3A_206 = tpu.vector_load %arg7[%parallel_loop3A_203, %parallel_loop3A_204, %parallel_loop3A_205] {strides = array<i32>} : memref<3x16x1024xf32, #tpu.memory_space<vmem>>, vector<1x1x16xf32>,
          %parallel_loop3A_207 = vector.shape_cast %parallel_loop3A_206 : vector<1x1x16xf32> to vector<16xf32>
          %parallel_loop3A_208 = vector.shape_cast %parallel_loop3A_202 : vector<16xf32> to vector<1x1x16xf32>
          tpu.vector_store %arg7[%parallel_loop3A_203, %parallel_loop3A_204, %parallel_loop3A_205], %parallel_loop3A_208 {add = true, strides = array<i32>} : memref<3x16x1024xf32, #tpu.memory_space<vmem>>, vector<1x1x16xf32>,
          %parallel_loop3A_209 = arith.index_cast %rem3A_79 : i32 to index
          %parallel_loop3A_210 = arith.index_cast %parallel_loop3A_120 : i32 to index
          %parallel_loop3A_211 = arith.constant 128 : index
          %parallel_loop3A_212 = tpu.vector_load %arg8[%parallel_loop3A_209, %parallel_loop3A_210, %parallel_loop3A_211] {strides = array<i32>} : memref<3x16x1024xf32, #tpu.memory_space<vmem>>, vector<1x1x16xf32>,
          %parallel_loop3A_213 = vector.shape_cast %parallel_loop3A_212 : vector<1x1x16xf32> to vector<16xf32>
          %parallel_loop3A_214 = arith.index_cast %rem3A_79 : i32 to index
          %parallel_loop3A_215 = arith.index_cast %parallel_loop3A_120 : i32 to index
          %parallel_loop3A_216 = arith.constant 128 : index
          %parallel_loop3A_217 = tpu.vector_load %arg7[%parallel_loop3A_214, %parallel_loop3A_215, %parallel_loop3A_216] {strides = array<i32>} : memref<3x16x1024xf32, #tpu.memory_space<vmem>>, vector<1x1x16xf32>,
          %parallel_loop3A_218 = vector.shape_cast %parallel_loop3A_217 : vector<1x1x16xf32> to vector<16xf32>
          %parallel_loop3A_219 = vector.shape_cast %parallel_loop3A_213 : vector<16xf32> to vector<1x1x16xf32>
          tpu.vector_store %arg7[%parallel_loop3A_214, %parallel_loop3A_215, %parallel_loop3A_216], %parallel_loop3A_219 {add = true, strides = array<i32>} : memref<3x16x1024xf32, #tpu.memory_space<vmem>>, vector<1x1x16xf32>,
          %parallel_loop3A_220 = arith.index_cast %rem3A_79 : i32 to index
          %parallel_loop3A_221 = arith.index_cast %parallel_loop3A_120 : i32 to index
          %parallel_loop3A_222 = arith.constant 144 : index
          %parallel_loop3A_223 = tpu.vector_load %arg8[%parallel_loop3A_220, %parallel_loop3A_221, %parallel_loop3A_222] {strides = array<i32>} : memref<3x16x1024xf32, #tpu.memory_space<vmem>>, vector<1x1x16xf32>,
          %parallel_loop3A_224 = vector.shape_cast %parallel_loop3A_223 : vector<1x1x16xf32> to vector<16xf32>
          %parallel_loop3A_225 = arith.index_cast %rem3A_79 : i32 to index
          %parallel_loop3A_226 = arith.index_cast %parallel_loop3A_120 : i32 to index
          %parallel_loop3A_227 = arith.constant 144 : index
          %parallel_loop3A_228 = tpu.vector_load %arg7[%parallel_loop3A_225, %parallel_loop3A_226, %parallel_loop3A_227] {strides = array<i32>} : memref<3x16x1024xf32, #tpu.memory_space<vmem>>, vector<1x1x16xf32>,
          %parallel_loop3A_229 = vector.shape_cast %parallel_loop3A_228 : vector<1x1x16xf32> to vector<16xf32>
          %parallel_loop3A_230 = vector.shape_cast %parallel_loop3A_224 : vector<16xf32> to vector<1x1x16xf32>
          tpu.vector_store %arg7[%parallel_loop3A_225, %parallel_loop3A_226, %parallel_loop3A_227], %parallel_loop3A_230 {add = true, strides = array<i32>} : memref<3x16x1024xf32, #tpu.memory_space<vmem>>, vector<1x1x16xf32>,
          %parallel_loop3A_231 = arith.index_cast %rem3A_79 : i32 to index
          %parallel_loop3A_232 = arith.index_cast %parallel_loop3A_120 : i32 to index
          %parallel_loop3A_233 = arith.constant 160 : index
          %parallel_loop3A_234 = tpu.vector_load %arg8[%parallel_loop3A_231, %parallel_loop3A_232, %parallel_loop3A_233] {strides = array<i32>} : memref<3x16x1024xf32, #tpu.memory_space<vmem>>, vector<1x1x16xf32>,
          %parallel_loop3A_235 = vector.shape_cast %parallel_loop3A_234 : vector<1x1x16xf32> to vector<16xf32>
          %parallel_loop3A_236 = arith.index_cast %rem3A_79 : i32 to index
          %parallel_loop3A_237 = arith.index_cast %parallel_loop3A_120 : i32 to index
          %parallel_loop3A_238 = arith.constant 160 : index
          %parallel_loop3A_239 = tpu.vector_load %arg7[%parallel_loop3A_236, %parallel_loop3A_237, %parallel_loop3A_238] {strides = array<i32>} : memref<3x16x1024xf32, #tpu.memory_space<vmem>>, vector<1x1x16xf32>,
          %parallel_loop3A_240 = vector.shape_cast %parallel_loop3A_239 : vector<1x1x16xf32> to vector<16xf32>
          %parallel_loop3A_241 = vector.shape_cast %parallel_loop3A_235 : vector<16xf32> to vector<1x1x16xf32>
          tpu.vector_store %arg7[%parallel_loop3A_236, %parallel_loop3A_237, %parallel_loop3A_238], %parallel_loop3A_241 {add = true, strides = array<i32>} : memref<3x16x1024xf32, #tpu.memory_space<vmem>>, vector<1x1x16xf32>,
          %parallel_loop3A_242 = arith.index_cast %rem3A_79 : i32 to index
          %parallel_loop3A_243 = arith.index_cast %parallel_loop3A_120 : i32 to index
          %parallel_loop3A_244 = arith.constant 176 : index
          %parallel_loop3A_245 = tpu.vector_load %arg8[%parallel_loop3A_242, %parallel_loop3A_243, %parallel_loop3A_244] {strides = array<i32>} : memref<3x16x1024xf32, #tpu.memory_space<vmem>>, vector<1x1x16xf32>,
          %parallel_loop3A_246 = vector.shape_cast %parallel_loop3A_245 : vector<1x1x16xf32> to vector<16xf32>
          %parallel_loop3A_247 = arith.index_cast %rem3A_79 : i32 to index
          %parallel_loop3A_248 = arith.index_cast %parallel_loop3A_120 : i32 to index
          %parallel_loop3A_249 = arith.constant 176 : index
          %parallel_loop3A_250 = tpu.vector_load %arg7[%parallel_loop3A_247, %parallel_loop3A_248, %parallel_loop3A_249] {strides = array<i32>} : memref<3x16x1024xf32, #tpu.memory_space<vmem>>, vector<1x1x16xf32>,
          %parallel_loop3A_251 = vector.shape_cast %parallel_loop3A_250 : vector<1x1x16xf32> to vector<16xf32>
          %parallel_loop3A_252 = vector.shape_cast %parallel_loop3A_246 : vector<16xf32> to vector<1x1x16xf32>
          tpu.vector_store %arg7[%parallel_loop3A_247, %parallel_loop3A_248, %parallel_loop3A_249], %parallel_loop3A_252 {add = true, strides = array<i32>} : memref<3x16x1024xf32, #tpu.memory_space<vmem>>, vector<1x1x16xf32>,
          %parallel_loop3A_253 = arith.index_cast %rem3A_79 : i32 to index
          %parallel_loop3A_254 = arith.index_cast %parallel_loop3A_120 : i32 to index
          %parallel_loop3A_255 = arith.constant 192 : index
          %parallel_loop3A_256 = tpu.vector_load %arg8[%parallel_loop3A_253, %parallel_loop3A_254, %parallel_loop3A_255] {strides = array<i32>} : memref<3x16x1024xf32, #tpu.memory_space<vmem>>, vector<1x1x16xf32>,
          %parallel_loop3A_257 = vector.shape_cast %parallel_loop3A_256 : vector<1x1x16xf32> to vector<16xf32>
          %parallel_loop3A_258 = arith.index_cast %rem3A_79 : i32 to index
          %parallel_loop3A_259 = arith.index_cast %parallel_loop3A_120 : i32 to index
          %parallel_loop3A_260 = arith.constant 192 : index
          %parallel_loop3A_261 = tpu.vector_load %arg7[%parallel_loop3A_258, %parallel_loop3A_259, %parallel_loop3A_260] {strides = array<i32>} : memref<3x16x1024xf32, #tpu.memory_space<vmem>>, vector<1x1x16xf32>,
          %parallel_loop3A_262 = vector.shape_cast %parallel_loop3A_261 : vector<1x1x16xf32> to vector<16xf32>
          %parallel_loop3A_263 = vector.shape_cast %parallel_loop3A_257 : vector<16xf32> to vector<1x1x16xf32>
          tpu.vector_store %arg7[%parallel_loop3A_258, %parallel_loop3A_259, %parallel_loop3A_260], %parallel_loop3A_263 {add = true, strides = array<i32>} : memref<3x16x1024xf32, #tpu.memory_space<vmem>>, vector<1x1x16xf32>,
          %parallel_loop3A_264 = arith.index_cast %rem3A_79 : i32 to index
          %parallel_loop3A_265 = arith.index_cast %parallel_loop3A_120 : i32 to index
          %parallel_loop3A_266 = arith.constant 208 : index
          %parallel_loop3A_267 = tpu.vector_load %arg8[%parallel_loop3A_264, %parallel_loop3A_265, %parallel_loop3A_266] {strides = array<i32>} : memref<3x16x1024xf32, #tpu.memory_space<vmem>>, vector<1x1x16xf32>,
          %parallel_loop3A_268 = vector.shape_cast %parallel_loop3A_267 : vector<1x1x16xf32> to vector<16xf32>
          %parallel_loop3A_269 = arith.index_cast %rem3A_79 : i32 to index
          %parallel_loop3A_270 = arith.index_cast %parallel_loop3A_120 : i32 to index
          %parallel_loop3A_271 = arith.constant 208 : index
          %parallel_loop3A_272 = tpu.vector_load %arg7[%parallel_loop3A_269, %parallel_loop3A_270, %parallel_loop3A_271] {strides = array<i32>} : memref<3x16x1024xf32, #tpu.memory_space<vmem>>, vector<1x1x16xf32>,
          %parallel_loop3A_273 = vector.shape_cast %parallel_loop3A_272 : vector<1x1x16xf32> to vector<16xf32>
          %parallel_loop3A_274 = vector.shape_cast %parallel_loop3A_268 : vector<16xf32> to vector<1x1x16xf32>
          tpu.vector_store %arg7[%parallel_loop3A_269, %parallel_loop3A_270, %parallel_loop3A_271], %parallel_loop3A_274 {add = true, strides = array<i32>} : memref<3x16x1024xf32, #tpu.memory_space<vmem>>, vector<1x1x16xf32>,
          %parallel_loop3A_275 = arith.index_cast %rem3A_79 : i32 to index
          %parallel_loop3A_276 = arith.index_cast %parallel_loop3A_120 : i32 to index
          %parallel_loop3A_277 = arith.constant 224 : index
          %parallel_loop3A_278 = tpu.vector_load %arg8[%parallel_loop3A_275, %parallel_loop3A_276, %parallel_loop3A_277] {strides = array<i32>} : memref<3x16x1024xf32, #tpu.memory_space<vmem>>, vector<1x1x16xf32>,
          %parallel_loop3A_279 = vector.shape_cast %parallel_loop3A_278 : vector<1x1x16xf32> to vector<16xf32>
          %parallel_loop3A_280 = arith.index_cast %rem3A_79 : i32 to index
          %parallel_loop3A_281 = arith.index_cast %parallel_loop3A_120 : i32 to index
          %parallel_loop3A_282 = arith.constant 224 : index
          %parallel_loop3A_283 = tpu.vector_load %arg7[%parallel_loop3A_280, %parallel_loop3A_281, %parallel_loop3A_282] {strides = array<i32>} : memref<3x16x1024xf32, #tpu.memory_space<vmem>>, vector<1x1x16xf32>,
          %parallel_loop3A_284 = vector.shape_cast %parallel_loop3A_283 : vector<1x1x16xf32> to vector<16xf32>
          %parallel_loop3A_285 = vector.shape_cast %parallel_loop3A_279 : vector<16xf32> to vector<1x1x16xf32>
          tpu.vector_store %arg7[%parallel_loop3A_280, %parallel_loop3A_281, %parallel_loop3A_282], %parallel_loop3A_285 {add = true, strides = array<i32>} : memref<3x16x1024xf32, #tpu.memory_space<vmem>>, vector<1x1x16xf32>,
          %parallel_loop3A_286 = arith.index_cast %rem3A_79 : i32 to index
          %parallel_loop3A_287 = arith.index_cast %parallel_loop3A_120 : i32 to index
          %parallel_loop3A_288 = arith.constant 240 : index
          %parallel_loop3A_289 = tpu.vector_load %arg8[%parallel_loop3A_286, %parallel_loop3A_287, %parallel_loop3A_288] {strides = array<i32>} : memref<3x16x1024xf32, #tpu.memory_space<vmem>>, vector<1x1x16xf32>,
          %parallel_loop3A_290 = vector.shape_cast %parallel_loop3A_289 : vector<1x1x16xf32> to vector<16xf32>
          %parallel_loop3A_291 = arith.index_cast %rem3A_79 : i32 to index
          %parallel_loop3A_292 = arith.index_cast %parallel_loop3A_120 : i32 to index
          %parallel_loop3A_293 = arith.constant 240 : index
          %parallel_loop3A_294 = tpu.vector_load %arg7[%parallel_loop3A_291, %parallel_loop3A_292, %parallel_loop3A_293] {strides = array<i32>} : memref<3x16x1024xf32, #tpu.memory_space<vmem>>, vector<1x1x16xf32>,
          %parallel_loop3A_295 = vector.shape_cast %parallel_loop3A_294 : vector<1x1x16xf32> to vector<16xf32>
          %parallel_loop3A_296 = vector.shape_cast %parallel_loop3A_290 : vector<16xf32> to vector<1x1x16xf32>
          tpu.vector_store %arg7[%parallel_loop3A_291, %parallel_loop3A_292, %parallel_loop3A_293], %parallel_loop3A_296 {add = true, strides = array<i32>} : memref<3x16x1024xf32, #tpu.memory_space<vmem>>, vector<1x1x16xf32>,
          %parallel_loop3A_297 = arith.index_cast %rem3A_79 : i32 to index
          %parallel_loop3A_298 = arith.index_cast %parallel_loop3A_120 : i32 to index
          %parallel_loop3A_299 = arith.constant 256 : index
          %parallel_loop3A_300 = tpu.vector_load %arg8[%parallel_loop3A_297, %parallel_loop3A_298, %parallel_loop3A_299] {strides = array<i32>} : memref<3x16x1024xf32, #tpu.memory_space<vmem>>, vector<1x1x16xf32>,
          %parallel_loop3A_301 = vector.shape_cast %parallel_loop3A_300 : vector<1x1x16xf32> to vector<16xf32>
          %parallel_loop3A_302 = arith.index_cast %rem3A_79 : i32 to index
          %parallel_loop3A_303 = arith.index_cast %parallel_loop3A_120 : i32 to index
          %parallel_loop3A_304 = arith.constant 256 : index
          %parallel_loop3A_305 = tpu.vector_load %arg7[%parallel_loop3A_302, %parallel_loop3A_303, %parallel_loop3A_304] {strides = array<i32>} : memref<3x16x1024xf32, #tpu.memory_space<vmem>>, vector<1x1x16xf32>,
          %parallel_loop3A_306 = vector.shape_cast %parallel_loop3A_305 : vector<1x1x16xf32> to vector<16xf32>
          %parallel_loop3A_307 = vector.shape_cast %parallel_loop3A_301 : vector<16xf32> to vector<1x1x16xf32>
          tpu.vector_store %arg7[%parallel_loop3A_302, %parallel_loop3A_303, %parallel_loop3A_304], %parallel_loop3A_307 {add = true, strides = array<i32>} : memref<3x16x1024xf32, #tpu.memory_space<vmem>>, vector<1x1x16xf32>,
          %parallel_loop3A_308 = arith.index_cast %rem3A_79 : i32 to index
          %parallel_loop3A_309 = arith.index_cast %parallel_loop3A_120 : i32 to index
          %parallel_loop3A_310 = arith.constant 272 : index
          %parallel_loop3A_311 = tpu.vector_load %arg8[%parallel_loop3A_308, %parallel_loop3A_309, %parallel_loop3A_310] {strides = array<i32>} : memref<3x16x1024xf32, #tpu.memory_space<vmem>>, vector<1x1x16xf32>,
          %parallel_loop3A_312 = vector.shape_cast %parallel_loop3A_311 : vector<1x1x16xf32> to vector<16xf32>
          %parallel_loop3A_313 = arith.index_cast %rem3A_79 : i32 to index
          %parallel_loop3A_314 = arith.index_cast %parallel_loop3A_120 : i32 to index
          %parallel_loop3A_315 = arith.constant 272 : index
          %parallel_loop3A_316 = tpu.vector_load %arg7[%parallel_loop3A_313, %parallel_loop3A_314, %parallel_loop3A_315] {strides = array<i32>} : memref<3x16x1024xf32, #tpu.memory_space<vmem>>, vector<1x1x16xf32>,
          %parallel_loop3A_317 = vector.shape_cast %parallel_loop3A_316 : vector<1x1x16xf32> to vector<16xf32>
          %parallel_loop3A_318 = vector.shape_cast %parallel_loop3A_312 : vector<16xf32> to vector<1x1x16xf32>
          tpu.vector_store %arg7[%parallel_loop3A_313, %parallel_loop3A_314, %parallel_loop3A_315], %parallel_loop3A_318 {add = true, strides = array<i32>} : memref<3x16x1024xf32, #tpu.memory_space<vmem>>, vector<1x1x16xf32>,
          %parallel_loop3A_319 = arith.index_cast %rem3A_79 : i32 to index
          %parallel_loop3A_320 = arith.index_cast %parallel_loop3A_120 : i32 to index
          %parallel_loop3A_321 = arith.constant 288 : index
          %parallel_loop3A_322 = tpu.vector_load %arg8[%parallel_loop3A_319, %parallel_loop3A_320, %parallel_loop3A_321] {strides = array<i32>} : memref<3x16x1024xf32, #tpu.memory_space<vmem>>, vector<1x1x16xf32>,
          %parallel_loop3A_323 = vector.shape_cast %parallel_loop3A_322 : vector<1x1x16xf32> to vector<16xf32>
          %parallel_loop3A_324 = arith.index_cast %rem3A_79 : i32 to index
          %parallel_loop3A_325 = arith.index_cast %parallel_loop3A_120 : i32 to index
          %parallel_loop3A_326 = arith.constant 288 : index
          %parallel_loop3A_327 = tpu.vector_load %arg7[%parallel_loop3A_324, %parallel_loop3A_325, %parallel_loop3A_326] {strides = array<i32>} : memref<3x16x1024xf32, #tpu.memory_space<vmem>>, vector<1x1x16xf32>,
          %parallel_loop3A_328 = vector.shape_cast %parallel_loop3A_327 : vector<1x1x16xf32> to vector<16xf32>
          %parallel_loop3A_329 = vector.shape_cast %parallel_loop3A_323 : vector<16xf32> to vector<1x1x16xf32>
          tpu.vector_store %arg7[%parallel_loop3A_324, %parallel_loop3A_325, %parallel_loop3A_326], %parallel_loop3A_329 {add = true, strides = array<i32>} : memref<3x16x1024xf32, #tpu.memory_space<vmem>>, vector<1x1x16xf32>,
          %parallel_loop3A_330 = arith.index_cast %rem3A_79 : i32 to index
          %parallel_loop3A_331 = arith.index_cast %parallel_loop3A_120 : i32 to index
          %parallel_loop3A_332 = arith.constant 304 : index
          %parallel_loop3A_333 = tpu.vector_load %arg8[%parallel_loop3A_330, %parallel_loop3A_331, %parallel_loop3A_332] {strides = array<i32>} : memref<3x16x1024xf32, #tpu.memory_space<vmem>>, vector<1x1x16xf32>,
          %parallel_loop3A_334 = vector.shape_cast %parallel_loop3A_333 : vector<1x1x16xf32> to vector<16xf32>
          %parallel_loop3A_335 = arith.index_cast %rem3A_79 : i32 to index
          %parallel_loop3A_336 = arith.index_cast %parallel_loop3A_120 : i32 to index
          %parallel_loop3A_337 = arith.constant 304 : index
          %parallel_loop3A_338 = tpu.vector_load %arg7[%parallel_loop3A_335, %parallel_loop3A_336, %parallel_loop3A_337] {strides = array<i32>} : memref<3x16x1024xf32, #tpu.memory_space<vmem>>, vector<1x1x16xf32>,
          %parallel_loop3A_339 = vector.shape_cast %parallel_loop3A_338 : vector<1x1x16xf32> to vector<16xf32>
          %parallel_loop3A_340 = vector.shape_cast %parallel_loop3A_334 : vector<16xf32> to vector<1x1x16xf32>
          tpu.vector_store %arg7[%parallel_loop3A_335, %parallel_loop3A_336, %parallel_loop3A_337], %parallel_loop3A_340 {add = true, strides = array<i32>} : memref<3x16x1024xf32, #tpu.memory_space<vmem>>, vector<1x1x16xf32>,
          %parallel_loop3A_341 = arith.index_cast %rem3A_79 : i32 to index
          %parallel_loop3A_342 = arith.index_cast %parallel_loop3A_120 : i32 to index
          %parallel_loop3A_343 = arith.constant 320 : index
          %parallel_loop3A_344 = tpu.vector_load %arg8[%parallel_loop3A_341, %parallel_loop3A_342, %parallel_loop3A_343] {strides = array<i32>} : memref<3x16x1024xf32, #tpu.memory_space<vmem>>, vector<1x1x16xf32>,
          %parallel_loop3A_345 = vector.shape_cast %parallel_loop3A_344 : vector<1x1x16xf32> to vector<16xf32>
          %parallel_loop3A_346 = arith.index_cast %rem3A_79 : i32 to index
          %parallel_loop3A_347 = arith.index_cast %parallel_loop3A_120 : i32 to index
          %parallel_loop3A_348 = arith.constant 320 : index
          %parallel_loop3A_349 = tpu.vector_load %arg7[%parallel_loop3A_346, %parallel_loop3A_347, %parallel_loop3A_348] {strides = array<i32>} : memref<3x16x1024xf32, #tpu.memory_space<vmem>>, vector<1x1x16xf32>,
          %parallel_loop3A_350 = vector.shape_cast %parallel_loop3A_349 : vector<1x1x16xf32> to vector<16xf32>
          %parallel_loop3A_351 = vector.shape_cast %parallel_loop3A_345 : vector<16xf32> to vector<1x1x16xf32>
          tpu.vector_store %arg7[%parallel_loop3A_346, %parallel_loop3A_347, %parallel_loop3A_348], %parallel_loop3A_351 {add = true, strides = array<i32>} : memref<3x16x1024xf32, #tpu.memory_space<vmem>>, vector<1x1x16xf32>,
          %parallel_loop3A_352 = arith.index_cast %rem3A_79 : i32 to index
          %parallel_loop3A_353 = arith.index_cast %parallel_loop3A_120 : i32 to index
          %parallel_loop3A_354 = arith.constant 336 : index
          %parallel_loop3A_355 = tpu.vector_load %arg8[%parallel_loop3A_352, %parallel_loop3A_353, %parallel_loop3A_354] {strides = array<i32>} : memref<3x16x1024xf32, #tpu.memory_space<vmem>>, vector<1x1x16xf32>,
          %parallel_loop3A_356 = vector.shape_cast %parallel_loop3A_355 : vector<1x1x16xf32> to vector<16xf32>
          %parallel_loop3A_357 = arith.index_cast %rem3A_79 : i32 to index
          %parallel_loop3A_358 = arith.index_cast %parallel_loop3A_120 : i32 to index
          %parallel_loop3A_359 = arith.constant 336 : index
          %parallel_loop3A_360 = tpu.vector_load %arg7[%parallel_loop3A_357, %parallel_loop3A_358, %parallel_loop3A_359] {strides = array<i32>} : memref<3x16x1024xf32, #tpu.memory_space<vmem>>, vector<1x1x16xf32>,
          %parallel_loop3A_361 = vector.shape_cast %parallel_loop3A_360 : vector<1x1x16xf32> to vector<16xf32>
          %parallel_loop3A_362 = vector.shape_cast %parallel_loop3A_356 : vector<16xf32> to vector<1x1x16xf32>
          tpu.vector_store %arg7[%parallel_loop3A_357, %parallel_loop3A_358, %parallel_loop3A_359], %parallel_loop3A_362 {add = true, strides = array<i32>} : memref<3x16x1024xf32, #tpu.memory_space<vmem>>, vector<1x1x16xf32>,
          %parallel_loop3A_363 = arith.index_cast %rem3A_79 : i32 to index
          %parallel_loop3A_364 = arith.index_cast %parallel_loop3A_120 : i32 to index
          %parallel_loop3A_365 = arith.constant 352 : index
          %parallel_loop3A_366 = tpu.vector_load %arg8[%parallel_loop3A_363, %parallel_loop3A_364, %parallel_loop3A_365] {strides = array<i32>} : memref<3x16x1024xf32, #tpu.memory_space<vmem>>, vector<1x1x16xf32>,
          %parallel_loop3A_367 = vector.shape_cast %parallel_loop3A_366 : vector<1x1x16xf32> to vector<16xf32>
          %parallel_loop3A_368 = arith.index_cast %rem3A_79 : i32 to index
          %parallel_loop3A_369 = arith.index_cast %parallel_loop3A_120 : i32 to index
          %parallel_loop3A_370 = arith.constant 352 : index
          %parallel_loop3A_371 = tpu.vector_load %arg7[%parallel_loop3A_368, %parallel_loop3A_369, %parallel_loop3A_370] {strides = array<i32>} : memref<3x16x1024xf32, #tpu.memory_space<vmem>>, vector<1x1x16xf32>,
          %parallel_loop3A_372 = vector.shape_cast %parallel_loop3A_371 : vector<1x1x16xf32> to vector<16xf32>
          %parallel_loop3A_373 = vector.shape_cast %parallel_loop3A_367 : vector<16xf32> to vector<1x1x16xf32>
          tpu.vector_store %arg7[%parallel_loop3A_368, %parallel_loop3A_369, %parallel_loop3A_370], %parallel_loop3A_373 {add = true, strides = array<i32>} : memref<3x16x1024xf32, #tpu.memory_space<vmem>>, vector<1x1x16xf32>,
          %parallel_loop3A_374 = arith.index_cast %rem3A_79 : i32 to index
          %parallel_loop3A_375 = arith.index_cast %parallel_loop3A_120 : i32 to index
          %parallel_loop3A_376 = arith.constant 368 : index
          %parallel_loop3A_377 = tpu.vector_load %arg8[%parallel_loop3A_374, %parallel_loop3A_375, %parallel_loop3A_376] {strides = array<i32>} : memref<3x16x1024xf32, #tpu.memory_space<vmem>>, vector<1x1x16xf32>,
          %parallel_loop3A_378 = vector.shape_cast %parallel_loop3A_377 : vector<1x1x16xf32> to vector<16xf32>
          %parallel_loop3A_379 = arith.index_cast %rem3A_79 : i32 to index
          %parallel_loop3A_380 = arith.index_cast %parallel_loop3A_120 : i32 to index
          %parallel_loop3A_381 = arith.constant 368 : index
          %parallel_loop3A_382 = tpu.vector_load %arg7[%parallel_loop3A_379, %parallel_loop3A_380, %parallel_loop3A_381] {strides = array<i32>} : memref<3x16x1024xf32, #tpu.memory_space<vmem>>, vector<1x1x16xf32>,
          %parallel_loop3A_383 = vector.shape_cast %parallel_loop3A_382 : vector<1x1x16xf32> to vector<16xf32>
          %parallel_loop3A_384 = vector.shape_cast %parallel_loop3A_378 : vector<16xf32> to vector<1x1x16xf32>
          tpu.vector_store %arg7[%parallel_loop3A_379, %parallel_loop3A_380, %parallel_loop3A_381], %parallel_loop3A_384 {add = true, strides = array<i32>} : memref<3x16x1024xf32, #tpu.memory_space<vmem>>, vector<1x1x16xf32>,
          %parallel_loop3A_385 = arith.index_cast %rem3A_79 : i32 to index
          %parallel_loop3A_386 = arith.index_cast %parallel_loop3A_120 : i32 to index
          %parallel_loop3A_387 = arith.constant 384 : index
          %parallel_loop3A_388 = tpu.vector_load %arg8[%parallel_loop3A_385, %parallel_loop3A_386, %parallel_loop3A_387] {strides = array<i32>} : memref<3x16x1024xf32, #tpu.memory_space<vmem>>, vector<1x1x16xf32>,
          %parallel_loop3A_389 = vector.shape_cast %parallel_loop3A_388 : vector<1x1x16xf32> to vector<16xf32>
          %parallel_loop3A_390 = arith.index_cast %rem3A_79 : i32 to index
          %parallel_loop3A_391 = arith.index_cast %parallel_loop3A_120 : i32 to index
          %parallel_loop3A_392 = arith.constant 384 : index
          %parallel_loop3A_393 = tpu.vector_load %arg7[%parallel_loop3A_390, %parallel_loop3A_391, %parallel_loop3A_392] {strides = array<i32>} : memref<3x16x1024xf32, #tpu.memory_space<vmem>>, vector<1x1x16xf32>,
          %parallel_loop3A_394 = vector.shape_cast %parallel_loop3A_393 : vector<1x1x16xf32> to vector<16xf32>
          %parallel_loop3A_395 = vector.shape_cast %parallel_loop3A_389 : vector<16xf32> to vector<1x1x16xf32>
          tpu.vector_store %arg7[%parallel_loop3A_390, %parallel_loop3A_391, %parallel_loop3A_392], %parallel_loop3A_395 {add = true, strides = array<i32>} : memref<3x16x1024xf32, #tpu.memory_space<vmem>>, vector<1x1x16xf32>,
          %parallel_loop3A_396 = arith.index_cast %rem3A_79 : i32 to index
          %parallel_loop3A_397 = arith.index_cast %parallel_loop3A_120 : i32 to index
          %parallel_loop3A_398 = arith.constant 400 : index
          %parallel_loop3A_399 = tpu.vector_load %arg8[%parallel_loop3A_396, %parallel_loop3A_397, %parallel_loop3A_398] {strides = array<i32>} : memref<3x16x1024xf32, #tpu.memory_space<vmem>>, vector<1x1x16xf32>,
          %parallel_loop3A_400 = vector.shape_cast %parallel_loop3A_399 : vector<1x1x16xf32> to vector<16xf32>
          %parallel_loop3A_401 = arith.index_cast %rem3A_79 : i32 to index
          %parallel_loop3A_402 = arith.index_cast %parallel_loop3A_120 : i32 to index
          %parallel_loop3A_403 = arith.constant 400 : index
          %parallel_loop3A_404 = tpu.vector_load %arg7[%parallel_loop3A_401, %parallel_loop3A_402, %parallel_loop3A_403] {strides = array<i32>} : memref<3x16x1024xf32, #tpu.memory_space<vmem>>, vector<1x1x16xf32>,
          %parallel_loop3A_405 = vector.shape_cast %parallel_loop3A_404 : vector<1x1x16xf32> to vector<16xf32>
          %parallel_loop3A_406 = vector.shape_cast %parallel_loop3A_400 : vector<16xf32> to vector<1x1x16xf32>
          tpu.vector_store %arg7[%parallel_loop3A_401, %parallel_loop3A_402, %parallel_loop3A_403], %parallel_loop3A_406 {add = true, strides = array<i32>} : memref<3x16x1024xf32, #tpu.memory_space<vmem>>, vector<1x1x16xf32>,
          %parallel_loop3A_407 = arith.index_cast %rem3A_79 : i32 to index
          %parallel_loop3A_408 = arith.index_cast %parallel_loop3A_120 : i32 to index
          %parallel_loop3A_409 = arith.constant 416 : index
          %parallel_loop3A_410 = tpu.vector_load %arg8[%parallel_loop3A_407, %parallel_loop3A_408, %parallel_loop3A_409] {strides = array<i32>} : memref<3x16x1024xf32, #tpu.memory_space<vmem>>, vector<1x1x16xf32>,
          %parallel_loop3A_411 = vector.shape_cast %parallel_loop3A_410 : vector<1x1x16xf32> to vector<16xf32>
          %parallel_loop3A_412 = arith.index_cast %rem3A_79 : i32 to index
          %parallel_loop3A_413 = arith.index_cast %parallel_loop3A_120 : i32 to index
          %parallel_loop3A_414 = arith.constant 416 : index
          %parallel_loop3A_415 = tpu.vector_load %arg7[%parallel_loop3A_412, %parallel_loop3A_413, %parallel_loop3A_414] {strides = array<i32>} : memref<3x16x1024xf32, #tpu.memory_space<vmem>>, vector<1x1x16xf32>,
          %parallel_loop3A_416 = vector.shape_cast %parallel_loop3A_415 : vector<1x1x16xf32> to vector<16xf32>
          %parallel_loop3A_417 = vector.shape_cast %parallel_loop3A_411 : vector<16xf32> to vector<1x1x16xf32>
          tpu.vector_store %arg7[%parallel_loop3A_412, %parallel_loop3A_413, %parallel_loop3A_414], %parallel_loop3A_417 {add = true, strides = array<i32>} : memref<3x16x1024xf32, #tpu.memory_space<vmem>>, vector<1x1x16xf32>,
          %parallel_loop3A_418 = arith.index_cast %rem3A_79 : i32 to index
          %parallel_loop3A_419 = arith.index_cast %parallel_loop3A_120 : i32 to index
          %parallel_loop3A_420 = arith.constant 432 : index
          %parallel_loop3A_421 = tpu.vector_load %arg8[%parallel_loop3A_418, %parallel_loop3A_419, %parallel_loop3A_420] {strides = array<i32>} : memref<3x16x1024xf32, #tpu.memory_space<vmem>>, vector<1x1x16xf32>,
          %parallel_loop3A_422 = vector.shape_cast %parallel_loop3A_421 : vector<1x1x16xf32> to vector<16xf32>
          %parallel_loop3A_423 = arith.index_cast %rem3A_79 : i32 to index
          %parallel_loop3A_424 = arith.index_cast %parallel_loop3A_120 : i32 to index
          %parallel_loop3A_425 = arith.constant 432 : index
          %parallel_loop3A_426 = tpu.vector_load %arg7[%parallel_loop3A_423, %parallel_loop3A_424, %parallel_loop3A_425] {strides = array<i32>} : memref<3x16x1024xf32, #tpu.memory_space<vmem>>, vector<1x1x16xf32>,
          %parallel_loop3A_427 = vector.shape_cast %parallel_loop3A_426 : vector<1x1x16xf32> to vector<16xf32>
          %parallel_loop3A_428 = vector.shape_cast %parallel_loop3A_422 : vector<16xf32> to vector<1x1x16xf32>
          tpu.vector_store %arg7[%parallel_loop3A_423, %parallel_loop3A_424, %parallel_loop3A_425], %parallel_loop3A_428 {add = true, strides = array<i32>} : memref<3x16x1024xf32, #tpu.memory_space<vmem>>, vector<1x1x16xf32>,
          %parallel_loop3A_429 = arith.index_cast %rem3A_79 : i32 to index
          %parallel_loop3A_430 = arith.index_cast %parallel_loop3A_120 : i32 to index
          %parallel_loop3A_431 = arith.constant 448 : index
          %parallel_loop3A_432 = tpu.vector_load %arg8[%parallel_loop3A_429, %parallel_loop3A_430, %parallel_loop3A_431] {strides = array<i32>} : memref<3x16x1024xf32, #tpu.memory_space<vmem>>, vector<1x1x16xf32>,
          %parallel_loop3A_433 = vector.shape_cast %parallel_loop3A_432 : vector<1x1x16xf32> to vector<16xf32>
          %parallel_loop3A_434 = arith.index_cast %rem3A_79 : i32 to index
          %parallel_loop3A_435 = arith.index_cast %parallel_loop3A_120 : i32 to index
          %parallel_loop3A_436 = arith.constant 448 : index
          %parallel_loop3A_437 = tpu.vector_load %arg7[%parallel_loop3A_434, %parallel_loop3A_435, %parallel_loop3A_436] {strides = array<i32>} : memref<3x16x1024xf32, #tpu.memory_space<vmem>>, vector<1x1x16xf32>,
          %parallel_loop3A_438 = vector.shape_cast %parallel_loop3A_437 : vector<1x1x16xf32> to vector<16xf32>
          %parallel_loop3A_439 = vector.shape_cast %parallel_loop3A_433 : vector<16xf32> to vector<1x1x16xf32>
          tpu.vector_store %arg7[%parallel_loop3A_434, %parallel_loop3A_435, %parallel_loop3A_436], %parallel_loop3A_439 {add = true, strides = array<i32>} : memref<3x16x1024xf32, #tpu.memory_space<vmem>>, vector<1x1x16xf32>,
          %parallel_loop3A_440 = arith.index_cast %rem3A_79 : i32 to index
          %parallel_loop3A_441 = arith.index_cast %parallel_loop3A_120 : i32 to index
          %parallel_loop3A_442 = arith.constant 464 : index
          %parallel_loop3A_443 = tpu.vector_load %arg8[%parallel_loop3A_440, %parallel_loop3A_441, %parallel_loop3A_442] {strides = array<i32>} : memref<3x16x1024xf32, #tpu.memory_space<vmem>>, vector<1x1x16xf32>,
          %parallel_loop3A_444 = vector.shape_cast %parallel_loop3A_443 : vector<1x1x16xf32> to vector<16xf32>
          %parallel_loop3A_445 = arith.index_cast %rem3A_79 : i32 to index
          %parallel_loop3A_446 = arith.index_cast %parallel_loop3A_120 : i32 to index
          %parallel_loop3A_447 = arith.constant 464 : index
          %parallel_loop3A_448 = tpu.vector_load %arg7[%parallel_loop3A_445, %parallel_loop3A_446, %parallel_loop3A_447] {strides = array<i32>} : memref<3x16x1024xf32, #tpu.memory_space<vmem>>, vector<1x1x16xf32>,
          %parallel_loop3A_449 = vector.shape_cast %parallel_loop3A_448 : vector<1x1x16xf32> to vector<16xf32>
          %parallel_loop3A_450 = vector.shape_cast %parallel_loop3A_444 : vector<16xf32> to vector<1x1x16xf32>
          tpu.vector_store %arg7[%parallel_loop3A_445, %parallel_loop3A_446, %parallel_loop3A_447], %parallel_loop3A_450 {add = true, strides = array<i32>} : memref<3x16x1024xf32, #tpu.memory_space<vmem>>, vector<1x1x16xf32>,
          %parallel_loop3A_451 = arith.index_cast %rem3A_79 : i32 to index
          %parallel_loop3A_452 = arith.index_cast %parallel_loop3A_120 : i32 to index
          %parallel_loop3A_453 = arith.constant 480 : index
          %parallel_loop3A_454 = tpu.vector_load %arg8[%parallel_loop3A_451, %parallel_loop3A_452, %parallel_loop3A_453] {strides = array<i32>} : memref<3x16x1024xf32, #tpu.memory_space<vmem>>, vector<1x1x16xf32>,
          %parallel_loop3A_455 = vector.shape_cast %parallel_loop3A_454 : vector<1x1x16xf32> to vector<16xf32>
          %parallel_loop3A_456 = arith.index_cast %rem3A_79 : i32 to index
          %parallel_loop3A_457 = arith.index_cast %parallel_loop3A_120 : i32 to index
          %parallel_loop3A_458 = arith.constant 480 : index
          %parallel_loop3A_459 = tpu.vector_load %arg7[%parallel_loop3A_456, %parallel_loop3A_457, %parallel_loop3A_458] {strides = array<i32>} : memref<3x16x1024xf32, #tpu.memory_space<vmem>>, vector<1x1x16xf32>,
          %parallel_loop3A_460 = vector.shape_cast %parallel_loop3A_459 : vector<1x1x16xf32> to vector<16xf32>
          %parallel_loop3A_461 = vector.shape_cast %parallel_loop3A_455 : vector<16xf32> to vector<1x1x16xf32>
          tpu.vector_store %arg7[%parallel_loop3A_456, %parallel_loop3A_457, %parallel_loop3A_458], %parallel_loop3A_461 {add = true, strides = array<i32>} : memref<3x16x1024xf32, #tpu.memory_space<vmem>>, vector<1x1x16xf32>,
          %parallel_loop3A_462 = arith.index_cast %rem3A_79 : i32 to index
          %parallel_loop3A_463 = arith.index_cast %parallel_loop3A_120 : i32 to index
          %parallel_loop3A_464 = arith.constant 496 : index
          %parallel_loop3A_465 = tpu.vector_load %arg8[%parallel_loop3A_462, %parallel_loop3A_463, %parallel_loop3A_464] {strides = array<i32>} : memref<3x16x1024xf32, #tpu.memory_space<vmem>>, vector<1x1x16xf32>,
          %parallel_loop3A_466 = vector.shape_cast %parallel_loop3A_465 : vector<1x1x16xf32> to vector<16xf32>
          %parallel_loop3A_467 = arith.index_cast %rem3A_79 : i32 to index
          %parallel_loop3A_468 = arith.index_cast %parallel_loop3A_120 : i32 to index
          %parallel_loop3A_469 = arith.constant 496 : index
          %parallel_loop3A_470 = tpu.vector_load %arg7[%parallel_loop3A_467, %parallel_loop3A_468, %parallel_loop3A_469] {strides = array<i32>} : memref<3x16x1024xf32, #tpu.memory_space<vmem>>, vector<1x1x16xf32>,
          %parallel_loop3A_471 = vector.shape_cast %parallel_loop3A_470 : vector<1x1x16xf32> to vector<16xf32>
          %parallel_loop3A_472 = vector.shape_cast %parallel_loop3A_466 : vector<16xf32> to vector<1x1x16xf32>
          tpu.vector_store %arg7[%parallel_loop3A_467, %parallel_loop3A_468, %parallel_loop3A_469], %parallel_loop3A_472 {add = true, strides = array<i32>} : memref<3x16x1024xf32, #tpu.memory_space<vmem>>, vector<1x1x16xf32>,
          %parallel_loop3A_473 = arith.index_cast %rem3A_79 : i32 to index
          %parallel_loop3A_474 = arith.index_cast %parallel_loop3A_120 : i32 to index
          %parallel_loop3A_475 = arith.constant 512 : index
          %parallel_loop3A_476 = tpu.vector_load %arg8[%parallel_loop3A_473, %parallel_loop3A_474, %parallel_loop3A_475] {strides = array<i32>} : memref<3x16x1024xf32, #tpu.memory_space<vmem>>, vector<1x1x16xf32>,
          %parallel_loop3A_477 = vector.shape_cast %parallel_loop3A_476 : vector<1x1x16xf32> to vector<16xf32>
          %parallel_loop3A_478 = arith.index_cast %rem3A_79 : i32 to index
          %parallel_loop3A_479 = arith.index_cast %parallel_loop3A_120 : i32 to index
          %parallel_loop3A_480 = arith.constant 512 : index
          %parallel_loop3A_481 = tpu.vector_load %arg7[%parallel_loop3A_478, %parallel_loop3A_479, %parallel_loop3A_480] {strides = array<i32>} : memref<3x16x1024xf32, #tpu.memory_space<vmem>>, vector<1x1x16xf32>,
          %parallel_loop3A_482 = vector.shape_cast %parallel_loop3A_481 : vector<1x1x16xf32> to vector<16xf32>
          %parallel_loop3A_483 = vector.shape_cast %parallel_loop3A_477 : vector<16xf32> to vector<1x1x16xf32>
          tpu.vector_store %arg7[%parallel_loop3A_478, %parallel_loop3A_479, %parallel_loop3A_480], %parallel_loop3A_483 {add = true, strides = array<i32>} : memref<3x16x1024xf32, #tpu.memory_space<vmem>>, vector<1x1x16xf32>,
          %parallel_loop3A_484 = arith.index_cast %rem3A_79 : i32 to index
          %parallel_loop3A_485 = arith.index_cast %parallel_loop3A_120 : i32 to index
          %parallel_loop3A_486 = arith.constant 528 : index
          %parallel_loop3A_487 = tpu.vector_load %arg8[%parallel_loop3A_484, %parallel_loop3A_485, %parallel_loop3A_486] {strides = array<i32>} : memref<3x16x1024xf32, #tpu.memory_space<vmem>>, vector<1x1x16xf32>,
          %parallel_loop3A_488 = vector.shape_cast %parallel_loop3A_487 : vector<1x1x16xf32> to vector<16xf32>
          %parallel_loop3A_489 = arith.index_cast %rem3A_79 : i32 to index
          %parallel_loop3A_490 = arith.index_cast %parallel_loop3A_120 : i32 to index
          %parallel_loop3A_491 = arith.constant 528 : index
          %parallel_loop3A_492 = tpu.vector_load %arg7[%parallel_loop3A_489, %parallel_loop3A_490, %parallel_loop3A_491] {strides = array<i32>} : memref<3x16x1024xf32, #tpu.memory_space<vmem>>, vector<1x1x16xf32>,
          %parallel_loop3A_493 = vector.shape_cast %parallel_loop3A_492 : vector<1x1x16xf32> to vector<16xf32>
          %parallel_loop3A_494 = vector.shape_cast %parallel_loop3A_488 : vector<16xf32> to vector<1x1x16xf32>
          tpu.vector_store %arg7[%parallel_loop3A_489, %parallel_loop3A_490, %parallel_loop3A_491], %parallel_loop3A_494 {add = true, strides = array<i32>} : memref<3x16x1024xf32, #tpu.memory_space<vmem>>, vector<1x1x16xf32>,
          %parallel_loop3A_495 = arith.index_cast %rem3A_79 : i32 to index
          %parallel_loop3A_496 = arith.index_cast %parallel_loop3A_120 : i32 to index
          %parallel_loop3A_497 = arith.constant 544 : index
          %parallel_loop3A_498 = tpu.vector_load %arg8[%parallel_loop3A_495, %parallel_loop3A_496, %parallel_loop3A_497] {strides = array<i32>} : memref<3x16x1024xf32, #tpu.memory_space<vmem>>, vector<1x1x16xf32>,
          %parallel_loop3A_499 = vector.shape_cast %parallel_loop3A_498 : vector<1x1x16xf32> to vector<16xf32>
          %parallel_loop3A_500 = arith.index_cast %rem3A_79 : i32 to index
          %parallel_loop3A_501 = arith.index_cast %parallel_loop3A_120 : i32 to index
          %parallel_loop3A_502 = arith.constant 544 : index
          %parallel_loop3A_503 = tpu.vector_load %arg7[%parallel_loop3A_500, %parallel_loop3A_501, %parallel_loop3A_502] {strides = array<i32>} : memref<3x16x1024xf32, #tpu.memory_space<vmem>>, vector<1x1x16xf32>,
          %parallel_loop3A_504 = vector.shape_cast %parallel_loop3A_503 : vector<1x1x16xf32> to vector<16xf32>
          %parallel_loop3A_505 = vector.shape_cast %parallel_loop3A_499 : vector<16xf32> to vector<1x1x16xf32>
          tpu.vector_store %arg7[%parallel_loop3A_500, %parallel_loop3A_501, %parallel_loop3A_502], %parallel_loop3A_505 {add = true, strides = array<i32>} : memref<3x16x1024xf32, #tpu.memory_space<vmem>>, vector<1x1x16xf32>,
          %parallel_loop3A_506 = arith.index_cast %rem3A_79 : i32 to index
          %parallel_loop3A_507 = arith.index_cast %parallel_loop3A_120 : i32 to index
          %parallel_loop3A_508 = arith.constant 560 : index
          %parallel_loop3A_509 = tpu.vector_load %arg8[%parallel_loop3A_506, %parallel_loop3A_507, %parallel_loop3A_508] {strides = array<i32>} : memref<3x16x1024xf32, #tpu.memory_space<vmem>>, vector<1x1x16xf32>,
          %parallel_loop3A_510 = vector.shape_cast %parallel_loop3A_509 : vector<1x1x16xf32> to vector<16xf32>
          %parallel_loop3A_511 = arith.index_cast %rem3A_79 : i32 to index
          %parallel_loop3A_512 = arith.index_cast %parallel_loop3A_120 : i32 to index
          %parallel_loop3A_513 = arith.constant 560 : index
          %parallel_loop3A_514 = tpu.vector_load %arg7[%parallel_loop3A_511, %parallel_loop3A_512, %parallel_loop3A_513] {strides = array<i32>} : memref<3x16x1024xf32, #tpu.memory_space<vmem>>, vector<1x1x16xf32>,
          %parallel_loop3A_515 = vector.shape_cast %parallel_loop3A_514 : vector<1x1x16xf32> to vector<16xf32>
          %parallel_loop3A_516 = vector.shape_cast %parallel_loop3A_510 : vector<16xf32> to vector<1x1x16xf32>
          tpu.vector_store %arg7[%parallel_loop3A_511, %parallel_loop3A_512, %parallel_loop3A_513], %parallel_loop3A_516 {add = true, strides = array<i32>} : memref<3x16x1024xf32, #tpu.memory_space<vmem>>, vector<1x1x16xf32>,
          %parallel_loop3A_517 = arith.index_cast %rem3A_79 : i32 to index
          %parallel_loop3A_518 = arith.index_cast %parallel_loop3A_120 : i32 to index
          %parallel_loop3A_519 = arith.constant 576 : index
          %parallel_loop3A_520 = tpu.vector_load %arg8[%parallel_loop3A_517, %parallel_loop3A_518, %parallel_loop3A_519] {strides = array<i32>} : memref<3x16x1024xf32, #tpu.memory_space<vmem>>, vector<1x1x16xf32>,
          %parallel_loop3A_521 = vector.shape_cast %parallel_loop3A_520 : vector<1x1x16xf32> to vector<16xf32>
          %parallel_loop3A_522 = arith.index_cast %rem3A_79 : i32 to index
          %parallel_loop3A_523 = arith.index_cast %parallel_loop3A_120 : i32 to index
          %parallel_loop3A_524 = arith.constant 576 : index
          %parallel_loop3A_525 = tpu.vector_load %arg7[%parallel_loop3A_522, %parallel_loop3A_523, %parallel_loop3A_524] {strides = array<i32>} : memref<3x16x1024xf32, #tpu.memory_space<vmem>>, vector<1x1x16xf32>,
          %parallel_loop3A_526 = vector.shape_cast %parallel_loop3A_525 : vector<1x1x16xf32> to vector<16xf32>
          %parallel_loop3A_527 = vector.shape_cast %parallel_loop3A_521 : vector<16xf32> to vector<1x1x16xf32>
          tpu.vector_store %arg7[%parallel_loop3A_522, %parallel_loop3A_523, %parallel_loop3A_524], %parallel_loop3A_527 {add = true, strides = array<i32>} : memref<3x16x1024xf32, #tpu.memory_space<vmem>>, vector<1x1x16xf32>,
          %parallel_loop3A_528 = arith.index_cast %rem3A_79 : i32 to index
          %parallel_loop3A_529 = arith.index_cast %parallel_loop3A_120 : i32 to index
          %parallel_loop3A_530 = arith.constant 592 : index
          %parallel_loop3A_531 = tpu.vector_load %arg8[%parallel_loop3A_528, %parallel_loop3A_529, %parallel_loop3A_530] {strides = array<i32>} : memref<3x16x1024xf32, #tpu.memory_space<vmem>>, vector<1x1x16xf32>,
          %parallel_loop3A_532 = vector.shape_cast %parallel_loop3A_531 : vector<1x1x16xf32> to vector<16xf32>
          %parallel_loop3A_533 = arith.index_cast %rem3A_79 : i32 to index
          %parallel_loop3A_534 = arith.index_cast %parallel_loop3A_120 : i32 to index
          %parallel_loop3A_535 = arith.constant 592 : index
          %parallel_loop3A_536 = tpu.vector_load %arg7[%parallel_loop3A_533, %parallel_loop3A_534, %parallel_loop3A_535] {strides = array<i32>} : memref<3x16x1024xf32, #tpu.memory_space<vmem>>, vector<1x1x16xf32>,
          %parallel_loop3A_537 = vector.shape_cast %parallel_loop3A_536 : vector<1x1x16xf32> to vector<16xf32>
          %parallel_loop3A_538 = vector.shape_cast %parallel_loop3A_532 : vector<16xf32> to vector<1x1x16xf32>
          tpu.vector_store %arg7[%parallel_loop3A_533, %parallel_loop3A_534, %parallel_loop3A_535], %parallel_loop3A_538 {add = true, strides = array<i32>} : memref<3x16x1024xf32, #tpu.memory_space<vmem>>, vector<1x1x16xf32>,
          %parallel_loop3A_539 = arith.index_cast %rem3A_79 : i32 to index
          %parallel_loop3A_540 = arith.index_cast %parallel_loop3A_120 : i32 to index
          %parallel_loop3A_541 = arith.constant 608 : index
          %parallel_loop3A_542 = tpu.vector_load %arg8[%parallel_loop3A_539, %parallel_loop3A_540, %parallel_loop3A_541] {strides = array<i32>} : memref<3x16x1024xf32, #tpu.memory_space<vmem>>, vector<1x1x16xf32>,
          %parallel_loop3A_543 = vector.shape_cast %parallel_loop3A_542 : vector<1x1x16xf32> to vector<16xf32>
          %parallel_loop3A_544 = arith.index_cast %rem3A_79 : i32 to index
          %parallel_loop3A_545 = arith.index_cast %parallel_loop3A_120 : i32 to index
          %parallel_loop3A_546 = arith.constant 608 : index
          %parallel_loop3A_547 = tpu.vector_load %arg7[%parallel_loop3A_544, %parallel_loop3A_545, %parallel_loop3A_546] {strides = array<i32>} : memref<3x16x1024xf32, #tpu.memory_space<vmem>>, vector<1x1x16xf32>,
          %parallel_loop3A_548 = vector.shape_cast %parallel_loop3A_547 : vector<1x1x16xf32> to vector<16xf32>
          %parallel_loop3A_549 = vector.shape_cast %parallel_loop3A_543 : vector<16xf32> to vector<1x1x16xf32>
          tpu.vector_store %arg7[%parallel_loop3A_544, %parallel_loop3A_545, %parallel_loop3A_546], %parallel_loop3A_549 {add = true, strides = array<i32>} : memref<3x16x1024xf32, #tpu.memory_space<vmem>>, vector<1x1x16xf32>,
          %parallel_loop3A_550 = arith.index_cast %rem3A_79 : i32 to index
          %parallel_loop3A_551 = arith.index_cast %parallel_loop3A_120 : i32 to index
          %parallel_loop3A_552 = arith.constant 624 : index
          %parallel_loop3A_553 = tpu.vector_load %arg8[%parallel_loop3A_550, %parallel_loop3A_551, %parallel_loop3A_552] {strides = array<i32>} : memref<3x16x1024xf32, #tpu.memory_space<vmem>>, vector<1x1x16xf32>,
          %parallel_loop3A_554 = vector.shape_cast %parallel_loop3A_553 : vector<1x1x16xf32> to vector<16xf32>
          %parallel_loop3A_555 = arith.index_cast %rem3A_79 : i32 to index
          %parallel_loop3A_556 = arith.index_cast %parallel_loop3A_120 : i32 to index
          %parallel_loop3A_557 = arith.constant 624 : index
          %parallel_loop3A_558 = tpu.vector_load %arg7[%parallel_loop3A_555, %parallel_loop3A_556, %parallel_loop3A_557] {strides = array<i32>} : memref<3x16x1024xf32, #tpu.memory_space<vmem>>, vector<1x1x16xf32>,
          %parallel_loop3A_559 = vector.shape_cast %parallel_loop3A_558 : vector<1x1x16xf32> to vector<16xf32>
          %parallel_loop3A_560 = vector.shape_cast %parallel_loop3A_554 : vector<16xf32> to vector<1x1x16xf32>
          tpu.vector_store %arg7[%parallel_loop3A_555, %parallel_loop3A_556, %parallel_loop3A_557], %parallel_loop3A_560 {add = true, strides = array<i32>} : memref<3x16x1024xf32, #tpu.memory_space<vmem>>, vector<1x1x16xf32>,
          %parallel_loop3A_561 = arith.index_cast %rem3A_79 : i32 to index
          %parallel_loop3A_562 = arith.index_cast %parallel_loop3A_120 : i32 to index
          %parallel_loop3A_563 = arith.constant 640 : index
          %parallel_loop3A_564 = tpu.vector_load %arg8[%parallel_loop3A_561, %parallel_loop3A_562, %parallel_loop3A_563] {strides = array<i32>} : memref<3x16x1024xf32, #tpu.memory_space<vmem>>, vector<1x1x16xf32>,
          %parallel_loop3A_565 = vector.shape_cast %parallel_loop3A_564 : vector<1x1x16xf32> to vector<16xf32>
          %parallel_loop3A_566 = arith.index_cast %rem3A_79 : i32 to index
          %parallel_loop3A_567 = arith.index_cast %parallel_loop3A_120 : i32 to index
          %parallel_loop3A_568 = arith.constant 640 : index
          %parallel_loop3A_569 = tpu.vector_load %arg7[%parallel_loop3A_566, %parallel_loop3A_567, %parallel_loop3A_568] {strides = array<i32>} : memref<3x16x1024xf32, #tpu.memory_space<vmem>>, vector<1x1x16xf32>,
          %parallel_loop3A_570 = vector.shape_cast %parallel_loop3A_569 : vector<1x1x16xf32> to vector<16xf32>
          %parallel_loop3A_571 = vector.shape_cast %parallel_loop3A_565 : vector<16xf32> to vector<1x1x16xf32>
          tpu.vector_store %arg7[%parallel_loop3A_566, %parallel_loop3A_567, %parallel_loop3A_568], %parallel_loop3A_571 {add = true, strides = array<i32>} : memref<3x16x1024xf32, #tpu.memory_space<vmem>>, vector<1x1x16xf32>,
          %parallel_loop3A_572 = arith.index_cast %rem3A_79 : i32 to index
          %parallel_loop3A_573 = arith.index_cast %parallel_loop3A_120 : i32 to index
          %parallel_loop3A_574 = arith.constant 656 : index
          %parallel_loop3A_575 = tpu.vector_load %arg8[%parallel_loop3A_572, %parallel_loop3A_573, %parallel_loop3A_574] {strides = array<i32>} : memref<3x16x1024xf32, #tpu.memory_space<vmem>>, vector<1x1x16xf32>,
          %parallel_loop3A_576 = vector.shape_cast %parallel_loop3A_575 : vector<1x1x16xf32> to vector<16xf32>
          %parallel_loop3A_577 = arith.index_cast %rem3A_79 : i32 to index
          %parallel_loop3A_578 = arith.index_cast %parallel_loop3A_120 : i32 to index
          %parallel_loop3A_579 = arith.constant 656 : index
          %parallel_loop3A_580 = tpu.vector_load %arg7[%parallel_loop3A_577, %parallel_loop3A_578, %parallel_loop3A_579] {strides = array<i32>} : memref<3x16x1024xf32, #tpu.memory_space<vmem>>, vector<1x1x16xf32>,
          %parallel_loop3A_581 = vector.shape_cast %parallel_loop3A_580 : vector<1x1x16xf32> to vector<16xf32>
          %parallel_loop3A_582 = vector.shape_cast %parallel_loop3A_576 : vector<16xf32> to vector<1x1x16xf32>
          tpu.vector_store %arg7[%parallel_loop3A_577, %parallel_loop3A_578, %parallel_loop3A_579], %parallel_loop3A_582 {add = true, strides = array<i32>} : memref<3x16x1024xf32, #tpu.memory_space<vmem>>, vector<1x1x16xf32>,
          %parallel_loop3A_583 = arith.index_cast %rem3A_79 : i32 to index
          %parallel_loop3A_584 = arith.index_cast %parallel_loop3A_120 : i32 to index
          %parallel_loop3A_585 = arith.constant 672 : index
          %parallel_loop3A_586 = tpu.vector_load %arg8[%parallel_loop3A_583, %parallel_loop3A_584, %parallel_loop3A_585] {strides = array<i32>} : memref<3x16x1024xf32, #tpu.memory_space<vmem>>, vector<1x1x16xf32>,
          %parallel_loop3A_587 = vector.shape_cast %parallel_loop3A_586 : vector<1x1x16xf32> to vector<16xf32>
          %parallel_loop3A_588 = arith.index_cast %rem3A_79 : i32 to index
          %parallel_loop3A_589 = arith.index_cast %parallel_loop3A_120 : i32 to index
          %parallel_loop3A_590 = arith.constant 672 : index
          %parallel_loop3A_591 = tpu.vector_load %arg7[%parallel_loop3A_588, %parallel_loop3A_589, %parallel_loop3A_590] {strides = array<i32>} : memref<3x16x1024xf32, #tpu.memory_space<vmem>>, vector<1x1x16xf32>,
          %parallel_loop3A_592 = vector.shape_cast %parallel_loop3A_591 : vector<1x1x16xf32> to vector<16xf32>
          %parallel_loop3A_593 = vector.shape_cast %parallel_loop3A_587 : vector<16xf32> to vector<1x1x16xf32>
          tpu.vector_store %arg7[%parallel_loop3A_588, %parallel_loop3A_589, %parallel_loop3A_590], %parallel_loop3A_593 {add = true, strides = array<i32>} : memref<3x16x1024xf32, #tpu.memory_space<vmem>>, vector<1x1x16xf32>,
          %parallel_loop3A_594 = arith.index_cast %rem3A_79 : i32 to index
          %parallel_loop3A_595 = arith.index_cast %parallel_loop3A_120 : i32 to index
          %parallel_loop3A_596 = arith.constant 688 : index
          %parallel_loop3A_597 = tpu.vector_load %arg8[%parallel_loop3A_594, %parallel_loop3A_595, %parallel_loop3A_596] {strides = array<i32>} : memref<3x16x1024xf32, #tpu.memory_space<vmem>>, vector<1x1x16xf32>,
          %parallel_loop3A_598 = vector.shape_cast %parallel_loop3A_597 : vector<1x1x16xf32> to vector<16xf32>
          %parallel_loop3A_599 = arith.index_cast %rem3A_79 : i32 to index
          %parallel_loop3A_600 = arith.index_cast %parallel_loop3A_120 : i32 to index
          %parallel_loop3A_601 = arith.constant 688 : index
          %parallel_loop3A_602 = tpu.vector_load %arg7[%parallel_loop3A_599, %parallel_loop3A_600, %parallel_loop3A_601] {strides = array<i32>} : memref<3x16x1024xf32, #tpu.memory_space<vmem>>, vector<1x1x16xf32>,
          %parallel_loop3A_603 = vector.shape_cast %parallel_loop3A_602 : vector<1x1x16xf32> to vector<16xf32>
          %parallel_loop3A_604 = vector.shape_cast %parallel_loop3A_598 : vector<16xf32> to vector<1x1x16xf32>
          tpu.vector_store %arg7[%parallel_loop3A_599, %parallel_loop3A_600, %parallel_loop3A_601], %parallel_loop3A_604 {add = true, strides = array<i32>} : memref<3x16x1024xf32, #tpu.memory_space<vmem>>, vector<1x1x16xf32>,
          %parallel_loop3A_605 = arith.index_cast %rem3A_79 : i32 to index
          %parallel_loop3A_606 = arith.index_cast %parallel_loop3A_120 : i32 to index
          %parallel_loop3A_607 = arith.constant 704 : index
          %parallel_loop3A_608 = tpu.vector_load %arg8[%parallel_loop3A_605, %parallel_loop3A_606, %parallel_loop3A_607] {strides = array<i32>} : memref<3x16x1024xf32, #tpu.memory_space<vmem>>, vector<1x1x16xf32>,
          %parallel_loop3A_609 = vector.shape_cast %parallel_loop3A_608 : vector<1x1x16xf32> to vector<16xf32>
          %parallel_loop3A_610 = arith.index_cast %rem3A_79 : i32 to index
          %parallel_loop3A_611 = arith.index_cast %parallel_loop3A_120 : i32 to index
          %parallel_loop3A_612 = arith.constant 704 : index
          %parallel_loop3A_613 = tpu.vector_load %arg7[%parallel_loop3A_610, %parallel_loop3A_611, %parallel_loop3A_612] {strides = array<i32>} : memref<3x16x1024xf32, #tpu.memory_space<vmem>>, vector<1x1x16xf32>,
          %parallel_loop3A_614 = vector.shape_cast %parallel_loop3A_613 : vector<1x1x16xf32> to vector<16xf32>
          %parallel_loop3A_615 = vector.shape_cast %parallel_loop3A_609 : vector<16xf32> to vector<1x1x16xf32>
          tpu.vector_store %arg7[%parallel_loop3A_610, %parallel_loop3A_611, %parallel_loop3A_612], %parallel_loop3A_615 {add = true, strides = array<i32>} : memref<3x16x1024xf32, #tpu.memory_space<vmem>>, vector<1x1x16xf32>,
          %parallel_loop3A_616 = arith.index_cast %rem3A_79 : i32 to index
          %parallel_loop3A_617 = arith.index_cast %parallel_loop3A_120 : i32 to index
          %parallel_loop3A_618 = arith.constant 720 : index
          %parallel_loop3A_619 = tpu.vector_load %arg8[%parallel_loop3A_616, %parallel_loop3A_617, %parallel_loop3A_618] {strides = array<i32>} : memref<3x16x1024xf32, #tpu.memory_space<vmem>>, vector<1x1x16xf32>,
          %parallel_loop3A_620 = vector.shape_cast %parallel_loop3A_619 : vector<1x1x16xf32> to vector<16xf32>
          %parallel_loop3A_621 = arith.index_cast %rem3A_79 : i32 to index
          %parallel_loop3A_622 = arith.index_cast %parallel_loop3A_120 : i32 to index
          %parallel_loop3A_623 = arith.constant 720 : index
          %parallel_loop3A_624 = tpu.vector_load %arg7[%parallel_loop3A_621, %parallel_loop3A_622, %parallel_loop3A_623] {strides = array<i32>} : memref<3x16x1024xf32, #tpu.memory_space<vmem>>, vector<1x1x16xf32>,
          %parallel_loop3A_625 = vector.shape_cast %parallel_loop3A_624 : vector<1x1x16xf32> to vector<16xf32>
          %parallel_loop3A_626 = vector.shape_cast %parallel_loop3A_620 : vector<16xf32> to vector<1x1x16xf32>
          tpu.vector_store %arg7[%parallel_loop3A_621, %parallel_loop3A_622, %parallel_loop3A_623], %parallel_loop3A_626 {add = true, strides = array<i32>} : memref<3x16x1024xf32, #tpu.memory_space<vmem>>, vector<1x1x16xf32>,
          %parallel_loop3A_627 = arith.index_cast %rem3A_79 : i32 to index
          %parallel_loop3A_628 = arith.index_cast %parallel_loop3A_120 : i32 to index
          %parallel_loop3A_629 = arith.constant 736 : index
          %parallel_loop3A_630 = tpu.vector_load %arg8[%parallel_loop3A_627, %parallel_loop3A_628, %parallel_loop3A_629] {strides = array<i32>} : memref<3x16x1024xf32, #tpu.memory_space<vmem>>, vector<1x1x16xf32>,
          %parallel_loop3A_631 = vector.shape_cast %parallel_loop3A_630 : vector<1x1x16xf32> to vector<16xf32>
          %parallel_loop3A_632 = arith.index_cast %rem3A_79 : i32 to index
          %parallel_loop3A_633 = arith.index_cast %parallel_loop3A_120 : i32 to index
          %parallel_loop3A_634 = arith.constant 736 : index
          %parallel_loop3A_635 = tpu.vector_load %arg7[%parallel_loop3A_632, %parallel_loop3A_633, %parallel_loop3A_634] {strides = array<i32>} : memref<3x16x1024xf32, #tpu.memory_space<vmem>>, vector<1x1x16xf32>,
          %parallel_loop3A_636 = vector.shape_cast %parallel_loop3A_635 : vector<1x1x16xf32> to vector<16xf32>
          %parallel_loop3A_637 = vector.shape_cast %parallel_loop3A_631 : vector<16xf32> to vector<1x1x16xf32>
          tpu.vector_store %arg7[%parallel_loop3A_632, %parallel_loop3A_633, %parallel_loop3A_634], %parallel_loop3A_637 {add = true, strides = array<i32>} : memref<3x16x1024xf32, #tpu.memory_space<vmem>>, vector<1x1x16xf32>,
          %parallel_loop3A_638 = arith.index_cast %rem3A_79 : i32 to index
          %parallel_loop3A_639 = arith.index_cast %parallel_loop3A_120 : i32 to index
          %parallel_loop3A_640 = arith.constant 752 : index
          %parallel_loop3A_641 = tpu.vector_load %arg8[%parallel_loop3A_638, %parallel_loop3A_639, %parallel_loop3A_640] {strides = array<i32>} : memref<3x16x1024xf32, #tpu.memory_space<vmem>>, vector<1x1x16xf32>,
          %parallel_loop3A_642 = vector.shape_cast %parallel_loop3A_641 : vector<1x1x16xf32> to vector<16xf32>
          %parallel_loop3A_643 = arith.index_cast %rem3A_79 : i32 to index
          %parallel_loop3A_644 = arith.index_cast %parallel_loop3A_120 : i32 to index
          %parallel_loop3A_645 = arith.constant 752 : index
          %parallel_loop3A_646 = tpu.vector_load %arg7[%parallel_loop3A_643, %parallel_loop3A_644, %parallel_loop3A_645] {strides = array<i32>} : memref<3x16x1024xf32, #tpu.memory_space<vmem>>, vector<1x1x16xf32>,
          %parallel_loop3A_647 = vector.shape_cast %parallel_loop3A_646 : vector<1x1x16xf32> to vector<16xf32>
          %parallel_loop3A_648 = vector.shape_cast %parallel_loop3A_642 : vector<16xf32> to vector<1x1x16xf32>
          tpu.vector_store %arg7[%parallel_loop3A_643, %parallel_loop3A_644, %parallel_loop3A_645], %parallel_loop3A_648 {add = true, strides = array<i32>} : memref<3x16x1024xf32, #tpu.memory_space<vmem>>, vector<1x1x16xf32>,
          %parallel_loop3A_649 = arith.index_cast %rem3A_79 : i32 to index
          %parallel_loop3A_650 = arith.index_cast %parallel_loop3A_120 : i32 to index
          %parallel_loop3A_651 = arith.constant 768 : index
          %parallel_loop3A_652 = tpu.vector_load %arg8[%parallel_loop3A_649, %parallel_loop3A_650, %parallel_loop3A_651] {strides = array<i32>} : memref<3x16x1024xf32, #tpu.memory_space<vmem>>, vector<1x1x16xf32>,
          %parallel_loop3A_653 = vector.shape_cast %parallel_loop3A_652 : vector<1x1x16xf32> to vector<16xf32>
          %parallel_loop3A_654 = arith.index_cast %rem3A_79 : i32 to index
          %parallel_loop3A_655 = arith.index_cast %parallel_loop3A_120 : i32 to index
          %parallel_loop3A_656 = arith.constant 768 : index
          %parallel_loop3A_657 = tpu.vector_load %arg7[%parallel_loop3A_654, %parallel_loop3A_655, %parallel_loop3A_656] {strides = array<i32>} : memref<3x16x1024xf32, #tpu.memory_space<vmem>>, vector<1x1x16xf32>,
          %parallel_loop3A_658 = vector.shape_cast %parallel_loop3A_657 : vector<1x1x16xf32> to vector<16xf32>
          %parallel_loop3A_659 = vector.shape_cast %parallel_loop3A_653 : vector<16xf32> to vector<1x1x16xf32>
          tpu.vector_store %arg7[%parallel_loop3A_654, %parallel_loop3A_655, %parallel_loop3A_656], %parallel_loop3A_659 {add = true, strides = array<i32>} : memref<3x16x1024xf32, #tpu.memory_space<vmem>>, vector<1x1x16xf32>,
          %parallel_loop3A_660 = arith.index_cast %rem3A_79 : i32 to index
          %parallel_loop3A_661 = arith.index_cast %parallel_loop3A_120 : i32 to index
          %parallel_loop3A_662 = arith.constant 784 : index
          %parallel_loop3A_663 = tpu.vector_load %arg8[%parallel_loop3A_660, %parallel_loop3A_661, %parallel_loop3A_662] {strides = array<i32>} : memref<3x16x1024xf32, #tpu.memory_space<vmem>>, vector<1x1x16xf32>,
          %parallel_loop3A_664 = vector.shape_cast %parallel_loop3A_663 : vector<1x1x16xf32> to vector<16xf32>
          %parallel_loop3A_665 = arith.index_cast %rem3A_79 : i32 to index
          %parallel_loop3A_666 = arith.index_cast %parallel_loop3A_120 : i32 to index
          %parallel_loop3A_667 = arith.constant 784 : index
          %parallel_loop3A_668 = tpu.vector_load %arg7[%parallel_loop3A_665, %parallel_loop3A_666, %parallel_loop3A_667] {strides = array<i32>} : memref<3x16x1024xf32, #tpu.memory_space<vmem>>, vector<1x1x16xf32>,
          %parallel_loop3A_669 = vector.shape_cast %parallel_loop3A_668 : vector<1x1x16xf32> to vector<16xf32>
          %parallel_loop3A_670 = vector.shape_cast %parallel_loop3A_664 : vector<16xf32> to vector<1x1x16xf32>
          tpu.vector_store %arg7[%parallel_loop3A_665, %parallel_loop3A_666, %parallel_loop3A_667], %parallel_loop3A_670 {add = true, strides = array<i32>} : memref<3x16x1024xf32, #tpu.memory_space<vmem>>, vector<1x1x16xf32>,
          %parallel_loop3A_671 = arith.index_cast %rem3A_79 : i32 to index
          %parallel_loop3A_672 = arith.index_cast %parallel_loop3A_120 : i32 to index
          %parallel_loop3A_673 = arith.constant 800 : index
          %parallel_loop3A_674 = tpu.vector_load %arg8[%parallel_loop3A_671, %parallel_loop3A_672, %parallel_loop3A_673] {strides = array<i32>} : memref<3x16x1024xf32, #tpu.memory_space<vmem>>, vector<1x1x16xf32>,
          %parallel_loop3A_675 = vector.shape_cast %parallel_loop3A_674 : vector<1x1x16xf32> to vector<16xf32>
          %parallel_loop3A_676 = arith.index_cast %rem3A_79 : i32 to index
          %parallel_loop3A_677 = arith.index_cast %parallel_loop3A_120 : i32 to index
          %parallel_loop3A_678 = arith.constant 800 : index
          %parallel_loop3A_679 = tpu.vector_load %arg7[%parallel_loop3A_676, %parallel_loop3A_677, %parallel_loop3A_678] {strides = array<i32>} : memref<3x16x1024xf32, #tpu.memory_space<vmem>>, vector<1x1x16xf32>,
          %parallel_loop3A_680 = vector.shape_cast %parallel_loop3A_679 : vector<1x1x16xf32> to vector<16xf32>
          %parallel_loop3A_681 = vector.shape_cast %parallel_loop3A_675 : vector<16xf32> to vector<1x1x16xf32>
          tpu.vector_store %arg7[%parallel_loop3A_676, %parallel_loop3A_677, %parallel_loop3A_678], %parallel_loop3A_681 {add = true, strides = array<i32>} : memref<3x16x1024xf32, #tpu.memory_space<vmem>>, vector<1x1x16xf32>,
          %parallel_loop3A_682 = arith.index_cast %rem3A_79 : i32 to index
          %parallel_loop3A_683 = arith.index_cast %parallel_loop3A_120 : i32 to index
          %parallel_loop3A_684 = arith.constant 816 : index
          %parallel_loop3A_685 = tpu.vector_load %arg8[%parallel_loop3A_682, %parallel_loop3A_683, %parallel_loop3A_684] {strides = array<i32>} : memref<3x16x1024xf32, #tpu.memory_space<vmem>>, vector<1x1x16xf32>,
          %parallel_loop3A_686 = vector.shape_cast %parallel_loop3A_685 : vector<1x1x16xf32> to vector<16xf32>
          %parallel_loop3A_687 = arith.index_cast %rem3A_79 : i32 to index
          %parallel_loop3A_688 = arith.index_cast %parallel_loop3A_120 : i32 to index
          %parallel_loop3A_689 = arith.constant 816 : index
          %parallel_loop3A_690 = tpu.vector_load %arg7[%parallel_loop3A_687, %parallel_loop3A_688, %parallel_loop3A_689] {strides = array<i32>} : memref<3x16x1024xf32, #tpu.memory_space<vmem>>, vector<1x1x16xf32>,
          %parallel_loop3A_691 = vector.shape_cast %parallel_loop3A_690 : vector<1x1x16xf32> to vector<16xf32>
          %parallel_loop3A_692 = vector.shape_cast %parallel_loop3A_686 : vector<16xf32> to vector<1x1x16xf32>
          tpu.vector_store %arg7[%parallel_loop3A_687, %parallel_loop3A_688, %parallel_loop3A_689], %parallel_loop3A_692 {add = true, strides = array<i32>} : memref<3x16x1024xf32, #tpu.memory_space<vmem>>, vector<1x1x16xf32>,
          %parallel_loop3A_693 = arith.index_cast %rem3A_79 : i32 to index
          %parallel_loop3A_694 = arith.index_cast %parallel_loop3A_120 : i32 to index
          %parallel_loop3A_695 = arith.constant 832 : index
          %parallel_loop3A_696 = tpu.vector_load %arg8[%parallel_loop3A_693, %parallel_loop3A_694, %parallel_loop3A_695] {strides = array<i32>} : memref<3x16x1024xf32, #tpu.memory_space<vmem>>, vector<1x1x16xf32>,
          %parallel_loop3A_697 = vector.shape_cast %parallel_loop3A_696 : vector<1x1x16xf32> to vector<16xf32>
          %parallel_loop3A_698 = arith.index_cast %rem3A_79 : i32 to index
          %parallel_loop3A_699 = arith.index_cast %parallel_loop3A_120 : i32 to index
          %parallel_loop3A_700 = arith.constant 832 : index
          %parallel_loop3A_701 = tpu.vector_load %arg7[%parallel_loop3A_698, %parallel_loop3A_699, %parallel_loop3A_700] {strides = array<i32>} : memref<3x16x1024xf32, #tpu.memory_space<vmem>>, vector<1x1x16xf32>,
          %parallel_loop3A_702 = vector.shape_cast %parallel_loop3A_701 : vector<1x1x16xf32> to vector<16xf32>
          %parallel_loop3A_703 = vector.shape_cast %parallel_loop3A_697 : vector<16xf32> to vector<1x1x16xf32>
          tpu.vector_store %arg7[%parallel_loop3A_698, %parallel_loop3A_699, %parallel_loop3A_700], %parallel_loop3A_703 {add = true, strides = array<i32>} : memref<3x16x1024xf32, #tpu.memory_space<vmem>>, vector<1x1x16xf32>,
          %parallel_loop3A_704 = arith.index_cast %rem3A_79 : i32 to index
          %parallel_loop3A_705 = arith.index_cast %parallel_loop3A_120 : i32 to index
          %parallel_loop3A_706 = arith.constant 848 : index
          %parallel_loop3A_707 = tpu.vector_load %arg8[%parallel_loop3A_704, %parallel_loop3A_705, %parallel_loop3A_706] {strides = array<i32>} : memref<3x16x1024xf32, #tpu.memory_space<vmem>>, vector<1x1x16xf32>,
          %parallel_loop3A_708 = vector.shape_cast %parallel_loop3A_707 : vector<1x1x16xf32> to vector<16xf32>
          %parallel_loop3A_709 = arith.index_cast %rem3A_79 : i32 to index
          %parallel_loop3A_710 = arith.index_cast %parallel_loop3A_120 : i32 to index
          %parallel_loop3A_711 = arith.constant 848 : index
          %parallel_loop3A_712 = tpu.vector_load %arg7[%parallel_loop3A_709, %parallel_loop3A_710, %parallel_loop3A_711] {strides = array<i32>} : memref<3x16x1024xf32, #tpu.memory_space<vmem>>, vector<1x1x16xf32>,
          %parallel_loop3A_713 = vector.shape_cast %parallel_loop3A_712 : vector<1x1x16xf32> to vector<16xf32>
          %parallel_loop3A_714 = vector.shape_cast %parallel_loop3A_708 : vector<16xf32> to vector<1x1x16xf32>
          tpu.vector_store %arg7[%parallel_loop3A_709, %parallel_loop3A_710, %parallel_loop3A_711], %parallel_loop3A_714 {add = true, strides = array<i32>} : memref<3x16x1024xf32, #tpu.memory_space<vmem>>, vector<1x1x16xf32>,
          %parallel_loop3A_715 = arith.index_cast %rem3A_79 : i32 to index
          %parallel_loop3A_716 = arith.index_cast %parallel_loop3A_120 : i32 to index
          %parallel_loop3A_717 = arith.constant 864 : index
          %parallel_loop3A_718 = tpu.vector_load %arg8[%parallel_loop3A_715, %parallel_loop3A_716, %parallel_loop3A_717] {strides = array<i32>} : memref<3x16x1024xf32, #tpu.memory_space<vmem>>, vector<1x1x16xf32>,
          %parallel_loop3A_719 = vector.shape_cast %parallel_loop3A_718 : vector<1x1x16xf32> to vector<16xf32>
          %parallel_loop3A_720 = arith.index_cast %rem3A_79 : i32 to index
          %parallel_loop3A_721 = arith.index_cast %parallel_loop3A_120 : i32 to index
          %parallel_loop3A_722 = arith.constant 864 : index
          %parallel_loop3A_723 = tpu.vector_load %arg7[%parallel_loop3A_720, %parallel_loop3A_721, %parallel_loop3A_722] {strides = array<i32>} : memref<3x16x1024xf32, #tpu.memory_space<vmem>>, vector<1x1x16xf32>,
          %parallel_loop3A_724 = vector.shape_cast %parallel_loop3A_723 : vector<1x1x16xf32> to vector<16xf32>
          %parallel_loop3A_725 = vector.shape_cast %parallel_loop3A_719 : vector<16xf32> to vector<1x1x16xf32>
          tpu.vector_store %arg7[%parallel_loop3A_720, %parallel_loop3A_721, %parallel_loop3A_722], %parallel_loop3A_725 {add = true, strides = array<i32>} : memref<3x16x1024xf32, #tpu.memory_space<vmem>>, vector<1x1x16xf32>,
          %parallel_loop3A_726 = arith.index_cast %rem3A_79 : i32 to index
          %parallel_loop3A_727 = arith.index_cast %parallel_loop3A_120 : i32 to index
          %parallel_loop3A_728 = arith.constant 880 : index
          %parallel_loop3A_729 = tpu.vector_load %arg8[%parallel_loop3A_726, %parallel_loop3A_727, %parallel_loop3A_728] {strides = array<i32>} : memref<3x16x1024xf32, #tpu.memory_space<vmem>>, vector<1x1x16xf32>,
          %parallel_loop3A_730 = vector.shape_cast %parallel_loop3A_729 : vector<1x1x16xf32> to vector<16xf32>
          %parallel_loop3A_731 = arith.index_cast %rem3A_79 : i32 to index
          %parallel_loop3A_732 = arith.index_cast %parallel_loop3A_120 : i32 to index
          %parallel_loop3A_733 = arith.constant 880 : index
          %parallel_loop3A_734 = tpu.vector_load %arg7[%parallel_loop3A_731, %parallel_loop3A_732, %parallel_loop3A_733] {strides = array<i32>} : memref<3x16x1024xf32, #tpu.memory_space<vmem>>, vector<1x1x16xf32>,
          %parallel_loop3A_735 = vector.shape_cast %parallel_loop3A_734 : vector<1x1x16xf32> to vector<16xf32>
          %parallel_loop3A_736 = vector.shape_cast %parallel_loop3A_730 : vector<16xf32> to vector<1x1x16xf32>
          tpu.vector_store %arg7[%parallel_loop3A_731, %parallel_loop3A_732, %parallel_loop3A_733], %parallel_loop3A_736 {add = true, strides = array<i32>} : memref<3x16x1024xf32, #tpu.memory_space<vmem>>, vector<1x1x16xf32>,
          %parallel_loop3A_737 = arith.index_cast %rem3A_79 : i32 to index
          %parallel_loop3A_738 = arith.index_cast %parallel_loop3A_120 : i32 to index
          %parallel_loop3A_739 = arith.constant 896 : index
          %parallel_loop3A_740 = tpu.vector_load %arg8[%parallel_loop3A_737, %parallel_loop3A_738, %parallel_loop3A_739] {strides = array<i32>} : memref<3x16x1024xf32, #tpu.memory_space<vmem>>, vector<1x1x16xf32>,
          %parallel_loop3A_741 = vector.shape_cast %parallel_loop3A_740 : vector<1x1x16xf32> to vector<16xf32>
          %parallel_loop3A_742 = arith.index_cast %rem3A_79 : i32 to index
          %parallel_loop3A_743 = arith.index_cast %parallel_loop3A_120 : i32 to index
          %parallel_loop3A_744 = arith.constant 896 : index
          %parallel_loop3A_745 = tpu.vector_load %arg7[%parallel_loop3A_742, %parallel_loop3A_743, %parallel_loop3A_744] {strides = array<i32>} : memref<3x16x1024xf32, #tpu.memory_space<vmem>>, vector<1x1x16xf32>,
          %parallel_loop3A_746 = vector.shape_cast %parallel_loop3A_745 : vector<1x1x16xf32> to vector<16xf32>
          %parallel_loop3A_747 = vector.shape_cast %parallel_loop3A_741 : vector<16xf32> to vector<1x1x16xf32>
          tpu.vector_store %arg7[%parallel_loop3A_742, %parallel_loop3A_743, %parallel_loop3A_744], %parallel_loop3A_747 {add = true, strides = array<i32>} : memref<3x16x1024xf32, #tpu.memory_space<vmem>>, vector<1x1x16xf32>,
          %parallel_loop3A_748 = arith.index_cast %rem3A_79 : i32 to index
          %parallel_loop3A_749 = arith.index_cast %parallel_loop3A_120 : i32 to index
          %parallel_loop3A_750 = arith.constant 912 : index
          %parallel_loop3A_751 = tpu.vector_load %arg8[%parallel_loop3A_748, %parallel_loop3A_749, %parallel_loop3A_750] {strides = array<i32>} : memref<3x16x1024xf32, #tpu.memory_space<vmem>>, vector<1x1x16xf32>,
          %parallel_loop3A_752 = vector.shape_cast %parallel_loop3A_751 : vector<1x1x16xf32> to vector<16xf32>
          %parallel_loop3A_753 = arith.index_cast %rem3A_79 : i32 to index
          %parallel_loop3A_754 = arith.index_cast %parallel_loop3A_120 : i32 to index
          %parallel_loop3A_755 = arith.constant 912 : index
          %parallel_loop3A_756 = tpu.vector_load %arg7[%parallel_loop3A_753, %parallel_loop3A_754, %parallel_loop3A_755] {strides = array<i32>} : memref<3x16x1024xf32, #tpu.memory_space<vmem>>, vector<1x1x16xf32>,
          %parallel_loop3A_757 = vector.shape_cast %parallel_loop3A_756 : vector<1x1x16xf32> to vector<16xf32>
          %parallel_loop3A_758 = vector.shape_cast %parallel_loop3A_752 : vector<16xf32> to vector<1x1x16xf32>
          tpu.vector_store %arg7[%parallel_loop3A_753, %parallel_loop3A_754, %parallel_loop3A_755], %parallel_loop3A_758 {add = true, strides = array<i32>} : memref<3x16x1024xf32, #tpu.memory_space<vmem>>, vector<1x1x16xf32>,
          %parallel_loop3A_759 = arith.index_cast %rem3A_79 : i32 to index
          %parallel_loop3A_760 = arith.index_cast %parallel_loop3A_120 : i32 to index
          %parallel_loop3A_761 = arith.constant 928 : index
          %parallel_loop3A_762 = tpu.vector_load %arg8[%parallel_loop3A_759, %parallel_loop3A_760, %parallel_loop3A_761] {strides = array<i32>} : memref<3x16x1024xf32, #tpu.memory_space<vmem>>, vector<1x1x16xf32>,
          %parallel_loop3A_763 = vector.shape_cast %parallel_loop3A_762 : vector<1x1x16xf32> to vector<16xf32>
          %parallel_loop3A_764 = arith.index_cast %rem3A_79 : i32 to index
          %parallel_loop3A_765 = arith.index_cast %parallel_loop3A_120 : i32 to index
          %parallel_loop3A_766 = arith.constant 928 : index
          %parallel_loop3A_767 = tpu.vector_load %arg7[%parallel_loop3A_764, %parallel_loop3A_765, %parallel_loop3A_766] {strides = array<i32>} : memref<3x16x1024xf32, #tpu.memory_space<vmem>>, vector<1x1x16xf32>,
          %parallel_loop3A_768 = vector.shape_cast %parallel_loop3A_767 : vector<1x1x16xf32> to vector<16xf32>
          %parallel_loop3A_769 = vector.shape_cast %parallel_loop3A_763 : vector<16xf32> to vector<1x1x16xf32>
          tpu.vector_store %arg7[%parallel_loop3A_764, %parallel_loop3A_765, %parallel_loop3A_766], %parallel_loop3A_769 {add = true, strides = array<i32>} : memref<3x16x1024xf32, #tpu.memory_space<vmem>>, vector<1x1x16xf32>,
          %parallel_loop3A_770 = arith.index_cast %rem3A_79 : i32 to index
          %parallel_loop3A_771 = arith.index_cast %parallel_loop3A_120 : i32 to index
          %parallel_loop3A_772 = arith.constant 944 : index
          %parallel_loop3A_773 = tpu.vector_load %arg8[%parallel_loop3A_770, %parallel_loop3A_771, %parallel_loop3A_772] {strides = array<i32>} : memref<3x16x1024xf32, #tpu.memory_space<vmem>>, vector<1x1x16xf32>,
          %parallel_loop3A_774 = vector.shape_cast %parallel_loop3A_773 : vector<1x1x16xf32> to vector<16xf32>
          %parallel_loop3A_775 = arith.index_cast %rem3A_79 : i32 to index
          %parallel_loop3A_776 = arith.index_cast %parallel_loop3A_120 : i32 to index
          %parallel_loop3A_777 = arith.constant 944 : index
          %parallel_loop3A_778 = tpu.vector_load %arg7[%parallel_loop3A_775, %parallel_loop3A_776, %parallel_loop3A_777] {strides = array<i32>} : memref<3x16x1024xf32, #tpu.memory_space<vmem>>, vector<1x1x16xf32>,
          %parallel_loop3A_779 = vector.shape_cast %parallel_loop3A_778 : vector<1x1x16xf32> to vector<16xf32>
          %parallel_loop3A_780 = vector.shape_cast %parallel_loop3A_774 : vector<16xf32> to vector<1x1x16xf32>
          tpu.vector_store %arg7[%parallel_loop3A_775, %parallel_loop3A_776, %parallel_loop3A_777], %parallel_loop3A_780 {add = true, strides = array<i32>} : memref<3x16x1024xf32, #tpu.memory_space<vmem>>, vector<1x1x16xf32>,
          %parallel_loop3A_781 = arith.index_cast %rem3A_79 : i32 to index
          %parallel_loop3A_782 = arith.index_cast %parallel_loop3A_120 : i32 to index
          %parallel_loop3A_783 = arith.constant 960 : index
          %parallel_loop3A_784 = tpu.vector_load %arg8[%parallel_loop3A_781, %parallel_loop3A_782, %parallel_loop3A_783] {strides = array<i32>} : memref<3x16x1024xf32, #tpu.memory_space<vmem>>, vector<1x1x16xf32>,
          %parallel_loop3A_785 = vector.shape_cast %parallel_loop3A_784 : vector<1x1x16xf32> to vector<16xf32>
          %parallel_loop3A_786 = arith.index_cast %rem3A_79 : i32 to index
          %parallel_loop3A_787 = arith.index_cast %parallel_loop3A_120 : i32 to index
          %parallel_loop3A_788 = arith.constant 960 : index
          %parallel_loop3A_789 = tpu.vector_load %arg7[%parallel_loop3A_786, %parallel_loop3A_787, %parallel_loop3A_788] {strides = array<i32>} : memref<3x16x1024xf32, #tpu.memory_space<vmem>>, vector<1x1x16xf32>,
          %parallel_loop3A_790 = vector.shape_cast %parallel_loop3A_789 : vector<1x1x16xf32> to vector<16xf32>
          %parallel_loop3A_791 = vector.shape_cast %parallel_loop3A_785 : vector<16xf32> to vector<1x1x16xf32>
          tpu.vector_store %arg7[%parallel_loop3A_786, %parallel_loop3A_787, %parallel_loop3A_788], %parallel_loop3A_791 {add = true, strides = array<i32>} : memref<3x16x1024xf32, #tpu.memory_space<vmem>>, vector<1x1x16xf32>,
          %parallel_loop3A_792 = arith.index_cast %rem3A_79 : i32 to index
          %parallel_loop3A_793 = arith.index_cast %parallel_loop3A_120 : i32 to index
          %parallel_loop3A_794 = arith.constant 976 : index
          %parallel_loop3A_795 = tpu.vector_load %arg8[%parallel_loop3A_792, %parallel_loop3A_793, %parallel_loop3A_794] {strides = array<i32>} : memref<3x16x1024xf32, #tpu.memory_space<vmem>>, vector<1x1x16xf32>,
          %parallel_loop3A_796 = vector.shape_cast %parallel_loop3A_795 : vector<1x1x16xf32> to vector<16xf32>
          %parallel_loop3A_797 = arith.index_cast %rem3A_79 : i32 to index
          %parallel_loop3A_798 = arith.index_cast %parallel_loop3A_120 : i32 to index
          %parallel_loop3A_799 = arith.constant 976 : index
          %parallel_loop3A_800 = tpu.vector_load %arg7[%parallel_loop3A_797, %parallel_loop3A_798, %parallel_loop3A_799] {strides = array<i32>} : memref<3x16x1024xf32, #tpu.memory_space<vmem>>, vector<1x1x16xf32>,
          %parallel_loop3A_801 = vector.shape_cast %parallel_loop3A_800 : vector<1x1x16xf32> to vector<16xf32>
          %parallel_loop3A_802 = vector.shape_cast %parallel_loop3A_796 : vector<16xf32> to vector<1x1x16xf32>
          tpu.vector_store %arg7[%parallel_loop3A_797, %parallel_loop3A_798, %parallel_loop3A_799], %parallel_loop3A_802 {add = true, strides = array<i32>} : memref<3x16x1024xf32, #tpu.memory_space<vmem>>, vector<1x1x16xf32>,
          %parallel_loop3A_803 = arith.index_cast %rem3A_79 : i32 to index
          %parallel_loop3A_804 = arith.index_cast %parallel_loop3A_120 : i32 to index
          %parallel_loop3A_805 = arith.constant 992 : index
          %parallel_loop3A_806 = tpu.vector_load %arg8[%parallel_loop3A_803, %parallel_loop3A_804, %parallel_loop3A_805] {strides = array<i32>} : memref<3x16x1024xf32, #tpu.memory_space<vmem>>, vector<1x1x16xf32>,
          %parallel_loop3A_807 = vector.shape_cast %parallel_loop3A_806 : vector<1x1x16xf32> to vector<16xf32>
          %parallel_loop3A_808 = arith.index_cast %rem3A_79 : i32 to index
          %parallel_loop3A_809 = arith.index_cast %parallel_loop3A_120 : i32 to index
          %parallel_loop3A_810 = arith.constant 992 : index
          %parallel_loop3A_811 = tpu.vector_load %arg7[%parallel_loop3A_808, %parallel_loop3A_809, %parallel_loop3A_810] {strides = array<i32>} : memref<3x16x1024xf32, #tpu.memory_space<vmem>>, vector<1x1x16xf32>,
          %parallel_loop3A_812 = vector.shape_cast %parallel_loop3A_811 : vector<1x1x16xf32> to vector<16xf32>
          %parallel_loop3A_813 = vector.shape_cast %parallel_loop3A_807 : vector<16xf32> to vector<1x1x16xf32>
          tpu.vector_store %arg7[%parallel_loop3A_808, %parallel_loop3A_809, %parallel_loop3A_810], %parallel_loop3A_813 {add = true, strides = array<i32>} : memref<3x16x1024xf32, #tpu.memory_space<vmem>>, vector<1x1x16xf32>,
          %parallel_loop3A_814 = arith.index_cast %rem3A_79 : i32 to index
          %parallel_loop3A_815 = arith.index_cast %parallel_loop3A_120 : i32 to index
          %parallel_loop3A_816 = arith.constant 1008 : index
          %parallel_loop3A_817 = tpu.vector_load %arg8[%parallel_loop3A_814, %parallel_loop3A_815, %parallel_loop3A_816] {strides = array<i32>} : memref<3x16x1024xf32, #tpu.memory_space<vmem>>, vector<1x1x16xf32>,
          %parallel_loop3A_818 = vector.shape_cast %parallel_loop3A_817 : vector<1x1x16xf32> to vector<16xf32>
          %parallel_loop3A_819 = arith.index_cast %rem3A_79 : i32 to index
          %parallel_loop3A_820 = arith.index_cast %parallel_loop3A_120 : i32 to index
          %parallel_loop3A_821 = arith.constant 1008 : index
          %parallel_loop3A_822 = tpu.vector_load %arg7[%parallel_loop3A_819, %parallel_loop3A_820, %parallel_loop3A_821] {strides = array<i32>} : memref<3x16x1024xf32, #tpu.memory_space<vmem>>, vector<1x1x16xf32>,
          %parallel_loop3A_823 = vector.shape_cast %parallel_loop3A_822 : vector<1x1x16xf32> to vector<16xf32>
          %parallel_loop3A_824 = vector.shape_cast %parallel_loop3A_818 : vector<16xf32> to vector<1x1x16xf32>
          tpu.vector_store %arg7[%parallel_loop3A_819, %parallel_loop3A_820, %parallel_loop3A_821], %parallel_loop3A_824 {add = true, strides = array<i32>} : memref<3x16x1024xf32, #tpu.memory_space<vmem>>, vector<1x1x16xf32>,
        } {sc.loop_unroll_factor = 1 : i64, sc.parallel_access}
      } else {
      }
      %mul3A_87 = arith.constant 16 : i32
      %mul3A_88 = arith.muli %scan3A_52, %mul3A_87 : i32
      %lt3A_89 = arith.cmpi slt, %mul3A_88, %squeeze3A : i32
      %add3A_90 = arith.constant 1 : i32
      %add3A_91 = arith.addi %scan3A_52, %add3A_90 : i32
      %mul3A_92 = arith.constant 16 : i32
      %mul3A_93 = arith.muli %add3A_91, %mul3A_92 : i32
      %gt3A_94 = arith.cmpi sgt, %mul3A_93, %squeeze3A : i32
      %and3A = arith.andi %lt3A_89, %gt3A_94 : i1
      %convert_element_type3A_95 = arith.extui %and3A : i1 to i32
      %cond3A_96 = arith.constant 0 : i32
      %cond3A_97 = arith.cmpi ne, %convert_element_type3A_95, %cond3A_96 : i32
      scf.if %cond3A_97 {
        %dma_wait3A_108 = arith.constant 0 : i32
        %dma_wait3A_109 = arith.constant 0 : i32
        %dma_wait3A_110 = tpu.memref_slice %arg8[%rem3A_54, %dma_wait3A_108, %dma_wait3A_109] : memref<3x16x1024xf32, #tpu.memory_space<vmem>> -> memref<1x16x1024xf32, #tpu.memory_space<vmem>>
        %dma_wait3A_111 = tpu.memref_squeeze %dma_wait3A_110 : memref<1x16x1024xf32, #tpu.memory_space<vmem>> -> memref<16x1024xf32, #tpu.memory_space<vmem>>
        %dma_wait3A_112 = arith.constant 0 : i32
        %dma_wait3A_113 = tpu.memref_slice %arg9[%scan3A_52, %dma_wait3A_112] : memref<32x16xi32, #tpu.memory_space<vmem>> -> memref<1x16xi32, #tpu.memory_space<vmem>>
        %dma_wait3A_114 = tpu.memref_squeeze %dma_wait3A_113 : memref<1x16xi32, #tpu.memory_space<vmem>> -> memref<16xi32, #tpu.memory_space<vmem>>
        %dma_wait3A_115 = arith.constant 0 : i32
        %dma_wait3A_116 = arith.constant 0 : i32
        %dma_wait3A_117 = tpu.memref_slice %arg3[%dma_wait3A_115, %dma_wait3A_116] : memref<16384x1024xf32, #tpu.memory_space<hbm>> -> memref<16384x1024xf32, #tpu.memory_space<hbm>>
        tpu.wait_indirect_dma semaphore(%arg12 : memref<!tpu.dma_semaphore, #tpu.memory_space<semaphore_mem>>) src(%dma_wait3A_117 : memref<16384x1024xf32, #tpu.memory_space<hbm>>) dst(%dma_wait3A_111 : memref<16x1024xf32, #tpu.memory_space<vmem>>)
        %parallel_loop3A = arith.constant 0 : i32
        %parallel_loop3A_118 = arith.constant 16 : i32
        %parallel_loop3A_119 = arith.constant 1 : i32
        scf.for %parallel_loop3A_120 = %parallel_loop3A to %parallel_loop3A_118 step %parallel_loop3A_119  : i32 {
          %parallel_loop3A_121 = arith.constant 0 : i32
          %parallel_loop3A_122 = vector.broadcast %parallel_loop3A_121 : i32 to vector<16xi32>
          %parallel_loop3A_123 = arith.muli %iota3A, %parallel_loop3A_122 : vector<16xi32>
          %parallel_loop3A_124 = arith.constant 16 : i32
          %parallel_loop3A_125 = arith.muli %scan3A_52, %parallel_loop3A_124 : i32
          %parallel_loop3A_126 = arith.addi %parallel_loop3A_125, %parallel_loop3A_120 : i32
          %parallel_loop3A_127 = vector.broadcast %parallel_loop3A_126 : i32 to vector<16xi32>
          %parallel_loop3A_128 = arith.addi %parallel_loop3A_123, %parallel_loop3A_127 : vector<16xi32>
          %parallel_loop3A_129 = vector.broadcast %squeeze3A : i32 to vector<16xi32>
          %parallel_loop3A_130 = arith.cmpi slt, %parallel_loop3A_128, %parallel_loop3A_129 : vector<16xi32>
          %parallel_loop3A_131 = arith.constant 1.000000e+00 : f32
          %parallel_loop3A_132 = arith.constant 0.000000e+00 : f32
          %parallel_loop3A_133 = vector.broadcast %parallel_loop3A_131 : f32 to vector<16xf32>
          %parallel_loop3A_134 = vector.broadcast %parallel_loop3A_132 : f32 to vector<16xf32>
          %parallel_loop3A_135 = arith.select %parallel_loop3A_130, %parallel_loop3A_133, %parallel_loop3A_134 : vector<16xi1>, vector<16xf32>
          %parallel_loop3A_136 = arith.index_cast %rem3A_79 : i32 to index
          %parallel_loop3A_137 = arith.index_cast %parallel_loop3A_120 : i32 to index
          %parallel_loop3A_138 = arith.constant 0 : index
          %parallel_loop3A_139 = tpu.vector_load %arg8[%parallel_loop3A_136, %parallel_loop3A_137, %parallel_loop3A_138] {strides = array<i32>} : memref<3x16x1024xf32, #tpu.memory_space<vmem>>, vector<1x1x16xf32>,
          %parallel_loop3A_140 = vector.shape_cast %parallel_loop3A_139 : vector<1x1x16xf32> to vector<16xf32>
          %parallel_loop3A_141 = arith.mulf %parallel_loop3A_140, %parallel_loop3A_135 : vector<16xf32>
          %parallel_loop3A_142 = arith.index_cast %rem3A_79 : i32 to index
          %parallel_loop3A_143 = arith.index_cast %parallel_loop3A_120 : i32 to index
          %parallel_loop3A_144 = arith.constant 0 : index
          %parallel_loop3A_145 = tpu.vector_load %arg7[%parallel_loop3A_142, %parallel_loop3A_143, %parallel_loop3A_144] {strides = array<i32>} : memref<3x16x1024xf32, #tpu.memory_space<vmem>>, vector<1x1x16xf32>,
          %parallel_loop3A_146 = vector.shape_cast %parallel_loop3A_145 : vector<1x1x16xf32> to vector<16xf32>
          %parallel_loop3A_147 = vector.shape_cast %parallel_loop3A_141 : vector<16xf32> to vector<1x1x16xf32>
          tpu.vector_store %arg7[%parallel_loop3A_142, %parallel_loop3A_143, %parallel_loop3A_144], %parallel_loop3A_147 {add = true, strides = array<i32>} : memref<3x16x1024xf32, #tpu.memory_space<vmem>>, vector<1x1x16xf32>,
          %parallel_loop3A_148 = arith.index_cast %rem3A_79 : i32 to index
          %parallel_loop3A_149 = arith.index_cast %parallel_loop3A_120 : i32 to index
          %parallel_loop3A_150 = arith.constant 16 : index
          %parallel_loop3A_151 = tpu.vector_load %arg8[%parallel_loop3A_148, %parallel_loop3A_149, %parallel_loop3A_150] {strides = array<i32>} : memref<3x16x1024xf32, #tpu.memory_space<vmem>>, vector<1x1x16xf32>,
          %parallel_loop3A_152 = vector.shape_cast %parallel_loop3A_151 : vector<1x1x16xf32> to vector<16xf32>
          %parallel_loop3A_153 = arith.mulf %parallel_loop3A_152, %parallel_loop3A_135 : vector<16xf32>
          %parallel_loop3A_154 = arith.index_cast %rem3A_79 : i32 to index
          %parallel_loop3A_155 = arith.index_cast %parallel_loop3A_120 : i32 to index
          %parallel_loop3A_156 = arith.constant 16 : index
          %parallel_loop3A_157 = tpu.vector_load %arg7[%parallel_loop3A_154, %parallel_loop3A_155, %parallel_loop3A_156] {strides = array<i32>} : memref<3x16x1024xf32, #tpu.memory_space<vmem>>, vector<1x1x16xf32>,
          %parallel_loop3A_158 = vector.shape_cast %parallel_loop3A_157 : vector<1x1x16xf32> to vector<16xf32>
          %parallel_loop3A_159 = vector.shape_cast %parallel_loop3A_153 : vector<16xf32> to vector<1x1x16xf32>
          tpu.vector_store %arg7[%parallel_loop3A_154, %parallel_loop3A_155, %parallel_loop3A_156], %parallel_loop3A_159 {add = true, strides = array<i32>} : memref<3x16x1024xf32, #tpu.memory_space<vmem>>, vector<1x1x16xf32>,
          %parallel_loop3A_160 = arith.index_cast %rem3A_79 : i32 to index
          %parallel_loop3A_161 = arith.index_cast %parallel_loop3A_120 : i32 to index
          %parallel_loop3A_162 = arith.constant 32 : index
          %parallel_loop3A_163 = tpu.vector_load %arg8[%parallel_loop3A_160, %parallel_loop3A_161, %parallel_loop3A_162] {strides = array<i32>} : memref<3x16x1024xf32, #tpu.memory_space<vmem>>, vector<1x1x16xf32>,
          %parallel_loop3A_164 = vector.shape_cast %parallel_loop3A_163 : vector<1x1x16xf32> to vector<16xf32>
          %parallel_loop3A_165 = arith.mulf %parallel_loop3A_164, %parallel_loop3A_135 : vector<16xf32>
          %parallel_loop3A_166 = arith.index_cast %rem3A_79 : i32 to index
          %parallel_loop3A_167 = arith.index_cast %parallel_loop3A_120 : i32 to index
          %parallel_loop3A_168 = arith.constant 32 : index
          %parallel_loop3A_169 = tpu.vector_load %arg7[%parallel_loop3A_166, %parallel_loop3A_167, %parallel_loop3A_168] {strides = array<i32>} : memref<3x16x1024xf32, #tpu.memory_space<vmem>>, vector<1x1x16xf32>,
          %parallel_loop3A_170 = vector.shape_cast %parallel_loop3A_169 : vector<1x1x16xf32> to vector<16xf32>
          %parallel_loop3A_171 = vector.shape_cast %parallel_loop3A_165 : vector<16xf32> to vector<1x1x16xf32>
          tpu.vector_store %arg7[%parallel_loop3A_166, %parallel_loop3A_167, %parallel_loop3A_168], %parallel_loop3A_171 {add = true, strides = array<i32>} : memref<3x16x1024xf32, #tpu.memory_space<vmem>>, vector<1x1x16xf32>,
          %parallel_loop3A_172 = arith.index_cast %rem3A_79 : i32 to index
          %parallel_loop3A_173 = arith.index_cast %parallel_loop3A_120 : i32 to index
          %parallel_loop3A_174 = arith.constant 48 : index
          %parallel_loop3A_175 = tpu.vector_load %arg8[%parallel_loop3A_172, %parallel_loop3A_173, %parallel_loop3A_174] {strides = array<i32>} : memref<3x16x1024xf32, #tpu.memory_space<vmem>>, vector<1x1x16xf32>,
          %parallel_loop3A_176 = vector.shape_cast %parallel_loop3A_175 : vector<1x1x16xf32> to vector<16xf32>
          %parallel_loop3A_177 = arith.mulf %parallel_loop3A_176, %parallel_loop3A_135 : vector<16xf32>
          %parallel_loop3A_178 = arith.index_cast %rem3A_79 : i32 to index
          %parallel_loop3A_179 = arith.index_cast %parallel_loop3A_120 : i32 to index
          %parallel_loop3A_180 = arith.constant 48 : index
          %parallel_loop3A_181 = tpu.vector_load %arg7[%parallel_loop3A_178, %parallel_loop3A_179, %parallel_loop3A_180] {strides = array<i32>} : memref<3x16x1024xf32, #tpu.memory_space<vmem>>, vector<1x1x16xf32>,
          %parallel_loop3A_182 = vector.shape_cast %parallel_loop3A_181 : vector<1x1x16xf32> to vector<16xf32>
          %parallel_loop3A_183 = vector.shape_cast %parallel_loop3A_177 : vector<16xf32> to vector<1x1x16xf32>
          tpu.vector_store %arg7[%parallel_loop3A_178, %parallel_loop3A_179, %parallel_loop3A_180], %parallel_loop3A_183 {add = true, strides = array<i32>} : memref<3x16x1024xf32, #tpu.memory_space<vmem>>, vector<1x1x16xf32>,
          %parallel_loop3A_184 = arith.index_cast %rem3A_79 : i32 to index
          %parallel_loop3A_185 = arith.index_cast %parallel_loop3A_120 : i32 to index
          %parallel_loop3A_186 = arith.constant 64 : index
          %parallel_loop3A_187 = tpu.vector_load %arg8[%parallel_loop3A_184, %parallel_loop3A_185, %parallel_loop3A_186] {strides = array<i32>} : memref<3x16x1024xf32, #tpu.memory_space<vmem>>, vector<1x1x16xf32>,
          %parallel_loop3A_188 = vector.shape_cast %parallel_loop3A_187 : vector<1x1x16xf32> to vector<16xf32>
          %parallel_loop3A_189 = arith.mulf %parallel_loop3A_188, %parallel_loop3A_135 : vector<16xf32>
          %parallel_loop3A_190 = arith.index_cast %rem3A_79 : i32 to index
          %parallel_loop3A_191 = arith.index_cast %parallel_loop3A_120 : i32 to index
          %parallel_loop3A_192 = arith.constant 64 : index
          %parallel_loop3A_193 = tpu.vector_load %arg7[%parallel_loop3A_190, %parallel_loop3A_191, %parallel_loop3A_192] {strides = array<i32>} : memref<3x16x1024xf32, #tpu.memory_space<vmem>>, vector<1x1x16xf32>,
          %parallel_loop3A_194 = vector.shape_cast %parallel_loop3A_193 : vector<1x1x16xf32> to vector<16xf32>
          %parallel_loop3A_195 = vector.shape_cast %parallel_loop3A_189 : vector<16xf32> to vector<1x1x16xf32>
          tpu.vector_store %arg7[%parallel_loop3A_190, %parallel_loop3A_191, %parallel_loop3A_192], %parallel_loop3A_195 {add = true, strides = array<i32>} : memref<3x16x1024xf32, #tpu.memory_space<vmem>>, vector<1x1x16xf32>,
          %parallel_loop3A_196 = arith.index_cast %rem3A_79 : i32 to index
          %parallel_loop3A_197 = arith.index_cast %parallel_loop3A_120 : i32 to index
          %parallel_loop3A_198 = arith.constant 80 : index
          %parallel_loop3A_199 = tpu.vector_load %arg8[%parallel_loop3A_196, %parallel_loop3A_197, %parallel_loop3A_198] {strides = array<i32>} : memref<3x16x1024xf32, #tpu.memory_space<vmem>>, vector<1x1x16xf32>,
          %parallel_loop3A_200 = vector.shape_cast %parallel_loop3A_199 : vector<1x1x16xf32> to vector<16xf32>
          %parallel_loop3A_201 = arith.mulf %parallel_loop3A_200, %parallel_loop3A_135 : vector<16xf32>
          %parallel_loop3A_202 = arith.index_cast %rem3A_79 : i32 to index
          %parallel_loop3A_203 = arith.index_cast %parallel_loop3A_120 : i32 to index
          %parallel_loop3A_204 = arith.constant 80 : index
          %parallel_loop3A_205 = tpu.vector_load %arg7[%parallel_loop3A_202, %parallel_loop3A_203, %parallel_loop3A_204] {strides = array<i32>} : memref<3x16x1024xf32, #tpu.memory_space<vmem>>, vector<1x1x16xf32>,
          %parallel_loop3A_206 = vector.shape_cast %parallel_loop3A_205 : vector<1x1x16xf32> to vector<16xf32>
          %parallel_loop3A_207 = vector.shape_cast %parallel_loop3A_201 : vector<16xf32> to vector<1x1x16xf32>
          tpu.vector_store %arg7[%parallel_loop3A_202, %parallel_loop3A_203, %parallel_loop3A_204], %parallel_loop3A_207 {add = true, strides = array<i32>} : memref<3x16x1024xf32, #tpu.memory_space<vmem>>, vector<1x1x16xf32>,
          %parallel_loop3A_208 = arith.index_cast %rem3A_79 : i32 to index
          %parallel_loop3A_209 = arith.index_cast %parallel_loop3A_120 : i32 to index
          %parallel_loop3A_210 = arith.constant 96 : index
          %parallel_loop3A_211 = tpu.vector_load %arg8[%parallel_loop3A_208, %parallel_loop3A_209, %parallel_loop3A_210] {strides = array<i32>} : memref<3x16x1024xf32, #tpu.memory_space<vmem>>, vector<1x1x16xf32>,
          %parallel_loop3A_212 = vector.shape_cast %parallel_loop3A_211 : vector<1x1x16xf32> to vector<16xf32>
          %parallel_loop3A_213 = arith.mulf %parallel_loop3A_212, %parallel_loop3A_135 : vector<16xf32>
          %parallel_loop3A_214 = arith.index_cast %rem3A_79 : i32 to index
          %parallel_loop3A_215 = arith.index_cast %parallel_loop3A_120 : i32 to index
          %parallel_loop3A_216 = arith.constant 96 : index
          %parallel_loop3A_217 = tpu.vector_load %arg7[%parallel_loop3A_214, %parallel_loop3A_215, %parallel_loop3A_216] {strides = array<i32>} : memref<3x16x1024xf32, #tpu.memory_space<vmem>>, vector<1x1x16xf32>,
          %parallel_loop3A_218 = vector.shape_cast %parallel_loop3A_217 : vector<1x1x16xf32> to vector<16xf32>
          %parallel_loop3A_219 = vector.shape_cast %parallel_loop3A_213 : vector<16xf32> to vector<1x1x16xf32>
          tpu.vector_store %arg7[%parallel_loop3A_214, %parallel_loop3A_215, %parallel_loop3A_216], %parallel_loop3A_219 {add = true, strides = array<i32>} : memref<3x16x1024xf32, #tpu.memory_space<vmem>>, vector<1x1x16xf32>,
          %parallel_loop3A_220 = arith.index_cast %rem3A_79 : i32 to index
          %parallel_loop3A_221 = arith.index_cast %parallel_loop3A_120 : i32 to index
          %parallel_loop3A_222 = arith.constant 112 : index
          %parallel_loop3A_223 = tpu.vector_load %arg8[%parallel_loop3A_220, %parallel_loop3A_221, %parallel_loop3A_222] {strides = array<i32>} : memref<3x16x1024xf32, #tpu.memory_space<vmem>>, vector<1x1x16xf32>,
          %parallel_loop3A_224 = vector.shape_cast %parallel_loop3A_223 : vector<1x1x16xf32> to vector<16xf32>
          %parallel_loop3A_225 = arith.mulf %parallel_loop3A_224, %parallel_loop3A_135 : vector<16xf32>
          %parallel_loop3A_226 = arith.index_cast %rem3A_79 : i32 to index
          %parallel_loop3A_227 = arith.index_cast %parallel_loop3A_120 : i32 to index
          %parallel_loop3A_228 = arith.constant 112 : index
          %parallel_loop3A_229 = tpu.vector_load %arg7[%parallel_loop3A_226, %parallel_loop3A_227, %parallel_loop3A_228] {strides = array<i32>} : memref<3x16x1024xf32, #tpu.memory_space<vmem>>, vector<1x1x16xf32>,
          %parallel_loop3A_230 = vector.shape_cast %parallel_loop3A_229 : vector<1x1x16xf32> to vector<16xf32>
          %parallel_loop3A_231 = vector.shape_cast %parallel_loop3A_225 : vector<16xf32> to vector<1x1x16xf32>
          tpu.vector_store %arg7[%parallel_loop3A_226, %parallel_loop3A_227, %parallel_loop3A_228], %parallel_loop3A_231 {add = true, strides = array<i32>} : memref<3x16x1024xf32, #tpu.memory_space<vmem>>, vector<1x1x16xf32>,
          %parallel_loop3A_232 = arith.index_cast %rem3A_79 : i32 to index
          %parallel_loop3A_233 = arith.index_cast %parallel_loop3A_120 : i32 to index
          %parallel_loop3A_234 = arith.constant 128 : index
          %parallel_loop3A_235 = tpu.vector_load %arg8[%parallel_loop3A_232, %parallel_loop3A_233, %parallel_loop3A_234] {strides = array<i32>} : memref<3x16x1024xf32, #tpu.memory_space<vmem>>, vector<1x1x16xf32>,
          %parallel_loop3A_236 = vector.shape_cast %parallel_loop3A_235 : vector<1x1x16xf32> to vector<16xf32>
          %parallel_loop3A_237 = arith.mulf %parallel_loop3A_236, %parallel_loop3A_135 : vector<16xf32>
          %parallel_loop3A_238 = arith.index_cast %rem3A_79 : i32 to index
          %parallel_loop3A_239 = arith.index_cast %parallel_loop3A_120 : i32 to index
          %parallel_loop3A_240 = arith.constant 128 : index
          %parallel_loop3A_241 = tpu.vector_load %arg7[%parallel_loop3A_238, %parallel_loop3A_239, %parallel_loop3A_240] {strides = array<i32>} : memref<3x16x1024xf32, #tpu.memory_space<vmem>>, vector<1x1x16xf32>,
          %parallel_loop3A_242 = vector.shape_cast %parallel_loop3A_241 : vector<1x1x16xf32> to vector<16xf32>
          %parallel_loop3A_243 = vector.shape_cast %parallel_loop3A_237 : vector<16xf32> to vector<1x1x16xf32>
          tpu.vector_store %arg7[%parallel_loop3A_238, %parallel_loop3A_239, %parallel_loop3A_240], %parallel_loop3A_243 {add = true, strides = array<i32>} : memref<3x16x1024xf32, #tpu.memory_space<vmem>>, vector<1x1x16xf32>,
          %parallel_loop3A_244 = arith.index_cast %rem3A_79 : i32 to index
          %parallel_loop3A_245 = arith.index_cast %parallel_loop3A_120 : i32 to index
          %parallel_loop3A_246 = arith.constant 144 : index
          %parallel_loop3A_247 = tpu.vector_load %arg8[%parallel_loop3A_244, %parallel_loop3A_245, %parallel_loop3A_246] {strides = array<i32>} : memref<3x16x1024xf32, #tpu.memory_space<vmem>>, vector<1x1x16xf32>,
          %parallel_loop3A_248 = vector.shape_cast %parallel_loop3A_247 : vector<1x1x16xf32> to vector<16xf32>
          %parallel_loop3A_249 = arith.mulf %parallel_loop3A_248, %parallel_loop3A_135 : vector<16xf32>
          %parallel_loop3A_250 = arith.index_cast %rem3A_79 : i32 to index
          %parallel_loop3A_251 = arith.index_cast %parallel_loop3A_120 : i32 to index
          %parallel_loop3A_252 = arith.constant 144 : index
          %parallel_loop3A_253 = tpu.vector_load %arg7[%parallel_loop3A_250, %parallel_loop3A_251, %parallel_loop3A_252] {strides = array<i32>} : memref<3x16x1024xf32, #tpu.memory_space<vmem>>, vector<1x1x16xf32>,
          %parallel_loop3A_254 = vector.shape_cast %parallel_loop3A_253 : vector<1x1x16xf32> to vector<16xf32>
          %parallel_loop3A_255 = vector.shape_cast %parallel_loop3A_249 : vector<16xf32> to vector<1x1x16xf32>
          tpu.vector_store %arg7[%parallel_loop3A_250, %parallel_loop3A_251, %parallel_loop3A_252], %parallel_loop3A_255 {add = true, strides = array<i32>} : memref<3x16x1024xf32, #tpu.memory_space<vmem>>, vector<1x1x16xf32>,
          %parallel_loop3A_256 = arith.index_cast %rem3A_79 : i32 to index
          %parallel_loop3A_257 = arith.index_cast %parallel_loop3A_120 : i32 to index
          %parallel_loop3A_258 = arith.constant 160 : index
          %parallel_loop3A_259 = tpu.vector_load %arg8[%parallel_loop3A_256, %parallel_loop3A_257, %parallel_loop3A_258] {strides = array<i32>} : memref<3x16x1024xf32, #tpu.memory_space<vmem>>, vector<1x1x16xf32>,
          %parallel_loop3A_260 = vector.shape_cast %parallel_loop3A_259 : vector<1x1x16xf32> to vector<16xf32>
          %parallel_loop3A_261 = arith.mulf %parallel_loop3A_260, %parallel_loop3A_135 : vector<16xf32>
          %parallel_loop3A_262 = arith.index_cast %rem3A_79 : i32 to index
          %parallel_loop3A_263 = arith.index_cast %parallel_loop3A_120 : i32 to index
          %parallel_loop3A_264 = arith.constant 160 : index
          %parallel_loop3A_265 = tpu.vector_load %arg7[%parallel_loop3A_262, %parallel_loop3A_263, %parallel_loop3A_264] {strides = array<i32>} : memref<3x16x1024xf32, #tpu.memory_space<vmem>>, vector<1x1x16xf32>,
          %parallel_loop3A_266 = vector.shape_cast %parallel_loop3A_265 : vector<1x1x16xf32> to vector<16xf32>
          %parallel_loop3A_267 = vector.shape_cast %parallel_loop3A_261 : vector<16xf32> to vector<1x1x16xf32>
          tpu.vector_store %arg7[%parallel_loop3A_262, %parallel_loop3A_263, %parallel_loop3A_264], %parallel_loop3A_267 {add = true, strides = array<i32>} : memref<3x16x1024xf32, #tpu.memory_space<vmem>>, vector<1x1x16xf32>,
          %parallel_loop3A_268 = arith.index_cast %rem3A_79 : i32 to index
          %parallel_loop3A_269 = arith.index_cast %parallel_loop3A_120 : i32 to index
          %parallel_loop3A_270 = arith.constant 176 : index
          %parallel_loop3A_271 = tpu.vector_load %arg8[%parallel_loop3A_268, %parallel_loop3A_269, %parallel_loop3A_270] {strides = array<i32>} : memref<3x16x1024xf32, #tpu.memory_space<vmem>>, vector<1x1x16xf32>,
          %parallel_loop3A_272 = vector.shape_cast %parallel_loop3A_271 : vector<1x1x16xf32> to vector<16xf32>
          %parallel_loop3A_273 = arith.mulf %parallel_loop3A_272, %parallel_loop3A_135 : vector<16xf32>
          %parallel_loop3A_274 = arith.index_cast %rem3A_79 : i32 to index
          %parallel_loop3A_275 = arith.index_cast %parallel_loop3A_120 : i32 to index
          %parallel_loop3A_276 = arith.constant 176 : index
          %parallel_loop3A_277 = tpu.vector_load %arg7[%parallel_loop3A_274, %parallel_loop3A_275, %parallel_loop3A_276] {strides = array<i32>} : memref<3x16x1024xf32, #tpu.memory_space<vmem>>, vector<1x1x16xf32>,
          %parallel_loop3A_278 = vector.shape_cast %parallel_loop3A_277 : vector<1x1x16xf32> to vector<16xf32>
          %parallel_loop3A_279 = vector.shape_cast %parallel_loop3A_273 : vector<16xf32> to vector<1x1x16xf32>
          tpu.vector_store %arg7[%parallel_loop3A_274, %parallel_loop3A_275, %parallel_loop3A_276], %parallel_loop3A_279 {add = true, strides = array<i32>} : memref<3x16x1024xf32, #tpu.memory_space<vmem>>, vector<1x1x16xf32>,
          %parallel_loop3A_280 = arith.index_cast %rem3A_79 : i32 to index
          %parallel_loop3A_281 = arith.index_cast %parallel_loop3A_120 : i32 to index
          %parallel_loop3A_282 = arith.constant 192 : index
          %parallel_loop3A_283 = tpu.vector_load %arg8[%parallel_loop3A_280, %parallel_loop3A_281, %parallel_loop3A_282] {strides = array<i32>} : memref<3x16x1024xf32, #tpu.memory_space<vmem>>, vector<1x1x16xf32>,
          %parallel_loop3A_284 = vector.shape_cast %parallel_loop3A_283 : vector<1x1x16xf32> to vector<16xf32>
          %parallel_loop3A_285 = arith.mulf %parallel_loop3A_284, %parallel_loop3A_135 : vector<16xf32>
          %parallel_loop3A_286 = arith.index_cast %rem3A_79 : i32 to index
          %parallel_loop3A_287 = arith.index_cast %parallel_loop3A_120 : i32 to index
          %parallel_loop3A_288 = arith.constant 192 : index
          %parallel_loop3A_289 = tpu.vector_load %arg7[%parallel_loop3A_286, %parallel_loop3A_287, %parallel_loop3A_288] {strides = array<i32>} : memref<3x16x1024xf32, #tpu.memory_space<vmem>>, vector<1x1x16xf32>,
          %parallel_loop3A_290 = vector.shape_cast %parallel_loop3A_289 : vector<1x1x16xf32> to vector<16xf32>
          %parallel_loop3A_291 = vector.shape_cast %parallel_loop3A_285 : vector<16xf32> to vector<1x1x16xf32>
          tpu.vector_store %arg7[%parallel_loop3A_286, %parallel_loop3A_287, %parallel_loop3A_288], %parallel_loop3A_291 {add = true, strides = array<i32>} : memref<3x16x1024xf32, #tpu.memory_space<vmem>>, vector<1x1x16xf32>,
          %parallel_loop3A_292 = arith.index_cast %rem3A_79 : i32 to index
          %parallel_loop3A_293 = arith.index_cast %parallel_loop3A_120 : i32 to index
          %parallel_loop3A_294 = arith.constant 208 : index
          %parallel_loop3A_295 = tpu.vector_load %arg8[%parallel_loop3A_292, %parallel_loop3A_293, %parallel_loop3A_294] {strides = array<i32>} : memref<3x16x1024xf32, #tpu.memory_space<vmem>>, vector<1x1x16xf32>,
          %parallel_loop3A_296 = vector.shape_cast %parallel_loop3A_295 : vector<1x1x16xf32> to vector<16xf32>
          %parallel_loop3A_297 = arith.mulf %parallel_loop3A_296, %parallel_loop3A_135 : vector<16xf32>
          %parallel_loop3A_298 = arith.index_cast %rem3A_79 : i32 to index
          %parallel_loop3A_299 = arith.index_cast %parallel_loop3A_120 : i32 to index
          %parallel_loop3A_300 = arith.constant 208 : index
          %parallel_loop3A_301 = tpu.vector_load %arg7[%parallel_loop3A_298, %parallel_loop3A_299, %parallel_loop3A_300] {strides = array<i32>} : memref<3x16x1024xf32, #tpu.memory_space<vmem>>, vector<1x1x16xf32>,
          %parallel_loop3A_302 = vector.shape_cast %parallel_loop3A_301 : vector<1x1x16xf32> to vector<16xf32>
          %parallel_loop3A_303 = vector.shape_cast %parallel_loop3A_297 : vector<16xf32> to vector<1x1x16xf32>
          tpu.vector_store %arg7[%parallel_loop3A_298, %parallel_loop3A_299, %parallel_loop3A_300], %parallel_loop3A_303 {add = true, strides = array<i32>} : memref<3x16x1024xf32, #tpu.memory_space<vmem>>, vector<1x1x16xf32>,
          %parallel_loop3A_304 = arith.index_cast %rem3A_79 : i32 to index
          %parallel_loop3A_305 = arith.index_cast %parallel_loop3A_120 : i32 to index
          %parallel_loop3A_306 = arith.constant 224 : index
          %parallel_loop3A_307 = tpu.vector_load %arg8[%parallel_loop3A_304, %parallel_loop3A_305, %parallel_loop3A_306] {strides = array<i32>} : memref<3x16x1024xf32, #tpu.memory_space<vmem>>, vector<1x1x16xf32>,
          %parallel_loop3A_308 = vector.shape_cast %parallel_loop3A_307 : vector<1x1x16xf32> to vector<16xf32>
          %parallel_loop3A_309 = arith.mulf %parallel_loop3A_308, %parallel_loop3A_135 : vector<16xf32>
          %parallel_loop3A_310 = arith.index_cast %rem3A_79 : i32 to index
          %parallel_loop3A_311 = arith.index_cast %parallel_loop3A_120 : i32 to index
          %parallel_loop3A_312 = arith.constant 224 : index
          %parallel_loop3A_313 = tpu.vector_load %arg7[%parallel_loop3A_310, %parallel_loop3A_311, %parallel_loop3A_312] {strides = array<i32>} : memref<3x16x1024xf32, #tpu.memory_space<vmem>>, vector<1x1x16xf32>,
          %parallel_loop3A_314 = vector.shape_cast %parallel_loop3A_313 : vector<1x1x16xf32> to vector<16xf32>
          %parallel_loop3A_315 = vector.shape_cast %parallel_loop3A_309 : vector<16xf32> to vector<1x1x16xf32>
          tpu.vector_store %arg7[%parallel_loop3A_310, %parallel_loop3A_311, %parallel_loop3A_312], %parallel_loop3A_315 {add = true, strides = array<i32>} : memref<3x16x1024xf32, #tpu.memory_space<vmem>>, vector<1x1x16xf32>,
          %parallel_loop3A_316 = arith.index_cast %rem3A_79 : i32 to index
          %parallel_loop3A_317 = arith.index_cast %parallel_loop3A_120 : i32 to index
          %parallel_loop3A_318 = arith.constant 240 : index
          %parallel_loop3A_319 = tpu.vector_load %arg8[%parallel_loop3A_316, %parallel_loop3A_317, %parallel_loop3A_318] {strides = array<i32>} : memref<3x16x1024xf32, #tpu.memory_space<vmem>>, vector<1x1x16xf32>,
          %parallel_loop3A_320 = vector.shape_cast %parallel_loop3A_319 : vector<1x1x16xf32> to vector<16xf32>
          %parallel_loop3A_321 = arith.mulf %parallel_loop3A_320, %parallel_loop3A_135 : vector<16xf32>
          %parallel_loop3A_322 = arith.index_cast %rem3A_79 : i32 to index
          %parallel_loop3A_323 = arith.index_cast %parallel_loop3A_120 : i32 to index
          %parallel_loop3A_324 = arith.constant 240 : index
          %parallel_loop3A_325 = tpu.vector_load %arg7[%parallel_loop3A_322, %parallel_loop3A_323, %parallel_loop3A_324] {strides = array<i32>} : memref<3x16x1024xf32, #tpu.memory_space<vmem>>, vector<1x1x16xf32>,
          %parallel_loop3A_326 = vector.shape_cast %parallel_loop3A_325 : vector<1x1x16xf32> to vector<16xf32>
          %parallel_loop3A_327 = vector.shape_cast %parallel_loop3A_321 : vector<16xf32> to vector<1x1x16xf32>
          tpu.vector_store %arg7[%parallel_loop3A_322, %parallel_loop3A_323, %parallel_loop3A_324], %parallel_loop3A_327 {add = true, strides = array<i32>} : memref<3x16x1024xf32, #tpu.memory_space<vmem>>, vector<1x1x16xf32>,
          %parallel_loop3A_328 = arith.index_cast %rem3A_79 : i32 to index
          %parallel_loop3A_329 = arith.index_cast %parallel_loop3A_120 : i32 to index
          %parallel_loop3A_330 = arith.constant 256 : index
          %parallel_loop3A_331 = tpu.vector_load %arg8[%parallel_loop3A_328, %parallel_loop3A_329, %parallel_loop3A_330] {strides = array<i32>} : memref<3x16x1024xf32, #tpu.memory_space<vmem>>, vector<1x1x16xf32>,
          %parallel_loop3A_332 = vector.shape_cast %parallel_loop3A_331 : vector<1x1x16xf32> to vector<16xf32>
          %parallel_loop3A_333 = arith.mulf %parallel_loop3A_332, %parallel_loop3A_135 : vector<16xf32>
          %parallel_loop3A_334 = arith.index_cast %rem3A_79 : i32 to index
          %parallel_loop3A_335 = arith.index_cast %parallel_loop3A_120 : i32 to index
          %parallel_loop3A_336 = arith.constant 256 : index
          %parallel_loop3A_337 = tpu.vector_load %arg7[%parallel_loop3A_334, %parallel_loop3A_335, %parallel_loop3A_336] {strides = array<i32>} : memref<3x16x1024xf32, #tpu.memory_space<vmem>>, vector<1x1x16xf32>,
          %parallel_loop3A_338 = vector.shape_cast %parallel_loop3A_337 : vector<1x1x16xf32> to vector<16xf32>
          %parallel_loop3A_339 = vector.shape_cast %parallel_loop3A_333 : vector<16xf32> to vector<1x1x16xf32>
          tpu.vector_store %arg7[%parallel_loop3A_334, %parallel_loop3A_335, %parallel_loop3A_336], %parallel_loop3A_339 {add = true, strides = array<i32>} : memref<3x16x1024xf32, #tpu.memory_space<vmem>>, vector<1x1x16xf32>,
          %parallel_loop3A_340 = arith.index_cast %rem3A_79 : i32 to index
          %parallel_loop3A_341 = arith.index_cast %parallel_loop3A_120 : i32 to index
          %parallel_loop3A_342 = arith.constant 272 : index
          %parallel_loop3A_343 = tpu.vector_load %arg8[%parallel_loop3A_340, %parallel_loop3A_341, %parallel_loop3A_342] {strides = array<i32>} : memref<3x16x1024xf32, #tpu.memory_space<vmem>>, vector<1x1x16xf32>,
          %parallel_loop3A_344 = vector.shape_cast %parallel_loop3A_343 : vector<1x1x16xf32> to vector<16xf32>
          %parallel_loop3A_345 = arith.mulf %parallel_loop3A_344, %parallel_loop3A_135 : vector<16xf32>
          %parallel_loop3A_346 = arith.index_cast %rem3A_79 : i32 to index
          %parallel_loop3A_347 = arith.index_cast %parallel_loop3A_120 : i32 to index
          %parallel_loop3A_348 = arith.constant 272 : index
          %parallel_loop3A_349 = tpu.vector_load %arg7[%parallel_loop3A_346, %parallel_loop3A_347, %parallel_loop3A_348] {strides = array<i32>} : memref<3x16x1024xf32, #tpu.memory_space<vmem>>, vector<1x1x16xf32>,
          %parallel_loop3A_350 = vector.shape_cast %parallel_loop3A_349 : vector<1x1x16xf32> to vector<16xf32>
          %parallel_loop3A_351 = vector.shape_cast %parallel_loop3A_345 : vector<16xf32> to vector<1x1x16xf32>
          tpu.vector_store %arg7[%parallel_loop3A_346, %parallel_loop3A_347, %parallel_loop3A_348], %parallel_loop3A_351 {add = true, strides = array<i32>} : memref<3x16x1024xf32, #tpu.memory_space<vmem>>, vector<1x1x16xf32>,
          %parallel_loop3A_352 = arith.index_cast %rem3A_79 : i32 to index
          %parallel_loop3A_353 = arith.index_cast %parallel_loop3A_120 : i32 to index
          %parallel_loop3A_354 = arith.constant 288 : index
          %parallel_loop3A_355 = tpu.vector_load %arg8[%parallel_loop3A_352, %parallel_loop3A_353, %parallel_loop3A_354] {strides = array<i32>} : memref<3x16x1024xf32, #tpu.memory_space<vmem>>, vector<1x1x16xf32>,
          %parallel_loop3A_356 = vector.shape_cast %parallel_loop3A_355 : vector<1x1x16xf32> to vector<16xf32>
          %parallel_loop3A_357 = arith.mulf %parallel_loop3A_356, %parallel_loop3A_135 : vector<16xf32>
          %parallel_loop3A_358 = arith.index_cast %rem3A_79 : i32 to index
          %parallel_loop3A_359 = arith.index_cast %parallel_loop3A_120 : i32 to index
          %parallel_loop3A_360 = arith.constant 288 : index
          %parallel_loop3A_361 = tpu.vector_load %arg7[%parallel_loop3A_358, %parallel_loop3A_359, %parallel_loop3A_360] {strides = array<i32>} : memref<3x16x1024xf32, #tpu.memory_space<vmem>>, vector<1x1x16xf32>,
          %parallel_loop3A_362 = vector.shape_cast %parallel_loop3A_361 : vector<1x1x16xf32> to vector<16xf32>
          %parallel_loop3A_363 = vector.shape_cast %parallel_loop3A_357 : vector<16xf32> to vector<1x1x16xf32>
          tpu.vector_store %arg7[%parallel_loop3A_358, %parallel_loop3A_359, %parallel_loop3A_360], %parallel_loop3A_363 {add = true, strides = array<i32>} : memref<3x16x1024xf32, #tpu.memory_space<vmem>>, vector<1x1x16xf32>,
          %parallel_loop3A_364 = arith.index_cast %rem3A_79 : i32 to index
          %parallel_loop3A_365 = arith.index_cast %parallel_loop3A_120 : i32 to index
          %parallel_loop3A_366 = arith.constant 304 : index
          %parallel_loop3A_367 = tpu.vector_load %arg8[%parallel_loop3A_364, %parallel_loop3A_365, %parallel_loop3A_366] {strides = array<i32>} : memref<3x16x1024xf32, #tpu.memory_space<vmem>>, vector<1x1x16xf32>,
          %parallel_loop3A_368 = vector.shape_cast %parallel_loop3A_367 : vector<1x1x16xf32> to vector<16xf32>
          %parallel_loop3A_369 = arith.mulf %parallel_loop3A_368, %parallel_loop3A_135 : vector<16xf32>
          %parallel_loop3A_370 = arith.index_cast %rem3A_79 : i32 to index
          %parallel_loop3A_371 = arith.index_cast %parallel_loop3A_120 : i32 to index
          %parallel_loop3A_372 = arith.constant 304 : index
          %parallel_loop3A_373 = tpu.vector_load %arg7[%parallel_loop3A_370, %parallel_loop3A_371, %parallel_loop3A_372] {strides = array<i32>} : memref<3x16x1024xf32, #tpu.memory_space<vmem>>, vector<1x1x16xf32>,
          %parallel_loop3A_374 = vector.shape_cast %parallel_loop3A_373 : vector<1x1x16xf32> to vector<16xf32>
          %parallel_loop3A_375 = vector.shape_cast %parallel_loop3A_369 : vector<16xf32> to vector<1x1x16xf32>
          tpu.vector_store %arg7[%parallel_loop3A_370, %parallel_loop3A_371, %parallel_loop3A_372], %parallel_loop3A_375 {add = true, strides = array<i32>} : memref<3x16x1024xf32, #tpu.memory_space<vmem>>, vector<1x1x16xf32>,
          %parallel_loop3A_376 = arith.index_cast %rem3A_79 : i32 to index
          %parallel_loop3A_377 = arith.index_cast %parallel_loop3A_120 : i32 to index
          %parallel_loop3A_378 = arith.constant 320 : index
          %parallel_loop3A_379 = tpu.vector_load %arg8[%parallel_loop3A_376, %parallel_loop3A_377, %parallel_loop3A_378] {strides = array<i32>} : memref<3x16x1024xf32, #tpu.memory_space<vmem>>, vector<1x1x16xf32>,
          %parallel_loop3A_380 = vector.shape_cast %parallel_loop3A_379 : vector<1x1x16xf32> to vector<16xf32>
          %parallel_loop3A_381 = arith.mulf %parallel_loop3A_380, %parallel_loop3A_135 : vector<16xf32>
          %parallel_loop3A_382 = arith.index_cast %rem3A_79 : i32 to index
          %parallel_loop3A_383 = arith.index_cast %parallel_loop3A_120 : i32 to index
          %parallel_loop3A_384 = arith.constant 320 : index
          %parallel_loop3A_385 = tpu.vector_load %arg7[%parallel_loop3A_382, %parallel_loop3A_383, %parallel_loop3A_384] {strides = array<i32>} : memref<3x16x1024xf32, #tpu.memory_space<vmem>>, vector<1x1x16xf32>,
          %parallel_loop3A_386 = vector.shape_cast %parallel_loop3A_385 : vector<1x1x16xf32> to vector<16xf32>
          %parallel_loop3A_387 = vector.shape_cast %parallel_loop3A_381 : vector<16xf32> to vector<1x1x16xf32>
          tpu.vector_store %arg7[%parallel_loop3A_382, %parallel_loop3A_383, %parallel_loop3A_384], %parallel_loop3A_387 {add = true, strides = array<i32>} : memref<3x16x1024xf32, #tpu.memory_space<vmem>>, vector<1x1x16xf32>,
          %parallel_loop3A_388 = arith.index_cast %rem3A_79 : i32 to index
          %parallel_loop3A_389 = arith.index_cast %parallel_loop3A_120 : i32 to index
          %parallel_loop3A_390 = arith.constant 336 : index
          %parallel_loop3A_391 = tpu.vector_load %arg8[%parallel_loop3A_388, %parallel_loop3A_389, %parallel_loop3A_390] {strides = array<i32>} : memref<3x16x1024xf32, #tpu.memory_space<vmem>>, vector<1x1x16xf32>,
          %parallel_loop3A_392 = vector.shape_cast %parallel_loop3A_391 : vector<1x1x16xf32> to vector<16xf32>
          %parallel_loop3A_393 = arith.mulf %parallel_loop3A_392, %parallel_loop3A_135 : vector<16xf32>
          %parallel_loop3A_394 = arith.index_cast %rem3A_79 : i32 to index
          %parallel_loop3A_395 = arith.index_cast %parallel_loop3A_120 : i32 to index
          %parallel_loop3A_396 = arith.constant 336 : index
          %parallel_loop3A_397 = tpu.vector_load %arg7[%parallel_loop3A_394, %parallel_loop3A_395, %parallel_loop3A_396] {strides = array<i32>} : memref<3x16x1024xf32, #tpu.memory_space<vmem>>, vector<1x1x16xf32>,
          %parallel_loop3A_398 = vector.shape_cast %parallel_loop3A_397 : vector<1x1x16xf32> to vector<16xf32>
          %parallel_loop3A_399 = vector.shape_cast %parallel_loop3A_393 : vector<16xf32> to vector<1x1x16xf32>
          tpu.vector_store %arg7[%parallel_loop3A_394, %parallel_loop3A_395, %parallel_loop3A_396], %parallel_loop3A_399 {add = true, strides = array<i32>} : memref<3x16x1024xf32, #tpu.memory_space<vmem>>, vector<1x1x16xf32>,
          %parallel_loop3A_400 = arith.index_cast %rem3A_79 : i32 to index
          %parallel_loop3A_401 = arith.index_cast %parallel_loop3A_120 : i32 to index
          %parallel_loop3A_402 = arith.constant 352 : index
          %parallel_loop3A_403 = tpu.vector_load %arg8[%parallel_loop3A_400, %parallel_loop3A_401, %parallel_loop3A_402] {strides = array<i32>} : memref<3x16x1024xf32, #tpu.memory_space<vmem>>, vector<1x1x16xf32>,
          %parallel_loop3A_404 = vector.shape_cast %parallel_loop3A_403 : vector<1x1x16xf32> to vector<16xf32>
          %parallel_loop3A_405 = arith.mulf %parallel_loop3A_404, %parallel_loop3A_135 : vector<16xf32>
          %parallel_loop3A_406 = arith.index_cast %rem3A_79 : i32 to index
          %parallel_loop3A_407 = arith.index_cast %parallel_loop3A_120 : i32 to index
          %parallel_loop3A_408 = arith.constant 352 : index
          %parallel_loop3A_409 = tpu.vector_load %arg7[%parallel_loop3A_406, %parallel_loop3A_407, %parallel_loop3A_408] {strides = array<i32>} : memref<3x16x1024xf32, #tpu.memory_space<vmem>>, vector<1x1x16xf32>,
          %parallel_loop3A_410 = vector.shape_cast %parallel_loop3A_409 : vector<1x1x16xf32> to vector<16xf32>
          %parallel_loop3A_411 = vector.shape_cast %parallel_loop3A_405 : vector<16xf32> to vector<1x1x16xf32>
          tpu.vector_store %arg7[%parallel_loop3A_406, %parallel_loop3A_407, %parallel_loop3A_408], %parallel_loop3A_411 {add = true, strides = array<i32>} : memref<3x16x1024xf32, #tpu.memory_space<vmem>>, vector<1x1x16xf32>,
          %parallel_loop3A_412 = arith.index_cast %rem3A_79 : i32 to index
          %parallel_loop3A_413 = arith.index_cast %parallel_loop3A_120 : i32 to index
          %parallel_loop3A_414 = arith.constant 368 : index
          %parallel_loop3A_415 = tpu.vector_load %arg8[%parallel_loop3A_412, %parallel_loop3A_413, %parallel_loop3A_414] {strides = array<i32>} : memref<3x16x1024xf32, #tpu.memory_space<vmem>>, vector<1x1x16xf32>,
          %parallel_loop3A_416 = vector.shape_cast %parallel_loop3A_415 : vector<1x1x16xf32> to vector<16xf32>
          %parallel_loop3A_417 = arith.mulf %parallel_loop3A_416, %parallel_loop3A_135 : vector<16xf32>
          %parallel_loop3A_418 = arith.index_cast %rem3A_79 : i32 to index
          %parallel_loop3A_419 = arith.index_cast %parallel_loop3A_120 : i32 to index
          %parallel_loop3A_420 = arith.constant 368 : index
          %parallel_loop3A_421 = tpu.vector_load %arg7[%parallel_loop3A_418, %parallel_loop3A_419, %parallel_loop3A_420] {strides = array<i32>} : memref<3x16x1024xf32, #tpu.memory_space<vmem>>, vector<1x1x16xf32>,
          %parallel_loop3A_422 = vector.shape_cast %parallel_loop3A_421 : vector<1x1x16xf32> to vector<16xf32>
          %parallel_loop3A_423 = vector.shape_cast %parallel_loop3A_417 : vector<16xf32> to vector<1x1x16xf32>
          tpu.vector_store %arg7[%parallel_loop3A_418, %parallel_loop3A_419, %parallel_loop3A_420], %parallel_loop3A_423 {add = true, strides = array<i32>} : memref<3x16x1024xf32, #tpu.memory_space<vmem>>, vector<1x1x16xf32>,
          %parallel_loop3A_424 = arith.index_cast %rem3A_79 : i32 to index
          %parallel_loop3A_425 = arith.index_cast %parallel_loop3A_120 : i32 to index
          %parallel_loop3A_426 = arith.constant 384 : index
          %parallel_loop3A_427 = tpu.vector_load %arg8[%parallel_loop3A_424, %parallel_loop3A_425, %parallel_loop3A_426] {strides = array<i32>} : memref<3x16x1024xf32, #tpu.memory_space<vmem>>, vector<1x1x16xf32>,
          %parallel_loop3A_428 = vector.shape_cast %parallel_loop3A_427 : vector<1x1x16xf32> to vector<16xf32>
          %parallel_loop3A_429 = arith.mulf %parallel_loop3A_428, %parallel_loop3A_135 : vector<16xf32>
          %parallel_loop3A_430 = arith.index_cast %rem3A_79 : i32 to index
          %parallel_loop3A_431 = arith.index_cast %parallel_loop3A_120 : i32 to index
          %parallel_loop3A_432 = arith.constant 384 : index
          %parallel_loop3A_433 = tpu.vector_load %arg7[%parallel_loop3A_430, %parallel_loop3A_431, %parallel_loop3A_432] {strides = array<i32>} : memref<3x16x1024xf32, #tpu.memory_space<vmem>>, vector<1x1x16xf32>,
          %parallel_loop3A_434 = vector.shape_cast %parallel_loop3A_433 : vector<1x1x16xf32> to vector<16xf32>
          %parallel_loop3A_435 = vector.shape_cast %parallel_loop3A_429 : vector<16xf32> to vector<1x1x16xf32>
          tpu.vector_store %arg7[%parallel_loop3A_430, %parallel_loop3A_431, %parallel_loop3A_432], %parallel_loop3A_435 {add = true, strides = array<i32>} : memref<3x16x1024xf32, #tpu.memory_space<vmem>>, vector<1x1x16xf32>,
          %parallel_loop3A_436 = arith.index_cast %rem3A_79 : i32 to index
          %parallel_loop3A_437 = arith.index_cast %parallel_loop3A_120 : i32 to index
          %parallel_loop3A_438 = arith.constant 400 : index
          %parallel_loop3A_439 = tpu.vector_load %arg8[%parallel_loop3A_436, %parallel_loop3A_437, %parallel_loop3A_438] {strides = array<i32>} : memref<3x16x1024xf32, #tpu.memory_space<vmem>>, vector<1x1x16xf32>,
          %parallel_loop3A_440 = vector.shape_cast %parallel_loop3A_439 : vector<1x1x16xf32> to vector<16xf32>
          %parallel_loop3A_441 = arith.mulf %parallel_loop3A_440, %parallel_loop3A_135 : vector<16xf32>
          %parallel_loop3A_442 = arith.index_cast %rem3A_79 : i32 to index
          %parallel_loop3A_443 = arith.index_cast %parallel_loop3A_120 : i32 to index
          %parallel_loop3A_444 = arith.constant 400 : index
          %parallel_loop3A_445 = tpu.vector_load %arg7[%parallel_loop3A_442, %parallel_loop3A_443, %parallel_loop3A_444] {strides = array<i32>} : memref<3x16x1024xf32, #tpu.memory_space<vmem>>, vector<1x1x16xf32>,
          %parallel_loop3A_446 = vector.shape_cast %parallel_loop3A_445 : vector<1x1x16xf32> to vector<16xf32>
          %parallel_loop3A_447 = vector.shape_cast %parallel_loop3A_441 : vector<16xf32> to vector<1x1x16xf32>
          tpu.vector_store %arg7[%parallel_loop3A_442, %parallel_loop3A_443, %parallel_loop3A_444], %parallel_loop3A_447 {add = true, strides = array<i32>} : memref<3x16x1024xf32, #tpu.memory_space<vmem>>, vector<1x1x16xf32>,
          %parallel_loop3A_448 = arith.index_cast %rem3A_79 : i32 to index
          %parallel_loop3A_449 = arith.index_cast %parallel_loop3A_120 : i32 to index
          %parallel_loop3A_450 = arith.constant 416 : index
          %parallel_loop3A_451 = tpu.vector_load %arg8[%parallel_loop3A_448, %parallel_loop3A_449, %parallel_loop3A_450] {strides = array<i32>} : memref<3x16x1024xf32, #tpu.memory_space<vmem>>, vector<1x1x16xf32>,
          %parallel_loop3A_452 = vector.shape_cast %parallel_loop3A_451 : vector<1x1x16xf32> to vector<16xf32>
          %parallel_loop3A_453 = arith.mulf %parallel_loop3A_452, %parallel_loop3A_135 : vector<16xf32>
          %parallel_loop3A_454 = arith.index_cast %rem3A_79 : i32 to index
          %parallel_loop3A_455 = arith.index_cast %parallel_loop3A_120 : i32 to index
          %parallel_loop3A_456 = arith.constant 416 : index
          %parallel_loop3A_457 = tpu.vector_load %arg7[%parallel_loop3A_454, %parallel_loop3A_455, %parallel_loop3A_456] {strides = array<i32>} : memref<3x16x1024xf32, #tpu.memory_space<vmem>>, vector<1x1x16xf32>,
          %parallel_loop3A_458 = vector.shape_cast %parallel_loop3A_457 : vector<1x1x16xf32> to vector<16xf32>
          %parallel_loop3A_459 = vector.shape_cast %parallel_loop3A_453 : vector<16xf32> to vector<1x1x16xf32>
          tpu.vector_store %arg7[%parallel_loop3A_454, %parallel_loop3A_455, %parallel_loop3A_456], %parallel_loop3A_459 {add = true, strides = array<i32>} : memref<3x16x1024xf32, #tpu.memory_space<vmem>>, vector<1x1x16xf32>,
          %parallel_loop3A_460 = arith.index_cast %rem3A_79 : i32 to index
          %parallel_loop3A_461 = arith.index_cast %parallel_loop3A_120 : i32 to index
          %parallel_loop3A_462 = arith.constant 432 : index
          %parallel_loop3A_463 = tpu.vector_load %arg8[%parallel_loop3A_460, %parallel_loop3A_461, %parallel_loop3A_462] {strides = array<i32>} : memref<3x16x1024xf32, #tpu.memory_space<vmem>>, vector<1x1x16xf32>,
          %parallel_loop3A_464 = vector.shape_cast %parallel_loop3A_463 : vector<1x1x16xf32> to vector<16xf32>
          %parallel_loop3A_465 = arith.mulf %parallel_loop3A_464, %parallel_loop3A_135 : vector<16xf32>
          %parallel_loop3A_466 = arith.index_cast %rem3A_79 : i32 to index
          %parallel_loop3A_467 = arith.index_cast %parallel_loop3A_120 : i32 to index
          %parallel_loop3A_468 = arith.constant 432 : index
          %parallel_loop3A_469 = tpu.vector_load %arg7[%parallel_loop3A_466, %parallel_loop3A_467, %parallel_loop3A_468] {strides = array<i32>} : memref<3x16x1024xf32, #tpu.memory_space<vmem>>, vector<1x1x16xf32>,
          %parallel_loop3A_470 = vector.shape_cast %parallel_loop3A_469 : vector<1x1x16xf32> to vector<16xf32>
          %parallel_loop3A_471 = vector.shape_cast %parallel_loop3A_465 : vector<16xf32> to vector<1x1x16xf32>
          tpu.vector_store %arg7[%parallel_loop3A_466, %parallel_loop3A_467, %parallel_loop3A_468], %parallel_loop3A_471 {add = true, strides = array<i32>} : memref<3x16x1024xf32, #tpu.memory_space<vmem>>, vector<1x1x16xf32>,
          %parallel_loop3A_472 = arith.index_cast %rem3A_79 : i32 to index
          %parallel_loop3A_473 = arith.index_cast %parallel_loop3A_120 : i32 to index
          %parallel_loop3A_474 = arith.constant 448 : index
          %parallel_loop3A_475 = tpu.vector_load %arg8[%parallel_loop3A_472, %parallel_loop3A_473, %parallel_loop3A_474] {strides = array<i32>} : memref<3x16x1024xf32, #tpu.memory_space<vmem>>, vector<1x1x16xf32>,
          %parallel_loop3A_476 = vector.shape_cast %parallel_loop3A_475 : vector<1x1x16xf32> to vector<16xf32>
          %parallel_loop3A_477 = arith.mulf %parallel_loop3A_476, %parallel_loop3A_135 : vector<16xf32>
          %parallel_loop3A_478 = arith.index_cast %rem3A_79 : i32 to index
          %parallel_loop3A_479 = arith.index_cast %parallel_loop3A_120 : i32 to index
          %parallel_loop3A_480 = arith.constant 448 : index
          %parallel_loop3A_481 = tpu.vector_load %arg7[%parallel_loop3A_478, %parallel_loop3A_479, %parallel_loop3A_480] {strides = array<i32>} : memref<3x16x1024xf32, #tpu.memory_space<vmem>>, vector<1x1x16xf32>,
          %parallel_loop3A_482 = vector.shape_cast %parallel_loop3A_481 : vector<1x1x16xf32> to vector<16xf32>
          %parallel_loop3A_483 = vector.shape_cast %parallel_loop3A_477 : vector<16xf32> to vector<1x1x16xf32>
          tpu.vector_store %arg7[%parallel_loop3A_478, %parallel_loop3A_479, %parallel_loop3A_480], %parallel_loop3A_483 {add = true, strides = array<i32>} : memref<3x16x1024xf32, #tpu.memory_space<vmem>>, vector<1x1x16xf32>,
          %parallel_loop3A_484 = arith.index_cast %rem3A_79 : i32 to index
          %parallel_loop3A_485 = arith.index_cast %parallel_loop3A_120 : i32 to index
          %parallel_loop3A_486 = arith.constant 464 : index
          %parallel_loop3A_487 = tpu.vector_load %arg8[%parallel_loop3A_484, %parallel_loop3A_485, %parallel_loop3A_486] {strides = array<i32>} : memref<3x16x1024xf32, #tpu.memory_space<vmem>>, vector<1x1x16xf32>,
          %parallel_loop3A_488 = vector.shape_cast %parallel_loop3A_487 : vector<1x1x16xf32> to vector<16xf32>
          %parallel_loop3A_489 = arith.mulf %parallel_loop3A_488, %parallel_loop3A_135 : vector<16xf32>
          %parallel_loop3A_490 = arith.index_cast %rem3A_79 : i32 to index
          %parallel_loop3A_491 = arith.index_cast %parallel_loop3A_120 : i32 to index
          %parallel_loop3A_492 = arith.constant 464 : index
          %parallel_loop3A_493 = tpu.vector_load %arg7[%parallel_loop3A_490, %parallel_loop3A_491, %parallel_loop3A_492] {strides = array<i32>} : memref<3x16x1024xf32, #tpu.memory_space<vmem>>, vector<1x1x16xf32>,
          %parallel_loop3A_494 = vector.shape_cast %parallel_loop3A_493 : vector<1x1x16xf32> to vector<16xf32>
          %parallel_loop3A_495 = vector.shape_cast %parallel_loop3A_489 : vector<16xf32> to vector<1x1x16xf32>
          tpu.vector_store %arg7[%parallel_loop3A_490, %parallel_loop3A_491, %parallel_loop3A_492], %parallel_loop3A_495 {add = true, strides = array<i32>} : memref<3x16x1024xf32, #tpu.memory_space<vmem>>, vector<1x1x16xf32>,
          %parallel_loop3A_496 = arith.index_cast %rem3A_79 : i32 to index
          %parallel_loop3A_497 = arith.index_cast %parallel_loop3A_120 : i32 to index
          %parallel_loop3A_498 = arith.constant 480 : index
          %parallel_loop3A_499 = tpu.vector_load %arg8[%parallel_loop3A_496, %parallel_loop3A_497, %parallel_loop3A_498] {strides = array<i32>} : memref<3x16x1024xf32, #tpu.memory_space<vmem>>, vector<1x1x16xf32>,
          %parallel_loop3A_500 = vector.shape_cast %parallel_loop3A_499 : vector<1x1x16xf32> to vector<16xf32>
          %parallel_loop3A_501 = arith.mulf %parallel_loop3A_500, %parallel_loop3A_135 : vector<16xf32>
          %parallel_loop3A_502 = arith.index_cast %rem3A_79 : i32 to index
          %parallel_loop3A_503 = arith.index_cast %parallel_loop3A_120 : i32 to index
          %parallel_loop3A_504 = arith.constant 480 : index
          %parallel_loop3A_505 = tpu.vector_load %arg7[%parallel_loop3A_502, %parallel_loop3A_503, %parallel_loop3A_504] {strides = array<i32>} : memref<3x16x1024xf32, #tpu.memory_space<vmem>>, vector<1x1x16xf32>,
          %parallel_loop3A_506 = vector.shape_cast %parallel_loop3A_505 : vector<1x1x16xf32> to vector<16xf32>
          %parallel_loop3A_507 = vector.shape_cast %parallel_loop3A_501 : vector<16xf32> to vector<1x1x16xf32>
          tpu.vector_store %arg7[%parallel_loop3A_502, %parallel_loop3A_503, %parallel_loop3A_504], %parallel_loop3A_507 {add = true, strides = array<i32>} : memref<3x16x1024xf32, #tpu.memory_space<vmem>>, vector<1x1x16xf32>,
          %parallel_loop3A_508 = arith.index_cast %rem3A_79 : i32 to index
          %parallel_loop3A_509 = arith.index_cast %parallel_loop3A_120 : i32 to index
          %parallel_loop3A_510 = arith.constant 496 : index
          %parallel_loop3A_511 = tpu.vector_load %arg8[%parallel_loop3A_508, %parallel_loop3A_509, %parallel_loop3A_510] {strides = array<i32>} : memref<3x16x1024xf32, #tpu.memory_space<vmem>>, vector<1x1x16xf32>,
          %parallel_loop3A_512 = vector.shape_cast %parallel_loop3A_511 : vector<1x1x16xf32> to vector<16xf32>
          %parallel_loop3A_513 = arith.mulf %parallel_loop3A_512, %parallel_loop3A_135 : vector<16xf32>
          %parallel_loop3A_514 = arith.index_cast %rem3A_79 : i32 to index
          %parallel_loop3A_515 = arith.index_cast %parallel_loop3A_120 : i32 to index
          %parallel_loop3A_516 = arith.constant 496 : index
          %parallel_loop3A_517 = tpu.vector_load %arg7[%parallel_loop3A_514, %parallel_loop3A_515, %parallel_loop3A_516] {strides = array<i32>} : memref<3x16x1024xf32, #tpu.memory_space<vmem>>, vector<1x1x16xf32>,
          %parallel_loop3A_518 = vector.shape_cast %parallel_loop3A_517 : vector<1x1x16xf32> to vector<16xf32>
          %parallel_loop3A_519 = vector.shape_cast %parallel_loop3A_513 : vector<16xf32> to vector<1x1x16xf32>
          tpu.vector_store %arg7[%parallel_loop3A_514, %parallel_loop3A_515, %parallel_loop3A_516], %parallel_loop3A_519 {add = true, strides = array<i32>} : memref<3x16x1024xf32, #tpu.memory_space<vmem>>, vector<1x1x16xf32>,
          %parallel_loop3A_520 = arith.index_cast %rem3A_79 : i32 to index
          %parallel_loop3A_521 = arith.index_cast %parallel_loop3A_120 : i32 to index
          %parallel_loop3A_522 = arith.constant 512 : index
          %parallel_loop3A_523 = tpu.vector_load %arg8[%parallel_loop3A_520, %parallel_loop3A_521, %parallel_loop3A_522] {strides = array<i32>} : memref<3x16x1024xf32, #tpu.memory_space<vmem>>, vector<1x1x16xf32>,
          %parallel_loop3A_524 = vector.shape_cast %parallel_loop3A_523 : vector<1x1x16xf32> to vector<16xf32>
          %parallel_loop3A_525 = arith.mulf %parallel_loop3A_524, %parallel_loop3A_135 : vector<16xf32>
          %parallel_loop3A_526 = arith.index_cast %rem3A_79 : i32 to index
          %parallel_loop3A_527 = arith.index_cast %parallel_loop3A_120 : i32 to index
          %parallel_loop3A_528 = arith.constant 512 : index
          %parallel_loop3A_529 = tpu.vector_load %arg7[%parallel_loop3A_526, %parallel_loop3A_527, %parallel_loop3A_528] {strides = array<i32>} : memref<3x16x1024xf32, #tpu.memory_space<vmem>>, vector<1x1x16xf32>,
          %parallel_loop3A_530 = vector.shape_cast %parallel_loop3A_529 : vector<1x1x16xf32> to vector<16xf32>
          %parallel_loop3A_531 = vector.shape_cast %parallel_loop3A_525 : vector<16xf32> to vector<1x1x16xf32>
          tpu.vector_store %arg7[%parallel_loop3A_526, %parallel_loop3A_527, %parallel_loop3A_528], %parallel_loop3A_531 {add = true, strides = array<i32>} : memref<3x16x1024xf32, #tpu.memory_space<vmem>>, vector<1x1x16xf32>,
          %parallel_loop3A_532 = arith.index_cast %rem3A_79 : i32 to index
          %parallel_loop3A_533 = arith.index_cast %parallel_loop3A_120 : i32 to index
          %parallel_loop3A_534 = arith.constant 528 : index
          %parallel_loop3A_535 = tpu.vector_load %arg8[%parallel_loop3A_532, %parallel_loop3A_533, %parallel_loop3A_534] {strides = array<i32>} : memref<3x16x1024xf32, #tpu.memory_space<vmem>>, vector<1x1x16xf32>,
          %parallel_loop3A_536 = vector.shape_cast %parallel_loop3A_535 : vector<1x1x16xf32> to vector<16xf32>
          %parallel_loop3A_537 = arith.mulf %parallel_loop3A_536, %parallel_loop3A_135 : vector<16xf32>
          %parallel_loop3A_538 = arith.index_cast %rem3A_79 : i32 to index
          %parallel_loop3A_539 = arith.index_cast %parallel_loop3A_120 : i32 to index
          %parallel_loop3A_540 = arith.constant 528 : index
          %parallel_loop3A_541 = tpu.vector_load %arg7[%parallel_loop3A_538, %parallel_loop3A_539, %parallel_loop3A_540] {strides = array<i32>} : memref<3x16x1024xf32, #tpu.memory_space<vmem>>, vector<1x1x16xf32>,
          %parallel_loop3A_542 = vector.shape_cast %parallel_loop3A_541 : vector<1x1x16xf32> to vector<16xf32>
          %parallel_loop3A_543 = vector.shape_cast %parallel_loop3A_537 : vector<16xf32> to vector<1x1x16xf32>
          tpu.vector_store %arg7[%parallel_loop3A_538, %parallel_loop3A_539, %parallel_loop3A_540], %parallel_loop3A_543 {add = true, strides = array<i32>} : memref<3x16x1024xf32, #tpu.memory_space<vmem>>, vector<1x1x16xf32>,
          %parallel_loop3A_544 = arith.index_cast %rem3A_79 : i32 to index
          %parallel_loop3A_545 = arith.index_cast %parallel_loop3A_120 : i32 to index
          %parallel_loop3A_546 = arith.constant 544 : index
          %parallel_loop3A_547 = tpu.vector_load %arg8[%parallel_loop3A_544, %parallel_loop3A_545, %parallel_loop3A_546] {strides = array<i32>} : memref<3x16x1024xf32, #tpu.memory_space<vmem>>, vector<1x1x16xf32>,
          %parallel_loop3A_548 = vector.shape_cast %parallel_loop3A_547 : vector<1x1x16xf32> to vector<16xf32>
          %parallel_loop3A_549 = arith.mulf %parallel_loop3A_548, %parallel_loop3A_135 : vector<16xf32>
          %parallel_loop3A_550 = arith.index_cast %rem3A_79 : i32 to index
          %parallel_loop3A_551 = arith.index_cast %parallel_loop3A_120 : i32 to index
          %parallel_loop3A_552 = arith.constant 544 : index
          %parallel_loop3A_553 = tpu.vector_load %arg7[%parallel_loop3A_550, %parallel_loop3A_551, %parallel_loop3A_552] {strides = array<i32>} : memref<3x16x1024xf32, #tpu.memory_space<vmem>>, vector<1x1x16xf32>,
          %parallel_loop3A_554 = vector.shape_cast %parallel_loop3A_553 : vector<1x1x16xf32> to vector<16xf32>
          %parallel_loop3A_555 = vector.shape_cast %parallel_loop3A_549 : vector<16xf32> to vector<1x1x16xf32>
          tpu.vector_store %arg7[%parallel_loop3A_550, %parallel_loop3A_551, %parallel_loop3A_552], %parallel_loop3A_555 {add = true, strides = array<i32>} : memref<3x16x1024xf32, #tpu.memory_space<vmem>>, vector<1x1x16xf32>,
          %parallel_loop3A_556 = arith.index_cast %rem3A_79 : i32 to index
          %parallel_loop3A_557 = arith.index_cast %parallel_loop3A_120 : i32 to index
          %parallel_loop3A_558 = arith.constant 560 : index
          %parallel_loop3A_559 = tpu.vector_load %arg8[%parallel_loop3A_556, %parallel_loop3A_557, %parallel_loop3A_558] {strides = array<i32>} : memref<3x16x1024xf32, #tpu.memory_space<vmem>>, vector<1x1x16xf32>,
          %parallel_loop3A_560 = vector.shape_cast %parallel_loop3A_559 : vector<1x1x16xf32> to vector<16xf32>
          %parallel_loop3A_561 = arith.mulf %parallel_loop3A_560, %parallel_loop3A_135 : vector<16xf32>
          %parallel_loop3A_562 = arith.index_cast %rem3A_79 : i32 to index
          %parallel_loop3A_563 = arith.index_cast %parallel_loop3A_120 : i32 to index
          %parallel_loop3A_564 = arith.constant 560 : index
          %parallel_loop3A_565 = tpu.vector_load %arg7[%parallel_loop3A_562, %parallel_loop3A_563, %parallel_loop3A_564] {strides = array<i32>} : memref<3x16x1024xf32, #tpu.memory_space<vmem>>, vector<1x1x16xf32>,
          %parallel_loop3A_566 = vector.shape_cast %parallel_loop3A_565 : vector<1x1x16xf32> to vector<16xf32>
          %parallel_loop3A_567 = vector.shape_cast %parallel_loop3A_561 : vector<16xf32> to vector<1x1x16xf32>
          tpu.vector_store %arg7[%parallel_loop3A_562, %parallel_loop3A_563, %parallel_loop3A_564], %parallel_loop3A_567 {add = true, strides = array<i32>} : memref<3x16x1024xf32, #tpu.memory_space<vmem>>, vector<1x1x16xf32>,
          %parallel_loop3A_568 = arith.index_cast %rem3A_79 : i32 to index
          %parallel_loop3A_569 = arith.index_cast %parallel_loop3A_120 : i32 to index
          %parallel_loop3A_570 = arith.constant 576 : index
          %parallel_loop3A_571 = tpu.vector_load %arg8[%parallel_loop3A_568, %parallel_loop3A_569, %parallel_loop3A_570] {strides = array<i32>} : memref<3x16x1024xf32, #tpu.memory_space<vmem>>, vector<1x1x16xf32>,
          %parallel_loop3A_572 = vector.shape_cast %parallel_loop3A_571 : vector<1x1x16xf32> to vector<16xf32>
          %parallel_loop3A_573 = arith.mulf %parallel_loop3A_572, %parallel_loop3A_135 : vector<16xf32>
          %parallel_loop3A_574 = arith.index_cast %rem3A_79 : i32 to index
          %parallel_loop3A_575 = arith.index_cast %parallel_loop3A_120 : i32 to index
          %parallel_loop3A_576 = arith.constant 576 : index
          %parallel_loop3A_577 = tpu.vector_load %arg7[%parallel_loop3A_574, %parallel_loop3A_575, %parallel_loop3A_576] {strides = array<i32>} : memref<3x16x1024xf32, #tpu.memory_space<vmem>>, vector<1x1x16xf32>,
          %parallel_loop3A_578 = vector.shape_cast %parallel_loop3A_577 : vector<1x1x16xf32> to vector<16xf32>
          %parallel_loop3A_579 = vector.shape_cast %parallel_loop3A_573 : vector<16xf32> to vector<1x1x16xf32>
          tpu.vector_store %arg7[%parallel_loop3A_574, %parallel_loop3A_575, %parallel_loop3A_576], %parallel_loop3A_579 {add = true, strides = array<i32>} : memref<3x16x1024xf32, #tpu.memory_space<vmem>>, vector<1x1x16xf32>,
          %parallel_loop3A_580 = arith.index_cast %rem3A_79 : i32 to index
          %parallel_loop3A_581 = arith.index_cast %parallel_loop3A_120 : i32 to index
          %parallel_loop3A_582 = arith.constant 592 : index
          %parallel_loop3A_583 = tpu.vector_load %arg8[%parallel_loop3A_580, %parallel_loop3A_581, %parallel_loop3A_582] {strides = array<i32>} : memref<3x16x1024xf32, #tpu.memory_space<vmem>>, vector<1x1x16xf32>,
          %parallel_loop3A_584 = vector.shape_cast %parallel_loop3A_583 : vector<1x1x16xf32> to vector<16xf32>
          %parallel_loop3A_585 = arith.mulf %parallel_loop3A_584, %parallel_loop3A_135 : vector<16xf32>
          %parallel_loop3A_586 = arith.index_cast %rem3A_79 : i32 to index
          %parallel_loop3A_587 = arith.index_cast %parallel_loop3A_120 : i32 to index
          %parallel_loop3A_588 = arith.constant 592 : index
          %parallel_loop3A_589 = tpu.vector_load %arg7[%parallel_loop3A_586, %parallel_loop3A_587, %parallel_loop3A_588] {strides = array<i32>} : memref<3x16x1024xf32, #tpu.memory_space<vmem>>, vector<1x1x16xf32>,
          %parallel_loop3A_590 = vector.shape_cast %parallel_loop3A_589 : vector<1x1x16xf32> to vector<16xf32>
          %parallel_loop3A_591 = vector.shape_cast %parallel_loop3A_585 : vector<16xf32> to vector<1x1x16xf32>
          tpu.vector_store %arg7[%parallel_loop3A_586, %parallel_loop3A_587, %parallel_loop3A_588], %parallel_loop3A_591 {add = true, strides = array<i32>} : memref<3x16x1024xf32, #tpu.memory_space<vmem>>, vector<1x1x16xf32>,
          %parallel_loop3A_592 = arith.index_cast %rem3A_79 : i32 to index
          %parallel_loop3A_593 = arith.index_cast %parallel_loop3A_120 : i32 to index
          %parallel_loop3A_594 = arith.constant 608 : index
          %parallel_loop3A_595 = tpu.vector_load %arg8[%parallel_loop3A_592, %parallel_loop3A_593, %parallel_loop3A_594] {strides = array<i32>} : memref<3x16x1024xf32, #tpu.memory_space<vmem>>, vector<1x1x16xf32>,
          %parallel_loop3A_596 = vector.shape_cast %parallel_loop3A_595 : vector<1x1x16xf32> to vector<16xf32>
          %parallel_loop3A_597 = arith.mulf %parallel_loop3A_596, %parallel_loop3A_135 : vector<16xf32>
          %parallel_loop3A_598 = arith.index_cast %rem3A_79 : i32 to index
          %parallel_loop3A_599 = arith.index_cast %parallel_loop3A_120 : i32 to index
          %parallel_loop3A_600 = arith.constant 608 : index
          %parallel_loop3A_601 = tpu.vector_load %arg7[%parallel_loop3A_598, %parallel_loop3A_599, %parallel_loop3A_600] {strides = array<i32>} : memref<3x16x1024xf32, #tpu.memory_space<vmem>>, vector<1x1x16xf32>,
          %parallel_loop3A_602 = vector.shape_cast %parallel_loop3A_601 : vector<1x1x16xf32> to vector<16xf32>
          %parallel_loop3A_603 = vector.shape_cast %parallel_loop3A_597 : vector<16xf32> to vector<1x1x16xf32>
          tpu.vector_store %arg7[%parallel_loop3A_598, %parallel_loop3A_599, %parallel_loop3A_600], %parallel_loop3A_603 {add = true, strides = array<i32>} : memref<3x16x1024xf32, #tpu.memory_space<vmem>>, vector<1x1x16xf32>,
          %parallel_loop3A_604 = arith.index_cast %rem3A_79 : i32 to index
          %parallel_loop3A_605 = arith.index_cast %parallel_loop3A_120 : i32 to index
          %parallel_loop3A_606 = arith.constant 624 : index
          %parallel_loop3A_607 = tpu.vector_load %arg8[%parallel_loop3A_604, %parallel_loop3A_605, %parallel_loop3A_606] {strides = array<i32>} : memref<3x16x1024xf32, #tpu.memory_space<vmem>>, vector<1x1x16xf32>,
          %parallel_loop3A_608 = vector.shape_cast %parallel_loop3A_607 : vector<1x1x16xf32> to vector<16xf32>
          %parallel_loop3A_609 = arith.mulf %parallel_loop3A_608, %parallel_loop3A_135 : vector<16xf32>
          %parallel_loop3A_610 = arith.index_cast %rem3A_79 : i32 to index
          %parallel_loop3A_611 = arith.index_cast %parallel_loop3A_120 : i32 to index
          %parallel_loop3A_612 = arith.constant 624 : index
          %parallel_loop3A_613 = tpu.vector_load %arg7[%parallel_loop3A_610, %parallel_loop3A_611, %parallel_loop3A_612] {strides = array<i32>} : memref<3x16x1024xf32, #tpu.memory_space<vmem>>, vector<1x1x16xf32>,
          %parallel_loop3A_614 = vector.shape_cast %parallel_loop3A_613 : vector<1x1x16xf32> to vector<16xf32>
          %parallel_loop3A_615 = vector.shape_cast %parallel_loop3A_609 : vector<16xf32> to vector<1x1x16xf32>
          tpu.vector_store %arg7[%parallel_loop3A_610, %parallel_loop3A_611, %parallel_loop3A_612], %parallel_loop3A_615 {add = true, strides = array<i32>} : memref<3x16x1024xf32, #tpu.memory_space<vmem>>, vector<1x1x16xf32>,
          %parallel_loop3A_616 = arith.index_cast %rem3A_79 : i32 to index
          %parallel_loop3A_617 = arith.index_cast %parallel_loop3A_120 : i32 to index
          %parallel_loop3A_618 = arith.constant 640 : index
          %parallel_loop3A_619 = tpu.vector_load %arg8[%parallel_loop3A_616, %parallel_loop3A_617, %parallel_loop3A_618] {strides = array<i32>} : memref<3x16x1024xf32, #tpu.memory_space<vmem>>, vector<1x1x16xf32>,
          %parallel_loop3A_620 = vector.shape_cast %parallel_loop3A_619 : vector<1x1x16xf32> to vector<16xf32>
          %parallel_loop3A_621 = arith.mulf %parallel_loop3A_620, %parallel_loop3A_135 : vector<16xf32>
          %parallel_loop3A_622 = arith.index_cast %rem3A_79 : i32 to index
          %parallel_loop3A_623 = arith.index_cast %parallel_loop3A_120 : i32 to index
          %parallel_loop3A_624 = arith.constant 640 : index
          %parallel_loop3A_625 = tpu.vector_load %arg7[%parallel_loop3A_622, %parallel_loop3A_623, %parallel_loop3A_624] {strides = array<i32>} : memref<3x16x1024xf32, #tpu.memory_space<vmem>>, vector<1x1x16xf32>,
          %parallel_loop3A_626 = vector.shape_cast %parallel_loop3A_625 : vector<1x1x16xf32> to vector<16xf32>
          %parallel_loop3A_627 = vector.shape_cast %parallel_loop3A_621 : vector<16xf32> to vector<1x1x16xf32>
          tpu.vector_store %arg7[%parallel_loop3A_622, %parallel_loop3A_623, %parallel_loop3A_624], %parallel_loop3A_627 {add = true, strides = array<i32>} : memref<3x16x1024xf32, #tpu.memory_space<vmem>>, vector<1x1x16xf32>,
          %parallel_loop3A_628 = arith.index_cast %rem3A_79 : i32 to index
          %parallel_loop3A_629 = arith.index_cast %parallel_loop3A_120 : i32 to index
          %parallel_loop3A_630 = arith.constant 656 : index
          %parallel_loop3A_631 = tpu.vector_load %arg8[%parallel_loop3A_628, %parallel_loop3A_629, %parallel_loop3A_630] {strides = array<i32>} : memref<3x16x1024xf32, #tpu.memory_space<vmem>>, vector<1x1x16xf32>,
          %parallel_loop3A_632 = vector.shape_cast %parallel_loop3A_631 : vector<1x1x16xf32> to vector<16xf32>
          %parallel_loop3A_633 = arith.mulf %parallel_loop3A_632, %parallel_loop3A_135 : vector<16xf32>
          %parallel_loop3A_634 = arith.index_cast %rem3A_79 : i32 to index
          %parallel_loop3A_635 = arith.index_cast %parallel_loop3A_120 : i32 to index
          %parallel_loop3A_636 = arith.constant 656 : index
          %parallel_loop3A_637 = tpu.vector_load %arg7[%parallel_loop3A_634, %parallel_loop3A_635, %parallel_loop3A_636] {strides = array<i32>} : memref<3x16x1024xf32, #tpu.memory_space<vmem>>, vector<1x1x16xf32>,
          %parallel_loop3A_638 = vector.shape_cast %parallel_loop3A_637 : vector<1x1x16xf32> to vector<16xf32>
          %parallel_loop3A_639 = vector.shape_cast %parallel_loop3A_633 : vector<16xf32> to vector<1x1x16xf32>
          tpu.vector_store %arg7[%parallel_loop3A_634, %parallel_loop3A_635, %parallel_loop3A_636], %parallel_loop3A_639 {add = true, strides = array<i32>} : memref<3x16x1024xf32, #tpu.memory_space<vmem>>, vector<1x1x16xf32>,
          %parallel_loop3A_640 = arith.index_cast %rem3A_79 : i32 to index
          %parallel_loop3A_641 = arith.index_cast %parallel_loop3A_120 : i32 to index
          %parallel_loop3A_642 = arith.constant 672 : index
          %parallel_loop3A_643 = tpu.vector_load %arg8[%parallel_loop3A_640, %parallel_loop3A_641, %parallel_loop3A_642] {strides = array<i32>} : memref<3x16x1024xf32, #tpu.memory_space<vmem>>, vector<1x1x16xf32>,
          %parallel_loop3A_644 = vector.shape_cast %parallel_loop3A_643 : vector<1x1x16xf32> to vector<16xf32>
          %parallel_loop3A_645 = arith.mulf %parallel_loop3A_644, %parallel_loop3A_135 : vector<16xf32>
          %parallel_loop3A_646 = arith.index_cast %rem3A_79 : i32 to index
          %parallel_loop3A_647 = arith.index_cast %parallel_loop3A_120 : i32 to index
          %parallel_loop3A_648 = arith.constant 672 : index
          %parallel_loop3A_649 = tpu.vector_load %arg7[%parallel_loop3A_646, %parallel_loop3A_647, %parallel_loop3A_648] {strides = array<i32>} : memref<3x16x1024xf32, #tpu.memory_space<vmem>>, vector<1x1x16xf32>,
          %parallel_loop3A_650 = vector.shape_cast %parallel_loop3A_649 : vector<1x1x16xf32> to vector<16xf32>
          %parallel_loop3A_651 = vector.shape_cast %parallel_loop3A_645 : vector<16xf32> to vector<1x1x16xf32>
          tpu.vector_store %arg7[%parallel_loop3A_646, %parallel_loop3A_647, %parallel_loop3A_648], %parallel_loop3A_651 {add = true, strides = array<i32>} : memref<3x16x1024xf32, #tpu.memory_space<vmem>>, vector<1x1x16xf32>,
          %parallel_loop3A_652 = arith.index_cast %rem3A_79 : i32 to index
          %parallel_loop3A_653 = arith.index_cast %parallel_loop3A_120 : i32 to index
          %parallel_loop3A_654 = arith.constant 688 : index
          %parallel_loop3A_655 = tpu.vector_load %arg8[%parallel_loop3A_652, %parallel_loop3A_653, %parallel_loop3A_654] {strides = array<i32>} : memref<3x16x1024xf32, #tpu.memory_space<vmem>>, vector<1x1x16xf32>,
          %parallel_loop3A_656 = vector.shape_cast %parallel_loop3A_655 : vector<1x1x16xf32> to vector<16xf32>
          %parallel_loop3A_657 = arith.mulf %parallel_loop3A_656, %parallel_loop3A_135 : vector<16xf32>
          %parallel_loop3A_658 = arith.index_cast %rem3A_79 : i32 to index
          %parallel_loop3A_659 = arith.index_cast %parallel_loop3A_120 : i32 to index
          %parallel_loop3A_660 = arith.constant 688 : index
          %parallel_loop3A_661 = tpu.vector_load %arg7[%parallel_loop3A_658, %parallel_loop3A_659, %parallel_loop3A_660] {strides = array<i32>} : memref<3x16x1024xf32, #tpu.memory_space<vmem>>, vector<1x1x16xf32>,
          %parallel_loop3A_662 = vector.shape_cast %parallel_loop3A_661 : vector<1x1x16xf32> to vector<16xf32>
          %parallel_loop3A_663 = vector.shape_cast %parallel_loop3A_657 : vector<16xf32> to vector<1x1x16xf32>
          tpu.vector_store %arg7[%parallel_loop3A_658, %parallel_loop3A_659, %parallel_loop3A_660], %parallel_loop3A_663 {add = true, strides = array<i32>} : memref<3x16x1024xf32, #tpu.memory_space<vmem>>, vector<1x1x16xf32>,
          %parallel_loop3A_664 = arith.index_cast %rem3A_79 : i32 to index
          %parallel_loop3A_665 = arith.index_cast %parallel_loop3A_120 : i32 to index
          %parallel_loop3A_666 = arith.constant 704 : index
          %parallel_loop3A_667 = tpu.vector_load %arg8[%parallel_loop3A_664, %parallel_loop3A_665, %parallel_loop3A_666] {strides = array<i32>} : memref<3x16x1024xf32, #tpu.memory_space<vmem>>, vector<1x1x16xf32>,
          %parallel_loop3A_668 = vector.shape_cast %parallel_loop3A_667 : vector<1x1x16xf32> to vector<16xf32>
          %parallel_loop3A_669 = arith.mulf %parallel_loop3A_668, %parallel_loop3A_135 : vector<16xf32>
          %parallel_loop3A_670 = arith.index_cast %rem3A_79 : i32 to index
          %parallel_loop3A_671 = arith.index_cast %parallel_loop3A_120 : i32 to index
          %parallel_loop3A_672 = arith.constant 704 : index
          %parallel_loop3A_673 = tpu.vector_load %arg7[%parallel_loop3A_670, %parallel_loop3A_671, %parallel_loop3A_672] {strides = array<i32>} : memref<3x16x1024xf32, #tpu.memory_space<vmem>>, vector<1x1x16xf32>,
          %parallel_loop3A_674 = vector.shape_cast %parallel_loop3A_673 : vector<1x1x16xf32> to vector<16xf32>
          %parallel_loop3A_675 = vector.shape_cast %parallel_loop3A_669 : vector<16xf32> to vector<1x1x16xf32>
          tpu.vector_store %arg7[%parallel_loop3A_670, %parallel_loop3A_671, %parallel_loop3A_672], %parallel_loop3A_675 {add = true, strides = array<i32>} : memref<3x16x1024xf32, #tpu.memory_space<vmem>>, vector<1x1x16xf32>,
          %parallel_loop3A_676 = arith.index_cast %rem3A_79 : i32 to index
          %parallel_loop3A_677 = arith.index_cast %parallel_loop3A_120 : i32 to index
          %parallel_loop3A_678 = arith.constant 720 : index
          %parallel_loop3A_679 = tpu.vector_load %arg8[%parallel_loop3A_676, %parallel_loop3A_677, %parallel_loop3A_678] {strides = array<i32>} : memref<3x16x1024xf32, #tpu.memory_space<vmem>>, vector<1x1x16xf32>,
          %parallel_loop3A_680 = vector.shape_cast %parallel_loop3A_679 : vector<1x1x16xf32> to vector<16xf32>
          %parallel_loop3A_681 = arith.mulf %parallel_loop3A_680, %parallel_loop3A_135 : vector<16xf32>
          %parallel_loop3A_682 = arith.index_cast %rem3A_79 : i32 to index
          %parallel_loop3A_683 = arith.index_cast %parallel_loop3A_120 : i32 to index
          %parallel_loop3A_684 = arith.constant 720 : index
          %parallel_loop3A_685 = tpu.vector_load %arg7[%parallel_loop3A_682, %parallel_loop3A_683, %parallel_loop3A_684] {strides = array<i32>} : memref<3x16x1024xf32, #tpu.memory_space<vmem>>, vector<1x1x16xf32>,
          %parallel_loop3A_686 = vector.shape_cast %parallel_loop3A_685 : vector<1x1x16xf32> to vector<16xf32>
          %parallel_loop3A_687 = vector.shape_cast %parallel_loop3A_681 : vector<16xf32> to vector<1x1x16xf32>
          tpu.vector_store %arg7[%parallel_loop3A_682, %parallel_loop3A_683, %parallel_loop3A_684], %parallel_loop3A_687 {add = true, strides = array<i32>} : memref<3x16x1024xf32, #tpu.memory_space<vmem>>, vector<1x1x16xf32>,
          %parallel_loop3A_688 = arith.index_cast %rem3A_79 : i32 to index
          %parallel_loop3A_689 = arith.index_cast %parallel_loop3A_120 : i32 to index
          %parallel_loop3A_690 = arith.constant 736 : index
          %parallel_loop3A_691 = tpu.vector_load %arg8[%parallel_loop3A_688, %parallel_loop3A_689, %parallel_loop3A_690] {strides = array<i32>} : memref<3x16x1024xf32, #tpu.memory_space<vmem>>, vector<1x1x16xf32>,
          %parallel_loop3A_692 = vector.shape_cast %parallel_loop3A_691 : vector<1x1x16xf32> to vector<16xf32>
          %parallel_loop3A_693 = arith.mulf %parallel_loop3A_692, %parallel_loop3A_135 : vector<16xf32>
          %parallel_loop3A_694 = arith.index_cast %rem3A_79 : i32 to index
          %parallel_loop3A_695 = arith.index_cast %parallel_loop3A_120 : i32 to index
          %parallel_loop3A_696 = arith.constant 736 : index
          %parallel_loop3A_697 = tpu.vector_load %arg7[%parallel_loop3A_694, %parallel_loop3A_695, %parallel_loop3A_696] {strides = array<i32>} : memref<3x16x1024xf32, #tpu.memory_space<vmem>>, vector<1x1x16xf32>,
          %parallel_loop3A_698 = vector.shape_cast %parallel_loop3A_697 : vector<1x1x16xf32> to vector<16xf32>
          %parallel_loop3A_699 = vector.shape_cast %parallel_loop3A_693 : vector<16xf32> to vector<1x1x16xf32>
          tpu.vector_store %arg7[%parallel_loop3A_694, %parallel_loop3A_695, %parallel_loop3A_696], %parallel_loop3A_699 {add = true, strides = array<i32>} : memref<3x16x1024xf32, #tpu.memory_space<vmem>>, vector<1x1x16xf32>,
          %parallel_loop3A_700 = arith.index_cast %rem3A_79 : i32 to index
          %parallel_loop3A_701 = arith.index_cast %parallel_loop3A_120 : i32 to index
          %parallel_loop3A_702 = arith.constant 752 : index
          %parallel_loop3A_703 = tpu.vector_load %arg8[%parallel_loop3A_700, %parallel_loop3A_701, %parallel_loop3A_702] {strides = array<i32>} : memref<3x16x1024xf32, #tpu.memory_space<vmem>>, vector<1x1x16xf32>,
          %parallel_loop3A_704 = vector.shape_cast %parallel_loop3A_703 : vector<1x1x16xf32> to vector<16xf32>
          %parallel_loop3A_705 = arith.mulf %parallel_loop3A_704, %parallel_loop3A_135 : vector<16xf32>
          %parallel_loop3A_706 = arith.index_cast %rem3A_79 : i32 to index
          %parallel_loop3A_707 = arith.index_cast %parallel_loop3A_120 : i32 to index
          %parallel_loop3A_708 = arith.constant 752 : index
          %parallel_loop3A_709 = tpu.vector_load %arg7[%parallel_loop3A_706, %parallel_loop3A_707, %parallel_loop3A_708] {strides = array<i32>} : memref<3x16x1024xf32, #tpu.memory_space<vmem>>, vector<1x1x16xf32>,
          %parallel_loop3A_710 = vector.shape_cast %parallel_loop3A_709 : vector<1x1x16xf32> to vector<16xf32>
          %parallel_loop3A_711 = vector.shape_cast %parallel_loop3A_705 : vector<16xf32> to vector<1x1x16xf32>
          tpu.vector_store %arg7[%parallel_loop3A_706, %parallel_loop3A_707, %parallel_loop3A_708], %parallel_loop3A_711 {add = true, strides = array<i32>} : memref<3x16x1024xf32, #tpu.memory_space<vmem>>, vector<1x1x16xf32>,
          %parallel_loop3A_712 = arith.index_cast %rem3A_79 : i32 to index
          %parallel_loop3A_713 = arith.index_cast %parallel_loop3A_120 : i32 to index
          %parallel_loop3A_714 = arith.constant 768 : index
          %parallel_loop3A_715 = tpu.vector_load %arg8[%parallel_loop3A_712, %parallel_loop3A_713, %parallel_loop3A_714] {strides = array<i32>} : memref<3x16x1024xf32, #tpu.memory_space<vmem>>, vector<1x1x16xf32>,
          %parallel_loop3A_716 = vector.shape_cast %parallel_loop3A_715 : vector<1x1x16xf32> to vector<16xf32>
          %parallel_loop3A_717 = arith.mulf %parallel_loop3A_716, %parallel_loop3A_135 : vector<16xf32>
          %parallel_loop3A_718 = arith.index_cast %rem3A_79 : i32 to index
          %parallel_loop3A_719 = arith.index_cast %parallel_loop3A_120 : i32 to index
          %parallel_loop3A_720 = arith.constant 768 : index
          %parallel_loop3A_721 = tpu.vector_load %arg7[%parallel_loop3A_718, %parallel_loop3A_719, %parallel_loop3A_720] {strides = array<i32>} : memref<3x16x1024xf32, #tpu.memory_space<vmem>>, vector<1x1x16xf32>,
          %parallel_loop3A_722 = vector.shape_cast %parallel_loop3A_721 : vector<1x1x16xf32> to vector<16xf32>
          %parallel_loop3A_723 = vector.shape_cast %parallel_loop3A_717 : vector<16xf32> to vector<1x1x16xf32>
          tpu.vector_store %arg7[%parallel_loop3A_718, %parallel_loop3A_719, %parallel_loop3A_720], %parallel_loop3A_723 {add = true, strides = array<i32>} : memref<3x16x1024xf32, #tpu.memory_space<vmem>>, vector<1x1x16xf32>,
          %parallel_loop3A_724 = arith.index_cast %rem3A_79 : i32 to index
          %parallel_loop3A_725 = arith.index_cast %parallel_loop3A_120 : i32 to index
          %parallel_loop3A_726 = arith.constant 784 : index
          %parallel_loop3A_727 = tpu.vector_load %arg8[%parallel_loop3A_724, %parallel_loop3A_725, %parallel_loop3A_726] {strides = array<i32>} : memref<3x16x1024xf32, #tpu.memory_space<vmem>>, vector<1x1x16xf32>,
          %parallel_loop3A_728 = vector.shape_cast %parallel_loop3A_727 : vector<1x1x16xf32> to vector<16xf32>
          %parallel_loop3A_729 = arith.mulf %parallel_loop3A_728, %parallel_loop3A_135 : vector<16xf32>
          %parallel_loop3A_730 = arith.index_cast %rem3A_79 : i32 to index
          %parallel_loop3A_731 = arith.index_cast %parallel_loop3A_120 : i32 to index
          %parallel_loop3A_732 = arith.constant 784 : index
          %parallel_loop3A_733 = tpu.vector_load %arg7[%parallel_loop3A_730, %parallel_loop3A_731, %parallel_loop3A_732] {strides = array<i32>} : memref<3x16x1024xf32, #tpu.memory_space<vmem>>, vector<1x1x16xf32>,
          %parallel_loop3A_734 = vector.shape_cast %parallel_loop3A_733 : vector<1x1x16xf32> to vector<16xf32>
          %parallel_loop3A_735 = vector.shape_cast %parallel_loop3A_729 : vector<16xf32> to vector<1x1x16xf32>
          tpu.vector_store %arg7[%parallel_loop3A_730, %parallel_loop3A_731, %parallel_loop3A_732], %parallel_loop3A_735 {add = true, strides = array<i32>} : memref<3x16x1024xf32, #tpu.memory_space<vmem>>, vector<1x1x16xf32>,
          %parallel_loop3A_736 = arith.index_cast %rem3A_79 : i32 to index
          %parallel_loop3A_737 = arith.index_cast %parallel_loop3A_120 : i32 to index
          %parallel_loop3A_738 = arith.constant 800 : index
          %parallel_loop3A_739 = tpu.vector_load %arg8[%parallel_loop3A_736, %parallel_loop3A_737, %parallel_loop3A_738] {strides = array<i32>} : memref<3x16x1024xf32, #tpu.memory_space<vmem>>, vector<1x1x16xf32>,
          %parallel_loop3A_740 = vector.shape_cast %parallel_loop3A_739 : vector<1x1x16xf32> to vector<16xf32>
          %parallel_loop3A_741 = arith.mulf %parallel_loop3A_740, %parallel_loop3A_135 : vector<16xf32>
          %parallel_loop3A_742 = arith.index_cast %rem3A_79 : i32 to index
          %parallel_loop3A_743 = arith.index_cast %parallel_loop3A_120 : i32 to index
          %parallel_loop3A_744 = arith.constant 800 : index
          %parallel_loop3A_745 = tpu.vector_load %arg7[%parallel_loop3A_742, %parallel_loop3A_743, %parallel_loop3A_744] {strides = array<i32>} : memref<3x16x1024xf32, #tpu.memory_space<vmem>>, vector<1x1x16xf32>,
          %parallel_loop3A_746 = vector.shape_cast %parallel_loop3A_745 : vector<1x1x16xf32> to vector<16xf32>
          %parallel_loop3A_747 = vector.shape_cast %parallel_loop3A_741 : vector<16xf32> to vector<1x1x16xf32>
          tpu.vector_store %arg7[%parallel_loop3A_742, %parallel_loop3A_743, %parallel_loop3A_744], %parallel_loop3A_747 {add = true, strides = array<i32>} : memref<3x16x1024xf32, #tpu.memory_space<vmem>>, vector<1x1x16xf32>,
          %parallel_loop3A_748 = arith.index_cast %rem3A_79 : i32 to index
          %parallel_loop3A_749 = arith.index_cast %parallel_loop3A_120 : i32 to index
          %parallel_loop3A_750 = arith.constant 816 : index
          %parallel_loop3A_751 = tpu.vector_load %arg8[%parallel_loop3A_748, %parallel_loop3A_749, %parallel_loop3A_750] {strides = array<i32>} : memref<3x16x1024xf32, #tpu.memory_space<vmem>>, vector<1x1x16xf32>,
          %parallel_loop3A_752 = vector.shape_cast %parallel_loop3A_751 : vector<1x1x16xf32> to vector<16xf32>
          %parallel_loop3A_753 = arith.mulf %parallel_loop3A_752, %parallel_loop3A_135 : vector<16xf32>
          %parallel_loop3A_754 = arith.index_cast %rem3A_79 : i32 to index
          %parallel_loop3A_755 = arith.index_cast %parallel_loop3A_120 : i32 to index
          %parallel_loop3A_756 = arith.constant 816 : index
          %parallel_loop3A_757 = tpu.vector_load %arg7[%parallel_loop3A_754, %parallel_loop3A_755, %parallel_loop3A_756] {strides = array<i32>} : memref<3x16x1024xf32, #tpu.memory_space<vmem>>, vector<1x1x16xf32>,
          %parallel_loop3A_758 = vector.shape_cast %parallel_loop3A_757 : vector<1x1x16xf32> to vector<16xf32>
          %parallel_loop3A_759 = vector.shape_cast %parallel_loop3A_753 : vector<16xf32> to vector<1x1x16xf32>
          tpu.vector_store %arg7[%parallel_loop3A_754, %parallel_loop3A_755, %parallel_loop3A_756], %parallel_loop3A_759 {add = true, strides = array<i32>} : memref<3x16x1024xf32, #tpu.memory_space<vmem>>, vector<1x1x16xf32>,
          %parallel_loop3A_760 = arith.index_cast %rem3A_79 : i32 to index
          %parallel_loop3A_761 = arith.index_cast %parallel_loop3A_120 : i32 to index
          %parallel_loop3A_762 = arith.constant 832 : index
          %parallel_loop3A_763 = tpu.vector_load %arg8[%parallel_loop3A_760, %parallel_loop3A_761, %parallel_loop3A_762] {strides = array<i32>} : memref<3x16x1024xf32, #tpu.memory_space<vmem>>, vector<1x1x16xf32>,
          %parallel_loop3A_764 = vector.shape_cast %parallel_loop3A_763 : vector<1x1x16xf32> to vector<16xf32>
          %parallel_loop3A_765 = arith.mulf %parallel_loop3A_764, %parallel_loop3A_135 : vector<16xf32>
          %parallel_loop3A_766 = arith.index_cast %rem3A_79 : i32 to index
          %parallel_loop3A_767 = arith.index_cast %parallel_loop3A_120 : i32 to index
          %parallel_loop3A_768 = arith.constant 832 : index
          %parallel_loop3A_769 = tpu.vector_load %arg7[%parallel_loop3A_766, %parallel_loop3A_767, %parallel_loop3A_768] {strides = array<i32>} : memref<3x16x1024xf32, #tpu.memory_space<vmem>>, vector<1x1x16xf32>,
          %parallel_loop3A_770 = vector.shape_cast %parallel_loop3A_769 : vector<1x1x16xf32> to vector<16xf32>
          %parallel_loop3A_771 = vector.shape_cast %parallel_loop3A_765 : vector<16xf32> to vector<1x1x16xf32>
          tpu.vector_store %arg7[%parallel_loop3A_766, %parallel_loop3A_767, %parallel_loop3A_768], %parallel_loop3A_771 {add = true, strides = array<i32>} : memref<3x16x1024xf32, #tpu.memory_space<vmem>>, vector<1x1x16xf32>,
          %parallel_loop3A_772 = arith.index_cast %rem3A_79 : i32 to index
          %parallel_loop3A_773 = arith.index_cast %parallel_loop3A_120 : i32 to index
          %parallel_loop3A_774 = arith.constant 848 : index
          %parallel_loop3A_775 = tpu.vector_load %arg8[%parallel_loop3A_772, %parallel_loop3A_773, %parallel_loop3A_774] {strides = array<i32>} : memref<3x16x1024xf32, #tpu.memory_space<vmem>>, vector<1x1x16xf32>,
          %parallel_loop3A_776 = vector.shape_cast %parallel_loop3A_775 : vector<1x1x16xf32> to vector<16xf32>
          %parallel_loop3A_777 = arith.mulf %parallel_loop3A_776, %parallel_loop3A_135 : vector<16xf32>
          %parallel_loop3A_778 = arith.index_cast %rem3A_79 : i32 to index
          %parallel_loop3A_779 = arith.index_cast %parallel_loop3A_120 : i32 to index
          %parallel_loop3A_780 = arith.constant 848 : index
          %parallel_loop3A_781 = tpu.vector_load %arg7[%parallel_loop3A_778, %parallel_loop3A_779, %parallel_loop3A_780] {strides = array<i32>} : memref<3x16x1024xf32, #tpu.memory_space<vmem>>, vector<1x1x16xf32>,
          %parallel_loop3A_782 = vector.shape_cast %parallel_loop3A_781 : vector<1x1x16xf32> to vector<16xf32>
          %parallel_loop3A_783 = vector.shape_cast %parallel_loop3A_777 : vector<16xf32> to vector<1x1x16xf32>
          tpu.vector_store %arg7[%parallel_loop3A_778, %parallel_loop3A_779, %parallel_loop3A_780], %parallel_loop3A_783 {add = true, strides = array<i32>} : memref<3x16x1024xf32, #tpu.memory_space<vmem>>, vector<1x1x16xf32>,
          %parallel_loop3A_784 = arith.index_cast %rem3A_79 : i32 to index
          %parallel_loop3A_785 = arith.index_cast %parallel_loop3A_120 : i32 to index
          %parallel_loop3A_786 = arith.constant 864 : index
          %parallel_loop3A_787 = tpu.vector_load %arg8[%parallel_loop3A_784, %parallel_loop3A_785, %parallel_loop3A_786] {strides = array<i32>} : memref<3x16x1024xf32, #tpu.memory_space<vmem>>, vector<1x1x16xf32>,
          %parallel_loop3A_788 = vector.shape_cast %parallel_loop3A_787 : vector<1x1x16xf32> to vector<16xf32>
          %parallel_loop3A_789 = arith.mulf %parallel_loop3A_788, %parallel_loop3A_135 : vector<16xf32>
          %parallel_loop3A_790 = arith.index_cast %rem3A_79 : i32 to index
          %parallel_loop3A_791 = arith.index_cast %parallel_loop3A_120 : i32 to index
          %parallel_loop3A_792 = arith.constant 864 : index
          %parallel_loop3A_793 = tpu.vector_load %arg7[%parallel_loop3A_790, %parallel_loop3A_791, %parallel_loop3A_792] {strides = array<i32>} : memref<3x16x1024xf32, #tpu.memory_space<vmem>>, vector<1x1x16xf32>,
          %parallel_loop3A_794 = vector.shape_cast %parallel_loop3A_793 : vector<1x1x16xf32> to vector<16xf32>
          %parallel_loop3A_795 = vector.shape_cast %parallel_loop3A_789 : vector<16xf32> to vector<1x1x16xf32>
          tpu.vector_store %arg7[%parallel_loop3A_790, %parallel_loop3A_791, %parallel_loop3A_792], %parallel_loop3A_795 {add = true, strides = array<i32>} : memref<3x16x1024xf32, #tpu.memory_space<vmem>>, vector<1x1x16xf32>,
          %parallel_loop3A_796 = arith.index_cast %rem3A_79 : i32 to index
          %parallel_loop3A_797 = arith.index_cast %parallel_loop3A_120 : i32 to index
          %parallel_loop3A_798 = arith.constant 880 : index
          %parallel_loop3A_799 = tpu.vector_load %arg8[%parallel_loop3A_796, %parallel_loop3A_797, %parallel_loop3A_798] {strides = array<i32>} : memref<3x16x1024xf32, #tpu.memory_space<vmem>>, vector<1x1x16xf32>,
          %parallel_loop3A_800 = vector.shape_cast %parallel_loop3A_799 : vector<1x1x16xf32> to vector<16xf32>
          %parallel_loop3A_801 = arith.mulf %parallel_loop3A_800, %parallel_loop3A_135 : vector<16xf32>
          %parallel_loop3A_802 = arith.index_cast %rem3A_79 : i32 to index
          %parallel_loop3A_803 = arith.index_cast %parallel_loop3A_120 : i32 to index
          %parallel_loop3A_804 = arith.constant 880 : index
          %parallel_loop3A_805 = tpu.vector_load %arg7[%parallel_loop3A_802, %parallel_loop3A_803, %parallel_loop3A_804] {strides = array<i32>} : memref<3x16x1024xf32, #tpu.memory_space<vmem>>, vector<1x1x16xf32>,
          %parallel_loop3A_806 = vector.shape_cast %parallel_loop3A_805 : vector<1x1x16xf32> to vector<16xf32>
          %parallel_loop3A_807 = vector.shape_cast %parallel_loop3A_801 : vector<16xf32> to vector<1x1x16xf32>
          tpu.vector_store %arg7[%parallel_loop3A_802, %parallel_loop3A_803, %parallel_loop3A_804], %parallel_loop3A_807 {add = true, strides = array<i32>} : memref<3x16x1024xf32, #tpu.memory_space<vmem>>, vector<1x1x16xf32>,
          %parallel_loop3A_808 = arith.index_cast %rem3A_79 : i32 to index
          %parallel_loop3A_809 = arith.index_cast %parallel_loop3A_120 : i32 to index
          %parallel_loop3A_810 = arith.constant 896 : index
          %parallel_loop3A_811 = tpu.vector_load %arg8[%parallel_loop3A_808, %parallel_loop3A_809, %parallel_loop3A_810] {strides = array<i32>} : memref<3x16x1024xf32, #tpu.memory_space<vmem>>, vector<1x1x16xf32>,
          %parallel_loop3A_812 = vector.shape_cast %parallel_loop3A_811 : vector<1x1x16xf32> to vector<16xf32>
          %parallel_loop3A_813 = arith.mulf %parallel_loop3A_812, %parallel_loop3A_135 : vector<16xf32>
          %parallel_loop3A_814 = arith.index_cast %rem3A_79 : i32 to index
          %parallel_loop3A_815 = arith.index_cast %parallel_loop3A_120 : i32 to index
          %parallel_loop3A_816 = arith.constant 896 : index
          %parallel_loop3A_817 = tpu.vector_load %arg7[%parallel_loop3A_814, %parallel_loop3A_815, %parallel_loop3A_816] {strides = array<i32>} : memref<3x16x1024xf32, #tpu.memory_space<vmem>>, vector<1x1x16xf32>,
          %parallel_loop3A_818 = vector.shape_cast %parallel_loop3A_817 : vector<1x1x16xf32> to vector<16xf32>
          %parallel_loop3A_819 = vector.shape_cast %parallel_loop3A_813 : vector<16xf32> to vector<1x1x16xf32>
          tpu.vector_store %arg7[%parallel_loop3A_814, %parallel_loop3A_815, %parallel_loop3A_816], %parallel_loop3A_819 {add = true, strides = array<i32>} : memref<3x16x1024xf32, #tpu.memory_space<vmem>>, vector<1x1x16xf32>,
          %parallel_loop3A_820 = arith.index_cast %rem3A_79 : i32 to index
          %parallel_loop3A_821 = arith.index_cast %parallel_loop3A_120 : i32 to index
          %parallel_loop3A_822 = arith.constant 912 : index
          %parallel_loop3A_823 = tpu.vector_load %arg8[%parallel_loop3A_820, %parallel_loop3A_821, %parallel_loop3A_822] {strides = array<i32>} : memref<3x16x1024xf32, #tpu.memory_space<vmem>>, vector<1x1x16xf32>,
          %parallel_loop3A_824 = vector.shape_cast %parallel_loop3A_823 : vector<1x1x16xf32> to vector<16xf32>
          %parallel_loop3A_825 = arith.mulf %parallel_loop3A_824, %parallel_loop3A_135 : vector<16xf32>
          %parallel_loop3A_826 = arith.index_cast %rem3A_79 : i32 to index
          %parallel_loop3A_827 = arith.index_cast %parallel_loop3A_120 : i32 to index
          %parallel_loop3A_828 = arith.constant 912 : index
          %parallel_loop3A_829 = tpu.vector_load %arg7[%parallel_loop3A_826, %parallel_loop3A_827, %parallel_loop3A_828] {strides = array<i32>} : memref<3x16x1024xf32, #tpu.memory_space<vmem>>, vector<1x1x16xf32>,
          %parallel_loop3A_830 = vector.shape_cast %parallel_loop3A_829 : vector<1x1x16xf32> to vector<16xf32>
          %parallel_loop3A_831 = vector.shape_cast %parallel_loop3A_825 : vector<16xf32> to vector<1x1x16xf32>
          tpu.vector_store %arg7[%parallel_loop3A_826, %parallel_loop3A_827, %parallel_loop3A_828], %parallel_loop3A_831 {add = true, strides = array<i32>} : memref<3x16x1024xf32, #tpu.memory_space<vmem>>, vector<1x1x16xf32>,
          %parallel_loop3A_832 = arith.index_cast %rem3A_79 : i32 to index
          %parallel_loop3A_833 = arith.index_cast %parallel_loop3A_120 : i32 to index
          %parallel_loop3A_834 = arith.constant 928 : index
          %parallel_loop3A_835 = tpu.vector_load %arg8[%parallel_loop3A_832, %parallel_loop3A_833, %parallel_loop3A_834] {strides = array<i32>} : memref<3x16x1024xf32, #tpu.memory_space<vmem>>, vector<1x1x16xf32>,
          %parallel_loop3A_836 = vector.shape_cast %parallel_loop3A_835 : vector<1x1x16xf32> to vector<16xf32>
          %parallel_loop3A_837 = arith.mulf %parallel_loop3A_836, %parallel_loop3A_135 : vector<16xf32>
          %parallel_loop3A_838 = arith.index_cast %rem3A_79 : i32 to index
          %parallel_loop3A_839 = arith.index_cast %parallel_loop3A_120 : i32 to index
          %parallel_loop3A_840 = arith.constant 928 : index
          %parallel_loop3A_841 = tpu.vector_load %arg7[%parallel_loop3A_838, %parallel_loop3A_839, %parallel_loop3A_840] {strides = array<i32>} : memref<3x16x1024xf32, #tpu.memory_space<vmem>>, vector<1x1x16xf32>,
          %parallel_loop3A_842 = vector.shape_cast %parallel_loop3A_841 : vector<1x1x16xf32> to vector<16xf32>
          %parallel_loop3A_843 = vector.shape_cast %parallel_loop3A_837 : vector<16xf32> to vector<1x1x16xf32>
          tpu.vector_store %arg7[%parallel_loop3A_838, %parallel_loop3A_839, %parallel_loop3A_840], %parallel_loop3A_843 {add = true, strides = array<i32>} : memref<3x16x1024xf32, #tpu.memory_space<vmem>>, vector<1x1x16xf32>,
          %parallel_loop3A_844 = arith.index_cast %rem3A_79 : i32 to index
          %parallel_loop3A_845 = arith.index_cast %parallel_loop3A_120 : i32 to index
          %parallel_loop3A_846 = arith.constant 944 : index
          %parallel_loop3A_847 = tpu.vector_load %arg8[%parallel_loop3A_844, %parallel_loop3A_845, %parallel_loop3A_846] {strides = array<i32>} : memref<3x16x1024xf32, #tpu.memory_space<vmem>>, vector<1x1x16xf32>,
          %parallel_loop3A_848 = vector.shape_cast %parallel_loop3A_847 : vector<1x1x16xf32> to vector<16xf32>
          %parallel_loop3A_849 = arith.mulf %parallel_loop3A_848, %parallel_loop3A_135 : vector<16xf32>
          %parallel_loop3A_850 = arith.index_cast %rem3A_79 : i32 to index
          %parallel_loop3A_851 = arith.index_cast %parallel_loop3A_120 : i32 to index
          %parallel_loop3A_852 = arith.constant 944 : index
          %parallel_loop3A_853 = tpu.vector_load %arg7[%parallel_loop3A_850, %parallel_loop3A_851, %parallel_loop3A_852] {strides = array<i32>} : memref<3x16x1024xf32, #tpu.memory_space<vmem>>, vector<1x1x16xf32>,
          %parallel_loop3A_854 = vector.shape_cast %parallel_loop3A_853 : vector<1x1x16xf32> to vector<16xf32>
          %parallel_loop3A_855 = vector.shape_cast %parallel_loop3A_849 : vector<16xf32> to vector<1x1x16xf32>
          tpu.vector_store %arg7[%parallel_loop3A_850, %parallel_loop3A_851, %parallel_loop3A_852], %parallel_loop3A_855 {add = true, strides = array<i32>} : memref<3x16x1024xf32, #tpu.memory_space<vmem>>, vector<1x1x16xf32>,
          %parallel_loop3A_856 = arith.index_cast %rem3A_79 : i32 to index
          %parallel_loop3A_857 = arith.index_cast %parallel_loop3A_120 : i32 to index
          %parallel_loop3A_858 = arith.constant 960 : index
          %parallel_loop3A_859 = tpu.vector_load %arg8[%parallel_loop3A_856, %parallel_loop3A_857, %parallel_loop3A_858] {strides = array<i32>} : memref<3x16x1024xf32, #tpu.memory_space<vmem>>, vector<1x1x16xf32>,
          %parallel_loop3A_860 = vector.shape_cast %parallel_loop3A_859 : vector<1x1x16xf32> to vector<16xf32>
          %parallel_loop3A_861 = arith.mulf %parallel_loop3A_860, %parallel_loop3A_135 : vector<16xf32>
          %parallel_loop3A_862 = arith.index_cast %rem3A_79 : i32 to index
          %parallel_loop3A_863 = arith.index_cast %parallel_loop3A_120 : i32 to index
          %parallel_loop3A_864 = arith.constant 960 : index
          %parallel_loop3A_865 = tpu.vector_load %arg7[%parallel_loop3A_862, %parallel_loop3A_863, %parallel_loop3A_864] {strides = array<i32>} : memref<3x16x1024xf32, #tpu.memory_space<vmem>>, vector<1x1x16xf32>,
          %parallel_loop3A_866 = vector.shape_cast %parallel_loop3A_865 : vector<1x1x16xf32> to vector<16xf32>
          %parallel_loop3A_867 = vector.shape_cast %parallel_loop3A_861 : vector<16xf32> to vector<1x1x16xf32>
          tpu.vector_store %arg7[%parallel_loop3A_862, %parallel_loop3A_863, %parallel_loop3A_864], %parallel_loop3A_867 {add = true, strides = array<i32>} : memref<3x16x1024xf32, #tpu.memory_space<vmem>>, vector<1x1x16xf32>,
          %parallel_loop3A_868 = arith.index_cast %rem3A_79 : i32 to index
          %parallel_loop3A_869 = arith.index_cast %parallel_loop3A_120 : i32 to index
          %parallel_loop3A_870 = arith.constant 976 : index
          %parallel_loop3A_871 = tpu.vector_load %arg8[%parallel_loop3A_868, %parallel_loop3A_869, %parallel_loop3A_870] {strides = array<i32>} : memref<3x16x1024xf32, #tpu.memory_space<vmem>>, vector<1x1x16xf32>,
          %parallel_loop3A_872 = vector.shape_cast %parallel_loop3A_871 : vector<1x1x16xf32> to vector<16xf32>
          %parallel_loop3A_873 = arith.mulf %parallel_loop3A_872, %parallel_loop3A_135 : vector<16xf32>
          %parallel_loop3A_874 = arith.index_cast %rem3A_79 : i32 to index
          %parallel_loop3A_875 = arith.index_cast %parallel_loop3A_120 : i32 to index
          %parallel_loop3A_876 = arith.constant 976 : index
          %parallel_loop3A_877 = tpu.vector_load %arg7[%parallel_loop3A_874, %parallel_loop3A_875, %parallel_loop3A_876] {strides = array<i32>} : memref<3x16x1024xf32, #tpu.memory_space<vmem>>, vector<1x1x16xf32>,
          %parallel_loop3A_878 = vector.shape_cast %parallel_loop3A_877 : vector<1x1x16xf32> to vector<16xf32>
          %parallel_loop3A_879 = vector.shape_cast %parallel_loop3A_873 : vector<16xf32> to vector<1x1x16xf32>
          tpu.vector_store %arg7[%parallel_loop3A_874, %parallel_loop3A_875, %parallel_loop3A_876], %parallel_loop3A_879 {add = true, strides = array<i32>} : memref<3x16x1024xf32, #tpu.memory_space<vmem>>, vector<1x1x16xf32>,
          %parallel_loop3A_880 = arith.index_cast %rem3A_79 : i32 to index
          %parallel_loop3A_881 = arith.index_cast %parallel_loop3A_120 : i32 to index
          %parallel_loop3A_882 = arith.constant 992 : index
          %parallel_loop3A_883 = tpu.vector_load %arg8[%parallel_loop3A_880, %parallel_loop3A_881, %parallel_loop3A_882] {strides = array<i32>} : memref<3x16x1024xf32, #tpu.memory_space<vmem>>, vector<1x1x16xf32>,
          %parallel_loop3A_884 = vector.shape_cast %parallel_loop3A_883 : vector<1x1x16xf32> to vector<16xf32>
          %parallel_loop3A_885 = arith.mulf %parallel_loop3A_884, %parallel_loop3A_135 : vector<16xf32>
          %parallel_loop3A_886 = arith.index_cast %rem3A_79 : i32 to index
          %parallel_loop3A_887 = arith.index_cast %parallel_loop3A_120 : i32 to index
          %parallel_loop3A_888 = arith.constant 992 : index
          %parallel_loop3A_889 = tpu.vector_load %arg7[%parallel_loop3A_886, %parallel_loop3A_887, %parallel_loop3A_888] {strides = array<i32>} : memref<3x16x1024xf32, #tpu.memory_space<vmem>>, vector<1x1x16xf32>,
          %parallel_loop3A_890 = vector.shape_cast %parallel_loop3A_889 : vector<1x1x16xf32> to vector<16xf32>
          %parallel_loop3A_891 = vector.shape_cast %parallel_loop3A_885 : vector<16xf32> to vector<1x1x16xf32>
          tpu.vector_store %arg7[%parallel_loop3A_886, %parallel_loop3A_887, %parallel_loop3A_888], %parallel_loop3A_891 {add = true, strides = array<i32>} : memref<3x16x1024xf32, #tpu.memory_space<vmem>>, vector<1x1x16xf32>,
          %parallel_loop3A_892 = arith.index_cast %rem3A_79 : i32 to index
          %parallel_loop3A_893 = arith.index_cast %parallel_loop3A_120 : i32 to index
          %parallel_loop3A_894 = arith.constant 1008 : index
          %parallel_loop3A_895 = tpu.vector_load %arg8[%parallel_loop3A_892, %parallel_loop3A_893, %parallel_loop3A_894] {strides = array<i32>} : memref<3x16x1024xf32, #tpu.memory_space<vmem>>, vector<1x1x16xf32>,
          %parallel_loop3A_896 = vector.shape_cast %parallel_loop3A_895 : vector<1x1x16xf32> to vector<16xf32>
          %parallel_loop3A_897 = arith.mulf %parallel_loop3A_896, %parallel_loop3A_135 : vector<16xf32>
          %parallel_loop3A_898 = arith.index_cast %rem3A_79 : i32 to index
          %parallel_loop3A_899 = arith.index_cast %parallel_loop3A_120 : i32 to index
          %parallel_loop3A_900 = arith.constant 1008 : index
          %parallel_loop3A_901 = tpu.vector_load %arg7[%parallel_loop3A_898, %parallel_loop3A_899, %parallel_loop3A_900] {strides = array<i32>} : memref<3x16x1024xf32, #tpu.memory_space<vmem>>, vector<1x1x16xf32>,
          %parallel_loop3A_902 = vector.shape_cast %parallel_loop3A_901 : vector<1x1x16xf32> to vector<16xf32>
          %parallel_loop3A_903 = vector.shape_cast %parallel_loop3A_897 : vector<16xf32> to vector<1x1x16xf32>
          tpu.vector_store %arg7[%parallel_loop3A_898, %parallel_loop3A_899, %parallel_loop3A_900], %parallel_loop3A_903 {add = true, strides = array<i32>} : memref<3x16x1024xf32, #tpu.memory_space<vmem>>, vector<1x1x16xf32>,
        } {sc.loop_unroll_factor = 1 : i64, sc.parallel_access}
      } else {
      }
      %dma_start3A_98 = arith.constant 0 : i32
      %dma_start3A_99 = arith.constant 0 : i32
      %dma_start3A_100 = tpu.memref_slice %arg7[%rem3A_54, %dma_start3A_98, %dma_start3A_99] : memref<3x16x1024xf32, #tpu.memory_space<vmem>> -> memref<1x16x1024xf32, #tpu.memory_space<vmem>>
      %dma_start3A_101 = tpu.memref_squeeze %dma_start3A_100 : memref<1x16x1024xf32, #tpu.memory_space<vmem>> -> memref<16x1024xf32, #tpu.memory_space<vmem>>
      %dma_start3A_102 = arith.constant 0 : i32
      %dma_start3A_103 = tpu.memref_slice %arg9[%scan3A_52, %dma_start3A_102] : memref<32x16xi32, #tpu.memory_space<vmem>> -> memref<1x16xi32, #tpu.memory_space<vmem>>
      %dma_start3A_104 = tpu.memref_squeeze %dma_start3A_103 : memref<1x16xi32, #tpu.memory_space<vmem>> -> memref<16xi32, #tpu.memory_space<vmem>>
      %dma_start3A_105 = arith.constant 0 : i32
      %dma_start3A_106 = arith.constant 0 : i32
      %dma_start3A_107 = tpu.memref_slice %arg6[%dma_start3A_105, %dma_start3A_106] : memref<16384x1024xf32, #tpu.memory_space<hbm>> -> memref<16384x1024xf32, #tpu.memory_space<hbm>>
      tpu.enqueue_indirect_dma source(%dma_start3A_101 : memref<16x1024xf32, #tpu.memory_space<vmem>>) target(%dma_start3A_107 : memref<16384x1024xf32, #tpu.memory_space<hbm>>) offsets(%dma_start3A_104 : memref<16xi32, #tpu.memory_space<vmem>>) semaphore(%arg13 : memref<!tpu.dma_semaphore, #tpu.memory_space<semaphore_mem>>)
    }
    %scan3A_24 = arith.constant 32 : i32
    %rem3A_25 = arith.constant 30 : i32
    %rem3A_26 = arith.constant 3 : i32
    %rem3A_27 = arith.remsi %rem3A_25, %rem3A_26 : i32
    %dma_wait3A = arith.constant 30 : i32
    %dma_wait3A_28 = arith.constant 0 : i32
    %dma_wait3A_29 = arith.constant 0 : i32
    %dma_wait3A_30 = tpu.memref_slice %arg7[%rem3A_27, %dma_wait3A_28, %dma_wait3A_29] : memref<3x16x1024xf32, #tpu.memory_space<vmem>> -> memref<1x16x1024xf32, #tpu.memory_space<vmem>>
    %dma_wait3A_31 = tpu.memref_squeeze %dma_wait3A_30 : memref<1x16x1024xf32, #tpu.memory_space<vmem>> -> memref<16x1024xf32, #tpu.memory_space<vmem>>
    %dma_wait3A_32 = arith.constant 0 : i32
    %dma_wait3A_33 = tpu.memref_slice %arg9[%dma_wait3A, %dma_wait3A_32] : memref<32x16xi32, #tpu.memory_space<vmem>> -> memref<1x16xi32, #tpu.memory_space<vmem>>
    %dma_wait3A_34 = tpu.memref_squeeze %dma_wait3A_33 : memref<1x16xi32, #tpu.memory_space<vmem>> -> memref<16xi32, #tpu.memory_space<vmem>>
    %dma_wait3A_35 = arith.constant 0 : i32
    %dma_wait3A_36 = arith.constant 0 : i32
    %dma_wait3A_37 = tpu.memref_slice %arg6[%dma_wait3A_35, %dma_wait3A_36] : memref<16384x1024xf32, #tpu.memory_space<hbm>> -> memref<16384x1024xf32, #tpu.memory_space<hbm>>
    tpu.wait_indirect_dma semaphore(%arg13 : memref<!tpu.dma_semaphore, #tpu.memory_space<semaphore_mem>>) src(%dma_wait3A_31 : memref<16x1024xf32, #tpu.memory_space<vmem>>) dst(%dma_wait3A_37 : memref<16384x1024xf32, #tpu.memory_space<hbm>>)
    %rem3A_38 = arith.constant 31 : i32
    %rem3A_39 = arith.constant 3 : i32
    %rem3A_40 = arith.remsi %rem3A_38, %rem3A_39 : i32
    %dma_wait3A_41 = arith.constant 31 : i32
    %dma_wait3A_42 = arith.constant 0 : i32
    %dma_wait3A_43 = arith.constant 0 : i32
    %dma_wait3A_44 = tpu.memref_slice %arg7[%rem3A_40, %dma_wait3A_42, %dma_wait3A_43] : memref<3x16x1024xf32, #tpu.memory_space<vmem>> -> memref<1x16x1024xf32, #tpu.memory_space<vmem>>
    %dma_wait3A_45 = tpu.memref_squeeze %dma_wait3A_44 : memref<1x16x1024xf32, #tpu.memory_space<vmem>> -> memref<16x1024xf32, #tpu.memory_space<vmem>>
    %dma_wait3A_46 = arith.constant 0 : i32
    %dma_wait3A_47 = tpu.memref_slice %arg9[%dma_wait3A_41, %dma_wait3A_46] : memref<32x16xi32, #tpu.memory_space<vmem>> -> memref<1x16xi32, #tpu.memory_space<vmem>>
    %dma_wait3A_48 = tpu.memref_squeeze %dma_wait3A_47 : memref<1x16xi32, #tpu.memory_space<vmem>> -> memref<16xi32, #tpu.memory_space<vmem>>
    %dma_wait3A_49 = arith.constant 0 : i32
    %dma_wait3A_50 = arith.constant 0 : i32
    %dma_wait3A_51 = tpu.memref_slice %arg6[%dma_wait3A_49, %dma_wait3A_50] : memref<16384x1024xf32, #tpu.memory_space<hbm>> -> memref<16384x1024xf32, #tpu.memory_space<hbm>>
    tpu.wait_indirect_dma semaphore(%arg13 : memref<!tpu.dma_semaphore, #tpu.memory_space<semaphore_mem>>) src(%dma_wait3A_45 : memref<16x1024xf32, #tpu.memory_space<vmem>>) dst(%dma_wait3A_51 : memref<16384x1024xf32, #tpu.memory_space<hbm>>)
    return
  }
}

</mosaic_0001>

<sc_bundles>
// kernel: kernel.3.cloned.1.call-start
scs
__scs_entry_jumppad:
0x0: {  	(pc) =	sbr.rel $0x88, $3  }
0x1: {  	(tag) =	ssettag $0x0;
	lr =	simm.s32 $0x1  }
0x2: {  	[smem:$0x3F9E] =	sst lr;
	_ =	strace $0xD0000000  }
0x3: {  	_ = 	snop  }
0x4: {  	_ = 	snop  }
0x5: {  	_ = 	snop  }
0x6: {  	_ = 	snop  }
0x7: {  	_ = 	snop  }
__scs_overlays_trampoline_lowered:
0x8: {  	[smem:$0x3FAD] =	sst s0  }
0x9: {  	[smem:$0x3FAE] =	sst s1  }
0xa: {  	[smem:$0x3FAF] =	sst s2  }
0xb: {  	[smem:$0x3FB0] =	sst s3  }
0xc: {  	[smem:$0x3FB1] =	sst s4  }
0xd: {  	[smem:$0x3FB2] =	sst s5  }
0xe: {  	[smem:$0x3FB3] =	sst s6  }
0xf: {  	[smem:$0x3FB4] =	sst s7  }
0x10: {  	[smem:$0x3FB5] =	sst s8  }
0x11: {  	[smem:$0x3FB6] =	sst s9;
	s0 =	simm.s32 @!p0 $0x0  }
0x12: {  	s1 =	sld [smem:$0x3F9C];
	s0 =	simm.s32 @p0 $0x1  }
0x13: {  	[smem:$0x3FB7] =	sst s0;
	s0 =	simm.s32 @!p1 $0x0  }
0x14: {  	s2 =	sld [smem:$0x3F9B];
	s0 =	simm.s32 @p1 $0x1  }
0x15: {  	[smem:$0x3FB8] =	sst s0;
	s0 =	simm.s32 @!p2 $0x0  }
0x16: {  	s3 =	sld [smem:$0x3FDB];
	s0 =	simm.s32 @p2 $0x1  }
0x17: {  	s4 =	simm.s32 $0x1BF5;
	[smem:$0x3FBA] =	sst s0  }
0x18: {  	s0 =	sld [smem:$0x3F9D];
	_ =	swait.ge [sflag:s4], $0x0  }
0x19: {  	s7 =	sld [smem:$0x3F9E]  }
0x1a: {  	s8 =	sadd.s32 $0xFFFFE003, lr  }
0x1b: {  	s9 =	sadd.s32 $0xFFFFFEF7, lr;
	s5 =	simm.s32 $0xFFFFFFFF;
	p2 =	slt.u32 s8, $0xFFFFF086  }
0x1c: {  	p1 =	slt.u32 s9, $0xF7A;
	s5 =	simm.s32 @!p2 $0x0  }
0x1d: {  	s5 =	simm.s32 @p1 $0x1;
	p0 =	seq.s32 s7, s2  }
0x1e: {  	s7 =	smul.u32 @!p0 $0xF7A, s2;
	p2 =	seq.s32 @!p0 s5, $0x0  }
0x1f: {  	s9 =	smul.u32 $0xF7A, s1;
	s8 =	simm.s32 @!p0 $0x1BF5;
	p2 =	por !p2, p0  }
0x20: {  	[sflag:s8] =	ssyncset.s32 @!p0 $0xFFFFF086;
	s6 =	sadd.s32 @!p0 s3, s7;
	s7 =	simm.s32 @!p0 $0x108  }
0x21: {  	s3 =	sadd.s32 s3, s9;
	s6 =	sadd.s32 @!p0 $0x88, s6;
	s7 =	simm.s32 @p2 $0x1082  }
0x22: {  	[simem:s7], [sflag:s8] =	dma.local @!p0 [hbm:s6], $0xF7A  }
0x23: {  	s9 =	sor.u32 $0xD0000000, s2;
	s6 =	simm.s32 $0x108;
	_ =	swait.ge @!p0 [sflag:s8], $0x0  }
0x24: {  	s3 =	sadd.s32 $0x88, s3;
	s6 =	simm.s32 @!p1 $0x1082;
	[sflag:s4] =	ssyncset.s32 $0xFFFFF086  }
0x25: {  	[simem:s6], [sflag:s4] =	dma.local [hbm:s3], $0xF7A  }
0x26: {  	[smem:$0x3F9E] =	sst s1;
	(tag) =	ssettag s2;
	_ =	strace s9  }
0x27: {  	s1 =	sld [smem:$0x3FAE]  }
0x28: {  	s2 =	sld [smem:$0x3FAF]  }
0x29: {  	s4 =	sld [smem:$0x3FB1]  }
0x2a: {  	p0 =	seq.s32 s5, $0x0;
	s5 =	sld [smem:$0x3FB2]  }
0x2b: {  	s6 =	sld [smem:$0x3FB3]  }
0x2c: {  	s7 =	sld [smem:$0x3FB4]  }
0x2d: {  	s3 =	simm.s32 $0x108;
	s8 =	sld [smem:$0x3FB5]  }
0x2e: {  	s3 =	simm.s32 @!p0 $0x1082;
	s9 =	sld [smem:$0x3FB6]  }
0x2f: {  	lr =	sadd.s32 s0, s3;
	s0 =	sld [smem:$0x3FAD]  }
0x30: {  	s3 =	sld [smem:$0x3FB0]  }
0x31: {  	[smem:$0x3FB9] =	sst s10  }
0x32: {  	s10 =	sld [smem:$0x3FB7];
	_ =	sdelay $0x3  }
0x33: {  	p0 =	seq.s32 s10, $0x1;
	s10 =	sld [smem:$0x3FB9];
	_ =	sdelay $0x3  }
0x34: {  	[smem:$0x3FB9] =	sst s10  }
0x35: {  	s10 =	sld [smem:$0x3FB8];
	_ =	sdelay $0x3  }
0x36: {  	p1 =	seq.s32 s10, $0x1;
	s10 =	sld [smem:$0x3FB9];
	_ =	sdelay $0x3  }
0x37: {  	[smem:$0x3FB9] =	sst s10  }
0x38: {  	s10 =	sld [smem:$0x3FBA]  }
0x39: {  	_ = 	snop;
	(pc) =	sbr.ind lr, $3  }
0x3a: {  	_ = 	snop  }
0x3b: {  	_ = 	snop  }
0x3c: {  	p2 =	seq.s32 s10, $0x1;
	s10 =	sld [smem:$0x3FB9]  }
0x3d: {  	_ =	shalt  }
0x3e: {  	_ =	shalt  }
0x3f: {  	_ =	shalt  }
0x40: {  	_ =	shalt  }
0x41: {  	_ =	shalt  }
0x42: {  	_ =	shalt  }
0x43: {  	_ =	shalt  }
0x44: {  	_ =	shalt  }
0x45: {  	_ =	shalt  }
0x46: {  	_ =	shalt  }
0x47: {  	_ =	shalt  }
0x48: {  	_ =	shalt  }
0x49: {  	_ =	shalt  }
0x4a: {  	_ =	shalt  }
0x4b: {  	_ =	shalt  }
0x4c: {  	_ =	shalt  }
0x4d: {  	_ =	shalt  }
0x4e: {  	_ =	shalt  }
0x4f: {  	_ =	shalt  }
0x50: {  	_ =	shalt  }
0x51: {  	_ =	shalt  }
0x52: {  	_ =	shalt  }
0x53: {  	_ =	shalt  }
0x54: {  	_ =	shalt  }
0x55: {  	_ =	shalt  }
0x56: {  	_ =	shalt  }
0x57: {  	_ =	shalt  }
0x58: {  	_ =	shalt  }
0x59: {  	_ =	shalt  }
0x5a: {  	_ =	shalt  }
0x5b: {  	_ =	shalt  }
0x5c: {  	_ =	shalt  }
0x5d: {  	_ =	shalt  }
0x5e: {  	_ =	shalt  }
0x5f: {  	_ =	shalt  }
0x60: {  	_ =	shalt  }
0x61: {  	_ =	shalt  }
0x62: {  	_ =	shalt  }
0x63: {  	_ =	shalt  }
0x64: {  	_ =	shalt  }
0x65: {  	_ =	shalt  }
0x66: {  	_ =	shalt  }
0x67: {  	_ =	shalt  }
0x68: {  	_ =	shalt  }
0x69: {  	_ =	shalt  }
0x6a: {  	_ =	shalt  }
0x6b: {  	_ =	shalt  }
0x6c: {  	_ =	shalt  }
0x6d: {  	_ =	shalt  }
0x6e: {  	_ =	shalt  }
0x6f: {  	_ =	shalt  }
0x70: {  	_ =	shalt  }
0x71: {  	_ =	shalt  }
0x72: {  	_ =	shalt  }
0x73: {  	_ =	shalt  }
0x74: {  	_ =	shalt  }
0x75: {  	_ =	shalt  }
0x76: {  	_ =	shalt  }
0x77: {  	_ =	shalt  }
0x78: {  	_ =	shalt  }
0x79: {  	_ =	shalt  }
0x7a: {  	_ =	shalt  }
0x7b: {  	_ =	shalt  }
0x7c: {  	_ =	shalt  }
0x7d: {  	_ =	shalt  }
0x7e: {  	_ =	shalt  }
0x7f: {  	_ =	shalt  }
0x80: {  	_ =	shalt  }
0x81: {  	_ =	shalt  }
0x82: {  	_ =	shalt  }
0x83: {  	_ =	shalt  }
0x84: {  	_ =	shalt  }
0x85: {  	_ =	shalt  }
0x86: {  	_ =	shalt  }
0x87: {  	_ =	shalt  }
.Lfunc_end0:
.L_simem_size_0:
called_computation_lowered:
.L_overlay_start_0:
0x88: {  	s2 =	sld [smem:$0x3FD9]  }
0x89: {  	s3 =	sld [smem:$0x3FFE];
	_ =	sdelay $0x1  }
0x8a: {  	s1 =	srdreg.scid  }
0x8b: {  	s0 =	sand.u32 $0x1, s1  }
0x8c: {  	s17 =	sshll.u32 s0, $0xA;
	s2 =	sadd.s32 s3, s2  }
0x8d: {  	s2 =	sadd.s32 s2, s17  }
0x8e: {  	[smem:$0x3FC5] =	sst s2  }
0x8f: {  	_ = 	snop  }
0x90: {  	s2 =	sld [smem:$0x3FC9]  }
0x91: {  	s18 =	sld [smem:$0x3FC8]  }
0x92: {  	s4 =	sld [smem:$0x3FD0];
	(tm) =	ssettm $0x1  }
0x93: {  	s5 =	sld [smem:$0x3FFB];
	_ =	sdelay $0x3  }
0x94: {  	_ =	strace s5  }
0x95: {  	s5 =	sld [smem:$0x3FFC];
	_ =	sdelay $0x3  }
0x96: {  	_ =	strace s5  }
0x97: {  	s5 =	sld [smem:$0x3FFD];
	_ =	sdelay $0x3  }
0x98: {  	_ =	strace s5  }
0x99: {  	_ =	strace $0x8FFFFFFF  }
0x9a: {  	s19 =	sld [smem:$0x3FDB];
	_ =	sdelay $0x1  }
0x9b: {  	s6 =	simm.s32 $_scs_section_size  }
0x9c: {  	s7 =	simm.s32 $_size__tile_overlayer_lowered;
	s8 =	simm.s32 $_tile_overlayer_lowered  }
0x9d: {  	s22 =	simm.s32 $0x1BFF;
	s21 =	sshll.u32 s8, $0x1;
	s5 =	sadd.s32 s6, s19  }
0x9e: {  	s9 =	simm.s32 $0x0;
	s20 =	sshll.u32 s7, $0x1;
	s7 =	sadd.s32 s21, s5  }
0x9f: {  	[timem:s9], [sflag:s22] =	dma.local [hbm:s7], s20  }
0xa0: {  	_ =	swait.ge [sflag:s22], s20  }
0xa1: {  	s6 =	ssub.s32 $0x0, s20;
	[sflag:s22] =	ssyncset.done $0x0  }
0xa2: {  	[sflag:s22] =	ssyncadd.s32 s6;
	_ =	sdelay $0x1  }
0xa3: {  	s23 =	simm.s32 $0x1B8B  }
0xa4: {  	_ =	swait.ge [sflag:s23], $0x1  }
0xa5: {  	[sflag:s23] =	ssyncset.done $0x0  }
0xa6: {  	s25 =	simm.s32 $0x1B8E;
	s24 =	sld [smem:$0x3FFE];
	[sflag:s23] =	ssyncadd.s32 $0xFFFFFFFF  }
0xa7: {  	s26 =	simm.s32 $execute0_lowered;
	[smem:$0x3FD2] =	sst s25  }
0xa8: {  	s7 =	sshll.u32 s26, $0x1;
	_ =	strace $0x80000046;
	[dreg:$0x1] =	wrdreg $0xFFFFFFFF  }
0xa9: {  	s28 =	simm.s32 $_size_execute0_lowered;
	s5 =	sadd.s32 s5, s7;
	[dreg:$0x0] =	wrdreg $0x0  }
0xaa: {  	s7 =	sshll.u32 s28, $0x1;
	[dreg:$0x2] =	wrdreg s5  }
0xab: {  	[dreg:$0x3] =	wrdreg s7  }
0xac: {  	[dreg:$0x4] =	wrdreg $0xC0  }
0xad: {  	_ =	task [dreg:s9], $0x5FFFF  }
0xae: {  	[dreg:$0x1] =	wrdreg $0xFFFFFFFF  }
0xaf: {  	[dreg:$0x0] =	wrdreg $0x60  }
0xb0: {  	[dreg:$0x2] =	wrdreg s2  }
0xb1: {  	[dreg:$0x3] =	wrdreg s18  }
0xb2: {  	[dreg:$0x4] =	wrdreg s24  }
0xb3: {  	[dreg:$0x5] =	wrdreg s4  }
0xb4: {  	[dreg:$0x6] =	wrdreg $0x9  }
0xb5: {  	_ =	task.clear_ibuf [dreg:s9], $0x7FFFF;
	_ =	strace $0x90000046  }
0xb6: {  	s29 =	simm.s32 $0x9;
	_ =	strace $0x80000048  }
0xb7: {  	_ =	swait.ge [sflag:s29], $0x1  }
0xb8: {  	[sflag:s29] =	ssyncadd.s32 $0xFFFFFFFF  }
0xb9: {  	_ =	strace $0x90000048  }
0xba: {  	_ =	sfence  }
0xbb: {  	s30 =	sld [smem:$0x0];
	_ =	sdelay $0x2  }
0xbc: {  	s31 =	sshll.u32 s1, $0xD;
	s1 =	sshrl.u32 s1, $0x2  }
0xbd: {  	s3 =	sand.u32 $0x4000, s31;
	s1 =	sadd.s32 s1, s30  }
0xbe: {  	s0 =	sor.u32 s3, s0;
	s1 =	sshll.u32 s1, $0x11  }
0xbf: {  	s0 =	sor.u32 s1, s0  }
0xc0: {  	s0 =	sadd.s32 $0x8F2B, s0  }
0xc1: {  	[sflag:s0] =	ssyncadd.remote.s32 $0x1  }
0xc2: {  	_ =	sfence.sel $0xFFFF  }
0xc3: {  	[dreg:$0x0] =	wrdreg $0xFFFFFFFF;
	(pc) =	sbr.abs _section_cstart, $3  }
0xc4: {  	[dreg:$0x1] =	wrdreg $0xFFFFFFFF  }
0xc5: {  	_ =	task.clear_ibuf [dreg:s9], $0x2FFFF;
	_ =	strace $0x9FFFFFFF  }
0xc6: {  	(tm) =	ssettm $0x7FFFFFFF  }
0xc7: {  	_ =	shalt  }
tec
execute0_lowered:
.L_overlay_start_1:
0x0: {  	(tag) =	ssettag $0x1  }
0x1: {  	s1 =	rddreg [dreg:$0x0]  }
0x2: {  	s2 =	rddreg [dreg:$0x1]  }
0x3: {  	s0 =	rddreg [dreg:$0x2]  }
0x4: {  	s4 =	rddreg [dreg:$0x3];
	s3 =	srdreg.scid  }
0x5: {  	s6 =	stileid.u32;
	s5 =	simm.s32 $0x0;
	s29 =	simm.s32 $0x1  }
0x6: {  	s30 =	simm.s32 $0x2;
	s31 =	simm.s32 $0x3;
	s3 =	sand.u32 $0x1, s3  }
0x7: {  	s6 =	sshll.u32 s6, $0x1;
	[smem:$0x7FF] =	sst s5;
	s9 =	sadd.s32 $0x200, s1  }
0x8: {  	s10 =	sadd.s32 $0x300, s1;
	s11 =	sadd.s32 $0x100, s2;
	s12 =	sadd.s32 $0x200, s2  }
0x9: {  	s13 =	sadd.s32 $0x300, s2;
	s14 =	sadd.s32 $0x100, s4;
	s15 =	sadd.s32 $0x200, s4  }
0xa: {  	s6 =	sor.u32 s3, s6;
	_ =	strace $0x80000047;
	s3 =	ssub.s32 $0x2, s3  }
.Ltmp0:
0xb: {  	s7 =	sshll.u32 s6, $0x4;
	s6 =	sshll.u32 s6, $0x9;
	(pc) =	sbr.rel .LBB2_1-.Ltmp0, $4  }
0xc: {  	s8 =	sshrl.u32 s3, $0x1;
	s7 =	sadd.s32 s7, s0;
	s0 =	sadd.s32 s0, s6  }
0xd: {  	v2 =	vlaneseq.u32;
	vm0 =	vmmov $0xffff;
	s3 =	ssub.s32 s3, s8;
	[dreg:$0x5] =	wrdreg s0;
	s26 =	sadd.s32 $0x4000, s7  }
0xe: {  	v3 =	vimm.s32 $0x0;
	v4 =	vimm.f32 $0.0e+00;
	s16 =	sadd.s32 $0x300, s4;
	v1 =	vshrl.u32 v2, $0x3;
	s28 =	smax.u32 s3, $0x1;
	[dreg:$0x6] =	wrdreg s26  }
0xf: {  	v0 =	vand.u32 $0x7, v2;
	v2 =	vor.u32 $0x8, v2;
	v1 =	vmul.u32 $0x8, v1;
	s8 =	sadd.s32 $0x100, s1;
	s0 =	simm.s32 $0x0;
	[dreg:$0x7] =	wrdreg s28  }
.LBB2_13:
0x10: {  	_ =	swait.ge [sflag:s31], $0x4000  }
0x11: {  	[sflag:s31] =	ssyncset.done $0x0  }
0x12: {  	[sflag:s31] =	ssyncadd.s32 $0xFFFFC000  }
0x13: {  	_ =	swait.ge [sflag:s31], $0x4000  }
0x14: {  	s0 =	sadd.s32 $0x1, s0;
	s3 =	rddreg [dreg:$0x7]  }
0x15: {  	p0 =	sne.s32 s0, s3  }
.Ltmp1:
0x16: {  	_ = 	snop;
	(pc) =	sbr.rel @!p0 .LBB2_14-.Ltmp1, $3  }
0x17: {  	_ =	sdelay $0x1  }
0x18: {  	[sflag:s31] =	ssyncset.done $0x0  }
0x19: {  	[sflag:s31] =	ssyncadd.s32 $0xFFFFC000  }
.LBB2_1:
0x1a: {  	s3 =	rddreg [dreg:$0x5];
	s6 =	simm.s32 $0x18000;
	s19 =	simm.s32 $0x4  }
0x1b: {  	[tilespmem:s6], [sflag:$0x4] =	stream.linear.gather [hbm4b:s3+s5], $0x1000, $0x38;
	[tilespmem:$0x19080] =	vst v63  }
0x1c: {  	_ =	swait.ge [sflag:s19], $0x1000  }
0x1d: {  	[sflag:s19] =	ssyncset.done $0x0  }
0x1e: {  	s7 =	simm.s32 $0x19000;
	s20 =	rddreg [dreg:$0x6];
	[sflag:s19] =	ssyncadd.s32 $0xFFFFF000  }
0x1f: {  	[tilespmem:s7], [sflag:$0x4] =	stream.linear.gather [hbm4b:s20+s5], $0x80, $0x38;
	[tilespmem:$0x19080] =	vst v63  }
0x20: {  	_ =	swait.ge [sflag:s19], $0x80  }
0x21: {  	[sflag:s19] =	ssyncset.done $0x0  }
0x22: {  	[sflag:s19] =	ssyncadd.s32 $0xFFFFFF80  }
0x23: {  	v5 =	vld [tilespmem:$0x18000];
	_ =	sdelay $0x4  }
0x24: {  	v6 =	vshll.u32 v5, $0x3  }
0x25: {  	v5 =	vand.u32 $0x7, v5;
	v6 =	vand.u32 $0xFFFFFFC0, v6  }
0x26: {  	v6 =	vor.u32 v5, v6  }
0x27: {  	v5 =	vld [tilespmem:$0x19000];
	v7 =	vperm.xlane v6, v0;
	_ =	sdelay $0x1  }
0x28: {  	v7 =	vadd.s32 v1, v7;
	_ =	sdelay $0x2  }
0x29: {  	(v2sf) =	vpush v5, $0x0;
	_ =	sdelay $0x1  }
0x2a: {  	[tilespmem:s5], [sflag:$0x1] =	stream.indirect_vreg.gather [hbm4b:s1+s5], $0x80, v7, vm0, $0xb8;
	[tilespmem:$0x19080] =	vst v63  }
0x2b: {  	s21 =	simm.s32 $0x800;
	v6 =	vperm.xlane v6, v2  }
0x2c: {  	[tilespmem:s21], [sflag:$0x1] =	stream.indirect_vreg.gather [hbm4b:s8+s5], $0x80, v7, vm0, $0xb8;
	[tilespmem:$0x19080] =	vst v63  }
0x2d: {  	s22 =	simm.s32 $0x1000;
	v6 =	vadd.s32 v1, v6  }
0x2e: {  	[tilespmem:s22], [sflag:$0x1] =	stream.indirect_vreg.gather [hbm4b:s9+s5], $0x80, v7, vm0, $0xb8;
	[tilespmem:$0x19080] =	vst v63  }
0x2f: {  	s23 =	simm.s32 $0x1800  }
0x30: {  	[tilespmem:s23], [sflag:$0x1] =	stream.indirect_vreg.gather [hbm4b:s10+s5], $0x80, v7, vm0, $0xb8;
	[tilespmem:$0x19080] =	vst v63  }
0x31: {  	s24 =	simm.s32 $0x2000  }
0x32: {  	[tilespmem:s24], [sflag:$0x1] =	stream.indirect_vreg.gather [hbm4b:s1+s5], $0x80, v6, vm0, $0xb8;
	[tilespmem:$0x19080] =	vst v63  }
0x33: {  	s25 =	simm.s32 $0x2800  }
0x34: {  	[tilespmem:s25], [sflag:$0x1] =	stream.indirect_vreg.gather [hbm4b:s8+s5], $0x80, v6, vm0, $0xb8;
	[tilespmem:$0x19080] =	vst v63  }
0x35: {  	s26 =	simm.s32 $0x3000  }
0x36: {  	[tilespmem:s26], [sflag:$0x1] =	stream.indirect_vreg.gather [hbm4b:s9+s5], $0x80, v6, vm0, $0xb8;
	[tilespmem:$0x19080] =	vst v63  }
0x37: {  	s3 =	spop (v2sf)  }
0x38: {  	s28 =	simm.s32 $0x3800;
	p0 =	slt.s32 s3, $0x1  }
0x39: {  	[tilespmem:s28], [sflag:$0x1] =	stream.indirect_vreg.gather [hbm4b:s10+s5], $0x80, v6, vm0, $0xb8;
	[tilespmem:$0x19080] =	vst v63  }
0x3a: {  	v6 =	vld @!p0 [tilespmem:$0x18000];
	_ =	sdelay $0x4  }
0x3b: {  	v7 =	vshll.u32 @!p0 v6, $0x3  }
0x3c: {  	v8 =	vlaneseq.u32 @!p0;
	v6 =	vand.u32 @!p0 $0x7, v6;
	v7 =	vand.u32 @!p0 $0xFFFFFFC0, v7  }
0x3d: {  	v9 =	vshrl.u32 @!p0 v8, $0x3;
	v6 =	vor.u32 @!p0 v6, v7;
	v7 =	vand.u32 @!p0 $0x7, v8  }
0x3e: {  	v9 =	vmul.u32 @!p0 $0x8, v9;
	v7 =	vperm.xlane @!p0 v6, v7;
	_ =	sdelay $0x1  }
0x3f: {  	v7 =	vadd.s32 @!p0 v9, v7;
	_ =	sdelay $0x3  }
0x40: {  	vm1 =	vmmov @!p0 $0xffff;
	s6 =	simm.s32 @!p0 $0x0;
	s18 =	simm.s32 @!p0 $0xC000  }
0x41: {  	v8 =	vor.u32 @!p0 $0x8, v8;
	[tilespmem:s18], [sflag:$0x2] =	stream.indirect_vreg.gather @!p0 [hbm4b:s2+s6], $0x80, v7, vm1, $0xb8;
	[tilespmem:$0x19080] =	vst v63  }
0x42: {  	v6 =	vperm.xlane @!p0 v6, v8;
	s18 =	simm.s32 @!p0 $0xC800  }
0x43: {  	[tilespmem:s18], [sflag:$0x2] =	stream.indirect_vreg.gather @!p0 [hbm4b:s11+s6], $0x80, v7, vm1, $0xb8;
	[tilespmem:$0x19080] =	vst v63  }
0x44: {  	v6 =	vadd.s32 @!p0 v9, v6;
	s18 =	simm.s32 @!p0 $0xD000  }
0x45: {  	[tilespmem:s18], [sflag:$0x2] =	stream.indirect_vreg.gather @!p0 [hbm4b:s12+s6], $0x80, v7, vm1, $0xb8;
	[tilespmem:$0x19080] =	vst v63  }
0x46: {  	s18 =	simm.s32 @!p0 $0xD800  }
0x47: {  	[tilespmem:s18], [sflag:$0x2] =	stream.indirect_vreg.gather @!p0 [hbm4b:s13+s6], $0x80, v7, vm1, $0xb8;
	[tilespmem:$0x19080] =	vst v63  }
0x48: {  	s18 =	simm.s32 @!p0 $0xE000  }
0x49: {  	[tilespmem:s18], [sflag:$0x2] =	stream.indirect_vreg.gather @!p0 [hbm4b:s2+s6], $0x80, v6, vm1, $0xb8;
	[tilespmem:$0x19080] =	vst v63  }
0x4a: {  	s18 =	simm.s32 @!p0 $0xE800  }
0x4b: {  	[tilespmem:s18], [sflag:$0x2] =	stream.indirect_vreg.gather @!p0 [hbm4b:s11+s6], $0x80, v6, vm1, $0xb8;
	[tilespmem:$0x19080] =	vst v63  }
.Ltmp2:
0x4c: {  	_ = 	snop;
	(pc) =	sbr.rel .LBB2_2-.Ltmp2, $4  }
0x4d: {  	s18 =	simm.s32 @!p0 $0xF000  }
0x4e: {  	[tilespmem:s18], [sflag:$0x2] =	stream.indirect_vreg.gather @!p0 [hbm4b:s12+s6], $0x80, v6, vm1, $0xb8;
	[tilespmem:$0x19080] =	vst v63  }
0x4f: {  	s20 =	simm.s32 $0x0;
	s18 =	simm.s32 @!p0 $0xF800  }
0x50: {  	[tilespmem:s18], [sflag:$0x2] =	stream.indirect_vreg.gather @!p0 [hbm4b:s13+s6], $0x80, v6, vm1, $0xb8;
	[tilespmem:$0x19080] =	vst v63  }
.LBB2_12:
0x51: {  	s6 =	sshll.u32 s18, $0x7  }
0x52: {  	s6 =	sand.u32 $0x3FFFFF80, s6  }
0x53: {  	v6 =	vld [tilespmem:s6+$0x18000];
	_ =	sdelay $0x4  }
0x54: {  	v7 =	vshll.u32 v6, $0x3  }
0x55: {  	v6 =	vand.u32 $0x7, v6;
	v7 =	vand.u32 $0xFFFFFFC0, v7  }
0x56: {  	v6 =	vor.u32 v6, v7  }
0x57: {  	v7 =	vperm.xlane v6, v0;
	_ =	sdelay $0x1  }
0x58: {  	v7 =	vadd.s32 v1, v7;
	_ =	sdelay $0x4  }
0x59: {  	[hbm4b:s4+s5] =	stream.indirect_vreg.scatter [tilespmem:s21], [sflag:$0x3], $0x80, v7, vm0, $0xb8;
	[tilespmem:$0x19080] =	vst v63  }
0x5a: {  	s19 =	sadd.s32 $0x800, s21;
	v6 =	vperm.xlane v6, v2  }
0x5b: {  	[hbm4b:s14+s5] =	stream.indirect_vreg.scatter [tilespmem:s19], [sflag:$0x3], $0x80, v7, vm0, $0xb8;
	[tilespmem:$0x19080] =	vst v63  }
0x5c: {  	s22 =	sadd.s32 $0x1000, s21;
	v6 =	vadd.s32 v1, v6  }
0x5d: {  	[hbm4b:s15+s5] =	stream.indirect_vreg.scatter [tilespmem:s22], [sflag:$0x3], $0x80, v7, vm0, $0xb8;
	[tilespmem:$0x19080] =	vst v63  }
0x5e: {  	s23 =	sadd.s32 $0x1800, s21  }
0x5f: {  	[hbm4b:s16+s5] =	stream.indirect_vreg.scatter [tilespmem:s23], [sflag:$0x3], $0x80, v7, vm0, $0xb8;
	[tilespmem:$0x19080] =	vst v63  }
0x60: {  	s24 =	sadd.s32 $0x2000, s21  }
0x61: {  	[hbm4b:s4+s5] =	stream.indirect_vreg.scatter [tilespmem:s24], [sflag:$0x3], $0x80, v6, vm0, $0xb8;
	[tilespmem:$0x19080] =	vst v63  }
0x62: {  	s25 =	sadd.s32 $0x2800, s21;
	p0 =	slt.u32 s20, $0x20  }
0x63: {  	[hbm4b:s14+s5] =	stream.indirect_vreg.scatter [tilespmem:s25], [sflag:$0x3], $0x80, v6, vm0, $0xb8;
	[tilespmem:$0x19080] =	vst v63  }
.Ltmp3:
0x64: {  	_ = 	snop;
	(pc) =	sbr.rel @!p0 .LBB2_13-.Ltmp3, $4  }
0x65: {  	s26 =	sadd.s32 $0x3000, s21  }
0x66: {  	[hbm4b:s15+s5] =	stream.indirect_vreg.scatter [tilespmem:s26], [sflag:$0x3], $0x80, v6, vm0, $0xb8;
	[tilespmem:$0x19080] =	vst v63  }
0x67: {  	s28 =	sadd.s32 $0x3800, s21  }
0x68: {  	[hbm4b:s16+s5] =	stream.indirect_vreg.scatter [tilespmem:s28], [sflag:$0x3], $0x80, v6, vm0, $0xb8;
	[tilespmem:$0x19080] =	vst v63  }
.LBB2_2:
0x69: {  	p0 =	slt.u32 s20, $0x2  }
0x6a: {  	p1 =	seq.s32 @!p0 s20, $0x1F  }
0x6b: {  	p1 =	por p0, !p1  }
.Ltmp4:
0x6c: {  	_ = 	snop;
	(pc) =	sbr.rel @!p1 .LBB2_4-.Ltmp4, $4  }
0x6d: {  	s6 =	simm.s32 @!p0 $0x3  }
0x6e: {  	_ =	swait.ge @!p0 [sflag:s6], $0x4000  }
0x6f: {  	[sflag:s6] =	ssyncset.done @!p0 $0x0  }
0x70: {  	s18 =	smov.u32 s20;
	s20 =	simm.s32 @!p0 $0x20;
	[sflag:s6] =	ssyncadd.s32 @!p0 $0xFFFFC000  }
0x71: {  	s20 =	sadd.s32 $0x1, s18  }
0x72: {  	s6 =	sshll.u32 s20, $0x9  }
0x73: {  	s21 =	sshrl.u32 s6, $0x2  }
0x74: {  	v6 =	vld [tilespmem:s21+$0x18000];
	_ =	sdelay $0x4  }
0x75: {  	v7 =	vshll.u32 v6, $0x3  }
0x76: {  	s7 =	smul.u32 $0xAB, s20;
	v6 =	vand.u32 $0x7, v6;
	v7 =	vand.u32 $0xFFFFFFC0, v7  }
0x77: {  	v6 =	vor.u32 v6, v7  }
0x78: {  	s21 =	sshrl.u32 s7, $0x9;
	v7 =	vperm.xlane v6, v0  }
0x79: {  	s21 =	sand.u32 $0x7F, s21  }
0x7a: {  	s21 =	smul.u32 $0x3, s21;
	v7 =	vadd.s32 v1, v7;
	_ =	sdelay $0x1  }
0x7b: {  	s21 =	ssub.s32 s20, s21  }
0x7c: {  	s21 =	sand.u32 $0xFF, s21  }
0x7d: {  	s21 =	sshll.u32 s21, $0xE  }
0x7e: {  	[tilespmem:s21], [sflag:$0x1] =	stream.indirect_vreg.gather [hbm4b:s1+s5], $0x80, v7, vm0, $0xb8;
	[tilespmem:$0x19080] =	vst v63  }
0x7f: {  	s22 =	sor.u32 $0x800, s21;
	v6 =	vperm.xlane v6, v2  }
0x80: {  	[tilespmem:s22], [sflag:$0x1] =	stream.indirect_vreg.gather [hbm4b:s8+s5], $0x80, v7, vm0, $0xb8;
	[tilespmem:$0x19080] =	vst v63  }
0x81: {  	s17 =	sor.u32 $0x1000, s21;
	v6 =	vadd.s32 v1, v6  }
0x82: {  	[tilespmem:s17], [sflag:$0x1] =	stream.indirect_vreg.gather [hbm4b:s9+s5], $0x80, v7, vm0, $0xb8;
	[tilespmem:$0x19080] =	vst v63  }
0x83: {  	s19 =	sor.u32 $0x1800, s21  }
0x84: {  	[tilespmem:s19], [sflag:$0x1] =	stream.indirect_vreg.gather [hbm4b:s10+s5], $0x80, v7, vm0, $0xb8;
	[tilespmem:$0x19080] =	vst v63  }
0x85: {  	s23 =	sor.u32 $0x2000, s21  }
0x86: {  	[tilespmem:s23], [sflag:$0x1] =	stream.indirect_vreg.gather [hbm4b:s1+s5], $0x80, v6, vm0, $0xb8;
	[tilespmem:$0x19080] =	vst v63  }
0x87: {  	s28 =	sshll.u32 s20, $0x4;
	s24 =	sor.u32 $0x2800, s21  }
0x88: {  	[tilespmem:s24], [sflag:$0x1] =	stream.indirect_vreg.gather [hbm4b:s8+s5], $0x80, v6, vm0, $0xb8;
	[tilespmem:$0x19080] =	vst v63  }
0x89: {  	p0 =	sge.s32 s28, s3;
	s25 =	sor.u32 $0x3000, s21  }
0x8a: {  	[tilespmem:s25], [sflag:$0x1] =	stream.indirect_vreg.gather [hbm4b:s9+s5], $0x80, v6, vm0, $0xb8;
	[tilespmem:$0x19080] =	vst v63  }
0x8b: {  	s6 =	sshrl.u32 @!p0 s6, $0x2;
	s26 =	sor.u32 $0x3800, s21  }
0x8c: {  	[tilespmem:s26], [sflag:$0x1] =	stream.indirect_vreg.gather [hbm4b:s10+s5], $0x80, v6, vm0, $0xb8;
	[tilespmem:$0x19080] =	vst v63  }
0x8d: {  	v6 =	vld @!p0 [tilespmem:s6+$0x18000];
	_ =	sdelay $0x4  }
0x8e: {  	v7 =	vshll.u32 @!p0 v6, $0x3  }
0x8f: {  	v8 =	vlaneseq.u32 @!p0;
	v6 =	vand.u32 @!p0 $0x7, v6;
	v7 =	vand.u32 @!p0 $0xFFFFFFC0, v7  }
0x90: {  	v9 =	vshrl.u32 @!p0 v8, $0x3;
	v6 =	vor.u32 @!p0 v6, v7;
	v7 =	vand.u32 @!p0 $0x7, v8  }
0x91: {  	v9 =	vmul.u32 @!p0 $0x8, v9;
	v7 =	vperm.xlane @!p0 v6, v7;
	_ =	sdelay $0x1  }
0x92: {  	v7 =	vadd.s32 @!p0 v9, v7;
	_ =	sdelay $0x3  }
0x93: {  	vm1 =	vmmov @!p0 $0xffff;
	s22 =	simm.s32 @!p0 $0x0;
	s6 =	sadd.s32 @!p0 $0xC000, s21  }
0x94: {  	v8 =	vor.u32 @!p0 $0x8, v8;
	[tilespmem:s6], [sflag:$0x2] =	stream.indirect_vreg.gather @!p0 [hbm4b:s2+s22], $0x80, v7, vm1, $0xb8;
	[tilespmem:$0x19080] =	vst v63  }
0x95: {  	v6 =	vperm.xlane @!p0 v6, v8;
	s6 =	sadd.s32 @!p0 $0xC800, s21  }
0x96: {  	[tilespmem:s6], [sflag:$0x2] =	stream.indirect_vreg.gather @!p0 [hbm4b:s11+s22], $0x80, v7, vm1, $0xb8;
	[tilespmem:$0x19080] =	vst v63  }
0x97: {  	v6 =	vadd.s32 @!p0 v9, v6;
	s6 =	sadd.s32 @!p0 $0xD000, s21  }
0x98: {  	[tilespmem:s6], [sflag:$0x2] =	stream.indirect_vreg.gather @!p0 [hbm4b:s12+s22], $0x80, v7, vm1, $0xb8;
	[tilespmem:$0x19080] =	vst v63  }
0x99: {  	s6 =	sadd.s32 @!p0 $0xD800, s21  }
0x9a: {  	[tilespmem:s6], [sflag:$0x2] =	stream.indirect_vreg.gather @!p0 [hbm4b:s13+s22], $0x80, v7, vm1, $0xb8;
	[tilespmem:$0x19080] =	vst v63  }
0x9b: {  	s6 =	sadd.s32 @!p0 $0xE000, s21  }
0x9c: {  	[tilespmem:s6], [sflag:$0x2] =	stream.indirect_vreg.gather @!p0 [hbm4b:s2+s22], $0x80, v6, vm1, $0xb8;
	[tilespmem:$0x19080] =	vst v63  }
0x9d: {  	s6 =	sadd.s32 @!p0 $0xE800, s21  }
0x9e: {  	[tilespmem:s6], [sflag:$0x2] =	stream.indirect_vreg.gather @!p0 [hbm4b:s11+s22], $0x80, v6, vm1, $0xb8;
	[tilespmem:$0x19080] =	vst v63  }
0x9f: {  	s6 =	sadd.s32 @!p0 $0xF000, s21  }
0xa0: {  	[tilespmem:s6], [sflag:$0x2] =	stream.indirect_vreg.gather @!p0 [hbm4b:s12+s22], $0x80, v6, vm1, $0xb8;
	[tilespmem:$0x19080] =	vst v63  }
0xa1: {  	s6 =	sadd.s32 @!p0 $0xF800, s21  }
0xa2: {  	[tilespmem:s6], [sflag:$0x2] =	stream.indirect_vreg.gather @!p0 [hbm4b:s13+s22], $0x80, v6, vm1, $0xb8;
	[tilespmem:$0x19080] =	vst v63  }
.LBB2_4:
0xa3: {  	s6 =	smul.u32 $0xAB, s18;
	_ =	sdelay $0x1  }
0xa4: {  	s6 =	sshrl.u32 s6, $0x9  }
0xa5: {  	s21 =	sshll.u32 s20, $0x4;
	s6 =	sand.u32 $0x7F, s6  }
0xa6: {  	p0 =	sgt.s32 s21, s3;
	s6 =	smul.u32 $0x3, s6  }
.Ltmp5:
0xa7: {  	_ = 	snop;
	(pc) =	sbr.rel @!p0 .LBB2_5-.Ltmp5, $4  }
0xa8: {  	_ = 	snop  }
0xa9: {  	_ =	swait.ge [sflag:s29], $0x4000;
	s6 =	ssub.s32 s18, s6  }
0xaa: {  	[sflag:s29] =	ssyncset.done $0x0;
	s6 =	sand.u32 $0xFF, s6  }
0xab: {  	[sflag:s29] =	ssyncadd.s32 $0xFFFFC000;
	s21 =	sshll.u32 s6, $0xE  }
0xac: {  	s6 =	sshll.u32 s18, $0x4  }
0xad: {  	p0 =	sge.s32 s6, s3  }
.Ltmp6:
0xae: {  	_ = 	snop;
	(pc) =	sbr.rel @p0 .LBB2_12-.Ltmp6, $1  }
0xaf: {  	_ =	sdelay $0x3  }
0xb0: {  	s7 =	simm.s32 $0x0  }
0xb1: {  	_ =	swait.ge [sflag:s30], $0x4000;
	v6 =	vmov s6;
	s22 =	sand.u32 $0x2000, s7;
	s7 =	sand.u32 $0x380, s7  }
0xb2: {  	[sflag:s30] =	ssyncset.done $0x0;
	vm1 =	vlt.s32 v6, v5;
	s7 =	sor.u32 s22, s7  }
0xb3: {  	[sflag:s30] =	ssyncadd.s32 $0xFFFFC000;
	v6 =	vsel vm1, $0x1, v3;
	s22 =	sor.u32 s21, s7  }
0xb4: {  	v6 =	vbroadcast v6, $0x0;
	v7 =	vld [tilespmem:s22+$0xC000]  }
0xb5: {  	v8 =	vld [tilespmem:s22+$0xC010]  }
0xb6: {  	v6 =	vand.u32 $0x1, v6  }
0xb7: {  	vm1 =	veq.s32 v6, $0x1  }
0xb8: {  	v6 =	vsel vm1, $0x3F800000, v4  }
0xb9: {  	v7 =	vmul.f32 v7, v6  }
0xba: {  	v8 =	vmul.f32 v8, v6  }
0xbb: {  	s7 =	sor.u32 $0x10, s22;
	[tilespmem:s22+$0x0] =	vst.add.f32.msk $0xffff, v7  }
0xbc: {  	[tilespmem:s7+$0x0] =	vst.add.f32.msk $0xffff, v8  }
0xbd: {  	v7 =	vld [tilespmem:s22+$0xC020];
	_ =	sdelay $0x4  }
0xbe: {  	v7 =	vmul.f32 v7, v6  }
0xbf: {  	s23 =	sor.u32 $0x20, s22  }
0xc0: {  	[tilespmem:s23+$0x0] =	vst.add.f32.msk $0xffff, v7  }
0xc1: {  	v7 =	vld [tilespmem:s22+$0xC030];
	_ =	sdelay $0x4  }
0xc2: {  	v7 =	vmul.f32 v7, v6  }
0xc3: {  	s24 =	sor.u32 $0x30, s22  }
0xc4: {  	[tilespmem:s24+$0x0] =	vst.add.f32.msk $0xffff, v7  }
0xc5: {  	v7 =	vld [tilespmem:s22+$0xC040];
	_ =	sdelay $0x4  }
0xc6: {  	v7 =	vmul.f32 v7, v6  }
0xc7: {  	s25 =	sor.u32 $0x40, s22  }
0xc8: {  	[tilespmem:s25+$0x0] =	vst.add.f32.msk $0xffff, v7  }
0xc9: {  	v7 =	vld [tilespmem:s22+$0xC050];
	_ =	sdelay $0x4  }
0xca: {  	v7 =	vmul.f32 v7, v6  }
0xcb: {  	s26 =	sor.u32 $0x50, s22  }
0xcc: {  	[tilespmem:s26+$0x0] =	vst.add.f32.msk $0xffff, v7  }
0xcd: {  	v7 =	vld [tilespmem:s22+$0xC060];
	_ =	sdelay $0x4  }
0xce: {  	v7 =	vmul.f32 v7, v6  }
0xcf: {  	s17 =	sor.u32 $0x60, s22  }
0xd0: {  	[tilespmem:s17+$0x0] =	vst.add.f32.msk $0xffff, v7  }
0xd1: {  	v7 =	vld [tilespmem:s22+$0xC070];
	_ =	sdelay $0x4  }
0xd2: {  	v7 =	vmul.f32 v7, v6  }
0xd3: {  	s19 =	sor.u32 $0x70, s22  }
0xd4: {  	[tilespmem:s19+$0x0] =	vst.add.f32.msk $0xffff, v7  }
0xd5: {  	v7 =	vld [tilespmem:s22+$0xC400];
	_ =	sdelay $0x4  }
0xd6: {  	v7 =	vmul.f32 v7, v6  }
0xd7: {  	s23 =	sor.u32 $0x400, s22  }
0xd8: {  	[tilespmem:s23+$0x0] =	vst.add.f32.msk $0xffff, v7  }
0xd9: {  	v7 =	vld [tilespmem:s22+$0xC410];
	_ =	sdelay $0x4  }
0xda: {  	v7 =	vmul.f32 v7, v6  }
0xdb: {  	s24 =	sor.u32 $0x410, s22  }
0xdc: {  	[tilespmem:s24+$0x0] =	vst.add.f32.msk $0xffff, v7  }
0xdd: {  	v7 =	vld [tilespmem:s22+$0xC420];
	_ =	sdelay $0x4  }
0xde: {  	v7 =	vmul.f32 v7, v6  }
0xdf: {  	s25 =	sor.u32 $0x420, s22  }
0xe0: {  	[tilespmem:s25+$0x0] =	vst.add.f32.msk $0xffff, v7  }
0xe1: {  	v7 =	vld [tilespmem:s22+$0xC430];
	_ =	sdelay $0x4  }
0xe2: {  	v7 =	vmul.f32 v7, v6  }
0xe3: {  	s26 =	sor.u32 $0x430, s22  }
0xe4: {  	[tilespmem:s26+$0x0] =	vst.add.f32.msk $0xffff, v7  }
0xe5: {  	v7 =	vld [tilespmem:s22+$0xC440];
	_ =	sdelay $0x4  }
0xe6: {  	v7 =	vmul.f32 v7, v6  }
0xe7: {  	s17 =	sor.u32 $0x440, s22  }
0xe8: {  	[tilespmem:s17+$0x0] =	vst.add.f32.msk $0xffff, v7  }
0xe9: {  	v7 =	vld [tilespmem:s22+$0xC450];
	_ =	sdelay $0x4  }
0xea: {  	v7 =	vmul.f32 v7, v6  }
0xeb: {  	s19 =	sor.u32 $0x450, s22  }
0xec: {  	[tilespmem:s19+$0x0] =	vst.add.f32.msk $0xffff, v7  }
0xed: {  	v7 =	vld [tilespmem:s22+$0xC460];
	_ =	sdelay $0x4  }
0xee: {  	v7 =	vmul.f32 v7, v6  }
0xef: {  	s23 =	sor.u32 $0x460, s22  }
0xf0: {  	[tilespmem:s23+$0x0] =	vst.add.f32.msk $0xffff, v7  }
0xf1: {  	v7 =	vld [tilespmem:s22+$0xC470];
	_ =	sdelay $0x4  }
0xf2: {  	v7 =	vmul.f32 v7, v6  }
0xf3: {  	s24 =	sor.u32 $0x470, s22  }
0xf4: {  	[tilespmem:s24+$0x0] =	vst.add.f32.msk $0xffff, v7  }
0xf5: {  	v7 =	vld [tilespmem:s22+$0xC800]  }
0xf6: {  	s6 =	sadd.s32 $0x1, s6;
	s25 =	simm.s32 $0x400;
	s23 =	simm.s32 $0x80  }
0xf7: {  	v8 =	vmov s6;
	s7 =	sand.u32 $0x2000, s25;
	s23 =	sand.u32 $0x380, s23  }
0xf8: {  	vm1 =	vlt.s32 v8, v5;
	s7 =	sor.u32 s7, s23  }
0xf9: {  	v8 =	vsel vm1, $0x1, v3;
	s23 =	sor.u32 s21, s7  }
0xfa: {  	v8 =	vbroadcast v8, $0x0;
	v9 =	vld [tilespmem:s23+$0xC000];
	v7 =	vmul.f32 v7, v6  }
0xfb: {  	s26 =	sor.u32 $0x800, s22;
	v10 =	vld [tilespmem:s23+$0xC010]  }
0xfc: {  	v8 =	vand.u32 $0x1, v8;
	[tilespmem:s26+$0x0] =	vst.add.f32.msk $0xffff, v7  }
0xfd: {  	vm1 =	veq.s32 v8, $0x1;
	v8 =	vld [tilespmem:s22+$0xC810]  }
0xfe: {  	v7 =	vsel vm1, $0x3F800000, v4  }
0xff: {  	v9 =	vmul.f32 v9, v7  }
0x100: {  	v10 =	vmul.f32 v10, v7  }
0x101: {  	s17 =	sor.u32 $0x10, s23;
	[tilespmem:s23+$0x0] =	vst.add.f32.msk $0xffff, v9  }
0x102: {  	[tilespmem:s17+$0x0] =	vst.add.f32.msk $0xffff, v10;
	v8 =	vmul.f32 v8, v6  }
0x103: {  	s19 =	sor.u32 $0x810, s22;
	v9 =	vld [tilespmem:s23+$0xC020]  }
0x104: {  	[tilespmem:s19+$0x0] =	vst.add.f32.msk $0xffff, v8  }
0x105: {  	v8 =	vld [tilespmem:s22+$0xC820];
	_ =	sdelay $0x2  }
0x106: {  	v9 =	vmul.f32 v9, v7  }
0x107: {  	s24 =	sor.u32 $0x20, s23  }
0x108: {  	[tilespmem:s24+$0x0] =	vst.add.f32.msk $0xffff, v9;
	v8 =	vmul.f32 v8, v6  }
0x109: {  	s25 =	sor.u32 $0x820, s22;
	v9 =	vld [tilespmem:s23+$0xC030]  }
0x10a: {  	[tilespmem:s25+$0x0] =	vst.add.f32.msk $0xffff, v8  }
0x10b: {  	v8 =	vld [tilespmem:s22+$0xC830];
	_ =	sdelay $0x2  }
0x10c: {  	v9 =	vmul.f32 v9, v7  }
0x10d: {  	s26 =	sor.u32 $0x30, s23  }
0x10e: {  	[tilespmem:s26+$0x0] =	vst.add.f32.msk $0xffff, v9;
	v8 =	vmul.f32 v8, v6  }
0x10f: {  	s17 =	sor.u32 $0x830, s22;
	v9 =	vld [tilespmem:s23+$0xC040]  }
0x110: {  	[tilespmem:s17+$0x0] =	vst.add.f32.msk $0xffff, v8  }
0x111: {  	v8 =	vld [tilespmem:s22+$0xC840];
	_ =	sdelay $0x2  }
0x112: {  	v9 =	vmul.f32 v9, v7  }
0x113: {  	s19 =	sor.u32 $0x40, s23  }
0x114: {  	[tilespmem:s19+$0x0] =	vst.add.f32.msk $0xffff, v9;
	v8 =	vmul.f32 v8, v6  }
0x115: {  	s24 =	sor.u32 $0x840, s22;
	v9 =	vld [tilespmem:s23+$0xC050]  }
0x116: {  	[tilespmem:s24+$0x0] =	vst.add.f32.msk $0xffff, v8  }
0x117: {  	v8 =	vld [tilespmem:s22+$0xC850];
	_ =	sdelay $0x2  }
0x118: {  	v9 =	vmul.f32 v9, v7  }
0x119: {  	s25 =	sor.u32 $0x50, s23  }
0x11a: {  	[tilespmem:s25+$0x0] =	vst.add.f32.msk $0xffff, v9;
	v8 =	vmul.f32 v8, v6  }
0x11b: {  	s26 =	sor.u32 $0x850, s22;
	v9 =	vld [tilespmem:s23+$0xC060]  }
0x11c: {  	[tilespmem:s26+$0x0] =	vst.add.f32.msk $0xffff, v8  }
0x11d: {  	v8 =	vld [tilespmem:s22+$0xC860];
	_ =	sdelay $0x2  }
0x11e: {  	v9 =	vmul.f32 v9, v7  }
0x11f: {  	s17 =	sor.u32 $0x60, s23  }
0x120: {  	[tilespmem:s17+$0x0] =	vst.add.f32.msk $0xffff, v9;
	v8 =	vmul.f32 v8, v6  }
0x121: {  	s19 =	sor.u32 $0x860, s22;
	v9 =	vld [tilespmem:s23+$0xC070]  }
0x122: {  	[tilespmem:s19+$0x0] =	vst.add.f32.msk $0xffff, v8  }
0x123: {  	v8 =	vld [tilespmem:s22+$0xC870];
	_ =	sdelay $0x2  }
0x124: {  	v9 =	vmul.f32 v9, v7  }
0x125: {  	s24 =	sor.u32 $0x70, s23  }
0x126: {  	[tilespmem:s24+$0x0] =	vst.add.f32.msk $0xffff, v9;
	v8 =	vmul.f32 v8, v6  }
0x127: {  	s25 =	sor.u32 $0x870, s22;
	v9 =	vld [tilespmem:s23+$0xC400]  }
0x128: {  	[tilespmem:s25+$0x0] =	vst.add.f32.msk $0xffff, v8  }
0x129: {  	v8 =	vld [tilespmem:s22+$0xCC00];
	_ =	sdelay $0x2  }
0x12a: {  	v9 =	vmul.f32 v9, v7  }
0x12b: {  	s26 =	sor.u32 $0x400, s23  }
0x12c: {  	[tilespmem:s26+$0x0] =	vst.add.f32.msk $0xffff, v9;
	v8 =	vmul.f32 v8, v6  }
0x12d: {  	s17 =	sor.u32 $0xC00, s22;
	v9 =	vld [tilespmem:s23+$0xC410]  }
0x12e: {  	[tilespmem:s17+$0x0] =	vst.add.f32.msk $0xffff, v8  }
0x12f: {  	v8 =	vld [tilespmem:s22+$0xCC10];
	_ =	sdelay $0x2  }
0x130: {  	v9 =	vmul.f32 v9, v7  }
0x131: {  	s19 =	sor.u32 $0x410, s23  }
0x132: {  	[tilespmem:s19+$0x0] =	vst.add.f32.msk $0xffff, v9;
	v8 =	vmul.f32 v8, v6  }
0x133: {  	s24 =	sor.u32 $0xC10, s22;
	v9 =	vld [tilespmem:s23+$0xC420]  }
0x134: {  	[tilespmem:s24+$0x0] =	vst.add.f32.msk $0xffff, v8  }
0x135: {  	v8 =	vld [tilespmem:s22+$0xCC20];
	_ =	sdelay $0x2  }
0x136: {  	v9 =	vmul.f32 v9, v7  }
0x137: {  	s25 =	sor.u32 $0x420, s23  }
0x138: {  	[tilespmem:s25+$0x0] =	vst.add.f32.msk $0xffff, v9;
	v8 =	vmul.f32 v8, v6  }
0x139: {  	s26 =	sor.u32 $0xC20, s22;
	v9 =	vld [tilespmem:s23+$0xC430]  }
0x13a: {  	[tilespmem:s26+$0x0] =	vst.add.f32.msk $0xffff, v8  }
0x13b: {  	v8 =	vld [tilespmem:s22+$0xCC30];
	_ =	sdelay $0x2  }
0x13c: {  	v9 =	vmul.f32 v9, v7  }
0x13d: {  	s17 =	sor.u32 $0x430, s23  }
0x13e: {  	[tilespmem:s17+$0x0] =	vst.add.f32.msk $0xffff, v9;
	v8 =	vmul.f32 v8, v6  }
0x13f: {  	s19 =	sor.u32 $0xC30, s22;
	v9 =	vld [tilespmem:s23+$0xC440]  }
0x140: {  	[tilespmem:s19+$0x0] =	vst.add.f32.msk $0xffff, v8  }
0x141: {  	v8 =	vld [tilespmem:s22+$0xCC40];
	_ =	sdelay $0x2  }
0x142: {  	v9 =	vmul.f32 v9, v7  }
0x143: {  	s24 =	sor.u32 $0x440, s23  }
0x144: {  	[tilespmem:s24+$0x0] =	vst.add.f32.msk $0xffff, v9;
	v8 =	vmul.f32 v8, v6  }
0x145: {  	s25 =	sor.u32 $0xC40, s22;
	v9 =	vld [tilespmem:s23+$0xC450]  }
0x146: {  	[tilespmem:s25+$0x0] =	vst.add.f32.msk $0xffff, v8  }
0x147: {  	v8 =	vld [tilespmem:s22+$0xCC50];
	_ =	sdelay $0x2  }
0x148: {  	v9 =	vmul.f32 v9, v7  }
0x149: {  	s26 =	sor.u32 $0x450, s23  }
0x14a: {  	[tilespmem:s26+$0x0] =	vst.add.f32.msk $0xffff, v9;
	v8 =	vmul.f32 v8, v6  }
0x14b: {  	s17 =	sor.u32 $0xC50, s22;
	v9 =	vld [tilespmem:s23+$0xC460]  }
0x14c: {  	[tilespmem:s17+$0x0] =	vst.add.f32.msk $0xffff, v8  }
0x14d: {  	v8 =	vld [tilespmem:s22+$0xCC60];
	_ =	sdelay $0x2  }
0x14e: {  	v9 =	vmul.f32 v9, v7  }
0x14f: {  	s19 =	sor.u32 $0x460, s23  }
0x150: {  	[tilespmem:s19+$0x0] =	vst.add.f32.msk $0xffff, v9;
	v8 =	vmul.f32 v8, v6  }
0x151: {  	s24 =	sor.u32 $0xC60, s22;
	v9 =	vld [tilespmem:s23+$0xC470]  }
0x152: {  	[tilespmem:s24+$0x0] =	vst.add.f32.msk $0xffff, v8  }
0x153: {  	v8 =	vld [tilespmem:s22+$0xCC70];
	_ =	sdelay $0x2  }
0x154: {  	v9 =	vmul.f32 v9, v7  }
0x155: {  	s25 =	sor.u32 $0x470, s23  }
0x156: {  	[tilespmem:s25+$0x0] =	vst.add.f32.msk $0xffff, v9;
	v8 =	vmul.f32 v8, v6  }
0x157: {  	s26 =	sor.u32 $0xC70, s22;
	v9 =	vld [tilespmem:s23+$0xC800]  }
0x158: {  	s6 =	sadd.s32 $0x1, s6;
	s24 =	simm.s32 $0x800;
	s25 =	simm.s32 $0x100;
	[tilespmem:s26+$0x0] =	vst.add.f32.msk $0xffff, v8  }
0x159: {  	s17 =	sand.u32 $0x2000, s24;
	s19 =	sand.u32 $0x380, s25;
	v8 =	vmov s6;
	v10 =	vld [tilespmem:s22+$0xD000]  }
0x15a: {  	s7 =	sor.u32 s17, s19;
	vm1 =	vlt.s32 v8, v5  }
0x15b: {  	s24 =	sor.u32 s21, s7;
	v8 =	vsel vm1, $0x1, v3  }
0x15c: {  	v11 =	vld [tilespmem:s24+$0xC000];
	v9 =	vmul.f32 v9, v7;
	v8 =	vbroadcast v8, $0x0  }
0x15d: {  	s25 =	sor.u32 $0x800, s23;
	v12 =	vld [tilespmem:s24+$0xC010]  }
0x15e: {  	[tilespmem:s25+$0x0] =	vst.add.f32.msk $0xffff, v9;
	v8 =	vand.u32 $0x1, v8;
	v9 =	vmul.f32 v10, v6  }
0x15f: {  	s26 =	sor.u32 $0x1000, s22;
	vm1 =	veq.s32 v8, $0x1;
	v10 =	vld [tilespmem:s23+$0xC810]  }
0x160: {  	v8 =	vsel vm1, $0x3F800000, v4;
	[tilespmem:s26+$0x0] =	vst.add.f32.msk $0xffff, v9  }
0x161: {  	v9 =	vmul.f32 v11, v8;
	v11 =	vld [tilespmem:s22+$0xD010]  }
0x162: {  	v12 =	vmul.f32 v12, v8  }
0x163: {  	s17 =	sor.u32 $0x10, s24;
	[tilespmem:s24+$0x0] =	vst.add.f32.msk $0xffff, v9  }
0x164: {  	[tilespmem:s17+$0x0] =	vst.add.f32.msk $0xffff, v12;
	v9 =	vmul.f32 v10, v7  }
0x165: {  	s19 =	sor.u32 $0x810, s23;
	v10 =	vld [tilespmem:s24+$0xC020]  }
0x166: {  	[tilespmem:s19+$0x0] =	vst.add.f32.msk $0xffff, v9;
	v9 =	vmul.f32 v11, v6  }
0x167: {  	s25 =	sor.u32 $0x1010, s22;
	v11 =	vld [tilespmem:s23+$0xC820]  }
0x168: {  	[tilespmem:s25+$0x0] =	vst.add.f32.msk $0xffff, v9  }
0x169: {  	v9 =	vld [tilespmem:s22+$0xD020]  }
0x16a: {  	v10 =	vmul.f32 v10, v8  }
0x16b: {  	s26 =	sor.u32 $0x20, s24  }
0x16c: {  	[tilespmem:s26+$0x0] =	vst.add.f32.msk $0xffff, v10;
	v10 =	vmul.f32 v11, v7  }
0x16d: {  	s17 =	sor.u32 $0x820, s23;
	v11 =	vld [tilespmem:s24+$0xC030]  }
0x16e: {  	[tilespmem:s17+$0x0] =	vst.add.f32.msk $0xffff, v10;
	v9 =	vmul.f32 v9, v6  }
0x16f: {  	s19 =	sor.u32 $0x1020, s22;
	v10 =	vld [tilespmem:s23+$0xC830]  }
0x170: {  	[tilespmem:s19+$0x0] =	vst.add.f32.msk $0xffff, v9  }
0x171: {  	v9 =	vld [tilespmem:s22+$0xD030]  }
0x172: {  	v11 =	vmul.f32 v11, v8  }
0x173: {  	s25 =	sor.u32 $0x30, s24  }
0x174: {  	[tilespmem:s25+$0x0] =	vst.add.f32.msk $0xffff, v11;
	v10 =	vmul.f32 v10, v7  }
0x175: {  	s26 =	sor.u32 $0x830, s23;
	v11 =	vld [tilespmem:s24+$0xC040]  }
0x176: {  	[tilespmem:s26+$0x0] =	vst.add.f32.msk $0xffff, v10;
	v9 =	vmul.f32 v9, v6  }
0x177: {  	s17 =	sor.u32 $0x1030, s22;
	v10 =	vld [tilespmem:s23+$0xC840]  }
0x178: {  	[tilespmem:s17+$0x0] =	vst.add.f32.msk $0xffff, v9  }
0x179: {  	v9 =	vld [tilespmem:s22+$0xD040]  }
0x17a: {  	v11 =	vmul.f32 v11, v8  }
0x17b: {  	s19 =	sor.u32 $0x40, s24  }
0x17c: {  	[tilespmem:s19+$0x0] =	vst.add.f32.msk $0xffff, v11;
	v10 =	vmul.f32 v10, v7  }
0x17d: {  	s25 =	sor.u32 $0x840, s23;
	v11 =	vld [tilespmem:s24+$0xC050]  }
0x17e: {  	[tilespmem:s25+$0x0] =	vst.add.f32.msk $0xffff, v10;
	v9 =	vmul.f32 v9, v6  }
0x17f: {  	s26 =	sor.u32 $0x1040, s22;
	v10 =	vld [tilespmem:s23+$0xC850]  }
0x180: {  	[tilespmem:s26+$0x0] =	vst.add.f32.msk $0xffff, v9  }
0x181: {  	v9 =	vld [tilespmem:s22+$0xD050]  }
0x182: {  	v11 =	vmul.f32 v11, v8  }
0x183: {  	s17 =	sor.u32 $0x50, s24  }
0x184: {  	[tilespmem:s17+$0x0] =	vst.add.f32.msk $0xffff, v11;
	v10 =	vmul.f32 v10, v7  }
0x185: {  	s19 =	sor.u32 $0x850, s23;
	v11 =	vld [tilespmem:s24+$0xC060]  }
0x186: {  	[tilespmem:s19+$0x0] =	vst.add.f32.msk $0xffff, v10;
	v9 =	vmul.f32 v9, v6  }
0x187: {  	s25 =	sor.u32 $0x1050, s22;
	v10 =	vld [tilespmem:s23+$0xC860]  }
0x188: {  	[tilespmem:s25+$0x0] =	vst.add.f32.msk $0xffff, v9  }
0x189: {  	v9 =	vld [tilespmem:s22+$0xD060]  }
0x18a: {  	v11 =	vmul.f32 v11, v8  }
0x18b: {  	s26 =	sor.u32 $0x60, s24  }
0x18c: {  	[tilespmem:s26+$0x0] =	vst.add.f32.msk $0xffff, v11;
	v10 =	vmul.f32 v10, v7  }
0x18d: {  	s17 =	sor.u32 $0x860, s23;
	v11 =	vld [tilespmem:s24+$0xC070]  }
0x18e: {  	[tilespmem:s17+$0x0] =	vst.add.f32.msk $0xffff, v10;
	v9 =	vmul.f32 v9, v6  }
0x18f: {  	s19 =	sor.u32 $0x1060, s22;
	v10 =	vld [tilespmem:s23+$0xC870]  }
0x190: {  	[tilespmem:s19+$0x0] =	vst.add.f32.msk $0xffff, v9  }
0x191: {  	v9 =	vld [tilespmem:s22+$0xD070]  }
0x192: {  	v11 =	vmul.f32 v11, v8  }
0x193: {  	s25 =	sor.u32 $0x70, s24  }
0x194: {  	[tilespmem:s25+$0x0] =	vst.add.f32.msk $0xffff, v11;
	v10 =	vmul.f32 v10, v7  }
0x195: {  	s26 =	sor.u32 $0x870, s23;
	v11 =	vld [tilespmem:s24+$0xC400]  }
0x196: {  	[tilespmem:s26+$0x0] =	vst.add.f32.msk $0xffff, v10;
	v9 =	vmul.f32 v9, v6  }
0x197: {  	s17 =	sor.u32 $0x1070, s22;
	v10 =	vld [tilespmem:s23+$0xCC00]  }
0x198: {  	[tilespmem:s17+$0x0] =	vst.add.f32.msk $0xffff, v9  }
0x199: {  	v9 =	vld [tilespmem:s22+$0xD400]  }
0x19a: {  	v11 =	vmul.f32 v11, v8  }
0x19b: {  	s19 =	sor.u32 $0x400, s24  }
0x19c: {  	[tilespmem:s19+$0x0] =	vst.add.f32.msk $0xffff, v11;
	v10 =	vmul.f32 v10, v7  }
0x19d: {  	s25 =	sor.u32 $0xC00, s23;
	v11 =	vld [tilespmem:s24+$0xC410]  }
0x19e: {  	[tilespmem:s25+$0x0] =	vst.add.f32.msk $0xffff, v10;
	v9 =	vmul.f32 v9, v6  }
0x19f: {  	s26 =	sor.u32 $0x1400, s22;
	v10 =	vld [tilespmem:s23+$0xCC10]  }
0x1a0: {  	[tilespmem:s26+$0x0] =	vst.add.f32.msk $0xffff, v9  }
0x1a1: {  	v9 =	vld [tilespmem:s22+$0xD410]  }
0x1a2: {  	v11 =	vmul.f32 v11, v8  }
0x1a3: {  	s17 =	sor.u32 $0x410, s24  }
0x1a4: {  	[tilespmem:s17+$0x0] =	vst.add.f32.msk $0xffff, v11;
	v10 =	vmul.f32 v10, v7  }
0x1a5: {  	s19 =	sor.u32 $0xC10, s23;
	v11 =	vld [tilespmem:s24+$0xC420]  }
0x1a6: {  	[tilespmem:s19+$0x0] =	vst.add.f32.msk $0xffff, v10;
	v9 =	vmul.f32 v9, v6  }
0x1a7: {  	s25 =	sor.u32 $0x1410, s22;
	v10 =	vld [tilespmem:s23+$0xCC20]  }
0x1a8: {  	[tilespmem:s25+$0x0] =	vst.add.f32.msk $0xffff, v9  }
0x1a9: {  	v9 =	vld [tilespmem:s22+$0xD420]  }
0x1aa: {  	v11 =	vmul.f32 v11, v8  }
0x1ab: {  	s26 =	sor.u32 $0x420, s24  }
0x1ac: {  	[tilespmem:s26+$0x0] =	vst.add.f32.msk $0xffff, v11;
	v10 =	vmul.f32 v10, v7  }
0x1ad: {  	s17 =	sor.u32 $0xC20, s23;
	v11 =	vld [tilespmem:s24+$0xC430]  }
0x1ae: {  	[tilespmem:s17+$0x0] =	vst.add.f32.msk $0xffff, v10;
	v9 =	vmul.f32 v9, v6  }
0x1af: {  	s19 =	sor.u32 $0x1420, s22;
	v10 =	vld [tilespmem:s23+$0xCC30]  }
0x1b0: {  	[tilespmem:s19+$0x0] =	vst.add.f32.msk $0xffff, v9  }
0x1b1: {  	v9 =	vld [tilespmem:s22+$0xD430]  }
0x1b2: {  	v11 =	vmul.f32 v11, v8  }
0x1b3: {  	s25 =	sor.u32 $0x430, s24  }
0x1b4: {  	[tilespmem:s25+$0x0] =	vst.add.f32.msk $0xffff, v11;
	v10 =	vmul.f32 v10, v7  }
0x1b5: {  	s26 =	sor.u32 $0xC30, s23;
	v11 =	vld [tilespmem:s24+$0xC440]  }
0x1b6: {  	[tilespmem:s26+$0x0] =	vst.add.f32.msk $0xffff, v10;
	v9 =	vmul.f32 v9, v6  }
0x1b7: {  	s17 =	sor.u32 $0x1430, s22;
	v10 =	vld [tilespmem:s23+$0xCC40]  }
0x1b8: {  	[tilespmem:s17+$0x0] =	vst.add.f32.msk $0xffff, v9  }
0x1b9: {  	v9 =	vld [tilespmem:s22+$0xD440]  }
0x1ba: {  	v11 =	vmul.f32 v11, v8  }
0x1bb: {  	s19 =	sor.u32 $0x440, s24  }
0x1bc: {  	[tilespmem:s19+$0x0] =	vst.add.f32.msk $0xffff, v11;
	v10 =	vmul.f32 v10, v7  }
0x1bd: {  	s25 =	sor.u32 $0xC40, s23;
	v11 =	vld [tilespmem:s24+$0xC450]  }
0x1be: {  	[tilespmem:s25+$0x0] =	vst.add.f32.msk $0xffff, v10;
	v9 =	vmul.f32 v9, v6  }
0x1bf: {  	s26 =	sor.u32 $0x1440, s22;
	v10 =	vld [tilespmem:s23+$0xCC50]  }
0x1c0: {  	[tilespmem:s26+$0x0] =	vst.add.f32.msk $0xffff, v9  }
0x1c1: {  	v9 =	vld [tilespmem:s22+$0xD450]  }
0x1c2: {  	v11 =	vmul.f32 v11, v8  }
0x1c3: {  	s17 =	sor.u32 $0x450, s24  }
0x1c4: {  	[tilespmem:s17+$0x0] =	vst.add.f32.msk $0xffff, v11;
	v10 =	vmul.f32 v10, v7  }
0x1c5: {  	s19 =	sor.u32 $0xC50, s23;
	v11 =	vld [tilespmem:s24+$0xC460]  }
0x1c6: {  	[tilespmem:s19+$0x0] =	vst.add.f32.msk $0xffff, v10;
	v9 =	vmul.f32 v9, v6  }
0x1c7: {  	s25 =	sor.u32 $0x1450, s22;
	v10 =	vld [tilespmem:s23+$0xCC60]  }
0x1c8: {  	[tilespmem:s25+$0x0] =	vst.add.f32.msk $0xffff, v9  }
0x1c9: {  	v9 =	vld [tilespmem:s22+$0xD460]  }
0x1ca: {  	v11 =	vmul.f32 v11, v8  }
0x1cb: {  	s26 =	sor.u32 $0x460, s24  }
0x1cc: {  	[tilespmem:s26+$0x0] =	vst.add.f32.msk $0xffff, v11;
	v10 =	vmul.f32 v10, v7  }
0x1cd: {  	s17 =	sor.u32 $0xC60, s23;
	v11 =	vld [tilespmem:s24+$0xC470]  }
0x1ce: {  	[tilespmem:s17+$0x0] =	vst.add.f32.msk $0xffff, v10;
	v9 =	vmul.f32 v9, v6  }
0x1cf: {  	s19 =	simm.s32 $0xC00;
	s26 =	simm.s32 $0x180;
	s17 =	sor.u32 $0x1460, s22;
	v10 =	vld [tilespmem:s23+$0xCC70]  }
0x1d0: {  	s28 =	sadd.s32 $0x1, s6;
	s7 =	sand.u32 $0x2000, s19;
	s19 =	sand.u32 $0x380, s26;
	[tilespmem:s17+$0x0] =	vst.add.f32.msk $0xffff, v9  }
0x1d1: {  	v12 =	vmov s28;
	s7 =	sor.u32 s7, s19;
	v9 =	vld [tilespmem:s22+$0xD470]  }
0x1d2: {  	vm1 =	vlt.s32 v12, v5;
	s25 =	sor.u32 s21, s7;
	v11 =	vmul.f32 v11, v8  }
0x1d3: {  	v13 =	vsel vm1, $0x1, v3;
	v12 =	vld [tilespmem:s25+$0xC000];
	s17 =	sor.u32 $0x470, s24  }
0x1d4: {  	[tilespmem:s17+$0x0] =	vst.add.f32.msk $0xffff, v11;
	v10 =	vmul.f32 v10, v7;
	v11 =	vbroadcast v13, $0x0  }
0x1d5: {  	s19 =	sor.u32 $0xC70, s23;
	v13 =	vld [tilespmem:s24+$0xC800]  }
0x1d6: {  	[tilespmem:s19+$0x0] =	vst.add.f32.msk $0xffff, v10;
	v10 =	vand.u32 $0x1, v11;
	v9 =	vmul.f32 v9, v6  }
0x1d7: {  	s7 =	sor.u32 $0x1470, s22;
	v11 =	vld [tilespmem:s23+$0xD000];
	vm1 =	veq.s32 v10, $0x1  }
0x1d8: {  	[tilespmem:s7+$0x0] =	vst.add.f32.msk $0xffff, v9;
	v9 =	vsel vm1, $0x3F800000, v4  }
0x1d9: {  	v10 =	vmul.f32 v12, v9;
	v14 =	vld [tilespmem:s22+$0xD800]  }
0x1da: {  	v12 =	vld [tilespmem:s25+$0xC010];
	v13 =	vmul.f32 v13, v8  }
0x1db: {  	s17 =	sor.u32 $0x800, s24;
	[tilespmem:s25+$0x0] =	vst.add.f32.msk $0xffff, v10  }
0x1dc: {  	[tilespmem:s17+$0x0] =	vst.add.f32.msk $0xffff, v13;
	v10 =	vmul.f32 v11, v7  }
0x1dd: {  	s19 =	sor.u32 $0x1000, s23;
	v11 =	vld [tilespmem:s24+$0xC810]  }
0x1de: {  	s6 =	simm.s32 $0x1000;
	[tilespmem:s19+$0x0] =	vst.add.f32.msk $0xffff, v10;
	v10 =	vmul.f32 v14, v6  }
.LBB2_10:
0x1df: {  	p0 =	sne.s32 s6, $0x3C00;
	v13 =	vld [tilespmem:s23+$0xD010];
	s7 =	sor.u32 $0x1800, s22  }
0x1e0: {  	v12 =	vmul.f32 v12, v9;
	[tilespmem:s7+$0x0] =	vst.add.f32.msk $0xffff, v10  }
0x1e1: {  	s7 =	sor.u32 $0x10, s25;
	v10 =	vld [tilespmem:s22+$0xD810]  }
0x1e2: {  	[tilespmem:s7+$0x0] =	vst.add.f32.msk $0xffff, v12;
	v11 =	vmul.f32 v11, v8  }
0x1e3: {  	s7 =	sor.u32 $0x810, s24;
	v12 =	vld [tilespmem:s25+$0xC020]  }
0x1e4: {  	[tilespmem:s7+$0x0] =	vst.add.f32.msk $0xffff, v11;
	v11 =	vmul.f32 v13, v7  }
0x1e5: {  	s7 =	sor.u32 $0x1010, s23;
	v13 =	vld [tilespmem:s24+$0xC820]  }
0x1e6: {  	[tilespmem:s7+$0x0] =	vst.add.f32.msk $0xffff, v11;
	v10 =	vmul.f32 v10, v6  }
0x1e7: {  	s7 =	sor.u32 $0x1810, s22;
	v11 =	vld [tilespmem:s23+$0xD020]  }
0x1e8: {  	v12 =	vmul.f32 v12, v9;
	[tilespmem:s7+$0x0] =	vst.add.f32.msk $0xffff, v10  }
0x1e9: {  	s7 =	sor.u32 $0x20, s25;
	v10 =	vld [tilespmem:s22+$0xD820]  }
0x1ea: {  	[tilespmem:s7+$0x0] =	vst.add.f32.msk $0xffff, v12;
	v12 =	vmul.f32 v13, v8  }
0x1eb: {  	s7 =	sor.u32 $0x820, s24;
	v13 =	vld [tilespmem:s25+$0xC030]  }
0x1ec: {  	[tilespmem:s7+$0x0] =	vst.add.f32.msk $0xffff, v12;
	v11 =	vmul.f32 v11, v7  }
0x1ed: {  	s7 =	sor.u32 $0x1020, s23;
	v12 =	vld [tilespmem:s24+$0xC830]  }
0x1ee: {  	[tilespmem:s7+$0x0] =	vst.add.f32.msk $0xffff, v11;
	v10 =	vmul.f32 v10, v6  }
0x1ef: {  	s7 =	sor.u32 $0x1820, s22;
	v11 =	vld [tilespmem:s23+$0xD030]  }
0x1f0: {  	v13 =	vmul.f32 v13, v9;
	[tilespmem:s7+$0x0] =	vst.add.f32.msk $0xffff, v10  }
0x1f1: {  	s7 =	sor.u32 $0x30, s25;
	v10 =	vld [tilespmem:s22+$0xD830]  }
0x1f2: {  	[tilespmem:s7+$0x0] =	vst.add.f32.msk $0xffff, v13;
	v12 =	vmul.f32 v12, v8  }
0x1f3: {  	s7 =	sor.u32 $0x830, s24;
	v13 =	vld [tilespmem:s25+$0xC040]  }
0x1f4: {  	[tilespmem:s7+$0x0] =	vst.add.f32.msk $0xffff, v12;
	v11 =	vmul.f32 v11, v7  }
0x1f5: {  	s7 =	sor.u32 $0x1030, s23;
	v12 =	vld [tilespmem:s24+$0xC840]  }
0x1f6: {  	[tilespmem:s7+$0x0] =	vst.add.f32.msk $0xffff, v11;
	v10 =	vmul.f32 v10, v6  }
0x1f7: {  	s7 =	sor.u32 $0x1830, s22;
	v11 =	vld [tilespmem:s23+$0xD040]  }
0x1f8: {  	v13 =	vmul.f32 v13, v9;
	[tilespmem:s7+$0x0] =	vst.add.f32.msk $0xffff, v10  }
0x1f9: {  	s7 =	sor.u32 $0x40, s25;
	v10 =	vld [tilespmem:s22+$0xD840]  }
0x1fa: {  	[tilespmem:s7+$0x0] =	vst.add.f32.msk $0xffff, v13;
	v12 =	vmul.f32 v12, v8  }
0x1fb: {  	s7 =	sor.u32 $0x840, s24;
	v13 =	vld [tilespmem:s25+$0xC050]  }
0x1fc: {  	[tilespmem:s7+$0x0] =	vst.add.f32.msk $0xffff, v12;
	v11 =	vmul.f32 v11, v7  }
0x1fd: {  	s7 =	sor.u32 $0x1040, s23;
	v12 =	vld [tilespmem:s24+$0xC850]  }
0x1fe: {  	[tilespmem:s7+$0x0] =	vst.add.f32.msk $0xffff, v11;
	v10 =	vmul.f32 v10, v6  }
0x1ff: {  	s7 =	sor.u32 $0x1840, s22;
	v11 =	vld [tilespmem:s23+$0xD050]  }
0x200: {  	v13 =	vmul.f32 v13, v9;
	[tilespmem:s7+$0x0] =	vst.add.f32.msk $0xffff, v10  }
0x201: {  	s7 =	sor.u32 $0x50, s25;
	v10 =	vld [tilespmem:s22+$0xD850]  }
0x202: {  	[tilespmem:s7+$0x0] =	vst.add.f32.msk $0xffff, v13;
	v12 =	vmul.f32 v12, v8  }
0x203: {  	s7 =	sor.u32 $0x850, s24;
	v13 =	vld [tilespmem:s25+$0xC060]  }
0x204: {  	[tilespmem:s7+$0x0] =	vst.add.f32.msk $0xffff, v12;
	v11 =	vmul.f32 v11, v7  }
0x205: {  	s7 =	sor.u32 $0x1050, s23;
	v12 =	vld [tilespmem:s24+$0xC860]  }
0x206: {  	[tilespmem:s7+$0x0] =	vst.add.f32.msk $0xffff, v11;
	v10 =	vmul.f32 v10, v6  }
0x207: {  	s7 =	sor.u32 $0x1850, s22;
	v11 =	vld [tilespmem:s23+$0xD060]  }
0x208: {  	v13 =	vmul.f32 v13, v9;
	[tilespmem:s7+$0x0] =	vst.add.f32.msk $0xffff, v10  }
0x209: {  	s7 =	sor.u32 $0x60, s25;
	v10 =	vld [tilespmem:s22+$0xD860]  }
0x20a: {  	[tilespmem:s7+$0x0] =	vst.add.f32.msk $0xffff, v13;
	v12 =	vmul.f32 v12, v8  }
0x20b: {  	s7 =	sor.u32 $0x860, s24;
	v13 =	vld [tilespmem:s25+$0xC070]  }
0x20c: {  	[tilespmem:s7+$0x0] =	vst.add.f32.msk $0xffff, v12;
	v11 =	vmul.f32 v11, v7  }
0x20d: {  	s7 =	sor.u32 $0x1060, s23;
	v12 =	vld [tilespmem:s24+$0xC870]  }
0x20e: {  	[tilespmem:s7+$0x0] =	vst.add.f32.msk $0xffff, v11;
	v10 =	vmul.f32 v10, v6  }
0x20f: {  	s7 =	sor.u32 $0x1860, s22;
	v11 =	vld [tilespmem:s23+$0xD070]  }
0x210: {  	v13 =	vmul.f32 v13, v9;
	[tilespmem:s7+$0x0] =	vst.add.f32.msk $0xffff, v10  }
0x211: {  	s7 =	sor.u32 $0x70, s25;
	v10 =	vld [tilespmem:s22+$0xD870]  }
0x212: {  	[tilespmem:s7+$0x0] =	vst.add.f32.msk $0xffff, v13;
	v12 =	vmul.f32 v12, v8  }
0x213: {  	s7 =	sor.u32 $0x870, s24;
	v13 =	vld [tilespmem:s25+$0xC400]  }
0x214: {  	[tilespmem:s7+$0x0] =	vst.add.f32.msk $0xffff, v12;
	v11 =	vmul.f32 v11, v7  }
0x215: {  	s7 =	sor.u32 $0x1070, s23;
	v12 =	vld [tilespmem:s24+$0xCC00]  }
0x216: {  	[tilespmem:s7+$0x0] =	vst.add.f32.msk $0xffff, v11;
	v10 =	vmul.f32 v10, v6  }
0x217: {  	s7 =	sor.u32 $0x1870, s22;
	v11 =	vld [tilespmem:s23+$0xD400]  }
0x218: {  	v13 =	vmul.f32 v13, v9;
	[tilespmem:s7+$0x0] =	vst.add.f32.msk $0xffff, v10  }
0x219: {  	s7 =	sor.u32 $0x400, s25;
	v10 =	vld [tilespmem:s22+$0xDC00]  }
0x21a: {  	[tilespmem:s7+$0x0] =	vst.add.f32.msk $0xffff, v13;
	v12 =	vmul.f32 v12, v8  }
0x21b: {  	s7 =	sor.u32 $0xC00, s24;
	v13 =	vld [tilespmem:s25+$0xC410]  }
0x21c: {  	[tilespmem:s7+$0x0] =	vst.add.f32.msk $0xffff, v12;
	v11 =	vmul.f32 v11, v7  }
0x21d: {  	s7 =	sor.u32 $0x1400, s23;
	v12 =	vld [tilespmem:s24+$0xCC10]  }
0x21e: {  	[tilespmem:s7+$0x0] =	vst.add.f32.msk $0xffff, v11;
	v10 =	vmul.f32 v10, v6  }
0x21f: {  	s7 =	sor.u32 $0x1C00, s22;
	v11 =	vld [tilespmem:s23+$0xD410]  }
0x220: {  	v13 =	vmul.f32 v13, v9;
	[tilespmem:s7+$0x0] =	vst.add.f32.msk $0xffff, v10  }
0x221: {  	s7 =	sor.u32 $0x410, s25;
	v10 =	vld [tilespmem:s22+$0xDC10]  }
0x222: {  	[tilespmem:s7+$0x0] =	vst.add.f32.msk $0xffff, v13;
	v12 =	vmul.f32 v12, v8  }
0x223: {  	s7 =	sor.u32 $0xC10, s24;
	v13 =	vld [tilespmem:s25+$0xC420]  }
0x224: {  	[tilespmem:s7+$0x0] =	vst.add.f32.msk $0xffff, v12;
	v11 =	vmul.f32 v11, v7  }
0x225: {  	s7 =	sor.u32 $0x1410, s23;
	v12 =	vld [tilespmem:s24+$0xCC20]  }
0x226: {  	[tilespmem:s7+$0x0] =	vst.add.f32.msk $0xffff, v11;
	v10 =	vmul.f32 v10, v6  }
0x227: {  	s7 =	sor.u32 $0x1C10, s22;
	v11 =	vld [tilespmem:s23+$0xD420]  }
0x228: {  	v13 =	vmul.f32 v13, v9;
	[tilespmem:s7+$0x0] =	vst.add.f32.msk $0xffff, v10  }
0x229: {  	s7 =	sor.u32 $0x420, s25;
	v10 =	vld [tilespmem:s22+$0xDC20]  }
0x22a: {  	[tilespmem:s7+$0x0] =	vst.add.f32.msk $0xffff, v13;
	v12 =	vmul.f32 v12, v8  }
0x22b: {  	s7 =	sor.u32 $0xC20, s24;
	v13 =	vld [tilespmem:s25+$0xC430]  }
0x22c: {  	[tilespmem:s7+$0x0] =	vst.add.f32.msk $0xffff, v12;
	v11 =	vmul.f32 v11, v7  }
0x22d: {  	s7 =	sor.u32 $0x1420, s23;
	v12 =	vld [tilespmem:s24+$0xCC30]  }
0x22e: {  	[tilespmem:s7+$0x0] =	vst.add.f32.msk $0xffff, v11;
	v10 =	vmul.f32 v10, v6  }
0x22f: {  	s7 =	sor.u32 $0x1C20, s22;
	v11 =	vld [tilespmem:s23+$0xD430]  }
0x230: {  	v13 =	vmul.f32 v13, v9;
	[tilespmem:s7+$0x0] =	vst.add.f32.msk $0xffff, v10  }
0x231: {  	s7 =	sor.u32 $0x430, s25;
	v10 =	vld [tilespmem:s22+$0xDC30]  }
0x232: {  	[tilespmem:s7+$0x0] =	vst.add.f32.msk $0xffff, v13;
	v12 =	vmul.f32 v12, v8  }
0x233: {  	s7 =	sor.u32 $0xC30, s24;
	v13 =	vld [tilespmem:s25+$0xC440]  }
0x234: {  	[tilespmem:s7+$0x0] =	vst.add.f32.msk $0xffff, v12;
	v11 =	vmul.f32 v11, v7  }
0x235: {  	s7 =	sor.u32 $0x1430, s23;
	v12 =	vld [tilespmem:s24+$0xCC40]  }
0x236: {  	[tilespmem:s7+$0x0] =	vst.add.f32.msk $0xffff, v11;
	v10 =	vmul.f32 v10, v6  }
0x237: {  	s7 =	sor.u32 $0x1C30, s22;
	v11 =	vld [tilespmem:s23+$0xD440]  }
0x238: {  	v13 =	vmul.f32 v13, v9;
	[tilespmem:s7+$0x0] =	vst.add.f32.msk $0xffff, v10  }
0x239: {  	s7 =	sor.u32 $0x440, s25;
	v10 =	vld [tilespmem:s22+$0xDC40]  }
0x23a: {  	[tilespmem:s7+$0x0] =	vst.add.f32.msk $0xffff, v13;
	v12 =	vmul.f32 v12, v8  }
0x23b: {  	s7 =	sor.u32 $0xC40, s24;
	v13 =	vld [tilespmem:s25+$0xC450]  }
0x23c: {  	[tilespmem:s7+$0x0] =	vst.add.f32.msk $0xffff, v12;
	v11 =	vmul.f32 v11, v7  }
0x23d: {  	s7 =	sor.u32 $0x1440, s23;
	v12 =	vld [tilespmem:s24+$0xCC50]  }
0x23e: {  	[tilespmem:s7+$0x0] =	vst.add.f32.msk $0xffff, v11;
	v10 =	vmul.f32 v10, v6  }
0x23f: {  	s7 =	sor.u32 $0x1C40, s22;
	v11 =	vld [tilespmem:s23+$0xD450]  }
0x240: {  	v13 =	vmul.f32 v13, v9;
	[tilespmem:s7+$0x0] =	vst.add.f32.msk $0xffff, v10  }
0x241: {  	s7 =	sor.u32 $0x450, s25;
	v10 =	vld [tilespmem:s22+$0xDC50]  }
0x242: {  	[tilespmem:s7+$0x0] =	vst.add.f32.msk $0xffff, v13;
	v12 =	vmul.f32 v12, v8  }
0x243: {  	s7 =	sor.u32 $0xC50, s24;
	v13 =	vld [tilespmem:s25+$0xC460]  }
0x244: {  	[tilespmem:s7+$0x0] =	vst.add.f32.msk $0xffff, v12;
	v11 =	vmul.f32 v11, v7  }
0x245: {  	s7 =	sor.u32 $0x1450, s23;
	v12 =	vld [tilespmem:s24+$0xCC60]  }
0x246: {  	[tilespmem:s7+$0x0] =	vst.add.f32.msk $0xffff, v11;
	v10 =	vmul.f32 v10, v6  }
0x247: {  	s7 =	sor.u32 $0x1C50, s22;
	v11 =	vld [tilespmem:s23+$0xD460]  }
0x248: {  	v13 =	vmul.f32 v13, v9;
	[tilespmem:s7+$0x0] =	vst.add.f32.msk $0xffff, v10  }
0x249: {  	s7 =	sor.u32 $0x460, s25;
	v10 =	vld [tilespmem:s22+$0xDC60]  }
0x24a: {  	[tilespmem:s7+$0x0] =	vst.add.f32.msk $0xffff, v13;
	v12 =	vmul.f32 v12, v8  }
0x24b: {  	s7 =	sor.u32 $0xC60, s24;
	v13 =	vld [tilespmem:s25+$0xC470]  }
0x24c: {  	[tilespmem:s7+$0x0] =	vst.add.f32.msk $0xffff, v12;
	v11 =	vmul.f32 v11, v7  }
0x24d: {  	s7 =	sor.u32 $0x1460, s23;
	v12 =	vld [tilespmem:s24+$0xCC70]  }
0x24e: {  	s26 =	sadd.s32 $0x80, s26;
	[tilespmem:s7+$0x0] =	vst.add.f32.msk $0xffff, v11;
	v10 =	vmul.f32 v10, v6  }
0x24f: {  	s19 =	sor.u32 $0x1C60, s22;
	s17 =	sand.u32 $0x380, s26;
	s7 =	sand.u32 $0x2000, s6;
	v11 =	vld [tilespmem:s23+$0xD470]  }
0x250: {  	s28 =	sadd.s32 $0x1, s28;
	s7 =	sor.u32 s7, s17;
	[tilespmem:s19+$0x0] =	vst.add.f32.msk $0xffff, v10  }
0x251: {  	v10 =	vmov s28;
	s7 =	sor.u32 s21, s7;
	v13 =	vmul.f32 v13, v9;
	v14 =	vld [tilespmem:s22+$0xDC70]  }
0x252: {  	s17 =	sor.u32 $0x470, s25;
	vm1 =	vlt.s32 v10, v5;
	v10 =	vld [tilespmem:s7+$0xC000]  }
0x253: {  	v15 =	vsel vm1, $0x1, v3;
	v12 =	vmul.f32 v12, v8;
	[tilespmem:s17+$0x0] =	vst.add.f32.msk $0xffff, v13  }
0x254: {  	v13 =	vbroadcast v15, $0x0;
	s17 =	sor.u32 $0xC70, s24;
	v15 =	vld [tilespmem:s25+$0xC800]  }
0x255: {  	v11 =	vmul.f32 v11, v7;
	[tilespmem:s17+$0x0] =	vst.add.f32.msk $0xffff, v12  }
0x256: {  	v12 =	vand.u32 $0x1, v13;
	s17 =	sor.u32 $0x1470, s23;
	v13 =	vld [tilespmem:s24+$0xD000];
	v14 =	vmul.f32 v14, v6;
	v6 =	vmovc v7;
	v7 =	vmovc v8;
	v8 =	vmov v9  }
0x257: {  	vm1 =	veq.s32 v12, $0x1;
	[tilespmem:s17+$0x0] =	vst.add.f32.msk $0xffff, v11;
	s17 =	sor.u32 $0x1C70, s22;
	s22 =	smov.u32 s23;
	s23 =	smov.u32 s24  }
0x258: {  	v9 =	vsel vm1, $0x3F800000, v4;
	s24 =	smov.u32 s25;
	s25 =	smov.u32 s7;
	[tilespmem:s17+$0x0] =	vst.add.f32.msk $0xffff, v14  }
0x259: {  	v10 =	vmul.f32 v10, v9;
	v14 =	vld [tilespmem:s22+$0xD800]  }
.Ltmp7:
0x25a: {  	v11 =	vmul.f32 v15, v8;
	v12 =	vld [tilespmem:s25+$0xC010];
	(pc) =	sbr.rel @p0 .LBB2_10-.Ltmp7, $4  }
0x25b: {  	s7 =	sor.u32 $0x800, s24;
	[tilespmem:s25+$0x0] =	vst.add.f32.msk $0xffff, v10  }
0x25c: {  	v10 =	vmul.f32 v13, v7;
	[tilespmem:s7+$0x0] =	vst.add.f32.msk $0xffff, v11  }
0x25d: {  	s7 =	sor.u32 $0x1000, s23;
	v11 =	vld [tilespmem:s24+$0xC810]  }
0x25e: {  	s6 =	sadd.s32 $0x400, s6;
	[tilespmem:s7+$0x0] =	vst.add.f32.msk $0xffff, v10;
	v10 =	vmul.f32 v14, v6  }
0x25f: {  	v12 =	vmul.f32 v12, v9  }
0x260: {  	s6 =	sor.u32 $0x10, s25  }
0x261: {  	[tilespmem:s6+$0x0] =	vst.add.f32.msk $0xffff, v12  }
0x262: {  	v12 =	vld [tilespmem:s25+$0xC020];
	_ =	sdelay $0x4  }
0x263: {  	v12 =	vmul.f32 v12, v9  }
0x264: {  	s17 =	sor.u32 $0x20, s25  }
0x265: {  	[tilespmem:s17+$0x0] =	vst.add.f32.msk $0xffff, v12  }
0x266: {  	v12 =	vld [tilespmem:s25+$0xC030];
	_ =	sdelay $0x4  }
0x267: {  	v12 =	vmul.f32 v12, v9  }
0x268: {  	s19 =	sor.u32 $0x30, s25  }
0x269: {  	[tilespmem:s19+$0x0] =	vst.add.f32.msk $0xffff, v12  }
0x26a: {  	v12 =	vld [tilespmem:s25+$0xC040];
	_ =	sdelay $0x4  }
0x26b: {  	v12 =	vmul.f32 v12, v9  }
0x26c: {  	s26 =	sor.u32 $0x40, s25  }
0x26d: {  	[tilespmem:s26+$0x0] =	vst.add.f32.msk $0xffff, v12  }
0x26e: {  	v12 =	vld [tilespmem:s25+$0xC050];
	_ =	sdelay $0x4  }
0x26f: {  	v12 =	vmul.f32 v12, v9  }
0x270: {  	s28 =	sor.u32 $0x50, s25  }
0x271: {  	[tilespmem:s28+$0x0] =	vst.add.f32.msk $0xffff, v12  }
0x272: {  	v12 =	vld [tilespmem:s25+$0xC060];
	_ =	sdelay $0x4  }
0x273: {  	v12 =	vmul.f32 v12, v9  }
0x274: {  	s7 =	sor.u32 $0x60, s25  }
0x275: {  	[tilespmem:s7+$0x0] =	vst.add.f32.msk $0xffff, v12  }
0x276: {  	v12 =	vld [tilespmem:s25+$0xC070];
	_ =	sdelay $0x4  }
0x277: {  	v12 =	vmul.f32 v12, v9  }
0x278: {  	s17 =	sor.u32 $0x70, s25  }
0x279: {  	[tilespmem:s17+$0x0] =	vst.add.f32.msk $0xffff, v12  }
0x27a: {  	v12 =	vld [tilespmem:s25+$0xC400];
	_ =	sdelay $0x4  }
0x27b: {  	v12 =	vmul.f32 v12, v9  }
0x27c: {  	s19 =	sor.u32 $0x400, s25  }
0x27d: {  	[tilespmem:s19+$0x0] =	vst.add.f32.msk $0xffff, v12  }
0x27e: {  	v12 =	vld [tilespmem:s25+$0xC410];
	_ =	sdelay $0x4  }
0x27f: {  	v12 =	vmul.f32 v12, v9  }
0x280: {  	s26 =	sor.u32 $0x410, s25  }
0x281: {  	[tilespmem:s26+$0x0] =	vst.add.f32.msk $0xffff, v12  }
0x282: {  	v12 =	vld [tilespmem:s25+$0xC420];
	_ =	sdelay $0x4  }
0x283: {  	v12 =	vmul.f32 v12, v9  }
0x284: {  	s28 =	sor.u32 $0x420, s25  }
0x285: {  	[tilespmem:s28+$0x0] =	vst.add.f32.msk $0xffff, v12  }
0x286: {  	v12 =	vld [tilespmem:s25+$0xC430];
	_ =	sdelay $0x4  }
0x287: {  	v12 =	vmul.f32 v12, v9  }
0x288: {  	s7 =	sor.u32 $0x430, s25  }
0x289: {  	[tilespmem:s7+$0x0] =	vst.add.f32.msk $0xffff, v12  }
0x28a: {  	v12 =	vld [tilespmem:s25+$0xC440];
	_ =	sdelay $0x4  }
0x28b: {  	v12 =	vmul.f32 v12, v9  }
0x28c: {  	s17 =	sor.u32 $0x440, s25  }
0x28d: {  	[tilespmem:s17+$0x0] =	vst.add.f32.msk $0xffff, v12  }
0x28e: {  	v12 =	vld [tilespmem:s25+$0xC450];
	_ =	sdelay $0x4  }
0x28f: {  	v12 =	vmul.f32 v12, v9  }
0x290: {  	s19 =	sor.u32 $0x450, s25  }
0x291: {  	[tilespmem:s19+$0x0] =	vst.add.f32.msk $0xffff, v12  }
0x292: {  	v12 =	vld [tilespmem:s25+$0xC460];
	_ =	sdelay $0x4  }
0x293: {  	v12 =	vmul.f32 v12, v9  }
0x294: {  	s26 =	sor.u32 $0x460, s25  }
0x295: {  	[tilespmem:s26+$0x0] =	vst.add.f32.msk $0xffff, v12  }
0x296: {  	v12 =	vld [tilespmem:s25+$0xC470];
	_ =	sdelay $0x4  }
0x297: {  	v12 =	vmul.f32 v12, v9  }
0x298: {  	s28 =	sor.u32 $0x470, s25  }
0x299: {  	[tilespmem:s28+$0x0] =	vst.add.f32.msk $0xffff, v12  }
0x29a: {  	v12 =	vld [tilespmem:s25+$0xC800];
	_ =	sdelay $0x4  }
0x29b: {  	v12 =	vmul.f32 v12, v9  }
0x29c: {  	s7 =	sor.u32 $0x800, s25  }
0x29d: {  	[tilespmem:s7+$0x0] =	vst.add.f32.msk $0xffff, v12  }
0x29e: {  	v12 =	vld [tilespmem:s25+$0xC810]  }
0x29f: {  	v11 =	vmul.f32 v11, v8  }
0x2a0: {  	s17 =	sor.u32 $0x810, s24  }
0x2a1: {  	[tilespmem:s17+$0x0] =	vst.add.f32.msk $0xffff, v11  }
0x2a2: {  	v57 =	vld [tilespmem:s24+$0xC820]  }
0x2a3: {  	v56 =	vmul.f32 v12, v9  }
0x2a4: {  	s19 =	sor.u32 $0x810, s25  }
0x2a5: {  	[tilespmem:s19+$0x0] =	vst.add.f32.msk $0xffff, v56  }
0x2a6: {  	v11 =	vld [tilespmem:s25+$0xC820]  }
0x2a7: {  	v12 =	vmul.f32 v57, v8  }
0x2a8: {  	s26 =	sor.u32 $0x820, s24  }
0x2a9: {  	[tilespmem:s26+$0x0] =	vst.add.f32.msk $0xffff, v12  }
0x2aa: {  	v12 =	vld [tilespmem:s24+$0xC830]  }
0x2ab: {  	v11 =	vmul.f32 v11, v9  }
0x2ac: {  	s28 =	sor.u32 $0x820, s25  }
0x2ad: {  	[tilespmem:s28+$0x0] =	vst.add.f32.msk $0xffff, v11  }
0x2ae: {  	v11 =	vld [tilespmem:s25+$0xC830]  }
0x2af: {  	v12 =	vmul.f32 v12, v8  }
0x2b0: {  	s7 =	sor.u32 $0x830, s24  }
0x2b1: {  	[tilespmem:s7+$0x0] =	vst.add.f32.msk $0xffff, v12  }
0x2b2: {  	v12 =	vld [tilespmem:s24+$0xC840]  }
0x2b3: {  	v11 =	vmul.f32 v11, v9  }
0x2b4: {  	s17 =	sor.u32 $0x830, s25  }
0x2b5: {  	[tilespmem:s17+$0x0] =	vst.add.f32.msk $0xffff, v11  }
0x2b6: {  	v11 =	vld [tilespmem:s25+$0xC840]  }
0x2b7: {  	v12 =	vmul.f32 v12, v8  }
0x2b8: {  	s19 =	sor.u32 $0x840, s24  }
0x2b9: {  	[tilespmem:s19+$0x0] =	vst.add.f32.msk $0xffff, v12  }
0x2ba: {  	v12 =	vld [tilespmem:s24+$0xC850]  }
0x2bb: {  	v11 =	vmul.f32 v11, v9  }
0x2bc: {  	s26 =	sor.u32 $0x840, s25  }
0x2bd: {  	[tilespmem:s26+$0x0] =	vst.add.f32.msk $0xffff, v11  }
0x2be: {  	v11 =	vld [tilespmem:s25+$0xC850]  }
0x2bf: {  	v12 =	vmul.f32 v12, v8  }
0x2c0: {  	s28 =	sor.u32 $0x850, s24  }
0x2c1: {  	[tilespmem:s28+$0x0] =	vst.add.f32.msk $0xffff, v12  }
0x2c2: {  	v12 =	vld [tilespmem:s24+$0xC860]  }
0x2c3: {  	v11 =	vmul.f32 v11, v9  }
0x2c4: {  	s7 =	sor.u32 $0x850, s25  }
0x2c5: {  	[tilespmem:s7+$0x0] =	vst.add.f32.msk $0xffff, v11  }
0x2c6: {  	v11 =	vld [tilespmem:s25+$0xC860]  }
0x2c7: {  	v12 =	vmul.f32 v12, v8  }
0x2c8: {  	s17 =	sor.u32 $0x860, s24  }
0x2c9: {  	[tilespmem:s17+$0x0] =	vst.add.f32.msk $0xffff, v12  }
0x2ca: {  	v12 =	vld [tilespmem:s24+$0xC870]  }
0x2cb: {  	v11 =	vmul.f32 v11, v9  }
0x2cc: {  	s19 =	sor.u32 $0x860, s25  }
0x2cd: {  	[tilespmem:s19+$0x0] =	vst.add.f32.msk $0xffff, v11  }
0x2ce: {  	v11 =	vld [tilespmem:s25+$0xC870]  }
0x2cf: {  	v12 =	vmul.f32 v12, v8  }
0x2d0: {  	s26 =	sor.u32 $0x870, s24  }
0x2d1: {  	[tilespmem:s26+$0x0] =	vst.add.f32.msk $0xffff, v12  }
0x2d2: {  	v12 =	vld [tilespmem:s24+$0xCC00]  }
0x2d3: {  	v11 =	vmul.f32 v11, v9  }
0x2d4: {  	s28 =	sor.u32 $0x870, s25  }
0x2d5: {  	[tilespmem:s28+$0x0] =	vst.add.f32.msk $0xffff, v11  }
0x2d6: {  	v11 =	vld [tilespmem:s25+$0xCC00]  }
0x2d7: {  	v12 =	vmul.f32 v12, v8  }
0x2d8: {  	s7 =	sor.u32 $0xC00, s24  }
0x2d9: {  	[tilespmem:s7+$0x0] =	vst.add.f32.msk $0xffff, v12  }
0x2da: {  	v12 =	vld [tilespmem:s24+$0xCC10]  }
0x2db: {  	v11 =	vmul.f32 v11, v9  }
0x2dc: {  	s17 =	sor.u32 $0xC00, s25  }
0x2dd: {  	[tilespmem:s17+$0x0] =	vst.add.f32.msk $0xffff, v11  }
0x2de: {  	v11 =	vld [tilespmem:s25+$0xCC10]  }
0x2df: {  	v12 =	vmul.f32 v12, v8  }
0x2e0: {  	s19 =	sor.u32 $0xC10, s24  }
0x2e1: {  	[tilespmem:s19+$0x0] =	vst.add.f32.msk $0xffff, v12  }
0x2e2: {  	v12 =	vld [tilespmem:s24+$0xCC20]  }
0x2e3: {  	v11 =	vmul.f32 v11, v9  }
0x2e4: {  	s26 =	sor.u32 $0xC10, s25  }
0x2e5: {  	[tilespmem:s26+$0x0] =	vst.add.f32.msk $0xffff, v11  }
0x2e6: {  	v11 =	vld [tilespmem:s25+$0xCC20]  }
0x2e7: {  	v12 =	vmul.f32 v12, v8  }
0x2e8: {  	s28 =	sor.u32 $0xC20, s24  }
0x2e9: {  	[tilespmem:s28+$0x0] =	vst.add.f32.msk $0xffff, v12  }
0x2ea: {  	v12 =	vld [tilespmem:s24+$0xCC30]  }
0x2eb: {  	v11 =	vmul.f32 v11, v9  }
0x2ec: {  	s7 =	sor.u32 $0xC20, s25  }
0x2ed: {  	[tilespmem:s7+$0x0] =	vst.add.f32.msk $0xffff, v11  }
0x2ee: {  	v11 =	vld [tilespmem:s25+$0xCC30]  }
0x2ef: {  	v12 =	vmul.f32 v12, v8  }
0x2f0: {  	s17 =	sor.u32 $0xC30, s24  }
0x2f1: {  	[tilespmem:s17+$0x0] =	vst.add.f32.msk $0xffff, v12  }
0x2f2: {  	v12 =	vld [tilespmem:s24+$0xCC40]  }
0x2f3: {  	v11 =	vmul.f32 v11, v9  }
0x2f4: {  	s19 =	sor.u32 $0xC30, s25  }
0x2f5: {  	[tilespmem:s19+$0x0] =	vst.add.f32.msk $0xffff, v11  }
0x2f6: {  	v11 =	vld [tilespmem:s25+$0xCC40]  }
0x2f7: {  	v12 =	vmul.f32 v12, v8  }
0x2f8: {  	s26 =	sor.u32 $0xC40, s24  }
0x2f9: {  	[tilespmem:s26+$0x0] =	vst.add.f32.msk $0xffff, v12  }
0x2fa: {  	v12 =	vld [tilespmem:s24+$0xCC50]  }
0x2fb: {  	v11 =	vmul.f32 v11, v9  }
0x2fc: {  	s28 =	sor.u32 $0xC40, s25  }
0x2fd: {  	[tilespmem:s28+$0x0] =	vst.add.f32.msk $0xffff, v11  }
0x2fe: {  	v11 =	vld [tilespmem:s25+$0xCC50]  }
0x2ff: {  	v12 =	vmul.f32 v12, v8  }
0x300: {  	s7 =	sor.u32 $0xC50, s24  }
0x301: {  	[tilespmem:s7+$0x0] =	vst.add.f32.msk $0xffff, v12  }
0x302: {  	v12 =	vld [tilespmem:s24+$0xCC60]  }
0x303: {  	v11 =	vmul.f32 v11, v9  }
0x304: {  	s17 =	sor.u32 $0xC50, s25  }
0x305: {  	[tilespmem:s17+$0x0] =	vst.add.f32.msk $0xffff, v11  }
0x306: {  	v11 =	vld [tilespmem:s25+$0xCC60]  }
0x307: {  	v12 =	vmul.f32 v12, v8  }
0x308: {  	s19 =	sor.u32 $0xC60, s24  }
0x309: {  	[tilespmem:s19+$0x0] =	vst.add.f32.msk $0xffff, v12  }
0x30a: {  	v12 =	vld [tilespmem:s24+$0xCC70]  }
0x30b: {  	v11 =	vmul.f32 v11, v9  }
0x30c: {  	s26 =	sor.u32 $0xC60, s25  }
0x30d: {  	[tilespmem:s26+$0x0] =	vst.add.f32.msk $0xffff, v11  }
0x30e: {  	v11 =	vld [tilespmem:s25+$0xCC70]  }
0x30f: {  	v12 =	vmul.f32 v12, v8  }
0x310: {  	s28 =	sor.u32 $0xC70, s24  }
0x311: {  	[tilespmem:s28+$0x0] =	vst.add.f32.msk $0xffff, v12  }
0x312: {  	v12 =	vld [tilespmem:s24+$0xD000]  }
0x313: {  	v11 =	vmul.f32 v11, v9  }
0x314: {  	s7 =	sor.u32 $0xC70, s25  }
0x315: {  	[tilespmem:s7+$0x0] =	vst.add.f32.msk $0xffff, v11  }
0x316: {  	v11 =	vld [tilespmem:s25+$0xD000]  }
0x317: {  	v12 =	vmul.f32 v12, v8  }
0x318: {  	v13 =	vld [tilespmem:s23+$0xD010];
	s17 =	sor.u32 $0x1000, s24  }
0x319: {  	[tilespmem:s17+$0x0] =	vst.add.f32.msk $0xffff, v12  }
0x31a: {  	v12 =	vld [tilespmem:s24+$0xD010]  }
0x31b: {  	v11 =	vmul.f32 v11, v9  }
0x31c: {  	s19 =	sor.u32 $0x1000, s25  }
0x31d: {  	v13 =	vmul.f32 v13, v7;
	[tilespmem:s19+$0x0] =	vst.add.f32.msk $0xffff, v11  }
0x31e: {  	s26 =	sor.u32 $0x1010, s23;
	v11 =	vld [tilespmem:s25+$0xD010]  }
0x31f: {  	[tilespmem:s26+$0x0] =	vst.add.f32.msk $0xffff, v13;
	v12 =	vmul.f32 v12, v8  }
0x320: {  	s28 =	sor.u32 $0x1010, s24;
	v13 =	vld [tilespmem:s23+$0xD020]  }
0x321: {  	[tilespmem:s28+$0x0] =	vst.add.f32.msk $0xffff, v12  }
0x322: {  	v12 =	vld [tilespmem:s24+$0xD020]  }
0x323: {  	v11 =	vmul.f32 v11, v9  }
0x324: {  	s7 =	sor.u32 $0x1010, s25  }
0x325: {  	v13 =	vmul.f32 v13, v7;
	[tilespmem:s7+$0x0] =	vst.add.f32.msk $0xffff, v11  }
0x326: {  	s17 =	sor.u32 $0x1020, s23;
	v11 =	vld [tilespmem:s25+$0xD020]  }
0x327: {  	[tilespmem:s17+$0x0] =	vst.add.f32.msk $0xffff, v13;
	v12 =	vmul.f32 v12, v8  }
0x328: {  	v13 =	vld [tilespmem:s23+$0xD030];
	s19 =	sor.u32 $0x1020, s24  }
0x329: {  	[tilespmem:s19+$0x0] =	vst.add.f32.msk $0xffff, v12  }
0x32a: {  	v12 =	vld [tilespmem:s24+$0xD030]  }
0x32b: {  	v11 =	vmul.f32 v11, v9  }
0x32c: {  	s26 =	sor.u32 $0x1020, s25  }
0x32d: {  	v13 =	vmul.f32 v13, v7;
	[tilespmem:s26+$0x0] =	vst.add.f32.msk $0xffff, v11  }
0x32e: {  	s28 =	sor.u32 $0x1030, s23;
	v11 =	vld [tilespmem:s25+$0xD030]  }
0x32f: {  	[tilespmem:s28+$0x0] =	vst.add.f32.msk $0xffff, v13;
	v12 =	vmul.f32 v12, v8  }
0x330: {  	v13 =	vld [tilespmem:s23+$0xD040];
	s7 =	sor.u32 $0x1030, s24  }
0x331: {  	[tilespmem:s7+$0x0] =	vst.add.f32.msk $0xffff, v12  }
0x332: {  	v12 =	vld [tilespmem:s24+$0xD040]  }
0x333: {  	v11 =	vmul.f32 v11, v9  }
0x334: {  	s17 =	sor.u32 $0x1030, s25  }
0x335: {  	v13 =	vmul.f32 v13, v7;
	[tilespmem:s17+$0x0] =	vst.add.f32.msk $0xffff, v11  }
0x336: {  	s19 =	sor.u32 $0x1040, s23;
	v11 =	vld [tilespmem:s25+$0xD040]  }
0x337: {  	[tilespmem:s19+$0x0] =	vst.add.f32.msk $0xffff, v13;
	v12 =	vmul.f32 v12, v8  }
0x338: {  	v13 =	vld [tilespmem:s23+$0xD050];
	s26 =	sor.u32 $0x1040, s24  }
0x339: {  	[tilespmem:s26+$0x0] =	vst.add.f32.msk $0xffff, v12  }
0x33a: {  	v12 =	vld [tilespmem:s24+$0xD050]  }
0x33b: {  	v11 =	vmul.f32 v11, v9  }
0x33c: {  	s28 =	sor.u32 $0x1040, s25  }
0x33d: {  	v13 =	vmul.f32 v13, v7;
	[tilespmem:s28+$0x0] =	vst.add.f32.msk $0xffff, v11  }
0x33e: {  	s7 =	sor.u32 $0x1050, s23;
	v11 =	vld [tilespmem:s25+$0xD050]  }
0x33f: {  	[tilespmem:s7+$0x0] =	vst.add.f32.msk $0xffff, v13;
	v12 =	vmul.f32 v12, v8  }
0x340: {  	v13 =	vld [tilespmem:s23+$0xD060];
	s17 =	sor.u32 $0x1050, s24  }
0x341: {  	[tilespmem:s17+$0x0] =	vst.add.f32.msk $0xffff, v12  }
0x342: {  	v12 =	vld [tilespmem:s24+$0xD060]  }
0x343: {  	v11 =	vmul.f32 v11, v9  }
0x344: {  	s19 =	sor.u32 $0x1050, s25  }
0x345: {  	v13 =	vmul.f32 v13, v7;
	[tilespmem:s19+$0x0] =	vst.add.f32.msk $0xffff, v11  }
0x346: {  	s26 =	sor.u32 $0x1060, s23;
	v11 =	vld [tilespmem:s25+$0xD060]  }
0x347: {  	[tilespmem:s26+$0x0] =	vst.add.f32.msk $0xffff, v13;
	v12 =	vmul.f32 v12, v8  }
0x348: {  	v13 =	vld [tilespmem:s23+$0xD070];
	s28 =	sor.u32 $0x1060, s24  }
0x349: {  	[tilespmem:s28+$0x0] =	vst.add.f32.msk $0xffff, v12  }
0x34a: {  	v12 =	vld [tilespmem:s24+$0xD070]  }
0x34b: {  	v11 =	vmul.f32 v11, v9  }
0x34c: {  	s7 =	sor.u32 $0x1060, s25  }
0x34d: {  	v13 =	vmul.f32 v13, v7;
	[tilespmem:s7+$0x0] =	vst.add.f32.msk $0xffff, v11  }
0x34e: {  	s17 =	sor.u32 $0x1070, s23;
	v11 =	vld [tilespmem:s25+$0xD070]  }
0x34f: {  	[tilespmem:s17+$0x0] =	vst.add.f32.msk $0xffff, v13;
	v12 =	vmul.f32 v12, v8  }
0x350: {  	v13 =	vld [tilespmem:s23+$0xD400];
	s19 =	sor.u32 $0x1070, s24  }
0x351: {  	[tilespmem:s19+$0x0] =	vst.add.f32.msk $0xffff, v12  }
0x352: {  	v12 =	vld [tilespmem:s24+$0xD400]  }
0x353: {  	v11 =	vmul.f32 v11, v9  }
0x354: {  	s26 =	sor.u32 $0x1070, s25  }
0x355: {  	v13 =	vmul.f32 v13, v7;
	[tilespmem:s26+$0x0] =	vst.add.f32.msk $0xffff, v11  }
0x356: {  	s28 =	sor.u32 $0x1400, s23;
	v11 =	vld [tilespmem:s25+$0xD400]  }
0x357: {  	[tilespmem:s28+$0x0] =	vst.add.f32.msk $0xffff, v13;
	v12 =	vmul.f32 v12, v8  }
0x358: {  	v13 =	vld [tilespmem:s23+$0xD410];
	s7 =	sor.u32 $0x1400, s24  }
0x359: {  	[tilespmem:s7+$0x0] =	vst.add.f32.msk $0xffff, v12  }
0x35a: {  	v12 =	vld [tilespmem:s24+$0xD410]  }
0x35b: {  	v11 =	vmul.f32 v11, v9  }
0x35c: {  	s17 =	sor.u32 $0x1400, s25  }
0x35d: {  	v13 =	vmul.f32 v13, v7;
	[tilespmem:s17+$0x0] =	vst.add.f32.msk $0xffff, v11  }
0x35e: {  	s19 =	sor.u32 $0x1410, s23;
	v11 =	vld [tilespmem:s25+$0xD410]  }
0x35f: {  	[tilespmem:s19+$0x0] =	vst.add.f32.msk $0xffff, v13;
	v12 =	vmul.f32 v12, v8  }
0x360: {  	v13 =	vld [tilespmem:s23+$0xD420];
	s26 =	sor.u32 $0x1410, s24  }
0x361: {  	[tilespmem:s26+$0x0] =	vst.add.f32.msk $0xffff, v12  }
0x362: {  	v12 =	vld [tilespmem:s24+$0xD420]  }
0x363: {  	v11 =	vmul.f32 v11, v9  }
0x364: {  	s28 =	sor.u32 $0x1410, s25  }
0x365: {  	v13 =	vmul.f32 v13, v7;
	[tilespmem:s28+$0x0] =	vst.add.f32.msk $0xffff, v11  }
0x366: {  	s7 =	sor.u32 $0x1420, s23;
	v11 =	vld [tilespmem:s25+$0xD420]  }
0x367: {  	[tilespmem:s7+$0x0] =	vst.add.f32.msk $0xffff, v13;
	v12 =	vmul.f32 v12, v8  }
0x368: {  	v13 =	vld [tilespmem:s23+$0xD430];
	s17 =	sor.u32 $0x1420, s24  }
0x369: {  	[tilespmem:s17+$0x0] =	vst.add.f32.msk $0xffff, v12  }
0x36a: {  	v12 =	vld [tilespmem:s24+$0xD430]  }
0x36b: {  	v11 =	vmul.f32 v11, v9  }
0x36c: {  	s19 =	sor.u32 $0x1420, s25  }
0x36d: {  	v13 =	vmul.f32 v13, v7;
	[tilespmem:s19+$0x0] =	vst.add.f32.msk $0xffff, v11  }
0x36e: {  	s26 =	sor.u32 $0x1430, s23;
	v11 =	vld [tilespmem:s25+$0xD430]  }
0x36f: {  	[tilespmem:s26+$0x0] =	vst.add.f32.msk $0xffff, v13;
	v12 =	vmul.f32 v12, v8  }
0x370: {  	v13 =	vld [tilespmem:s23+$0xD440];
	s28 =	sor.u32 $0x1430, s24  }
0x371: {  	[tilespmem:s28+$0x0] =	vst.add.f32.msk $0xffff, v12  }
0x372: {  	v12 =	vld [tilespmem:s24+$0xD440]  }
0x373: {  	v11 =	vmul.f32 v11, v9  }
0x374: {  	s7 =	sor.u32 $0x1430, s25  }
0x375: {  	v13 =	vmul.f32 v13, v7;
	[tilespmem:s7+$0x0] =	vst.add.f32.msk $0xffff, v11  }
0x376: {  	s17 =	sor.u32 $0x1440, s23;
	v11 =	vld [tilespmem:s25+$0xD440]  }
0x377: {  	[tilespmem:s17+$0x0] =	vst.add.f32.msk $0xffff, v13;
	v12 =	vmul.f32 v12, v8  }
0x378: {  	v13 =	vld [tilespmem:s23+$0xD450];
	s19 =	sor.u32 $0x1440, s24  }
0x379: {  	[tilespmem:s19+$0x0] =	vst.add.f32.msk $0xffff, v12  }
0x37a: {  	v12 =	vld [tilespmem:s24+$0xD450]  }
0x37b: {  	v11 =	vmul.f32 v11, v9  }
0x37c: {  	s26 =	sor.u32 $0x1440, s25  }
0x37d: {  	v13 =	vmul.f32 v13, v7;
	[tilespmem:s26+$0x0] =	vst.add.f32.msk $0xffff, v11  }
0x37e: {  	s28 =	sor.u32 $0x1450, s23;
	v11 =	vld [tilespmem:s25+$0xD450]  }
0x37f: {  	[tilespmem:s28+$0x0] =	vst.add.f32.msk $0xffff, v13;
	v12 =	vmul.f32 v12, v8  }
0x380: {  	v13 =	vld [tilespmem:s23+$0xD460];
	s7 =	sor.u32 $0x1450, s24  }
0x381: {  	[tilespmem:s7+$0x0] =	vst.add.f32.msk $0xffff, v12  }
0x382: {  	v12 =	vld [tilespmem:s24+$0xD460]  }
0x383: {  	v11 =	vmul.f32 v11, v9  }
0x384: {  	s17 =	sor.u32 $0x1450, s25  }
0x385: {  	v13 =	vmul.f32 v13, v7;
	[tilespmem:s17+$0x0] =	vst.add.f32.msk $0xffff, v11  }
0x386: {  	s19 =	sor.u32 $0x1460, s23;
	v11 =	vld [tilespmem:s25+$0xD460]  }
0x387: {  	[tilespmem:s19+$0x0] =	vst.add.f32.msk $0xffff, v13;
	v12 =	vmul.f32 v12, v8  }
0x388: {  	v13 =	vld [tilespmem:s23+$0xD470];
	s26 =	sor.u32 $0x1460, s24  }
0x389: {  	[tilespmem:s26+$0x0] =	vst.add.f32.msk $0xffff, v12  }
0x38a: {  	v12 =	vld [tilespmem:s24+$0xD470]  }
0x38b: {  	v11 =	vmul.f32 v11, v9  }
0x38c: {  	s28 =	sor.u32 $0x1460, s25  }
0x38d: {  	v13 =	vmul.f32 v13, v7;
	[tilespmem:s28+$0x0] =	vst.add.f32.msk $0xffff, v11  }
0x38e: {  	s7 =	sor.u32 $0x1470, s23;
	v11 =	vld [tilespmem:s25+$0xD470]  }
0x38f: {  	[tilespmem:s7+$0x0] =	vst.add.f32.msk $0xffff, v13;
	v12 =	vmul.f32 v12, v8  }
0x390: {  	v13 =	vld [tilespmem:s23+$0xD800];
	s17 =	sor.u32 $0x1470, s24  }
0x391: {  	[tilespmem:s17+$0x0] =	vst.add.f32.msk $0xffff, v12  }
0x392: {  	s26 =	sor.u32 $0x1800, s22;
	v12 =	vld [tilespmem:s24+$0xD800]  }
0x393: {  	[tilespmem:s26+$0x0] =	vst.add.f32.msk $0xffff, v10;
	v11 =	vmul.f32 v11, v9  }
0x394: {  	s19 =	sor.u32 $0x1470, s25;
	v59 =	vld [tilespmem:s22+$0xD810]  }
0x395: {  	v58 =	vmul.f32 v13, v7;
	[tilespmem:s19+$0x0] =	vst.add.f32.msk $0xffff, v11  }
0x396: {  	s28 =	sor.u32 $0x1800, s23;
	v11 =	vld [tilespmem:s25+$0xD800]  }
0x397: {  	[tilespmem:s28+$0x0] =	vst.add.f32.msk $0xffff, v58;
	v60 =	vmul.f32 v12, v8  }
0x398: {  	s7 =	sor.u32 $0x1800, s24;
	v61 =	vld [tilespmem:s23+$0xD810]  }
0x399: {  	v13 =	vmul.f32 v59, v6;
	[tilespmem:s7+$0x0] =	vst.add.f32.msk $0xffff, v60  }
0x39a: {  	s19 =	sor.u32 $0x1810, s22;
	v63 =	vld [tilespmem:s24+$0xD810]  }
0x39b: {  	[tilespmem:s19+$0x0] =	vst.add.f32.msk $0xffff, v13;
	v62 =	vmul.f32 v11, v9  }
0x39c: {  	s17 =	sor.u32 $0x1800, s25;
	v13 =	vld [tilespmem:s22+$0xD820]  }
0x39d: {  	v12 =	vmul.f32 v61, v7;
	[tilespmem:s17+$0x0] =	vst.add.f32.msk $0xffff, v62  }
0x39e: {  	s26 =	sor.u32 $0x1810, s23;
	v10 =	vld [tilespmem:s25+$0xD810]  }
0x39f: {  	[tilespmem:s26+$0x0] =	vst.add.f32.msk $0xffff, v12;
	v11 =	vmul.f32 v63, v8  }
0x3a0: {  	s28 =	sor.u32 $0x1810, s24;
	v12 =	vld [tilespmem:s23+$0xD820]  }
0x3a1: {  	v13 =	vmul.f32 v13, v6;
	[tilespmem:s28+$0x0] =	vst.add.f32.msk $0xffff, v11  }
0x3a2: {  	s17 =	sor.u32 $0x1820, s22;
	v11 =	vld [tilespmem:s24+$0xD820]  }
0x3a3: {  	[tilespmem:s17+$0x0] =	vst.add.f32.msk $0xffff, v13;
	v10 =	vmul.f32 v10, v9  }
0x3a4: {  	s7 =	sor.u32 $0x1810, s25;
	v13 =	vld [tilespmem:s22+$0xD830]  }
0x3a5: {  	v12 =	vmul.f32 v12, v7;
	[tilespmem:s7+$0x0] =	vst.add.f32.msk $0xffff, v10  }
0x3a6: {  	s19 =	sor.u32 $0x1820, s23;
	v10 =	vld [tilespmem:s25+$0xD820]  }
0x3a7: {  	[tilespmem:s19+$0x0] =	vst.add.f32.msk $0xffff, v12;
	v11 =	vmul.f32 v11, v8  }
0x3a8: {  	s26 =	sor.u32 $0x1820, s24;
	v12 =	vld [tilespmem:s23+$0xD830]  }
0x3a9: {  	v13 =	vmul.f32 v13, v6;
	[tilespmem:s26+$0x0] =	vst.add.f32.msk $0xffff, v11  }
0x3aa: {  	s7 =	sor.u32 $0x1830, s22;
	v11 =	vld [tilespmem:s24+$0xD830]  }
0x3ab: {  	[tilespmem:s7+$0x0] =	vst.add.f32.msk $0xffff, v13;
	v10 =	vmul.f32 v10, v9  }
0x3ac: {  	s28 =	sor.u32 $0x1820, s25;
	v13 =	vld [tilespmem:s22+$0xD840]  }
0x3ad: {  	v12 =	vmul.f32 v12, v7;
	[tilespmem:s28+$0x0] =	vst.add.f32.msk $0xffff, v10  }
0x3ae: {  	s17 =	sor.u32 $0x1830, s23;
	v10 =	vld [tilespmem:s25+$0xD830]  }
0x3af: {  	[tilespmem:s17+$0x0] =	vst.add.f32.msk $0xffff, v12;
	v11 =	vmul.f32 v11, v8  }
0x3b0: {  	s19 =	sor.u32 $0x1830, s24;
	v12 =	vld [tilespmem:s23+$0xD840]  }
0x3b1: {  	v13 =	vmul.f32 v13, v6;
	[tilespmem:s19+$0x0] =	vst.add.f32.msk $0xffff, v11  }
0x3b2: {  	s28 =	sor.u32 $0x1840, s22;
	v11 =	vld [tilespmem:s24+$0xD840]  }
0x3b3: {  	[tilespmem:s28+$0x0] =	vst.add.f32.msk $0xffff, v13;
	v10 =	vmul.f32 v10, v9  }
0x3b4: {  	s26 =	sor.u32 $0x1830, s25;
	v13 =	vld [tilespmem:s22+$0xD850]  }
0x3b5: {  	v12 =	vmul.f32 v12, v7;
	[tilespmem:s26+$0x0] =	vst.add.f32.msk $0xffff, v10  }
0x3b6: {  	s7 =	sor.u32 $0x1840, s23;
	v10 =	vld [tilespmem:s25+$0xD840]  }
0x3b7: {  	[tilespmem:s7+$0x0] =	vst.add.f32.msk $0xffff, v12;
	v11 =	vmul.f32 v11, v8  }
0x3b8: {  	s17 =	sor.u32 $0x1840, s24;
	v12 =	vld [tilespmem:s23+$0xD850]  }
0x3b9: {  	v13 =	vmul.f32 v13, v6;
	[tilespmem:s17+$0x0] =	vst.add.f32.msk $0xffff, v11  }
0x3ba: {  	s26 =	sor.u32 $0x1850, s22;
	v11 =	vld [tilespmem:s24+$0xD850]  }
0x3bb: {  	[tilespmem:s26+$0x0] =	vst.add.f32.msk $0xffff, v13;
	v10 =	vmul.f32 v10, v9  }
0x3bc: {  	s19 =	sor.u32 $0x1840, s25;
	v13 =	vld [tilespmem:s22+$0xD860]  }
0x3bd: {  	v12 =	vmul.f32 v12, v7;
	[tilespmem:s19+$0x0] =	vst.add.f32.msk $0xffff, v10  }
0x3be: {  	s28 =	sor.u32 $0x1850, s23;
	v10 =	vld [tilespmem:s25+$0xD850]  }
0x3bf: {  	[tilespmem:s28+$0x0] =	vst.add.f32.msk $0xffff, v12;
	v11 =	vmul.f32 v11, v8  }
0x3c0: {  	s7 =	sor.u32 $0x1850, s24;
	v12 =	vld [tilespmem:s23+$0xD860]  }
0x3c1: {  	v13 =	vmul.f32 v13, v6;
	[tilespmem:s7+$0x0] =	vst.add.f32.msk $0xffff, v11  }
0x3c2: {  	s19 =	sor.u32 $0x1860, s22;
	v11 =	vld [tilespmem:s24+$0xD860]  }
0x3c3: {  	[tilespmem:s19+$0x0] =	vst.add.f32.msk $0xffff, v13;
	v10 =	vmul.f32 v10, v9  }
0x3c4: {  	s17 =	sor.u32 $0x1850, s25;
	v13 =	vld [tilespmem:s22+$0xD870]  }
0x3c5: {  	v12 =	vmul.f32 v12, v7;
	[tilespmem:s17+$0x0] =	vst.add.f32.msk $0xffff, v10  }
0x3c6: {  	s26 =	sor.u32 $0x1860, s23;
	v10 =	vld [tilespmem:s25+$0xD860]  }
0x3c7: {  	[tilespmem:s26+$0x0] =	vst.add.f32.msk $0xffff, v12;
	v11 =	vmul.f32 v11, v8  }
0x3c8: {  	s28 =	sor.u32 $0x1860, s24;
	v12 =	vld [tilespmem:s23+$0xD870]  }
0x3c9: {  	v13 =	vmul.f32 v13, v6;
	[tilespmem:s28+$0x0] =	vst.add.f32.msk $0xffff, v11  }
0x3ca: {  	s17 =	sor.u32 $0x1870, s22;
	v11 =	vld [tilespmem:s24+$0xD870]  }
0x3cb: {  	[tilespmem:s17+$0x0] =	vst.add.f32.msk $0xffff, v13;
	v10 =	vmul.f32 v10, v9  }
0x3cc: {  	s7 =	sor.u32 $0x1860, s25;
	v13 =	vld [tilespmem:s22+$0xDC00]  }
0x3cd: {  	v12 =	vmul.f32 v12, v7;
	[tilespmem:s7+$0x0] =	vst.add.f32.msk $0xffff, v10  }
0x3ce: {  	s19 =	sor.u32 $0x1870, s23;
	v10 =	vld [tilespmem:s25+$0xD870]  }
0x3cf: {  	[tilespmem:s19+$0x0] =	vst.add.f32.msk $0xffff, v12;
	v11 =	vmul.f32 v11, v8  }
0x3d0: {  	s26 =	sor.u32 $0x1870, s24;
	v12 =	vld [tilespmem:s23+$0xDC00]  }
0x3d1: {  	v13 =	vmul.f32 v13, v6;
	[tilespmem:s26+$0x0] =	vst.add.f32.msk $0xffff, v11  }
0x3d2: {  	s7 =	sor.u32 $0x1C00, s22;
	v11 =	vld [tilespmem:s24+$0xDC00]  }
0x3d3: {  	[tilespmem:s7+$0x0] =	vst.add.f32.msk $0xffff, v13;
	v10 =	vmul.f32 v10, v9  }
0x3d4: {  	s28 =	sor.u32 $0x1870, s25;
	v13 =	vld [tilespmem:s22+$0xDC10]  }
0x3d5: {  	v12 =	vmul.f32 v12, v7;
	[tilespmem:s28+$0x0] =	vst.add.f32.msk $0xffff, v10  }
0x3d6: {  	s17 =	sor.u32 $0x1C00, s23;
	v10 =	vld [tilespmem:s25+$0xDC00]  }
0x3d7: {  	[tilespmem:s17+$0x0] =	vst.add.f32.msk $0xffff, v12;
	v11 =	vmul.f32 v11, v8  }
0x3d8: {  	s19 =	sor.u32 $0x1C00, s24;
	v12 =	vld [tilespmem:s23+$0xDC10]  }
0x3d9: {  	v13 =	vmul.f32 v13, v6;
	[tilespmem:s19+$0x0] =	vst.add.f32.msk $0xffff, v11  }
0x3da: {  	s28 =	sor.u32 $0x1C10, s22;
	v11 =	vld [tilespmem:s24+$0xDC10]  }
0x3db: {  	[tilespmem:s28+$0x0] =	vst.add.f32.msk $0xffff, v13;
	v10 =	vmul.f32 v10, v9  }
0x3dc: {  	s26 =	sor.u32 $0x1C00, s25;
	v13 =	vld [tilespmem:s22+$0xDC20]  }
0x3dd: {  	v12 =	vmul.f32 v12, v7;
	[tilespmem:s26+$0x0] =	vst.add.f32.msk $0xffff, v10  }
0x3de: {  	s7 =	sor.u32 $0x1C10, s23;
	v10 =	vld [tilespmem:s25+$0xDC10]  }
0x3df: {  	[tilespmem:s7+$0x0] =	vst.add.f32.msk $0xffff, v12;
	v11 =	vmul.f32 v11, v8  }
0x3e0: {  	s17 =	sor.u32 $0x1C10, s24;
	v12 =	vld [tilespmem:s23+$0xDC20]  }
0x3e1: {  	v13 =	vmul.f32 v13, v6;
	[tilespmem:s17+$0x0] =	vst.add.f32.msk $0xffff, v11  }
0x3e2: {  	s26 =	sor.u32 $0x1C20, s22;
	v11 =	vld [tilespmem:s24+$0xDC20]  }
0x3e3: {  	[tilespmem:s26+$0x0] =	vst.add.f32.msk $0xffff, v13;
	v10 =	vmul.f32 v10, v9  }
0x3e4: {  	s19 =	sor.u32 $0x1C10, s25;
	v13 =	vld [tilespmem:s22+$0xDC30]  }
0x3e5: {  	v12 =	vmul.f32 v12, v7;
	[tilespmem:s19+$0x0] =	vst.add.f32.msk $0xffff, v10  }
0x3e6: {  	s28 =	sor.u32 $0x1C20, s23;
	v10 =	vld [tilespmem:s25+$0xDC20]  }
0x3e7: {  	[tilespmem:s28+$0x0] =	vst.add.f32.msk $0xffff, v12;
	v11 =	vmul.f32 v11, v8  }
0x3e8: {  	s7 =	sor.u32 $0x1C20, s24;
	v12 =	vld [tilespmem:s23+$0xDC30]  }
0x3e9: {  	v13 =	vmul.f32 v13, v6;
	[tilespmem:s7+$0x0] =	vst.add.f32.msk $0xffff, v11  }
0x3ea: {  	s19 =	sor.u32 $0x1C30, s22;
	v11 =	vld [tilespmem:s24+$0xDC30]  }
0x3eb: {  	[tilespmem:s19+$0x0] =	vst.add.f32.msk $0xffff, v13;
	v10 =	vmul.f32 v10, v9  }
0x3ec: {  	s17 =	sor.u32 $0x1C20, s25;
	v13 =	vld [tilespmem:s22+$0xDC40]  }
0x3ed: {  	v12 =	vmul.f32 v12, v7;
	[tilespmem:s17+$0x0] =	vst.add.f32.msk $0xffff, v10  }
0x3ee: {  	s26 =	sor.u32 $0x1C30, s23;
	v10 =	vld [tilespmem:s25+$0xDC30]  }
0x3ef: {  	[tilespmem:s26+$0x0] =	vst.add.f32.msk $0xffff, v12;
	v11 =	vmul.f32 v11, v8  }
0x3f0: {  	s28 =	sor.u32 $0x1C30, s24;
	v12 =	vld [tilespmem:s23+$0xDC40]  }
0x3f1: {  	v13 =	vmul.f32 v13, v6;
	[tilespmem:s28+$0x0] =	vst.add.f32.msk $0xffff, v11  }
0x3f2: {  	s17 =	sor.u32 $0x1C40, s22;
	v11 =	vld [tilespmem:s24+$0xDC40]  }
0x3f3: {  	[tilespmem:s17+$0x0] =	vst.add.f32.msk $0xffff, v13;
	v10 =	vmul.f32 v10, v9  }
0x3f4: {  	s7 =	sor.u32 $0x1C30, s25;
	v13 =	vld [tilespmem:s22+$0xDC50]  }
0x3f5: {  	v12 =	vmul.f32 v12, v7;
	[tilespmem:s7+$0x0] =	vst.add.f32.msk $0xffff, v10  }
0x3f6: {  	s19 =	sor.u32 $0x1C40, s23;
	v10 =	vld [tilespmem:s25+$0xDC40]  }
0x3f7: {  	[tilespmem:s19+$0x0] =	vst.add.f32.msk $0xffff, v12  }
0x3f8: {  	v12 =	vld [tilespmem:s23+$0xDC50];
	v11 =	vmul.f32 v11, v8  }
0x3f9: {  	s26 =	sor.u32 $0x1C40, s24  }
0x3fa: {  	v13 =	vmul.f32 v13, v6;
	[tilespmem:s26+$0x0] =	vst.add.f32.msk $0xffff, v11  }
0x3fb: {  	s7 =	sor.u32 $0x1C50, s22;
	v11 =	vld [tilespmem:s24+$0xDC50];
	v10 =	vmul.f32 v10, v9  }
0x3fc: {  	s28 =	sor.u32 $0x1C40, s25;
	[tilespmem:s7+$0x0] =	vst.add.f32.msk $0xffff, v13  }
0x3fd: {  	v12 =	vmul.f32 v12, v7;
	[tilespmem:s28+$0x0] =	vst.add.f32.msk $0xffff, v10  }
0x3fe: {  	s17 =	sor.u32 $0x1C50, s23;
	v10 =	vld [tilespmem:s25+$0xDC50]  }
0x3ff: {  	[tilespmem:s17+$0x0] =	vst.add.f32.msk $0xffff, v12  }
0x400: {  	v13 =	vld [tilespmem:s22+$0xDC60]  }
0x401: {  	v12 =	vld [tilespmem:s23+$0xDC60];
	v11 =	vmul.f32 v11, v8  }
0x402: {  	s19 =	sor.u32 $0x1C50, s24  }
0x403: {  	[tilespmem:s19+$0x0] =	vst.add.f32.msk $0xffff, v11;
	v10 =	vmul.f32 v10, v9  }
0x404: {  	s26 =	sor.u32 $0x1C50, s25;
	v11 =	vld [tilespmem:s24+$0xDC60]  }
0x405: {  	v13 =	vmul.f32 v13, v6;
	[tilespmem:s26+$0x0] =	vst.add.f32.msk $0xffff, v10  }
0x406: {  	v12 =	vmul.f32 v12, v7;
	s28 =	sor.u32 $0x1C60, s22;
	v10 =	vld [tilespmem:s25+$0xDC60]  }
0x407: {  	s7 =	sor.u32 $0x1C60, s23;
	[tilespmem:s28+$0x0] =	vst.add.f32.msk $0xffff, v13  }
0x408: {  	[tilespmem:s7+$0x0] =	vst.add.f32.msk $0xffff, v12  }
0x409: {  	v13 =	vld [tilespmem:s22+$0xDC70];
	v11 =	vmul.f32 v11, v8  }
0x40a: {  	s17 =	sor.u32 $0x1C60, s24;
	v12 =	vld [tilespmem:s23+$0xDC70]  }
0x40b: {  	[tilespmem:s17+$0x0] =	vst.add.f32.msk $0xffff, v11;
	v10 =	vmul.f32 v10, v9  }
0x40c: {  	s19 =	sor.u32 $0x1C60, s25;
	v11 =	vld [tilespmem:s24+$0xDC70]  }
0x40d: {  	[tilespmem:s19+$0x0] =	vst.add.f32.msk $0xffff, v10  }
0x40e: {  	v10 =	vld [tilespmem:s25+$0xDC70];
	_ =	sdelay $0x1  }
0x40f: {  	v6 =	vmul.f32 v13, v6  }
.Ltmp8:
0x410: {  	s22 =	sor.u32 $0x1C70, s22;
	v7 =	vmul.f32 v12, v7;
	(pc) =	sbr.rel .LBB2_12-.Ltmp8, $4  }
0x411: {  	s23 =	sor.u32 $0x1C70, s23;
	[tilespmem:s22+$0x0] =	vst.add.f32.msk $0xffff, v6;
	v6 =	vmul.f32 v11, v8  }
0x412: {  	s26 =	sor.u32 $0x1C70, s24;
	[tilespmem:s23+$0x0] =	vst.add.f32.msk $0xffff, v7;
	v7 =	vmul.f32 v10, v9  }
0x413: {  	s28 =	sor.u32 $0x1C70, s25;
	[tilespmem:s26+$0x0] =	vst.add.f32.msk $0xffff, v6  }
0x414: {  	[tilespmem:s28+$0x0] =	vst.add.f32.msk $0xffff, v7  }
.LBB2_5:
0x415: {  	s6 =	simm.s32 $0x0  }
0x416: {  	_ =	swait.ge [sflag:s30], $0x4000;
	s22 =	sand.u32 $0x2000, s6;
	s6 =	sand.u32 $0x380, s6  }
0x417: {  	[sflag:s30] =	ssyncset.done $0x0;
	s6 =	sor.u32 s22, s6  }
0x418: {  	[sflag:s30] =	ssyncadd.s32 $0xFFFFC000;
	s22 =	sor.u32 s21, s6  }
0x419: {  	v6 =	vld [tilespmem:s22+$0xC000]  }
0x41a: {  	v7 =	vld [tilespmem:s22+$0xC010];
	_ =	sdelay $0x3  }
0x41b: {  	s6 =	sor.u32 $0x10, s22;
	[tilespmem:s22+$0x0] =	vst.add.f32.msk $0xffff, v6  }
0x41c: {  	[tilespmem:s6+$0x0] =	vst.add.f32.msk $0xffff, v7  }
0x41d: {  	v6 =	vld [tilespmem:s22+$0xC020];
	_ =	sdelay $0x3  }
0x41e: {  	s24 =	sor.u32 $0x20, s22  }
0x41f: {  	[tilespmem:s24+$0x0] =	vst.add.f32.msk $0xffff, v6  }
0x420: {  	v6 =	vld [tilespmem:s22+$0xC030];
	_ =	sdelay $0x3  }
0x421: {  	s25 =	sor.u32 $0x30, s22  }
0x422: {  	[tilespmem:s25+$0x0] =	vst.add.f32.msk $0xffff, v6  }
0x423: {  	v6 =	vld [tilespmem:s22+$0xC040];
	_ =	sdelay $0x3  }
0x424: {  	s26 =	sor.u32 $0x40, s22  }
0x425: {  	[tilespmem:s26+$0x0] =	vst.add.f32.msk $0xffff, v6  }
0x426: {  	v6 =	vld [tilespmem:s22+$0xC050];
	_ =	sdelay $0x3  }
0x427: {  	s28 =	sor.u32 $0x50, s22  }
0x428: {  	[tilespmem:s28+$0x0] =	vst.add.f32.msk $0xffff, v6  }
0x429: {  	v6 =	vld [tilespmem:s22+$0xC060];
	_ =	sdelay $0x3  }
0x42a: {  	s7 =	sor.u32 $0x60, s22  }
0x42b: {  	[tilespmem:s7+$0x0] =	vst.add.f32.msk $0xffff, v6  }
0x42c: {  	v6 =	vld [tilespmem:s22+$0xC070];
	_ =	sdelay $0x3  }
0x42d: {  	s17 =	sor.u32 $0x70, s22  }
0x42e: {  	[tilespmem:s17+$0x0] =	vst.add.f32.msk $0xffff, v6  }
0x42f: {  	v6 =	vld [tilespmem:s22+$0xC400];
	_ =	sdelay $0x3  }
0x430: {  	s19 =	sor.u32 $0x400, s22  }
0x431: {  	[tilespmem:s19+$0x0] =	vst.add.f32.msk $0xffff, v6  }
0x432: {  	v6 =	vld [tilespmem:s22+$0xC410];
	_ =	sdelay $0x3  }
0x433: {  	s23 =	sor.u32 $0x410, s22  }
0x434: {  	[tilespmem:s23+$0x0] =	vst.add.f32.msk $0xffff, v6  }
0x435: {  	v6 =	vld [tilespmem:s22+$0xC420];
	_ =	sdelay $0x3  }
0x436: {  	s24 =	sor.u32 $0x420, s22  }
0x437: {  	[tilespmem:s24+$0x0] =	vst.add.f32.msk $0xffff, v6  }
0x438: {  	v6 =	vld [tilespmem:s22+$0xC430];
	_ =	sdelay $0x3  }
0x439: {  	s25 =	sor.u32 $0x430, s22  }
0x43a: {  	[tilespmem:s25+$0x0] =	vst.add.f32.msk $0xffff, v6  }
0x43b: {  	v6 =	vld [tilespmem:s22+$0xC440];
	_ =	sdelay $0x3  }
0x43c: {  	s26 =	sor.u32 $0x440, s22  }
0x43d: {  	[tilespmem:s26+$0x0] =	vst.add.f32.msk $0xffff, v6  }
0x43e: {  	v6 =	vld [tilespmem:s22+$0xC450];
	_ =	sdelay $0x3  }
0x43f: {  	s28 =	sor.u32 $0x450, s22  }
0x440: {  	[tilespmem:s28+$0x0] =	vst.add.f32.msk $0xffff, v6  }
0x441: {  	v6 =	vld [tilespmem:s22+$0xC460];
	_ =	sdelay $0x3  }
0x442: {  	s7 =	sor.u32 $0x460, s22  }
0x443: {  	[tilespmem:s7+$0x0] =	vst.add.f32.msk $0xffff, v6  }
0x444: {  	v6 =	vld [tilespmem:s22+$0xC470];
	_ =	sdelay $0x3  }
0x445: {  	s17 =	sor.u32 $0x470, s22  }
0x446: {  	[tilespmem:s17+$0x0] =	vst.add.f32.msk $0xffff, v6  }
0x447: {  	v6 =	vld [tilespmem:s22+$0xC800];
	_ =	sdelay $0x3  }
0x448: {  	s19 =	sor.u32 $0x800, s22  }
0x449: {  	[tilespmem:s19+$0x0] =	vst.add.f32.msk $0xffff, v6  }
0x44a: {  	v6 =	vld [tilespmem:s22+$0xC810];
	_ =	sdelay $0x3  }
0x44b: {  	s23 =	sor.u32 $0x810, s22  }
0x44c: {  	[tilespmem:s23+$0x0] =	vst.add.f32.msk $0xffff, v6  }
0x44d: {  	v6 =	vld [tilespmem:s22+$0xC820];
	_ =	sdelay $0x3  }
0x44e: {  	s24 =	sor.u32 $0x820, s22  }
0x44f: {  	[tilespmem:s24+$0x0] =	vst.add.f32.msk $0xffff, v6  }
0x450: {  	v6 =	vld [tilespmem:s22+$0xC830];
	_ =	sdelay $0x3  }
0x451: {  	s25 =	sor.u32 $0x830, s22  }
0x452: {  	[tilespmem:s25+$0x0] =	vst.add.f32.msk $0xffff, v6  }
0x453: {  	v6 =	vld [tilespmem:s22+$0xC840];
	_ =	sdelay $0x3  }
0x454: {  	s26 =	sor.u32 $0x840, s22  }
0x455: {  	[tilespmem:s26+$0x0] =	vst.add.f32.msk $0xffff, v6  }
0x456: {  	s28 =	simm.s32 $0x400;
	s23 =	simm.s32 $0x80;
	v6 =	vld [tilespmem:s22+$0xC850]  }
0x457: {  	s6 =	sand.u32 $0x2000, s28;
	s23 =	sand.u32 $0x380, s23  }
0x458: {  	s6 =	sor.u32 s6, s23  }
0x459: {  	s23 =	sor.u32 s21, s6  }
0x45a: {  	s7 =	sor.u32 $0x850, s22;
	v7 =	vld [tilespmem:s23+$0xC000]  }
0x45b: {  	[tilespmem:s7+$0x0] =	vst.add.f32.msk $0xffff, v6  }
0x45c: {  	v6 =	vld [tilespmem:s22+$0xC860];
	_ =	sdelay $0x1  }
0x45d: {  	v8 =	vld [tilespmem:s23+$0xC010];
	_ =	sdelay $0x1  }
0x45e: {  	s17 =	sor.u32 $0x860, s22;
	[tilespmem:s23+$0x0] =	vst.add.f32.msk $0xffff, v7  }
0x45f: {  	[tilespmem:s17+$0x0] =	vst.add.f32.msk $0xffff, v6  }
0x460: {  	s19 =	sor.u32 $0x10, s23;
	v6 =	vld [tilespmem:s22+$0xC870]  }
0x461: {  	[tilespmem:s19+$0x0] =	vst.add.f32.msk $0xffff, v8  }
0x462: {  	v7 =	vld [tilespmem:s23+$0xC020];
	_ =	sdelay $0x1  }
0x463: {  	s24 =	sor.u32 $0x870, s22  }
0x464: {  	[tilespmem:s24+$0x0] =	vst.add.f32.msk $0xffff, v6  }
0x465: {  	s25 =	sor.u32 $0x20, s23;
	v6 =	vld [tilespmem:s22+$0xCC00]  }
0x466: {  	[tilespmem:s25+$0x0] =	vst.add.f32.msk $0xffff, v7  }
0x467: {  	v7 =	vld [tilespmem:s23+$0xC030];
	_ =	sdelay $0x1  }
0x468: {  	s26 =	sor.u32 $0xC00, s22  }
0x469: {  	[tilespmem:s26+$0x0] =	vst.add.f32.msk $0xffff, v6  }
0x46a: {  	s28 =	sor.u32 $0x30, s23;
	v6 =	vld [tilespmem:s22+$0xCC10]  }
0x46b: {  	[tilespmem:s28+$0x0] =	vst.add.f32.msk $0xffff, v7  }
0x46c: {  	v7 =	vld [tilespmem:s23+$0xC040];
	_ =	sdelay $0x1  }
0x46d: {  	s7 =	sor.u32 $0xC10, s22  }
0x46e: {  	[tilespmem:s7+$0x0] =	vst.add.f32.msk $0xffff, v6  }
0x46f: {  	s17 =	sor.u32 $0x40, s23;
	v6 =	vld [tilespmem:s22+$0xCC20]  }
0x470: {  	[tilespmem:s17+$0x0] =	vst.add.f32.msk $0xffff, v7  }
0x471: {  	v7 =	vld [tilespmem:s23+$0xC050];
	_ =	sdelay $0x1  }
0x472: {  	s19 =	sor.u32 $0xC20, s22  }
0x473: {  	[tilespmem:s19+$0x0] =	vst.add.f32.msk $0xffff, v6  }
0x474: {  	s24 =	sor.u32 $0x50, s23;
	v6 =	vld [tilespmem:s22+$0xCC30]  }
0x475: {  	[tilespmem:s24+$0x0] =	vst.add.f32.msk $0xffff, v7  }
0x476: {  	v7 =	vld [tilespmem:s23+$0xC060];
	_ =	sdelay $0x1  }
0x477: {  	s25 =	sor.u32 $0xC30, s22  }
0x478: {  	[tilespmem:s25+$0x0] =	vst.add.f32.msk $0xffff, v6  }
0x479: {  	s26 =	sor.u32 $0x60, s23;
	v6 =	vld [tilespmem:s22+$0xCC40]  }
0x47a: {  	[tilespmem:s26+$0x0] =	vst.add.f32.msk $0xffff, v7  }
0x47b: {  	v7 =	vld [tilespmem:s23+$0xC070];
	_ =	sdelay $0x1  }
0x47c: {  	s28 =	sor.u32 $0xC40, s22  }
0x47d: {  	[tilespmem:s28+$0x0] =	vst.add.f32.msk $0xffff, v6  }
0x47e: {  	s7 =	sor.u32 $0x70, s23;
	v6 =	vld [tilespmem:s22+$0xCC50]  }
0x47f: {  	[tilespmem:s7+$0x0] =	vst.add.f32.msk $0xffff, v7  }
0x480: {  	v7 =	vld [tilespmem:s23+$0xC400];
	_ =	sdelay $0x1  }
0x481: {  	s17 =	sor.u32 $0xC50, s22  }
0x482: {  	[tilespmem:s17+$0x0] =	vst.add.f32.msk $0xffff, v6  }
0x483: {  	s19 =	sor.u32 $0x400, s23;
	v6 =	vld [tilespmem:s22+$0xCC60]  }
0x484: {  	[tilespmem:s19+$0x0] =	vst.add.f32.msk $0xffff, v7  }
0x485: {  	v7 =	vld [tilespmem:s23+$0xC410];
	_ =	sdelay $0x1  }
0x486: {  	s24 =	sor.u32 $0xC60, s22  }
0x487: {  	[tilespmem:s24+$0x0] =	vst.add.f32.msk $0xffff, v6  }
0x488: {  	s25 =	sor.u32 $0x410, s23;
	v6 =	vld [tilespmem:s22+$0xCC70]  }
0x489: {  	[tilespmem:s25+$0x0] =	vst.add.f32.msk $0xffff, v7  }
0x48a: {  	v7 =	vld [tilespmem:s23+$0xC420];
	_ =	sdelay $0x1  }
0x48b: {  	s26 =	sor.u32 $0xC70, s22  }
0x48c: {  	[tilespmem:s26+$0x0] =	vst.add.f32.msk $0xffff, v6  }
0x48d: {  	s28 =	sor.u32 $0x420, s23;
	v6 =	vld [tilespmem:s22+$0xD000]  }
0x48e: {  	[tilespmem:s28+$0x0] =	vst.add.f32.msk $0xffff, v7  }
0x48f: {  	v7 =	vld [tilespmem:s23+$0xC430];
	_ =	sdelay $0x1  }
0x490: {  	s7 =	sor.u32 $0x1000, s22  }
0x491: {  	[tilespmem:s7+$0x0] =	vst.add.f32.msk $0xffff, v6  }
0x492: {  	s17 =	sor.u32 $0x430, s23;
	v6 =	vld [tilespmem:s22+$0xD010]  }
0x493: {  	[tilespmem:s17+$0x0] =	vst.add.f32.msk $0xffff, v7  }
0x494: {  	v7 =	vld [tilespmem:s23+$0xC440];
	_ =	sdelay $0x1  }
0x495: {  	s19 =	sor.u32 $0x1010, s22  }
0x496: {  	[tilespmem:s19+$0x0] =	vst.add.f32.msk $0xffff, v6  }
0x497: {  	s24 =	sor.u32 $0x440, s23;
	v6 =	vld [tilespmem:s22+$0xD020]  }
0x498: {  	[tilespmem:s24+$0x0] =	vst.add.f32.msk $0xffff, v7  }
0x499: {  	v7 =	vld [tilespmem:s23+$0xC450];
	_ =	sdelay $0x1  }
0x49a: {  	s25 =	sor.u32 $0x1020, s22  }
0x49b: {  	[tilespmem:s25+$0x0] =	vst.add.f32.msk $0xffff, v6  }
0x49c: {  	s26 =	sor.u32 $0x450, s23;
	v6 =	vld [tilespmem:s22+$0xD030]  }
0x49d: {  	[tilespmem:s26+$0x0] =	vst.add.f32.msk $0xffff, v7  }
0x49e: {  	v7 =	vld [tilespmem:s23+$0xC460];
	_ =	sdelay $0x1  }
0x49f: {  	s28 =	sor.u32 $0x1030, s22  }
0x4a0: {  	[tilespmem:s28+$0x0] =	vst.add.f32.msk $0xffff, v6  }
0x4a1: {  	s7 =	sor.u32 $0x460, s23;
	v6 =	vld [tilespmem:s22+$0xD040]  }
0x4a2: {  	[tilespmem:s7+$0x0] =	vst.add.f32.msk $0xffff, v7  }
0x4a3: {  	v7 =	vld [tilespmem:s23+$0xC470];
	_ =	sdelay $0x1  }
0x4a4: {  	s17 =	sor.u32 $0x1040, s22  }
0x4a5: {  	[tilespmem:s17+$0x0] =	vst.add.f32.msk $0xffff, v6  }
0x4a6: {  	s19 =	sor.u32 $0x470, s23;
	v6 =	vld [tilespmem:s22+$0xD050]  }
0x4a7: {  	[tilespmem:s19+$0x0] =	vst.add.f32.msk $0xffff, v7  }
0x4a8: {  	v7 =	vld [tilespmem:s23+$0xC800];
	_ =	sdelay $0x1  }
0x4a9: {  	s24 =	sor.u32 $0x1050, s22  }
0x4aa: {  	[tilespmem:s24+$0x0] =	vst.add.f32.msk $0xffff, v6  }
0x4ab: {  	s25 =	sor.u32 $0x800, s23;
	v6 =	vld [tilespmem:s22+$0xD060]  }
0x4ac: {  	[tilespmem:s25+$0x0] =	vst.add.f32.msk $0xffff, v7  }
0x4ad: {  	v7 =	vld [tilespmem:s23+$0xC810];
	_ =	sdelay $0x1  }
0x4ae: {  	s26 =	sor.u32 $0x1060, s22  }
0x4af: {  	[tilespmem:s26+$0x0] =	vst.add.f32.msk $0xffff, v6  }
0x4b0: {  	s28 =	sor.u32 $0x810, s23;
	v6 =	vld [tilespmem:s22+$0xD070]  }
0x4b1: {  	[tilespmem:s28+$0x0] =	vst.add.f32.msk $0xffff, v7  }
0x4b2: {  	v7 =	vld [tilespmem:s23+$0xC820];
	_ =	sdelay $0x1  }
0x4b3: {  	s7 =	sor.u32 $0x1070, s22  }
0x4b4: {  	[tilespmem:s7+$0x0] =	vst.add.f32.msk $0xffff, v6  }
0x4b5: {  	s17 =	sor.u32 $0x820, s23;
	v6 =	vld [tilespmem:s22+$0xD400]  }
0x4b6: {  	[tilespmem:s17+$0x0] =	vst.add.f32.msk $0xffff, v7  }
0x4b7: {  	v7 =	vld [tilespmem:s23+$0xC830];
	_ =	sdelay $0x1  }
0x4b8: {  	s19 =	sor.u32 $0x1400, s22  }
0x4b9: {  	[tilespmem:s19+$0x0] =	vst.add.f32.msk $0xffff, v6  }
0x4ba: {  	s24 =	sor.u32 $0x830, s23;
	v6 =	vld [tilespmem:s22+$0xD410]  }
0x4bb: {  	[tilespmem:s24+$0x0] =	vst.add.f32.msk $0xffff, v7  }
0x4bc: {  	v7 =	vld [tilespmem:s23+$0xC840];
	_ =	sdelay $0x1  }
0x4bd: {  	s25 =	sor.u32 $0x1410, s22  }
0x4be: {  	[tilespmem:s25+$0x0] =	vst.add.f32.msk $0xffff, v6  }
0x4bf: {  	s6 =	simm.s32 $0x100;
	s24 =	simm.s32 $0x800;
	s25 =	sor.u32 $0x840, s23;
	v6 =	vld [tilespmem:s22+$0xD420]  }
0x4c0: {  	s24 =	sand.u32 $0x2000, s24;
	s26 =	sand.u32 $0x380, s6;
	[tilespmem:s25+$0x0] =	vst.add.f32.msk $0xffff, v7  }
0x4c1: {  	s24 =	sor.u32 s24, s26;
	v8 =	vld [tilespmem:s23+$0xC850]  }
0x4c2: {  	s24 =	sor.u32 s21, s24  }
0x4c3: {  	s26 =	sor.u32 $0x1420, s22;
	v7 =	vld [tilespmem:s24+$0xC000]  }
0x4c4: {  	[tilespmem:s26+$0x0] =	vst.add.f32.msk $0xffff, v6  }
0x4c5: {  	s28 =	sor.u32 $0x850, s23;
	v6 =	vld [tilespmem:s22+$0xD430]  }
0x4c6: {  	s25 =	simm.s32 $0xC00;
	[tilespmem:s28+$0x0] =	vst.add.f32.msk $0xffff, v8  }
.LBB2_6:
0x4c7: {  	p0 =	seq.s32 s25, $0x3C00;
	v8 =	vld [tilespmem:s23+$0xC860]  }
0x4c8: {  	v9 =	vld [tilespmem:s24+$0xC010]  }
0x4c9: {  	s26 =	sor.u32 $0x1430, s22;
	[tilespmem:s24+$0x0] =	vst.add.f32.msk $0xffff, v7  }
0x4ca: {  	[tilespmem:s26+$0x0] =	vst.add.f32.msk $0xffff, v6  }
0x4cb: {  	s26 =	sor.u32 $0x860, s23;
	v6 =	vld [tilespmem:s22+$0xD440]  }
0x4cc: {  	[tilespmem:s26+$0x0] =	vst.add.f32.msk $0xffff, v8  }
0x4cd: {  	s26 =	sor.u32 $0x10, s24;
	v7 =	vld [tilespmem:s23+$0xC870]  }
0x4ce: {  	[tilespmem:s26+$0x0] =	vst.add.f32.msk $0xffff, v9  }
0x4cf: {  	s26 =	sor.u32 $0x1440, s22;
	v8 =	vld [tilespmem:s24+$0xC020]  }
0x4d0: {  	[tilespmem:s26+$0x0] =	vst.add.f32.msk $0xffff, v6  }
0x4d1: {  	s26 =	sor.u32 $0x870, s23;
	v6 =	vld [tilespmem:s22+$0xD450]  }
0x4d2: {  	[tilespmem:s26+$0x0] =	vst.add.f32.msk $0xffff, v7  }
0x4d3: {  	s26 =	sor.u32 $0x20, s24;
	v7 =	vld [tilespmem:s23+$0xCC00]  }
0x4d4: {  	[tilespmem:s26+$0x0] =	vst.add.f32.msk $0xffff, v8  }
0x4d5: {  	s26 =	sor.u32 $0x1450, s22;
	v8 =	vld [tilespmem:s24+$0xC030]  }
0x4d6: {  	[tilespmem:s26+$0x0] =	vst.add.f32.msk $0xffff, v6  }
0x4d7: {  	s26 =	sor.u32 $0xC00, s23;
	v6 =	vld [tilespmem:s22+$0xD460]  }
0x4d8: {  	[tilespmem:s26+$0x0] =	vst.add.f32.msk $0xffff, v7  }
0x4d9: {  	s26 =	sor.u32 $0x30, s24;
	v7 =	vld [tilespmem:s23+$0xCC10]  }
0x4da: {  	[tilespmem:s26+$0x0] =	vst.add.f32.msk $0xffff, v8  }
0x4db: {  	s26 =	sor.u32 $0x1460, s22;
	v8 =	vld [tilespmem:s24+$0xC040]  }
0x4dc: {  	[tilespmem:s26+$0x0] =	vst.add.f32.msk $0xffff, v6  }
0x4dd: {  	s26 =	sor.u32 $0xC10, s23;
	v6 =	vld [tilespmem:s22+$0xD470]  }
0x4de: {  	[tilespmem:s26+$0x0] =	vst.add.f32.msk $0xffff, v7  }
0x4df: {  	s26 =	sor.u32 $0x40, s24;
	v7 =	vld [tilespmem:s23+$0xCC20]  }
0x4e0: {  	[tilespmem:s26+$0x0] =	vst.add.f32.msk $0xffff, v8  }
0x4e1: {  	s26 =	sor.u32 $0x1470, s22;
	v8 =	vld [tilespmem:s24+$0xC050]  }
0x4e2: {  	[tilespmem:s26+$0x0] =	vst.add.f32.msk $0xffff, v6  }
0x4e3: {  	s26 =	sor.u32 $0xC20, s23;
	v6 =	vld [tilespmem:s22+$0xD800]  }
0x4e4: {  	[tilespmem:s26+$0x0] =	vst.add.f32.msk $0xffff, v7  }
0x4e5: {  	s26 =	sor.u32 $0x50, s24;
	v7 =	vld [tilespmem:s23+$0xCC30]  }
0x4e6: {  	[tilespmem:s26+$0x0] =	vst.add.f32.msk $0xffff, v8  }
0x4e7: {  	s26 =	sor.u32 $0x1800, s22;
	v8 =	vld [tilespmem:s24+$0xC060]  }
0x4e8: {  	[tilespmem:s26+$0x0] =	vst.add.f32.msk $0xffff, v6  }
0x4e9: {  	s26 =	sor.u32 $0xC30, s23;
	v6 =	vld [tilespmem:s22+$0xD810]  }
0x4ea: {  	[tilespmem:s26+$0x0] =	vst.add.f32.msk $0xffff, v7  }
0x4eb: {  	s26 =	sor.u32 $0x60, s24;
	v7 =	vld [tilespmem:s23+$0xCC40]  }
0x4ec: {  	[tilespmem:s26+$0x0] =	vst.add.f32.msk $0xffff, v8  }
0x4ed: {  	s26 =	sor.u32 $0x1810, s22;
	v8 =	vld [tilespmem:s24+$0xC070]  }
0x4ee: {  	[tilespmem:s26+$0x0] =	vst.add.f32.msk $0xffff, v6  }
0x4ef: {  	s26 =	sor.u32 $0xC40, s23;
	v6 =	vld [tilespmem:s22+$0xD820]  }
0x4f0: {  	[tilespmem:s26+$0x0] =	vst.add.f32.msk $0xffff, v7  }
0x4f1: {  	s26 =	sor.u32 $0x70, s24;
	v7 =	vld [tilespmem:s23+$0xCC50]  }
0x4f2: {  	[tilespmem:s26+$0x0] =	vst.add.f32.msk $0xffff, v8  }
0x4f3: {  	s26 =	sor.u32 $0x1820, s22;
	v8 =	vld [tilespmem:s24+$0xC400]  }
0x4f4: {  	[tilespmem:s26+$0x0] =	vst.add.f32.msk $0xffff, v6  }
0x4f5: {  	s26 =	sor.u32 $0xC50, s23;
	v6 =	vld [tilespmem:s22+$0xD830]  }
0x4f6: {  	[tilespmem:s26+$0x0] =	vst.add.f32.msk $0xffff, v7  }
0x4f7: {  	s26 =	sor.u32 $0x400, s24;
	v7 =	vld [tilespmem:s23+$0xCC60]  }
0x4f8: {  	[tilespmem:s26+$0x0] =	vst.add.f32.msk $0xffff, v8  }
0x4f9: {  	s26 =	sor.u32 $0x1830, s22;
	v8 =	vld [tilespmem:s24+$0xC410]  }
0x4fa: {  	[tilespmem:s26+$0x0] =	vst.add.f32.msk $0xffff, v6  }
0x4fb: {  	s26 =	sor.u32 $0xC60, s23;
	v6 =	vld [tilespmem:s22+$0xD840]  }
0x4fc: {  	[tilespmem:s26+$0x0] =	vst.add.f32.msk $0xffff, v7  }
0x4fd: {  	s26 =	sor.u32 $0x410, s24;
	v7 =	vld [tilespmem:s23+$0xCC70]  }
0x4fe: {  	[tilespmem:s26+$0x0] =	vst.add.f32.msk $0xffff, v8  }
0x4ff: {  	s26 =	sor.u32 $0x1840, s22;
	v8 =	vld [tilespmem:s24+$0xC420]  }
0x500: {  	[tilespmem:s26+$0x0] =	vst.add.f32.msk $0xffff, v6  }
0x501: {  	s26 =	sor.u32 $0xC70, s23;
	v6 =	vld [tilespmem:s22+$0xD850]  }
0x502: {  	[tilespmem:s26+$0x0] =	vst.add.f32.msk $0xffff, v7  }
0x503: {  	s26 =	sor.u32 $0x420, s24;
	v7 =	vld [tilespmem:s23+$0xD000]  }
0x504: {  	[tilespmem:s26+$0x0] =	vst.add.f32.msk $0xffff, v8  }
0x505: {  	s26 =	sor.u32 $0x1850, s22;
	v8 =	vld [tilespmem:s24+$0xC430]  }
0x506: {  	[tilespmem:s26+$0x0] =	vst.add.f32.msk $0xffff, v6  }
0x507: {  	s26 =	sor.u32 $0x1000, s23;
	v6 =	vld [tilespmem:s22+$0xD860]  }
0x508: {  	[tilespmem:s26+$0x0] =	vst.add.f32.msk $0xffff, v7  }
0x509: {  	s26 =	sor.u32 $0x430, s24;
	v7 =	vld [tilespmem:s23+$0xD010]  }
0x50a: {  	[tilespmem:s26+$0x0] =	vst.add.f32.msk $0xffff, v8  }
0x50b: {  	s26 =	sor.u32 $0x1860, s22;
	v8 =	vld [tilespmem:s24+$0xC440]  }
0x50c: {  	[tilespmem:s26+$0x0] =	vst.add.f32.msk $0xffff, v6  }
0x50d: {  	s26 =	sor.u32 $0x1010, s23;
	v6 =	vld [tilespmem:s22+$0xD870]  }
0x50e: {  	[tilespmem:s26+$0x0] =	vst.add.f32.msk $0xffff, v7  }
0x50f: {  	s26 =	sor.u32 $0x440, s24;
	v7 =	vld [tilespmem:s23+$0xD020]  }
0x510: {  	[tilespmem:s26+$0x0] =	vst.add.f32.msk $0xffff, v8  }
0x511: {  	s26 =	sor.u32 $0x1870, s22;
	v8 =	vld [tilespmem:s24+$0xC450]  }
0x512: {  	[tilespmem:s26+$0x0] =	vst.add.f32.msk $0xffff, v6  }
0x513: {  	s26 =	sor.u32 $0x1020, s23;
	v6 =	vld [tilespmem:s22+$0xDC00]  }
0x514: {  	[tilespmem:s26+$0x0] =	vst.add.f32.msk $0xffff, v7  }
0x515: {  	s26 =	sor.u32 $0x450, s24;
	v7 =	vld [tilespmem:s23+$0xD030]  }
0x516: {  	[tilespmem:s26+$0x0] =	vst.add.f32.msk $0xffff, v8  }
0x517: {  	s26 =	sor.u32 $0x1C00, s22;
	v8 =	vld [tilespmem:s24+$0xC460]  }
0x518: {  	[tilespmem:s26+$0x0] =	vst.add.f32.msk $0xffff, v6  }
0x519: {  	s26 =	sor.u32 $0x1030, s23;
	v6 =	vld [tilespmem:s22+$0xDC10]  }
0x51a: {  	[tilespmem:s26+$0x0] =	vst.add.f32.msk $0xffff, v7  }
0x51b: {  	s26 =	sor.u32 $0x460, s24;
	v7 =	vld [tilespmem:s23+$0xD040]  }
0x51c: {  	[tilespmem:s26+$0x0] =	vst.add.f32.msk $0xffff, v8  }
0x51d: {  	s26 =	sor.u32 $0x1C10, s22;
	v8 =	vld [tilespmem:s24+$0xC470]  }
0x51e: {  	[tilespmem:s26+$0x0] =	vst.add.f32.msk $0xffff, v6  }
0x51f: {  	s26 =	sor.u32 $0x1040, s23;
	v6 =	vld [tilespmem:s22+$0xDC20]  }
0x520: {  	[tilespmem:s26+$0x0] =	vst.add.f32.msk $0xffff, v7  }
0x521: {  	s26 =	sor.u32 $0x470, s24;
	v7 =	vld [tilespmem:s23+$0xD050]  }
0x522: {  	[tilespmem:s26+$0x0] =	vst.add.f32.msk $0xffff, v8  }
0x523: {  	s26 =	sor.u32 $0x1C20, s22;
	v8 =	vld [tilespmem:s24+$0xC800]  }
0x524: {  	[tilespmem:s26+$0x0] =	vst.add.f32.msk $0xffff, v6  }
0x525: {  	s26 =	sor.u32 $0x1050, s23;
	v6 =	vld [tilespmem:s22+$0xDC30]  }
0x526: {  	[tilespmem:s26+$0x0] =	vst.add.f32.msk $0xffff, v7  }
0x527: {  	s26 =	sor.u32 $0x800, s24;
	v7 =	vld [tilespmem:s23+$0xD060]  }
0x528: {  	[tilespmem:s26+$0x0] =	vst.add.f32.msk $0xffff, v8  }
0x529: {  	s26 =	sor.u32 $0x1C30, s22;
	v8 =	vld [tilespmem:s24+$0xC810]  }
0x52a: {  	[tilespmem:s26+$0x0] =	vst.add.f32.msk $0xffff, v6  }
0x52b: {  	s26 =	sor.u32 $0x1060, s23;
	v6 =	vld [tilespmem:s22+$0xDC40]  }
0x52c: {  	[tilespmem:s26+$0x0] =	vst.add.f32.msk $0xffff, v7  }
0x52d: {  	s26 =	sor.u32 $0x810, s24;
	v7 =	vld [tilespmem:s23+$0xD070]  }
0x52e: {  	[tilespmem:s26+$0x0] =	vst.add.f32.msk $0xffff, v8  }
0x52f: {  	s26 =	sor.u32 $0x1C40, s22;
	v8 =	vld [tilespmem:s24+$0xC820]  }
0x530: {  	[tilespmem:s26+$0x0] =	vst.add.f32.msk $0xffff, v6  }
0x531: {  	s26 =	sor.u32 $0x1070, s23;
	v6 =	vld [tilespmem:s22+$0xDC50]  }
0x532: {  	[tilespmem:s26+$0x0] =	vst.add.f32.msk $0xffff, v7  }
0x533: {  	s26 =	sor.u32 $0x820, s24;
	v7 =	vld [tilespmem:s23+$0xD400]  }
0x534: {  	[tilespmem:s26+$0x0] =	vst.add.f32.msk $0xffff, v8  }
0x535: {  	s26 =	sor.u32 $0x1C50, s22;
	v8 =	vld [tilespmem:s24+$0xC830]  }
0x536: {  	[tilespmem:s26+$0x0] =	vst.add.f32.msk $0xffff, v6  }
0x537: {  	s26 =	sor.u32 $0x1400, s23;
	v6 =	vld [tilespmem:s22+$0xDC60]  }
0x538: {  	[tilespmem:s26+$0x0] =	vst.add.f32.msk $0xffff, v7  }
0x539: {  	s26 =	sor.u32 $0x830, s24;
	v7 =	vld [tilespmem:s23+$0xD410]  }
0x53a: {  	[tilespmem:s26+$0x0] =	vst.add.f32.msk $0xffff, v8  }
0x53b: {  	s26 =	sor.u32 $0x1C60, s22;
	v8 =	vld [tilespmem:s24+$0xC840]  }
0x53c: {  	[tilespmem:s26+$0x0] =	vst.add.f32.msk $0xffff, v6  }
0x53d: {  	s26 =	sor.u32 $0x1410, s23;
	v6 =	vld [tilespmem:s22+$0xDC70]  }
0x53e: {  	[tilespmem:s26+$0x0] =	vst.add.f32.msk $0xffff, v7  }
0x53f: {  	s6 =	sadd.s32 $0x80, s6;
	s26 =	sor.u32 $0x840, s24;
	v9 =	vld [tilespmem:s23+$0xD420]  }
0x540: {  	s28 =	sand.u32 $0x2000, s25;
	s7 =	sand.u32 $0x380, s6;
	[tilespmem:s26+$0x0] =	vst.add.f32.msk $0xffff, v8  }
0x541: {  	s7 =	sor.u32 s28, s7;
	s26 =	sor.u32 $0x1C70, s22;
	s22 =	smov.u32 s23;
	v8 =	vld [tilespmem:s24+$0xC850]  }
.Ltmp9:
0x542: {  	s23 =	smov.u32 s24;
	s24 =	sor.u32 s21, s7;
	[tilespmem:s26+$0x0] =	vst.add.f32.msk $0xffff, v6;
	(pc) =	sbr.rel @!p0 .LBB2_6-.Ltmp9, $4  }
0x543: {  	s7 =	sor.u32 $0x1420, s22;
	v7 =	vld [tilespmem:s24+$0xC000]  }
0x544: {  	[tilespmem:s7+$0x0] =	vst.add.f32.msk $0xffff, v9  }
0x545: {  	s7 =	sor.u32 $0x850, s23;
	v6 =	vld [tilespmem:s22+$0xD430]  }
0x546: {  	s25 =	sadd.s32 $0x400, s25;
	[tilespmem:s7+$0x0] =	vst.add.f32.msk $0xffff, v8  }
0x547: {  	v8 =	vld [tilespmem:s24+$0xC010];
	_ =	sdelay $0x3  }
0x548: {  	s6 =	sor.u32 $0x10, s24;
	[tilespmem:s24+$0x0] =	vst.add.f32.msk $0xffff, v7  }
0x549: {  	[tilespmem:s6+$0x0] =	vst.add.f32.msk $0xffff, v8  }
0x54a: {  	v7 =	vld [tilespmem:s24+$0xC020];
	_ =	sdelay $0x3  }
0x54b: {  	s17 =	sor.u32 $0x20, s24  }
0x54c: {  	[tilespmem:s17+$0x0] =	vst.add.f32.msk $0xffff, v7  }
0x54d: {  	v7 =	vld [tilespmem:s24+$0xC030];
	_ =	sdelay $0x3  }
0x54e: {  	s19 =	sor.u32 $0x30, s24  }
0x54f: {  	[tilespmem:s19+$0x0] =	vst.add.f32.msk $0xffff, v7  }
0x550: {  	v7 =	vld [tilespmem:s24+$0xC040];
	_ =	sdelay $0x3  }
0x551: {  	s25 =	sor.u32 $0x40, s24  }
0x552: {  	[tilespmem:s25+$0x0] =	vst.add.f32.msk $0xffff, v7  }
0x553: {  	v7 =	vld [tilespmem:s24+$0xC050];
	_ =	sdelay $0x3  }
0x554: {  	s26 =	sor.u32 $0x50, s24  }
0x555: {  	[tilespmem:s26+$0x0] =	vst.add.f32.msk $0xffff, v7  }
0x556: {  	v7 =	vld [tilespmem:s24+$0xC060];
	_ =	sdelay $0x3  }
0x557: {  	s28 =	sor.u32 $0x60, s24  }
0x558: {  	[tilespmem:s28+$0x0] =	vst.add.f32.msk $0xffff, v7  }
0x559: {  	v7 =	vld [tilespmem:s24+$0xC070];
	_ =	sdelay $0x3  }
0x55a: {  	s7 =	sor.u32 $0x70, s24  }
0x55b: {  	[tilespmem:s7+$0x0] =	vst.add.f32.msk $0xffff, v7  }
0x55c: {  	v7 =	vld [tilespmem:s24+$0xC400];
	_ =	sdelay $0x3  }
0x55d: {  	s17 =	sor.u32 $0x400, s24  }
0x55e: {  	[tilespmem:s17+$0x0] =	vst.add.f32.msk $0xffff, v7  }
0x55f: {  	v7 =	vld [tilespmem:s24+$0xC410];
	_ =	sdelay $0x3  }
0x560: {  	s19 =	sor.u32 $0x410, s24  }
0x561: {  	[tilespmem:s19+$0x0] =	vst.add.f32.msk $0xffff, v7  }
0x562: {  	v7 =	vld [tilespmem:s24+$0xC420];
	_ =	sdelay $0x3  }
0x563: {  	s25 =	sor.u32 $0x420, s24  }
0x564: {  	[tilespmem:s25+$0x0] =	vst.add.f32.msk $0xffff, v7  }
0x565: {  	v7 =	vld [tilespmem:s24+$0xC430];
	_ =	sdelay $0x3  }
0x566: {  	s26 =	sor.u32 $0x430, s24  }
0x567: {  	[tilespmem:s26+$0x0] =	vst.add.f32.msk $0xffff, v7  }
0x568: {  	v7 =	vld [tilespmem:s24+$0xC440];
	_ =	sdelay $0x3  }
0x569: {  	s28 =	sor.u32 $0x440, s24  }
0x56a: {  	[tilespmem:s28+$0x0] =	vst.add.f32.msk $0xffff, v7  }
0x56b: {  	v7 =	vld [tilespmem:s24+$0xC450];
	_ =	sdelay $0x3  }
0x56c: {  	s7 =	sor.u32 $0x450, s24  }
0x56d: {  	[tilespmem:s7+$0x0] =	vst.add.f32.msk $0xffff, v7  }
0x56e: {  	v7 =	vld [tilespmem:s24+$0xC460];
	_ =	sdelay $0x3  }
0x56f: {  	s17 =	sor.u32 $0x460, s24  }
0x570: {  	[tilespmem:s17+$0x0] =	vst.add.f32.msk $0xffff, v7  }
0x571: {  	v7 =	vld [tilespmem:s24+$0xC470];
	_ =	sdelay $0x3  }
0x572: {  	s19 =	sor.u32 $0x470, s24  }
0x573: {  	[tilespmem:s19+$0x0] =	vst.add.f32.msk $0xffff, v7  }
0x574: {  	v7 =	vld [tilespmem:s24+$0xC800];
	_ =	sdelay $0x3  }
0x575: {  	s25 =	sor.u32 $0x800, s24  }
0x576: {  	[tilespmem:s25+$0x0] =	vst.add.f32.msk $0xffff, v7  }
0x577: {  	v7 =	vld [tilespmem:s24+$0xC810];
	_ =	sdelay $0x3  }
0x578: {  	s26 =	sor.u32 $0x810, s24  }
0x579: {  	[tilespmem:s26+$0x0] =	vst.add.f32.msk $0xffff, v7  }
0x57a: {  	v7 =	vld [tilespmem:s24+$0xC820];
	_ =	sdelay $0x3  }
0x57b: {  	s28 =	sor.u32 $0x820, s24  }
0x57c: {  	[tilespmem:s28+$0x0] =	vst.add.f32.msk $0xffff, v7  }
0x57d: {  	v7 =	vld [tilespmem:s24+$0xC830];
	_ =	sdelay $0x3  }
0x57e: {  	s7 =	sor.u32 $0x830, s24  }
0x57f: {  	[tilespmem:s7+$0x0] =	vst.add.f32.msk $0xffff, v7  }
0x580: {  	v7 =	vld [tilespmem:s24+$0xC840];
	_ =	sdelay $0x3  }
0x581: {  	s17 =	sor.u32 $0x840, s24  }
0x582: {  	[tilespmem:s17+$0x0] =	vst.add.f32.msk $0xffff, v7  }
0x583: {  	v7 =	vld [tilespmem:s24+$0xC850];
	_ =	sdelay $0x1  }
0x584: {  	v63 =	vld [tilespmem:s23+$0xC860];
	_ =	sdelay $0x1  }
0x585: {  	s19 =	sor.u32 $0x850, s24  }
0x586: {  	[tilespmem:s19+$0x0] =	vst.add.f32.msk $0xffff, v7  }
0x587: {  	s25 =	sor.u32 $0x860, s23;
	v7 =	vld [tilespmem:s24+$0xC860]  }
0x588: {  	[tilespmem:s25+$0x0] =	vst.add.f32.msk $0xffff, v63  }
0x589: {  	v8 =	vld [tilespmem:s23+$0xC870];
	_ =	sdelay $0x1  }
0x58a: {  	s26 =	sor.u32 $0x860, s24  }
0x58b: {  	[tilespmem:s26+$0x0] =	vst.add.f32.msk $0xffff, v7  }
0x58c: {  	s28 =	sor.u32 $0x870, s23;
	v7 =	vld [tilespmem:s24+$0xC870]  }
0x58d: {  	[tilespmem:s28+$0x0] =	vst.add.f32.msk $0xffff, v8  }
0x58e: {  	v8 =	vld [tilespmem:s23+$0xCC00];
	_ =	sdelay $0x1  }
0x58f: {  	s7 =	sor.u32 $0x870, s24  }
0x590: {  	[tilespmem:s7+$0x0] =	vst.add.f32.msk $0xffff, v7  }
0x591: {  	s17 =	sor.u32 $0xC00, s23;
	v7 =	vld [tilespmem:s24+$0xCC00]  }
0x592: {  	[tilespmem:s17+$0x0] =	vst.add.f32.msk $0xffff, v8  }
0x593: {  	v8 =	vld [tilespmem:s23+$0xCC10];
	_ =	sdelay $0x1  }
0x594: {  	s19 =	sor.u32 $0xC00, s24  }
0x595: {  	[tilespmem:s19+$0x0] =	vst.add.f32.msk $0xffff, v7  }
0x596: {  	s25 =	sor.u32 $0xC10, s23;
	v7 =	vld [tilespmem:s24+$0xCC10]  }
0x597: {  	[tilespmem:s25+$0x0] =	vst.add.f32.msk $0xffff, v8  }
0x598: {  	v8 =	vld [tilespmem:s23+$0xCC20];
	_ =	sdelay $0x1  }
0x599: {  	s26 =	sor.u32 $0xC10, s24  }
0x59a: {  	[tilespmem:s26+$0x0] =	vst.add.f32.msk $0xffff, v7  }
0x59b: {  	s28 =	sor.u32 $0xC20, s23;
	v7 =	vld [tilespmem:s24+$0xCC20]  }
0x59c: {  	[tilespmem:s28+$0x0] =	vst.add.f32.msk $0xffff, v8  }
0x59d: {  	v8 =	vld [tilespmem:s23+$0xCC30];
	_ =	sdelay $0x1  }
0x59e: {  	s7 =	sor.u32 $0xC20, s24  }
0x59f: {  	[tilespmem:s7+$0x0] =	vst.add.f32.msk $0xffff, v7  }
0x5a0: {  	s17 =	sor.u32 $0xC30, s23;
	v7 =	vld [tilespmem:s24+$0xCC30]  }
0x5a1: {  	[tilespmem:s17+$0x0] =	vst.add.f32.msk $0xffff, v8  }
0x5a2: {  	v8 =	vld [tilespmem:s23+$0xCC40];
	_ =	sdelay $0x1  }
0x5a3: {  	s19 =	sor.u32 $0xC30, s24  }
0x5a4: {  	[tilespmem:s19+$0x0] =	vst.add.f32.msk $0xffff, v7  }
0x5a5: {  	s25 =	sor.u32 $0xC40, s23;
	v7 =	vld [tilespmem:s24+$0xCC40]  }
0x5a6: {  	[tilespmem:s25+$0x0] =	vst.add.f32.msk $0xffff, v8  }
0x5a7: {  	v8 =	vld [tilespmem:s23+$0xCC50];
	_ =	sdelay $0x1  }
0x5a8: {  	s26 =	sor.u32 $0xC40, s24  }
0x5a9: {  	[tilespmem:s26+$0x0] =	vst.add.f32.msk $0xffff, v7  }
0x5aa: {  	s28 =	sor.u32 $0xC50, s23;
	v7 =	vld [tilespmem:s24+$0xCC50]  }
0x5ab: {  	[tilespmem:s28+$0x0] =	vst.add.f32.msk $0xffff, v8  }
0x5ac: {  	v8 =	vld [tilespmem:s23+$0xCC60];
	_ =	sdelay $0x1  }
0x5ad: {  	s7 =	sor.u32 $0xC50, s24  }
0x5ae: {  	[tilespmem:s7+$0x0] =	vst.add.f32.msk $0xffff, v7  }
0x5af: {  	s17 =	sor.u32 $0xC60, s23;
	v7 =	vld [tilespmem:s24+$0xCC60]  }
0x5b0: {  	[tilespmem:s17+$0x0] =	vst.add.f32.msk $0xffff, v8  }
0x5b1: {  	v8 =	vld [tilespmem:s23+$0xCC70];
	_ =	sdelay $0x1  }
0x5b2: {  	s19 =	sor.u32 $0xC60, s24  }
0x5b3: {  	[tilespmem:s19+$0x0] =	vst.add.f32.msk $0xffff, v7  }
0x5b4: {  	s25 =	sor.u32 $0xC70, s23;
	v7 =	vld [tilespmem:s24+$0xCC70]  }
0x5b5: {  	[tilespmem:s25+$0x0] =	vst.add.f32.msk $0xffff, v8  }
0x5b6: {  	v8 =	vld [tilespmem:s23+$0xD000];
	_ =	sdelay $0x1  }
0x5b7: {  	s26 =	sor.u32 $0xC70, s24  }
0x5b8: {  	[tilespmem:s26+$0x0] =	vst.add.f32.msk $0xffff, v7  }
0x5b9: {  	s28 =	sor.u32 $0x1000, s23;
	v7 =	vld [tilespmem:s24+$0xD000]  }
0x5ba: {  	[tilespmem:s28+$0x0] =	vst.add.f32.msk $0xffff, v8  }
0x5bb: {  	v8 =	vld [tilespmem:s23+$0xD010];
	_ =	sdelay $0x1  }
0x5bc: {  	s7 =	sor.u32 $0x1000, s24  }
0x5bd: {  	[tilespmem:s7+$0x0] =	vst.add.f32.msk $0xffff, v7  }
0x5be: {  	s17 =	sor.u32 $0x1010, s23;
	v7 =	vld [tilespmem:s24+$0xD010]  }
0x5bf: {  	[tilespmem:s17+$0x0] =	vst.add.f32.msk $0xffff, v8  }
0x5c0: {  	v8 =	vld [tilespmem:s23+$0xD020];
	_ =	sdelay $0x1  }
0x5c1: {  	s19 =	sor.u32 $0x1010, s24  }
0x5c2: {  	[tilespmem:s19+$0x0] =	vst.add.f32.msk $0xffff, v7  }
0x5c3: {  	s25 =	sor.u32 $0x1020, s23;
	v7 =	vld [tilespmem:s24+$0xD020]  }
0x5c4: {  	[tilespmem:s25+$0x0] =	vst.add.f32.msk $0xffff, v8  }
0x5c5: {  	v8 =	vld [tilespmem:s23+$0xD030];
	_ =	sdelay $0x1  }
0x5c6: {  	s26 =	sor.u32 $0x1020, s24  }
0x5c7: {  	[tilespmem:s26+$0x0] =	vst.add.f32.msk $0xffff, v7  }
0x5c8: {  	s28 =	sor.u32 $0x1030, s23;
	v7 =	vld [tilespmem:s24+$0xD030]  }
0x5c9: {  	[tilespmem:s28+$0x0] =	vst.add.f32.msk $0xffff, v8  }
0x5ca: {  	v8 =	vld [tilespmem:s23+$0xD040];
	_ =	sdelay $0x1  }
0x5cb: {  	s7 =	sor.u32 $0x1030, s24  }
0x5cc: {  	[tilespmem:s7+$0x0] =	vst.add.f32.msk $0xffff, v7  }
0x5cd: {  	s17 =	sor.u32 $0x1040, s23;
	v7 =	vld [tilespmem:s24+$0xD040]  }
0x5ce: {  	[tilespmem:s17+$0x0] =	vst.add.f32.msk $0xffff, v8  }
0x5cf: {  	v8 =	vld [tilespmem:s23+$0xD050];
	_ =	sdelay $0x1  }
0x5d0: {  	s19 =	sor.u32 $0x1040, s24  }
0x5d1: {  	[tilespmem:s19+$0x0] =	vst.add.f32.msk $0xffff, v7  }
0x5d2: {  	s25 =	sor.u32 $0x1050, s23;
	v7 =	vld [tilespmem:s24+$0xD050]  }
0x5d3: {  	[tilespmem:s25+$0x0] =	vst.add.f32.msk $0xffff, v8  }
0x5d4: {  	v8 =	vld [tilespmem:s23+$0xD060];
	_ =	sdelay $0x1  }
0x5d5: {  	s26 =	sor.u32 $0x1050, s24  }
0x5d6: {  	[tilespmem:s26+$0x0] =	vst.add.f32.msk $0xffff, v7  }
0x5d7: {  	s28 =	sor.u32 $0x1060, s23;
	v7 =	vld [tilespmem:s24+$0xD060]  }
0x5d8: {  	[tilespmem:s28+$0x0] =	vst.add.f32.msk $0xffff, v8  }
0x5d9: {  	v8 =	vld [tilespmem:s23+$0xD070];
	_ =	sdelay $0x1  }
0x5da: {  	s7 =	sor.u32 $0x1060, s24  }
0x5db: {  	[tilespmem:s7+$0x0] =	vst.add.f32.msk $0xffff, v7  }
0x5dc: {  	s17 =	sor.u32 $0x1070, s23;
	v7 =	vld [tilespmem:s24+$0xD070]  }
0x5dd: {  	[tilespmem:s17+$0x0] =	vst.add.f32.msk $0xffff, v8  }
0x5de: {  	v8 =	vld [tilespmem:s23+$0xD400];
	_ =	sdelay $0x1  }
0x5df: {  	s19 =	sor.u32 $0x1070, s24  }
0x5e0: {  	[tilespmem:s19+$0x0] =	vst.add.f32.msk $0xffff, v7  }
0x5e1: {  	s25 =	sor.u32 $0x1400, s23;
	v7 =	vld [tilespmem:s24+$0xD400]  }
0x5e2: {  	[tilespmem:s25+$0x0] =	vst.add.f32.msk $0xffff, v8  }
0x5e3: {  	v8 =	vld [tilespmem:s23+$0xD410];
	_ =	sdelay $0x1  }
0x5e4: {  	s26 =	sor.u32 $0x1400, s24  }
0x5e5: {  	[tilespmem:s26+$0x0] =	vst.add.f32.msk $0xffff, v7  }
0x5e6: {  	s28 =	sor.u32 $0x1410, s23;
	v7 =	vld [tilespmem:s24+$0xD410]  }
0x5e7: {  	[tilespmem:s28+$0x0] =	vst.add.f32.msk $0xffff, v8  }
0x5e8: {  	v8 =	vld [tilespmem:s23+$0xD420];
	_ =	sdelay $0x1  }
0x5e9: {  	s7 =	sor.u32 $0x1410, s24  }
0x5ea: {  	[tilespmem:s7+$0x0] =	vst.add.f32.msk $0xffff, v7  }
0x5eb: {  	s17 =	sor.u32 $0x1420, s23;
	v7 =	vld [tilespmem:s24+$0xD420]  }
0x5ec: {  	[tilespmem:s17+$0x0] =	vst.add.f32.msk $0xffff, v8  }
0x5ed: {  	s25 =	sor.u32 $0x1430, s22;
	v8 =	vld [tilespmem:s23+$0xD430]  }
0x5ee: {  	[tilespmem:s25+$0x0] =	vst.add.f32.msk $0xffff, v6  }
0x5ef: {  	v6 =	vld [tilespmem:s22+$0xD440];
	s19 =	sor.u32 $0x1420, s24  }
0x5f0: {  	[tilespmem:s19+$0x0] =	vst.add.f32.msk $0xffff, v7  }
0x5f1: {  	s26 =	sor.u32 $0x1430, s23;
	v7 =	vld [tilespmem:s24+$0xD430]  }
0x5f2: {  	[tilespmem:s26+$0x0] =	vst.add.f32.msk $0xffff, v8  }
0x5f3: {  	v8 =	vld [tilespmem:s23+$0xD440];
	s7 =	sor.u32 $0x1440, s22  }
0x5f4: {  	[tilespmem:s7+$0x0] =	vst.add.f32.msk $0xffff, v6  }
0x5f5: {  	s28 =	sor.u32 $0x1430, s24;
	v6 =	vld [tilespmem:s22+$0xD450]  }
0x5f6: {  	[tilespmem:s28+$0x0] =	vst.add.f32.msk $0xffff, v7  }
0x5f7: {  	s17 =	sor.u32 $0x1440, s23;
	v7 =	vld [tilespmem:s24+$0xD440]  }
0x5f8: {  	[tilespmem:s17+$0x0] =	vst.add.f32.msk $0xffff, v8  }
0x5f9: {  	s25 =	sor.u32 $0x1450, s22;
	v8 =	vld [tilespmem:s23+$0xD450]  }
0x5fa: {  	[tilespmem:s25+$0x0] =	vst.add.f32.msk $0xffff, v6  }
0x5fb: {  	s19 =	sor.u32 $0x1440, s24;
	v6 =	vld [tilespmem:s22+$0xD460]  }
0x5fc: {  	[tilespmem:s19+$0x0] =	vst.add.f32.msk $0xffff, v7  }
0x5fd: {  	s26 =	sor.u32 $0x1450, s23;
	v7 =	vld [tilespmem:s24+$0xD450]  }
0x5fe: {  	[tilespmem:s26+$0x0] =	vst.add.f32.msk $0xffff, v8  }
0x5ff: {  	s7 =	sor.u32 $0x1460, s22;
	v8 =	vld [tilespmem:s23+$0xD460]  }
0x600: {  	[tilespmem:s7+$0x0] =	vst.add.f32.msk $0xffff, v6  }
0x601: {  	s28 =	sor.u32 $0x1450, s24;
	v6 =	vld [tilespmem:s22+$0xD470]  }
0x602: {  	[tilespmem:s28+$0x0] =	vst.add.f32.msk $0xffff, v7  }
0x603: {  	s17 =	sor.u32 $0x1460, s23;
	v7 =	vld [tilespmem:s24+$0xD460]  }
0x604: {  	[tilespmem:s17+$0x0] =	vst.add.f32.msk $0xffff, v8  }
0x605: {  	s25 =	sor.u32 $0x1470, s22;
	v8 =	vld [tilespmem:s23+$0xD470]  }
0x606: {  	[tilespmem:s25+$0x0] =	vst.add.f32.msk $0xffff, v6  }
0x607: {  	s19 =	sor.u32 $0x1460, s24;
	v6 =	vld [tilespmem:s22+$0xD800]  }
0x608: {  	[tilespmem:s19+$0x0] =	vst.add.f32.msk $0xffff, v7  }
0x609: {  	s26 =	sor.u32 $0x1470, s23;
	v7 =	vld [tilespmem:s24+$0xD470]  }
0x60a: {  	[tilespmem:s26+$0x0] =	vst.add.f32.msk $0xffff, v8  }
0x60b: {  	s7 =	sor.u32 $0x1800, s22;
	v8 =	vld [tilespmem:s23+$0xD800]  }
0x60c: {  	[tilespmem:s7+$0x0] =	vst.add.f32.msk $0xffff, v6  }
0x60d: {  	s28 =	sor.u32 $0x1470, s24;
	v6 =	vld [tilespmem:s22+$0xD810]  }
0x60e: {  	[tilespmem:s28+$0x0] =	vst.add.f32.msk $0xffff, v7  }
0x60f: {  	s17 =	sor.u32 $0x1800, s23;
	v7 =	vld [tilespmem:s24+$0xD800]  }
0x610: {  	[tilespmem:s17+$0x0] =	vst.add.f32.msk $0xffff, v8  }
0x611: {  	s25 =	sor.u32 $0x1810, s22;
	v8 =	vld [tilespmem:s23+$0xD810]  }
0x612: {  	[tilespmem:s25+$0x0] =	vst.add.f32.msk $0xffff, v6  }
0x613: {  	s19 =	sor.u32 $0x1800, s24;
	v6 =	vld [tilespmem:s22+$0xD820]  }
0x614: {  	[tilespmem:s19+$0x0] =	vst.add.f32.msk $0xffff, v7  }
0x615: {  	s26 =	sor.u32 $0x1810, s23;
	v7 =	vld [tilespmem:s24+$0xD810]  }
0x616: {  	[tilespmem:s26+$0x0] =	vst.add.f32.msk $0xffff, v8  }
0x617: {  	s7 =	sor.u32 $0x1820, s22;
	v8 =	vld [tilespmem:s23+$0xD820]  }
0x618: {  	[tilespmem:s7+$0x0] =	vst.add.f32.msk $0xffff, v6  }
0x619: {  	s28 =	sor.u32 $0x1810, s24;
	v6 =	vld [tilespmem:s22+$0xD830]  }
0x61a: {  	[tilespmem:s28+$0x0] =	vst.add.f32.msk $0xffff, v7  }
0x61b: {  	s17 =	sor.u32 $0x1820, s23;
	v7 =	vld [tilespmem:s24+$0xD820]  }
0x61c: {  	[tilespmem:s17+$0x0] =	vst.add.f32.msk $0xffff, v8  }
0x61d: {  	s25 =	sor.u32 $0x1830, s22;
	v8 =	vld [tilespmem:s23+$0xD830]  }
0x61e: {  	[tilespmem:s25+$0x0] =	vst.add.f32.msk $0xffff, v6  }
0x61f: {  	s19 =	sor.u32 $0x1820, s24;
	v6 =	vld [tilespmem:s22+$0xD840]  }
0x620: {  	[tilespmem:s19+$0x0] =	vst.add.f32.msk $0xffff, v7  }
0x621: {  	s26 =	sor.u32 $0x1830, s23;
	v7 =	vld [tilespmem:s24+$0xD830]  }
0x622: {  	[tilespmem:s26+$0x0] =	vst.add.f32.msk $0xffff, v8  }
0x623: {  	s7 =	sor.u32 $0x1840, s22;
	v8 =	vld [tilespmem:s23+$0xD840]  }
0x624: {  	[tilespmem:s7+$0x0] =	vst.add.f32.msk $0xffff, v6  }
0x625: {  	s28 =	sor.u32 $0x1830, s24;
	v6 =	vld [tilespmem:s22+$0xD850]  }
0x626: {  	[tilespmem:s28+$0x0] =	vst.add.f32.msk $0xffff, v7  }
0x627: {  	s17 =	sor.u32 $0x1840, s23;
	v7 =	vld [tilespmem:s24+$0xD840]  }
0x628: {  	[tilespmem:s17+$0x0] =	vst.add.f32.msk $0xffff, v8  }
0x629: {  	s25 =	sor.u32 $0x1850, s22;
	v8 =	vld [tilespmem:s23+$0xD850]  }
0x62a: {  	[tilespmem:s25+$0x0] =	vst.add.f32.msk $0xffff, v6  }
0x62b: {  	s19 =	sor.u32 $0x1840, s24;
	v6 =	vld [tilespmem:s22+$0xD860]  }
0x62c: {  	[tilespmem:s19+$0x0] =	vst.add.f32.msk $0xffff, v7  }
0x62d: {  	s26 =	sor.u32 $0x1850, s23;
	v7 =	vld [tilespmem:s24+$0xD850]  }
0x62e: {  	[tilespmem:s26+$0x0] =	vst.add.f32.msk $0xffff, v8  }
0x62f: {  	s7 =	sor.u32 $0x1860, s22;
	v8 =	vld [tilespmem:s23+$0xD860]  }
0x630: {  	[tilespmem:s7+$0x0] =	vst.add.f32.msk $0xffff, v6  }
0x631: {  	s28 =	sor.u32 $0x1850, s24;
	v6 =	vld [tilespmem:s22+$0xD870]  }
0x632: {  	[tilespmem:s28+$0x0] =	vst.add.f32.msk $0xffff, v7  }
0x633: {  	s17 =	sor.u32 $0x1860, s23;
	v7 =	vld [tilespmem:s24+$0xD860]  }
0x634: {  	[tilespmem:s17+$0x0] =	vst.add.f32.msk $0xffff, v8  }
0x635: {  	s25 =	sor.u32 $0x1870, s22;
	v8 =	vld [tilespmem:s23+$0xD870]  }
0x636: {  	[tilespmem:s25+$0x0] =	vst.add.f32.msk $0xffff, v6  }
0x637: {  	s19 =	sor.u32 $0x1860, s24;
	v6 =	vld [tilespmem:s22+$0xDC00]  }
0x638: {  	[tilespmem:s19+$0x0] =	vst.add.f32.msk $0xffff, v7  }
0x639: {  	s26 =	sor.u32 $0x1870, s23;
	v7 =	vld [tilespmem:s24+$0xD870]  }
0x63a: {  	[tilespmem:s26+$0x0] =	vst.add.f32.msk $0xffff, v8  }
0x63b: {  	s7 =	sor.u32 $0x1C00, s22;
	v8 =	vld [tilespmem:s23+$0xDC00]  }
0x63c: {  	[tilespmem:s7+$0x0] =	vst.add.f32.msk $0xffff, v6  }
0x63d: {  	s28 =	sor.u32 $0x1870, s24;
	v6 =	vld [tilespmem:s22+$0xDC10]  }
0x63e: {  	[tilespmem:s28+$0x0] =	vst.add.f32.msk $0xffff, v7  }
0x63f: {  	s17 =	sor.u32 $0x1C00, s23;
	v7 =	vld [tilespmem:s24+$0xDC00]  }
0x640: {  	[tilespmem:s17+$0x0] =	vst.add.f32.msk $0xffff, v8  }
0x641: {  	s25 =	sor.u32 $0x1C10, s22;
	v8 =	vld [tilespmem:s23+$0xDC10]  }
0x642: {  	[tilespmem:s25+$0x0] =	vst.add.f32.msk $0xffff, v6  }
0x643: {  	s19 =	sor.u32 $0x1C00, s24;
	v6 =	vld [tilespmem:s22+$0xDC20]  }
0x644: {  	[tilespmem:s19+$0x0] =	vst.add.f32.msk $0xffff, v7  }
0x645: {  	s26 =	sor.u32 $0x1C10, s23;
	v7 =	vld [tilespmem:s24+$0xDC10]  }
0x646: {  	[tilespmem:s26+$0x0] =	vst.add.f32.msk $0xffff, v8  }
0x647: {  	s7 =	sor.u32 $0x1C20, s22;
	v8 =	vld [tilespmem:s23+$0xDC20]  }
0x648: {  	[tilespmem:s7+$0x0] =	vst.add.f32.msk $0xffff, v6  }
0x649: {  	s28 =	sor.u32 $0x1C10, s24;
	v6 =	vld [tilespmem:s22+$0xDC30]  }
0x64a: {  	[tilespmem:s28+$0x0] =	vst.add.f32.msk $0xffff, v7  }
0x64b: {  	s17 =	sor.u32 $0x1C20, s23;
	v7 =	vld [tilespmem:s24+$0xDC20]  }
0x64c: {  	[tilespmem:s17+$0x0] =	vst.add.f32.msk $0xffff, v8  }
0x64d: {  	s25 =	sor.u32 $0x1C30, s22;
	v8 =	vld [tilespmem:s23+$0xDC30]  }
0x64e: {  	[tilespmem:s25+$0x0] =	vst.add.f32.msk $0xffff, v6  }
0x64f: {  	s19 =	sor.u32 $0x1C20, s24;
	v6 =	vld [tilespmem:s22+$0xDC40]  }
0x650: {  	[tilespmem:s19+$0x0] =	vst.add.f32.msk $0xffff, v7  }
0x651: {  	s26 =	sor.u32 $0x1C30, s23;
	v7 =	vld [tilespmem:s24+$0xDC30]  }
0x652: {  	[tilespmem:s26+$0x0] =	vst.add.f32.msk $0xffff, v8  }
0x653: {  	s7 =	sor.u32 $0x1C40, s22;
	v8 =	vld [tilespmem:s23+$0xDC40]  }
0x654: {  	[tilespmem:s7+$0x0] =	vst.add.f32.msk $0xffff, v6  }
0x655: {  	s28 =	sor.u32 $0x1C30, s24;
	v6 =	vld [tilespmem:s22+$0xDC50]  }
0x656: {  	[tilespmem:s28+$0x0] =	vst.add.f32.msk $0xffff, v7  }
0x657: {  	s17 =	sor.u32 $0x1C40, s23;
	v7 =	vld [tilespmem:s24+$0xDC40]  }
0x658: {  	[tilespmem:s17+$0x0] =	vst.add.f32.msk $0xffff, v8  }
0x659: {  	v8 =	vld [tilespmem:s23+$0xDC50]  }
0x65a: {  	s25 =	sor.u32 $0x1C50, s22  }
0x65b: {  	s19 =	sor.u32 $0x1C40, s24;
	[tilespmem:s25+$0x0] =	vst.add.f32.msk $0xffff, v6  }
0x65c: {  	[tilespmem:s19+$0x0] =	vst.add.f32.msk $0xffff, v7  }
0x65d: {  	s26 =	sor.u32 $0x1C50, s23;
	v7 =	vld [tilespmem:s24+$0xDC50]  }
0x65e: {  	[tilespmem:s26+$0x0] =	vst.add.f32.msk $0xffff, v8  }
0x65f: {  	v6 =	vld [tilespmem:s22+$0xDC60]  }
0x660: {  	v8 =	vld [tilespmem:s23+$0xDC60]  }
0x661: {  	s28 =	sor.u32 $0x1C50, s24  }
0x662: {  	[tilespmem:s28+$0x0] =	vst.add.f32.msk $0xffff, v7  }
0x663: {  	s7 =	sor.u32 $0x1C60, s22;
	v7 =	vld [tilespmem:s24+$0xDC60]  }
0x664: {  	s17 =	sor.u32 $0x1C60, s23;
	[tilespmem:s7+$0x0] =	vst.add.f32.msk $0xffff, v6  }
0x665: {  	[tilespmem:s17+$0x0] =	vst.add.f32.msk $0xffff, v8  }
0x666: {  	v6 =	vld [tilespmem:s22+$0xDC70]  }
0x667: {  	v8 =	vld [tilespmem:s23+$0xDC70];
	s19 =	sor.u32 $0x1C60, s24  }
0x668: {  	[tilespmem:s19+$0x0] =	vst.add.f32.msk $0xffff, v7  }
0x669: {  	v7 =	vld [tilespmem:s24+$0xDC70]  }
.Ltmp10:
0x66a: {  	_ = 	snop;
	(pc) =	sbr.rel .LBB2_12-.Ltmp10, $4  }
0x66b: {  	s25 =	sor.u32 $0x1C70, s22  }
0x66c: {  	s26 =	sor.u32 $0x1C70, s23;
	[tilespmem:s25+$0x0] =	vst.add.f32.msk $0xffff, v6  }
0x66d: {  	[tilespmem:s26+$0x0] =	vst.add.f32.msk $0xffff, v8;
	s28 =	sor.u32 $0x1C70, s24  }
0x66e: {  	[tilespmem:s28+$0x0] =	vst.add.f32.msk $0xffff, v7  }
.LBB2_14:
0x66f: {  	_ =	sfence.sel $0x180000  }
0x670: {  	[bflag:$0x0] =	sbarrier.arrive $0xFFFF  }
0x671: {  	_ =	strace $0x90000047  }
0x672: {  	s0 =	stileid.u32;
	[bflag:$0x2] =	sbarrier.arrive $0xFFFF  }
0x673: {  	p0 =	sne.s32 s0, $0x0;
	s0 =	rddreg [dreg:$0x4]  }
0x674: {  	s0 =	sadd.s32 @!p0 $0x100000, s0  }
0x675: {  	[sflag:s0] =	ssyncadd.tile.s32 @!p0 $0x1;
	_ =	shalt  }
.Lfunc_end2:
_tile_overlayer_lowered:
.L_overlay_start_2:
0x676: {  	(tag) =	ssettag $0x2  }
0x677: {  	s0 =	rddreg [dreg:$0x0];
	s2 =	stileid.u32  }
0x678: {  	s1 =	rddreg [dreg:$0x1];
	p0 =	sne.s32 s2, $0x0  }
0x679: {  	s3 =	rddreg [dreg:$0x2];
	[bflag:$0x3] =	sbarrier.arrive $0xFFFF;
	s2 =	simm.s32 @!p0 $0x1C04  }
0x67a: {  	[timem:s3], [sflag:s2] =	dma.local @!p0 [hbm:s0], s1  }
0x67b: {  	s0 =	simm.s32 @!p0 $0x4  }
0x67c: {  	_ =	swait.ge @!p0 [sflag:s0], s1  }
0x67d: {  	s1 =	ssub.s32 @!p0 $0x0, s1;
	[sflag:s0] =	ssyncset.done @!p0 $0x0  }
0x67e: {  	[sflag:s0] =	ssyncadd.s32 @!p0 s1  }
0x67f: {  	[bflag:$0x3] =	sbarrier.arrive $0xFFFF  }
0x680: {  	_ =	shalt  }

</sc_bundles>
